<compile_context>
chip_gen: v7x
topology: tpu7x:2x2x1
jax: 0.10.2.dev20260603
libtpu: 0.0.44.dev20260713+nightly
codegen_flags: <defaults>
</compile_context>

<pallas_src>
import dataclasses
import functools

import jax
import jax.numpy as jnp
from jax import lax
from jax.experimental import pallas as pl
from jax.experimental.pallas import tpu as pltpu
from jax.experimental.pallas import tpu_sc as plsc

N = 10000
E = 320000
C = 128
NC = 2
NS = 16
NW = NC * NS
CHUNK = 128
CW = 80
EP = NW * CW * CHUNK
NROWS = EP // CHUNK
NACC = 10112
RPS = NACC // NS
BLK = 1000
GRID = N // BLK

_mesh = plsc.VectorSubcoreMesh(core_axis_name="c", subcore_axis_name="s")

_cp_no_layout = pltpu.CompilerParams()
if "needs_layout_passes" in pltpu.CompilerParams.__dataclass_fields__:
    _cp_no_layout = dataclasses.replace(_cp_no_layout,
                                        needs_layout_passes=False)


NRB = 3
CWU = CW - CW % NRB


@functools.partial(
    pl.kernel,
    out_type=jax.ShapeDtypeStruct((NC, NACC, C), jnp.float32),
    mesh=_mesh,
    scratch_types=(
        [pltpu.VMEM((CHUNK,), jnp.int32)] * NRB
        + [pltpu.VMEM((CHUNK,), jnp.int32)] * NRB
        + [pltpu.VMEM((CHUNK, C), jnp.float32)] * NRB
        + [pltpu.SemaphoreType.DMA] * NRB
        + [pltpu.SemaphoreType.DMA] * NRB
        + [pltpu.SemaphoreType.DMA] * NRB
        + [pltpu.SemaphoreType.DMA] * NRB
        + [pltpu.VMEM_SHARED((NACC, C), jnp.float32)]
    ),
)
def _sc_hop(g_hbm, src_hbm, dst_hbm, zeros_hbm, out_hbm, *bufs):
    srcs = bufs[0:NRB]
    dsts = bufs[NRB:2 * NRB]
    rows = bufs[2 * NRB:3 * NRB]
    isem = bufs[3 * NRB:4 * NRB]
    dsem = bufs[4 * NRB:5 * NRB]
    gsem = bufs[5 * NRB:6 * NRB]
    ssem = bufs[6 * NRB:7 * NRB]
    acc_sh = bufs[7 * NRB]
    c = lax.axis_index("c")
    s = lax.axis_index("s")
    w = c * NS + s
    base = w * CW
    pltpu.sync_copy(zeros_hbm, acc_sh.at[pl.ds(s * RPS, RPS)])
    plsc.subcore_barrier()

    def body(j, r, tail):
        pltpu.make_async_copy(g_hbm.at[srcs[r]], rows[r], gsem[r]).wait()
        pltpu.make_async_copy(dst_hbm.at[base], dsts[r], dsem[r]).wait()
        pltpu.async_copy(rows[r], acc_sh.at[dsts[r]], ssem[r], add=True)
        rp = (r + NRB - 1) % NRB

        @pl.when(j >= 1)
        def _():
            pltpu.make_async_copy(rows[rp], acc_sh.at[dsts[rp]],
                                  ssem[rp]).wait()

        if tail:
            return

        @pl.when(j + 2 < CW)
        def _():
            pltpu.make_async_copy(src_hbm.at[base], srcs[rp], isem[rp]).wait()
            pltpu.async_copy(g_hbm.at[srcs[rp]], rows[rp], gsem[rp])
            pltpu.async_copy(dst_hbm.at[base + j + 2], dsts[rp], dsem[rp])

        @pl.when(j + 3 < CW)
        def _():
            pltpu.async_copy(src_hbm.at[base + j + 3], srcs[r], isem[r])

    for j in range(NRB):
        pltpu.async_copy(src_hbm.at[base + j], srcs[j], isem[j])
    for j in range(2):
        pltpu.async_copy(dst_hbm.at[base + j], dsts[j], dsem[j])
        pltpu.make_async_copy(src_hbm.at[base + j], srcs[j], isem[j]).wait()
        pltpu.async_copy(g_hbm.at[srcs[j]], rows[j], gsem[j])

    @pl.loop(0, CWU // NRB)
    def _(gi):
        for b0 in range(NRB):
            body(gi * NRB + b0, b0, False)

    for j in range(CWU, CW):
        body(j, j % NRB, True)

    pltpu.make_async_copy(rows[(CW - 1) % NRB], acc_sh.at[dsts[0]],
                          ssem[(CW - 1) % NRB]).wait()

    plsc.subcore_barrier()
    pltpu.sync_copy(acc_sh.at[pl.ds(s * RPS, RPS)],
                    out_hbm.at[c, pl.ds(s * RPS, RPS)])


DROWS = 80


@functools.partial(
    pl.kernel,
    out_type=jax.ShapeDtypeStruct((NC, DROWS, C), jnp.float32),
    mesh=_mesh,
    scratch_types=[
        pltpu.VMEM((CHUNK,), jnp.int32),
        pltpu.VMEM((CHUNK,), jnp.int32),
        pltpu.VMEM((DROWS, C), jnp.float32),
        pltpu.VMEM((DROWS,), jnp.int32),
        pltpu.VMEM_SHARED((DROWS, C), jnp.float32),
        pltpu.SemaphoreType.DMA,
        pltpu.SemaphoreType.DMA,
        pltpu.SemaphoreType.DMA,
    ],
    compiler_params=_cp_no_layout,
)
def _sc_deg(dst_hbm, id_hbm, zeros_hbm, out_hbm, dstA, dstB, hist, idv,
            acc_sh, semA, semB, sem):
    c = lax.axis_index("c")
    s = lax.axis_index("s")
    w = c * NS + s
    base = w * CW
    pltpu.sync_copy(zeros_hbm.at[pl.ds(0, DROWS)], hist)
    pltpu.sync_copy(id_hbm, idv)

    @pl.when(s == 0)
    def _():
        pltpu.sync_copy(zeros_hbm.at[pl.ds(0, DROWS)], acc_sh)

    plsc.subcore_barrier()

    pltpu.async_copy(dst_hbm.at[base], dstA, semA)
    pltpu.async_copy(dst_hbm.at[base + 1], dstB, semB)
    ones = jnp.full((16,), 1.0, jnp.float32)

    def count(slot):
        for g16 in range(CHUNK // 16):
            d = slot[pl.ds(g16 * 16, 16)]
            row = lax.shift_right_logical(d, 7)
            col = jnp.bitwise_and(d, 127)
            plsc.addupdate_scatter(hist, [row, col], ones)

    @pl.loop(0, CW // 2)
    def _(i):
        j = base + i * 2
        pltpu.make_async_copy(dst_hbm.at[j], dstA, semA).wait()
        count(dstA)

        @pl.when(i * 2 + 2 < CW)
        def _():
            pltpu.async_copy(dst_hbm.at[j + 2], dstA, semA)

        pltpu.make_async_copy(dst_hbm.at[j + 1], dstB, semB).wait()
        count(dstB)

        @pl.when(i * 2 + 3 < CW)
        def _():
            pltpu.async_copy(dst_hbm.at[j + 3], dstB, semB)

    pltpu.async_copy(hist, acc_sh.at[idv], sem, add=True).wait()
    plsc.subcore_barrier()

    @pl.when(s == 0)
    def _():
        pltpu.sync_copy(acc_sh, out_hbm.at[c])


def _dis_body(p0_ref, p1_ref, dis_ref):
    deg = p0_ref[...] + p1_ref[...]
    dis = jnp.where(deg > 0, lax.rsqrt(jnp.maximum(deg, 1e-12)), 0.0)
    dis_ref[...] = jnp.broadcast_to(dis, (BLK, C))


def _tc_dis(p0v, p1v):
    return pl.pallas_call(
        _dis_body,
        grid=(GRID,),
        in_specs=[
            pl.BlockSpec((BLK, 1), lambda i: (i, 0)),
            pl.BlockSpec((BLK, 1), lambda i: (i, 0)),
        ],
        out_specs=pl.BlockSpec((BLK, C), lambda i: (i, 0)),
        out_shape=jax.ShapeDtypeStruct((N, C), jnp.float32),
    )(p0v, p1v)


def _mm_body(x_ref, w_ref, b_ref, dis_ref, h_ref, g_ref):
    h = lax.dot_general(x_ref[...], w_ref[...], (((1,), (0,)), ((), ())),
                        precision=lax.Precision.HIGHEST,
                        preferred_element_type=jnp.float32)
    h = h + b_ref[...]
    h_ref[...] = h
    g_ref[...] = h * dis_ref[...]


def _tc_matmul_scale(x, w, b, dis):
    return pl.pallas_call(
        _mm_body,
        grid=(GRID,),
        in_specs=[
            pl.BlockSpec((BLK, C), lambda i: (i, 0)),
            pl.BlockSpec((C, C), lambda i: (0, 0)),
            pl.BlockSpec((1, C), lambda i: (0, 0)),
            pl.BlockSpec((BLK, C), lambda i: (i, 0)),
        ],
        out_specs=[
            pl.BlockSpec((BLK, C), lambda i: (i, 0)),
            pl.BlockSpec((BLK, C), lambda i: (i, 0)),
        ],
        out_shape=[
            jax.ShapeDtypeStruct((N, C), jnp.float32),
            jax.ShapeDtypeStruct((N, C), jnp.float32),
        ],
    )(x, w, b, dis)


def _comb_body(p0_ref, p1_ref, dis_ref, h_ref, g_ref):
    dis = dis_ref[...]
    h = (p0_ref[...] + p1_ref[...])[0] * dis
    h_ref[...] = h
    g_ref[...] = h * dis


def _tc_combine(p, dis):
    return pl.pallas_call(
        _comb_body,
        grid=(GRID,),
        in_specs=[
            pl.BlockSpec((1, BLK, C), lambda i: (0, i, 0)),
            pl.BlockSpec((1, BLK, C), lambda i: (1, i, 0)),
            pl.BlockSpec((BLK, C), lambda i: (i, 0)),
        ],
        out_specs=[
            pl.BlockSpec((BLK, C), lambda i: (i, 0)),
            pl.BlockSpec((BLK, C), lambda i: (i, 0)),
        ],
        out_shape=[
            jax.ShapeDtypeStruct((N, C), jnp.float32),
            jax.ShapeDtypeStruct((N, C), jnp.float32),
        ],
    )(p, p, dis)


def _se_mix(h0, h1, h2, h3, se1_ref, se2_ref):
    hops = (h0, h1, h2, h3)
    z = [jnp.mean(h, axis=1, keepdims=True) for h in hops]
    u = [jnp.maximum(sum(z[i] * se1_ref[i, k] for i in range(4)), 0.0)
         for k in range(4)]
    svals = [jax.nn.sigmoid(sum(u[k] * se2_ref[k, j] for k in range(4)))
             for j in range(4)]
    return sum(svals[j] * hops[j] for j in range(4))


def _se0_body(h0_ref, h1_ref, h2_ref, p0_ref, p1_ref, dis_ref, se1_ref,
              se2_ref, g_ref, b_ref, out_ref):
    h3 = (p0_ref[...] + p1_ref[...])[0] * dis_ref[...]
    y = _se_mix(h0_ref[...], h1_ref[...], h2_ref[...], h3, se1_ref, se2_ref)
    mu = jnp.mean(y, axis=1, keepdims=True)
    var = jnp.mean(y * y, axis=1, keepdims=True) - mu * mu
    y = (y - mu) * lax.rsqrt(var + 1e-5) * g_ref[...] + b_ref[...]
    out_ref[...] = jnp.clip(y, 0.0, 6.0)


def _se1_body(h0_ref, h1_ref, h2_ref, p0_ref, p1_ref, dis_ref, se1_ref,
              se2_ref, out_ref):
    h3 = (p0_ref[...] + p1_ref[...])[0] * dis_ref[...]
    y = _se_mix(h0_ref[...], h1_ref[...], h2_ref[...], h3, se1_ref, se2_ref)
    m = jnp.max(y, axis=1, keepdims=True)
    ex = jnp.exp(y - m)
    out_ref[...] = (y - m) - jnp.log(jnp.sum(ex, axis=1, keepdims=True))


_ROWSPEC = pl.BlockSpec((BLK, C), lambda i: (i, 0))
_PSPEC0 = pl.BlockSpec((1, BLK, C), lambda i: (0, i, 0))
_PSPEC1 = pl.BlockSpec((1, BLK, C), lambda i: (1, i, 0))
_SMEMSPEC = pl.BlockSpec(memory_space=pltpu.SMEM)
_VECSPEC = pl.BlockSpec((1, C), lambda i: (0, 0))


def _tc_se0(h0, h1, h2, p, dis, se1, se2, ln_g, ln_b):
    return pl.pallas_call(
        _se0_body,
        grid=(GRID,),
        in_specs=[_ROWSPEC, _ROWSPEC, _ROWSPEC, _PSPEC0, _PSPEC1, _ROWSPEC,
                  _SMEMSPEC, _SMEMSPEC, _VECSPEC, _VECSPEC],
        out_specs=_ROWSPEC,
        out_shape=jax.ShapeDtypeStruct((N, C), jnp.float32),
    )(h0, h1, h2, p, p, dis, se1, se2, ln_g, ln_b)


def _tc_se1(h0, h1, h2, p, dis, se1, se2):
    return pl.pallas_call(
        _se1_body,
        grid=(GRID,),
        in_specs=[_ROWSPEC, _ROWSPEC, _ROWSPEC, _PSPEC0, _PSPEC1, _ROWSPEC,
                  _SMEMSPEC, _SMEMSPEC],
        out_specs=_ROWSPEC,
        out_shape=jax.ShapeDtypeStruct((N, C), jnp.float32),
    )(h0, h1, h2, p, p, dis, se1, se2)


def kernel(n_feat, edge_index, W0, b0, se1_0, se2_0, ln_g, ln_b, W1, b1,
           se1_1, se2_1):
    src = edge_index[0]
    dst = edge_index[1]
    pad = EP - E
    srcp = jnp.concatenate([src, jnp.zeros((pad,), jnp.int32)])
    dstp = jnp.concatenate([dst, jnp.full((pad,), N, jnp.int32)])
    srcR = srcp.reshape(NROWS, CHUNK)
    dstR = dstp.reshape(NROWS, CHUNK)
    zerosA = jnp.zeros((RPS, C), jnp.float32)
    id80 = jnp.arange(DROWS, dtype=jnp.int32)
    b0r = b0.reshape(1, C)
    b1r = b1.reshape(1, C)
    ln_gr = ln_g.reshape(1, C)
    ln_br = ln_b.reshape(1, C)

    pdeg = _sc_deg(dstR, id80, zerosA)
    p0v = pdeg[0].reshape(DROWS * C)[:N].reshape(N, 1)
    p1v = pdeg[1].reshape(DROWS * C)[:N].reshape(N, 1)
    dis = _tc_dis(p0v, p1v)

    def layer(x, w, b):
        h0, g = _tc_matmul_scale(x, w, b, dis)
        p = _sc_hop(g, srcR, dstR, zerosA)
        h1, g = _tc_combine(p, dis)
        p = _sc_hop(g, srcR, dstR, zerosA)
        h2, g = _tc_combine(p, dis)
        p = _sc_hop(g, srcR, dstR, zerosA)
        return h0, h1, h2, p

    h0, h1, h2, p = layer(n_feat, W0, b0r)
    x1 = _tc_se0(h0, h1, h2, p, dis, se1_0, se2_0, ln_gr, ln_br)
    h0, h1, h2, p = layer(x1, W1, b1r)
    return _tc_se1(h0, h1, h2, p, dis, se1_1, se2_1)

# --- scband reference (transcript-rebuilt; emitter-appended) ---
"""Pipeline reference for scband-high-order-gcn-58067957842175 (READ-ONLY COPY).

The authoritative reference and input builder live on the scoring server;
editing this copy changes nothing except your own understanding.
"""

import jax, jax.numpy as jnp
import numpy as np

N = 10000
E = 320000
IN_DIM = 128
HID = 128
OUT_DIM = 128
K = 3
SE_H = 4


def setup_inputs(seed: int = 0):
    key = jax.random.key(seed)
    ks = jax.random.split(key, 12)
    n_feat = jax.random.normal(ks[0], (N, IN_DIM), dtype=jnp.float32)
    edge_index = jax.random.randint(ks[1], (2, E), 0, N, dtype=jnp.int32)
    W0 = jax.random.normal(ks[2], (IN_DIM, HID), dtype=jnp.float32) / np.sqrt(IN_DIM)
    b0 = jnp.zeros((HID,), dtype=jnp.float32)
    se1_0 = jax.random.normal(ks[3], (K + 1, SE_H), dtype=jnp.float32) / np.sqrt(K + 1)
    se2_0 = jax.random.normal(ks[4], (SE_H, K + 1), dtype=jnp.float32) / np.sqrt(SE_H)
    ln_g = jnp.ones((HID,), dtype=jnp.float32)
    ln_b = jnp.zeros((HID,), dtype=jnp.float32)
    W1 = jax.random.normal(ks[5], (HID, OUT_DIM), dtype=jnp.float32) / np.sqrt(HID)
    b1 = jnp.zeros((OUT_DIM,), dtype=jnp.float32)
    se1_1 = jax.random.normal(ks[6], (K + 1, SE_H), dtype=jnp.float32) / np.sqrt(K + 1)
    se2_1 = jax.random.normal(ks[7], (SE_H, K + 1), dtype=jnp.float32) / np.sqrt(SE_H)
    return {"n_feat": n_feat, "edge_index": edge_index, "W0": W0, "b0": b0,
            "se1_0": se1_0, "se2_0": se2_0, "ln_g": ln_g, "ln_b": ln_b,
            "W1": W1, "b1": b1, "se1_1": se1_1, "se2_1": se2_1}


def _se_aggregation(h, src, dst, norm, W, b, se1, se2):
    # linear transform, then K hops of symmetric-normalized propagation,
    # then squeeze-and-excitation gating over the K+1 hop features.
    h = h @ W + b
    hops = [h]
    for _ in range(K):
        msg = hops[-1][src] * norm[:, None]
        hops.append(jax.ops.segment_sum(msg, dst, num_segments=N))
    H = jnp.stack(hops, axis=1)  # [N, K+1, C]
    z = jnp.mean(H, axis=2)      # squeeze: [N, K+1]
    s = jax.nn.sigmoid(jax.nn.relu(z @ se1) @ se2)  # excitation: [N, K+1]
    return jnp.sum(H * s[:, :, None], axis=1)


def _layernorm(x, g, b, eps=1e-5):
    mu = jnp.mean(x, axis=-1, keepdims=True)
    var = jnp.var(x, axis=-1, keepdims=True)
    return (x - mu) / jnp.sqrt(var + eps) * g + b


def reference(n_feat, edge_index, W0, b0, se1_0, se2_0, ln_g, ln_b, W1, b1, se1_1, se2_1):
    src = edge_index[0]
    dst = edge_index[1]
    deg = jax.ops.segment_sum(jnp.ones((E,), dtype=jnp.float32), dst, num_segments=N)
    dis = jnp.where(deg > 0, jax.lax.rsqrt(jnp.maximum(deg, 1e-12)), 0.0)
    norm = dis[src] * dis[dst]
    # layer 0 (dropout is identity in eval mode / dropout=0.0)
    h = _se_aggregation(n_feat, src, dst, norm, W0, b0, se1_0, se2_0)
    h = _layernorm(h, ln_g, ln_b)
    h = jnp.clip(h, 0.0, 6.0)  # relu6
    # layer 1
    h = _se_aggregation(h, src, dst, norm, W1, b1, se1_1, se2_1)
    return jax.nn.log_softmax(h, axis=1)

if __name__ == "__main__":
    import jax
    _d = setup_inputs()
    print(jax.jit(kernel)(*tuple(_d.values())))

</pallas_src>

<mosaic_0001>
#map = affine_map<(d0, d1) -> (0, 0)>
#map1 = affine_map<(d0, d1) -> (0, 0, 0)>
module attributes {stable_mosaic.version = 14 : i64} {
  func.func @_sc_hop(%arg0: i32, %arg1: i32, %arg2: memref<10000x128xf32, #tpu.memory_space<hbm>>, %arg3: memref<2560x128xi32, #tpu.memory_space<hbm>>, %arg4: memref<2560x128xi32, #tpu.memory_space<hbm>>, %arg5: memref<632x128xf32, #tpu.memory_space<hbm>>, %arg6: memref<2x10112x128xf32, #tpu.memory_space<hbm>>, %arg7: memref<128xi32, #tpu.memory_space<vmem>>, %arg8: memref<128xi32, #tpu.memory_space<vmem>>, %arg9: memref<128xi32, #tpu.memory_space<vmem>>, %arg10: memref<128xi32, #tpu.memory_space<vmem>>, %arg11: memref<128xi32, #tpu.memory_space<vmem>>, %arg12: memref<128xi32, #tpu.memory_space<vmem>>, %arg13: memref<128x128xf32, #tpu.memory_space<vmem>>, %arg14: memref<128x128xf32, #tpu.memory_space<vmem>>, %arg15: memref<128x128xf32, #tpu.memory_space<vmem>>, %arg16: memref<!tpu.dma_semaphore, #tpu.memory_space<semaphore_mem>>, %arg17: memref<!tpu.dma_semaphore, #tpu.memory_space<semaphore_mem>>, %arg18: memref<!tpu.dma_semaphore, #tpu.memory_space<semaphore_mem>>, %arg19: memref<!tpu.dma_semaphore, #tpu.memory_space<semaphore_mem>>, %arg20: memref<!tpu.dma_semaphore, #tpu.memory_space<semaphore_mem>>, %arg21: memref<!tpu.dma_semaphore, #tpu.memory_space<semaphore_mem>>, %arg22: memref<!tpu.dma_semaphore, #tpu.memory_space<semaphore_mem>>, %arg23: memref<!tpu.dma_semaphore, #tpu.memory_space<semaphore_mem>>, %arg24: memref<!tpu.dma_semaphore, #tpu.memory_space<semaphore_mem>>, %arg25: memref<!tpu.dma_semaphore, #tpu.memory_space<semaphore_mem>>, %arg26: memref<!tpu.dma_semaphore, #tpu.memory_space<semaphore_mem>>, %arg27: memref<!tpu.dma_semaphore, #tpu.memory_space<semaphore_mem>>, %arg28: memref<10112x128xf32, #tpu.memory_space<vmem_shared>>) attributes {dimension_semantics = [#tpu.dimension_semantics<core_parallel>, #tpu.dimension_semantics<subcore_parallel>], iteration_bounds = array<i64: 2, 16>, scalar_prefetch = 0 : i64, scratch_operands = 22 : i64, tpu.core_type = #tpu.core_type<sc_vector_subcore>, window_params = [{transform_indices = #map}, {transform_indices = #map}, {transform_indices = #map}, {transform_indices = #map}, {transform_indices = #map1}]} {
    %mul3A = arith.constant 16 : i32
    %mul3A_0 = arith.muli %arg0, %mul3A : i32
    %add3A = arith.addi %mul3A_0, %arg1 : i32
    %mul3A_1 = arith.constant 80 : i32
    %mul3A_2 = arith.muli %add3A, %mul3A_1 : i32
    %mul3A_3 = arith.constant 632 : i32
    %mul3A_4 = arith.muli %arg1, %mul3A_3 : i32
    "tpu.region"() ({
      %run_scoped3A = tpu.sem_alloc : memref<!tpu.dma_semaphore, #tpu.memory_space<semaphore_mem>>
      %dma_start3A_107 = arith.constant 0 : i32
      %dma_start3A_108 = tpu.memref_slice %arg28[%mul3A_4, %dma_start3A_107] : memref<10112x128xf32, #tpu.memory_space<vmem_shared>> -> memref<632x128xf32, #tpu.memory_space<vmem_shared>>
      tpu.enqueue_dma source(%arg5 : memref<632x128xf32, #tpu.memory_space<hbm>>) target(%dma_start3A_108 : memref<632x128xf32, #tpu.memory_space<vmem_shared>>) target_semaphore(%run_scoped3A : memref<!tpu.dma_semaphore, #tpu.memory_space<semaphore_mem>>)
      %dma_wait3A_109 = arith.constant 0 : i32
      %dma_wait3A_110 = tpu.memref_slice %arg28[%mul3A_4, %dma_wait3A_109] : memref<10112x128xf32, #tpu.memory_space<vmem_shared>> -> memref<632x128xf32, #tpu.memory_space<vmem_shared>>
      tpu.wait_dma2 semaphore(%run_scoped3A : memref<!tpu.dma_semaphore, #tpu.memory_space<semaphore_mem>>) src(%arg5 : memref<632x128xf32, #tpu.memory_space<hbm>>) dst(%dma_wait3A_110 : memref<632x128xf32, #tpu.memory_space<vmem_shared>>)
      tpu.yield
    }) : () -> ()
    %barrier3A = arith.constant 0 : index
    tpu.barrier barrier_id(%barrier3A)
    %add3A_5 = arith.constant 0 : i32
    %add3A_6 = arith.addi %mul3A_2, %add3A_5 : i32
    %dma_start3A = arith.constant 0 : i32
    %dma_start3A_7 = tpu.memref_slice %arg3[%add3A_6, %dma_start3A] : memref<2560x128xi32, #tpu.memory_space<hbm>> -> memref<1x128xi32, #tpu.memory_space<hbm>>
    %dma_start3A_8 = tpu.memref_squeeze %dma_start3A_7 : memref<1x128xi32, #tpu.memory_space<hbm>> -> memref<128xi32, #tpu.memory_space<hbm>>
    %dma_start3A_9 = arith.constant 0 : i32
    %dma_start3A_10 = tpu.memref_slice %arg3[%add3A_6, %dma_start3A_9] : memref<2560x128xi32, #tpu.memory_space<hbm>> -> memref<1x128xi32, #tpu.memory_space<hbm>>
    %dma_start3A_11 = tpu.memref_squeeze %dma_start3A_10 : memref<1x128xi32, #tpu.memory_space<hbm>> -> memref<128xi32, #tpu.memory_space<hbm>>
    tpu.enqueue_dma source(%dma_start3A_11 : memref<128xi32, #tpu.memory_space<hbm>>) target(%arg7 : memref<128xi32, #tpu.memory_space<vmem>>) target_semaphore(%arg16 : memref<!tpu.dma_semaphore, #tpu.memory_space<semaphore_mem>>)
    %add3A_12 = arith.constant 1 : i32
    %add3A_13 = arith.addi %mul3A_2, %add3A_12 : i32
    %dma_start3A_14 = arith.constant 0 : i32
    %dma_start3A_15 = tpu.memref_slice %arg3[%add3A_13, %dma_start3A_14] : memref<2560x128xi32, #tpu.memory_space<hbm>> -> memref<1x128xi32, #tpu.memory_space<hbm>>
    %dma_start3A_16 = tpu.memref_squeeze %dma_start3A_15 : memref<1x128xi32, #tpu.memory_space<hbm>> -> memref<128xi32, #tpu.memory_space<hbm>>
    %dma_start3A_17 = arith.constant 0 : i32
    %dma_start3A_18 = tpu.memref_slice %arg3[%add3A_13, %dma_start3A_17] : memref<2560x128xi32, #tpu.memory_space<hbm>> -> memref<1x128xi32, #tpu.memory_space<hbm>>
    %dma_start3A_19 = tpu.memref_squeeze %dma_start3A_18 : memref<1x128xi32, #tpu.memory_space<hbm>> -> memref<128xi32, #tpu.memory_space<hbm>>
    tpu.enqueue_dma source(%dma_start3A_19 : memref<128xi32, #tpu.memory_space<hbm>>) target(%arg8 : memref<128xi32, #tpu.memory_space<vmem>>) target_semaphore(%arg17 : memref<!tpu.dma_semaphore, #tpu.memory_space<semaphore_mem>>)
    %add3A_20 = arith.constant 2 : i32
    %add3A_21 = arith.addi %mul3A_2, %add3A_20 : i32
    %dma_start3A_22 = arith.constant 0 : i32
    %dma_start3A_23 = tpu.memref_slice %arg3[%add3A_21, %dma_start3A_22] : memref<2560x128xi32, #tpu.memory_space<hbm>> -> memref<1x128xi32, #tpu.memory_space<hbm>>
    %dma_start3A_24 = tpu.memref_squeeze %dma_start3A_23 : memref<1x128xi32, #tpu.memory_space<hbm>> -> memref<128xi32, #tpu.memory_space<hbm>>
    %dma_start3A_25 = arith.constant 0 : i32
    %dma_start3A_26 = tpu.memref_slice %arg3[%add3A_21, %dma_start3A_25] : memref<2560x128xi32, #tpu.memory_space<hbm>> -> memref<1x128xi32, #tpu.memory_space<hbm>>
    %dma_start3A_27 = tpu.memref_squeeze %dma_start3A_26 : memref<1x128xi32, #tpu.memory_space<hbm>> -> memref<128xi32, #tpu.memory_space<hbm>>
    tpu.enqueue_dma source(%dma_start3A_27 : memref<128xi32, #tpu.memory_space<hbm>>) target(%arg9 : memref<128xi32, #tpu.memory_space<vmem>>) target_semaphore(%arg18 : memref<!tpu.dma_semaphore, #tpu.memory_space<semaphore_mem>>)
    %add3A_28 = arith.constant 0 : i32
    %add3A_29 = arith.addi %mul3A_2, %add3A_28 : i32
    %dma_start3A_30 = arith.constant 0 : i32
    %dma_start3A_31 = tpu.memref_slice %arg4[%add3A_29, %dma_start3A_30] : memref<2560x128xi32, #tpu.memory_space<hbm>> -> memref<1x128xi32, #tpu.memory_space<hbm>>
    %dma_start3A_32 = tpu.memref_squeeze %dma_start3A_31 : memref<1x128xi32, #tpu.memory_space<hbm>> -> memref<128xi32, #tpu.memory_space<hbm>>
    %dma_start3A_33 = arith.constant 0 : i32
    %dma_start3A_34 = tpu.memref_slice %arg4[%add3A_29, %dma_start3A_33] : memref<2560x128xi32, #tpu.memory_space<hbm>> -> memref<1x128xi32, #tpu.memory_space<hbm>>
    %dma_start3A_35 = tpu.memref_squeeze %dma_start3A_34 : memref<1x128xi32, #tpu.memory_space<hbm>> -> memref<128xi32, #tpu.memory_space<hbm>>
    tpu.enqueue_dma source(%dma_start3A_35 : memref<128xi32, #tpu.memory_space<hbm>>) target(%arg10 : memref<128xi32, #tpu.memory_space<vmem>>) target_semaphore(%arg19 : memref<!tpu.dma_semaphore, #tpu.memory_space<semaphore_mem>>)
    %add3A_36 = arith.constant 0 : i32
    %add3A_37 = arith.addi %mul3A_2, %add3A_36 : i32
    %dma_wait3A = arith.constant 0 : i32
    %dma_wait3A_38 = tpu.memref_slice %arg3[%add3A_37, %dma_wait3A] : memref<2560x128xi32, #tpu.memory_space<hbm>> -> memref<1x128xi32, #tpu.memory_space<hbm>>
    %dma_wait3A_39 = tpu.memref_squeeze %dma_wait3A_38 : memref<1x128xi32, #tpu.memory_space<hbm>> -> memref<128xi32, #tpu.memory_space<hbm>>
    %dma_wait3A_40 = arith.constant 0 : i32
    %dma_wait3A_41 = tpu.memref_slice %arg3[%add3A_37, %dma_wait3A_40] : memref<2560x128xi32, #tpu.memory_space<hbm>> -> memref<1x128xi32, #tpu.memory_space<hbm>>
    %dma_wait3A_42 = tpu.memref_squeeze %dma_wait3A_41 : memref<1x128xi32, #tpu.memory_space<hbm>> -> memref<128xi32, #tpu.memory_space<hbm>>
    tpu.wait_dma2 semaphore(%arg16 : memref<!tpu.dma_semaphore, #tpu.memory_space<semaphore_mem>>) src(%dma_wait3A_42 : memref<128xi32, #tpu.memory_space<hbm>>) dst(%arg7 : memref<128xi32, #tpu.memory_space<vmem>>)
    %dma_start3A_43 = arith.constant 0 : i32
    %dma_start3A_44 = arith.constant 0 : i32
    %dma_start3A_45 = tpu.memref_slice %arg2[%dma_start3A_43, %dma_start3A_44] : memref<10000x128xf32, #tpu.memory_space<hbm>> -> memref<10000x128xf32, #tpu.memory_space<hbm>>
    tpu.enqueue_indirect_dma source(%dma_start3A_45 : memref<10000x128xf32, #tpu.memory_space<hbm>>) target(%arg13 : memref<128x128xf32, #tpu.memory_space<vmem>>) offsets(%arg7 : memref<128xi32, #tpu.memory_space<vmem>>) semaphore(%arg22 : memref<!tpu.dma_semaphore, #tpu.memory_space<semaphore_mem>>)
    %add3A_46 = arith.constant 1 : i32
    %add3A_47 = arith.addi %mul3A_2, %add3A_46 : i32
    %dma_start3A_48 = arith.constant 0 : i32
    %dma_start3A_49 = tpu.memref_slice %arg4[%add3A_47, %dma_start3A_48] : memref<2560x128xi32, #tpu.memory_space<hbm>> -> memref<1x128xi32, #tpu.memory_space<hbm>>
    %dma_start3A_50 = tpu.memref_squeeze %dma_start3A_49 : memref<1x128xi32, #tpu.memory_space<hbm>> -> memref<128xi32, #tpu.memory_space<hbm>>
    %dma_start3A_51 = arith.constant 0 : i32
    %dma_start3A_52 = tpu.memref_slice %arg4[%add3A_47, %dma_start3A_51] : memref<2560x128xi32, #tpu.memory_space<hbm>> -> memref<1x128xi32, #tpu.memory_space<hbm>>
    %dma_start3A_53 = tpu.memref_squeeze %dma_start3A_52 : memref<1x128xi32, #tpu.memory_space<hbm>> -> memref<128xi32, #tpu.memory_space<hbm>>
    tpu.enqueue_dma source(%dma_start3A_53 : memref<128xi32, #tpu.memory_space<hbm>>) target(%arg11 : memref<128xi32, #tpu.memory_space<vmem>>) target_semaphore(%arg20 : memref<!tpu.dma_semaphore, #tpu.memory_space<semaphore_mem>>)
    %add3A_54 = arith.constant 1 : i32
    %add3A_55 = arith.addi %mul3A_2, %add3A_54 : i32
    %dma_wait3A_56 = arith.constant 0 : i32
    %dma_wait3A_57 = tpu.memref_slice %arg3[%add3A_55, %dma_wait3A_56] : memref<2560x128xi32, #tpu.memory_space<hbm>> -> memref<1x128xi32, #tpu.memory_space<hbm>>
    %dma_wait3A_58 = tpu.memref_squeeze %dma_wait3A_57 : memref<1x128xi32, #tpu.memory_space<hbm>> -> memref<128xi32, #tpu.memory_space<hbm>>
    %dma_wait3A_59 = arith.constant 0 : i32
    %dma_wait3A_60 = tpu.memref_slice %arg3[%add3A_55, %dma_wait3A_59] : memref<2560x128xi32, #tpu.memory_space<hbm>> -> memref<1x128xi32, #tpu.memory_space<hbm>>
    %dma_wait3A_61 = tpu.memref_squeeze %dma_wait3A_60 : memref<1x128xi32, #tpu.memory_space<hbm>> -> memref<128xi32, #tpu.memory_space<hbm>>
    tpu.wait_dma2 semaphore(%arg17 : memref<!tpu.dma_semaphore, #tpu.memory_space<semaphore_mem>>) src(%dma_wait3A_61 : memref<128xi32, #tpu.memory_space<hbm>>) dst(%arg8 : memref<128xi32, #tpu.memory_space<vmem>>)
    %dma_start3A_62 = arith.constant 0 : i32
    %dma_start3A_63 = arith.constant 0 : i32
    %dma_start3A_64 = tpu.memref_slice %arg2[%dma_start3A_62, %dma_start3A_63] : memref<10000x128xf32, #tpu.memory_space<hbm>> -> memref<10000x128xf32, #tpu.memory_space<hbm>>
    tpu.enqueue_indirect_dma source(%dma_start3A_64 : memref<10000x128xf32, #tpu.memory_space<hbm>>) target(%arg14 : memref<128x128xf32, #tpu.memory_space<vmem>>) offsets(%arg8 : memref<128xi32, #tpu.memory_space<vmem>>) semaphore(%arg23 : memref<!tpu.dma_semaphore, #tpu.memory_space<semaphore_mem>>)
    %scan3A = arith.constant 0 : i32
    %scan3A_65 = arith.constant 26 : i32
    %scan3A_66 = arith.addi %scan3A, %scan3A_65 : i32
    %scan3A_67 = arith.constant 1 : i32
    scf.for %scan3A_107 = %scan3A to %scan3A_66 step %scan3A_67  : i32 {
      %mul3A_108 = arith.constant 1 : i32
      %mul3A_109 = arith.muli %scan3A_107, %mul3A_108 : i32
      %add3A_110 = arith.constant 0 : i32
      %add3A_111 = arith.addi %add3A_110, %mul3A_109 : i32
      %mul3A_112 = arith.constant 3 : i32
      %mul3A_113 = arith.muli %add3A_111, %mul3A_112 : i32
      %add3A_114 = arith.constant 0 : i32
      %add3A_115 = arith.addi %mul3A_113, %add3A_114 : i32
      %dma_wait3A_116 = arith.constant 0 : i32
      %dma_wait3A_117 = arith.constant 0 : i32
      %dma_wait3A_118 = tpu.memref_slice %arg2[%dma_wait3A_116, %dma_wait3A_117] : memref<10000x128xf32, #tpu.memory_space<hbm>> -> memref<10000x128xf32, #tpu.memory_space<hbm>>
      tpu.wait_indirect_dma semaphore(%arg22 : memref<!tpu.dma_semaphore, #tpu.memory_space<semaphore_mem>>) src(%dma_wait3A_118 : memref<10000x128xf32, #tpu.memory_space<hbm>>) dst(%arg13 : memref<128x128xf32, #tpu.memory_space<vmem>>)
      %dma_wait3A_119 = arith.constant 0 : i32
      %dma_wait3A_120 = tpu.memref_slice %arg4[%mul3A_2, %dma_wait3A_119] : memref<2560x128xi32, #tpu.memory_space<hbm>> -> memref<1x128xi32, #tpu.memory_space<hbm>>
      %dma_wait3A_121 = tpu.memref_squeeze %dma_wait3A_120 : memref<1x128xi32, #tpu.memory_space<hbm>> -> memref<128xi32, #tpu.memory_space<hbm>>
      %dma_wait3A_122 = arith.constant 0 : i32
      %dma_wait3A_123 = tpu.memref_slice %arg4[%mul3A_2, %dma_wait3A_122] : memref<2560x128xi32, #tpu.memory_space<hbm>> -> memref<1x128xi32, #tpu.memory_space<hbm>>
      %dma_wait3A_124 = tpu.memref_squeeze %dma_wait3A_123 : memref<1x128xi32, #tpu.memory_space<hbm>> -> memref<128xi32, #tpu.memory_space<hbm>>
      tpu.wait_dma2 semaphore(%arg19 : memref<!tpu.dma_semaphore, #tpu.memory_space<semaphore_mem>>) src(%dma_wait3A_124 : memref<128xi32, #tpu.memory_space<hbm>>) dst(%arg10 : memref<128xi32, #tpu.memory_space<vmem>>)
      %dma_start3A_125 = arith.constant 0 : i32
      %dma_start3A_126 = arith.constant 0 : i32
      %dma_start3A_127 = tpu.memref_slice %arg28[%dma_start3A_125, %dma_start3A_126] : memref<10112x128xf32, #tpu.memory_space<vmem_shared>> -> memref<10112x128xf32, #tpu.memory_space<vmem_shared>>
      tpu.enqueue_indirect_dma source(%arg13 : memref<128x128xf32, #tpu.memory_space<vmem>>) target(%dma_start3A_127 : memref<10112x128xf32, #tpu.memory_space<vmem_shared>>) offsets(%arg10 : memref<128xi32, #tpu.memory_space<vmem>>) semaphore(%arg25 : memref<!tpu.dma_semaphore, #tpu.memory_space<semaphore_mem>>) {add = true}
      %ge3A = arith.constant 1 : i32
      %ge3A_128 = arith.cmpi sge, %add3A_115, %ge3A : i32
      %convert_element_type3A = arith.extui %ge3A_128 : i1 to i32
      %cond3A = arith.constant 0 : i32
      %cond3A_129 = arith.cmpi ne, %convert_element_type3A, %cond3A : i32
      scf.if %cond3A_129 {
        %dma_wait3A_213 = arith.constant 0 : i32
        %dma_wait3A_214 = arith.constant 0 : i32
        %dma_wait3A_215 = tpu.memref_slice %arg28[%dma_wait3A_213, %dma_wait3A_214] : memref<10112x128xf32, #tpu.memory_space<vmem_shared>> -> memref<10112x128xf32, #tpu.memory_space<vmem_shared>>
        tpu.wait_indirect_dma semaphore(%arg27 : memref<!tpu.dma_semaphore, #tpu.memory_space<semaphore_mem>>) src(%arg15 : memref<128x128xf32, #tpu.memory_space<vmem>>) dst(%dma_wait3A_215 : memref<10112x128xf32, #tpu.memory_space<vmem_shared>>)
      } else {
      }
      %add3A_130 = arith.constant 2 : i32
      %add3A_131 = arith.addi %add3A_115, %add3A_130 : i32
      %lt3A = arith.constant 80 : i32
      %lt3A_132 = arith.cmpi slt, %add3A_131, %lt3A : i32
      %convert_element_type3A_133 = arith.extui %lt3A_132 : i1 to i32
      %cond3A_134 = arith.constant 0 : i32
      %cond3A_135 = arith.cmpi ne, %convert_element_type3A_133, %cond3A_134 : i32
      scf.if %cond3A_135 {
        %dma_wait3A_213 = arith.constant 0 : i32
        %dma_wait3A_214 = tpu.memref_slice %arg3[%mul3A_2, %dma_wait3A_213] : memref<2560x128xi32, #tpu.memory_space<hbm>> -> memref<1x128xi32, #tpu.memory_space<hbm>>
        %dma_wait3A_215 = tpu.memref_squeeze %dma_wait3A_214 : memref<1x128xi32, #tpu.memory_space<hbm>> -> memref<128xi32, #tpu.memory_space<hbm>>
        %dma_wait3A_216 = arith.constant 0 : i32
        %dma_wait3A_217 = tpu.memref_slice %arg3[%mul3A_2, %dma_wait3A_216] : memref<2560x128xi32, #tpu.memory_space<hbm>> -> memref<1x128xi32, #tpu.memory_space<hbm>>
        %dma_wait3A_218 = tpu.memref_squeeze %dma_wait3A_217 : memref<1x128xi32, #tpu.memory_space<hbm>> -> memref<128xi32, #tpu.memory_space<hbm>>
        tpu.wait_dma2 semaphore(%arg18 : memref<!tpu.dma_semaphore, #tpu.memory_space<semaphore_mem>>) src(%dma_wait3A_218 : memref<128xi32, #tpu.memory_space<hbm>>) dst(%arg9 : memref<128xi32, #tpu.memory_space<vmem>>)
        %dma_start3A_219 = arith.constant 0 : i32
        %dma_start3A_220 = arith.constant 0 : i32
        %dma_start3A_221 = tpu.memref_slice %arg2[%dma_start3A_219, %dma_start3A_220] : memref<10000x128xf32, #tpu.memory_space<hbm>> -> memref<10000x128xf32, #tpu.memory_space<hbm>>
        tpu.enqueue_indirect_dma source(%dma_start3A_221 : memref<10000x128xf32, #tpu.memory_space<hbm>>) target(%arg15 : memref<128x128xf32, #tpu.memory_space<vmem>>) offsets(%arg9 : memref<128xi32, #tpu.memory_space<vmem>>) semaphore(%arg24 : memref<!tpu.dma_semaphore, #tpu.memory_space<semaphore_mem>>)
        %add3A_222 = arith.addi %mul3A_2, %add3A_115 : i32
        %add3A_223 = arith.constant 2 : i32
        %add3A_224 = arith.addi %add3A_222, %add3A_223 : i32
        %dma_start3A_225 = arith.constant 0 : i32
        %dma_start3A_226 = tpu.memref_slice %arg4[%add3A_224, %dma_start3A_225] : memref<2560x128xi32, #tpu.memory_space<hbm>> -> memref<1x128xi32, #tpu.memory_space<hbm>>
        %dma_start3A_227 = tpu.memref_squeeze %dma_start3A_226 : memref<1x128xi32, #tpu.memory_space<hbm>> -> memref<128xi32, #tpu.memory_space<hbm>>
        %dma_start3A_228 = arith.constant 0 : i32
        %dma_start3A_229 = tpu.memref_slice %arg4[%add3A_224, %dma_start3A_228] : memref<2560x128xi32, #tpu.memory_space<hbm>> -> memref<1x128xi32, #tpu.memory_space<hbm>>
        %dma_start3A_230 = tpu.memref_squeeze %dma_start3A_229 : memref<1x128xi32, #tpu.memory_space<hbm>> -> memref<128xi32, #tpu.memory_space<hbm>>
        tpu.enqueue_dma source(%dma_start3A_230 : memref<128xi32, #tpu.memory_space<hbm>>) target(%arg12 : memref<128xi32, #tpu.memory_space<vmem>>) target_semaphore(%arg21 : memref<!tpu.dma_semaphore, #tpu.memory_space<semaphore_mem>>)
      } else {
      }
      %add3A_136 = arith.constant 3 : i32
      %add3A_137 = arith.addi %add3A_115, %add3A_136 : i32
      %lt3A_138 = arith.constant 80 : i32
      %lt3A_139 = arith.cmpi slt, %add3A_137, %lt3A_138 : i32
      %convert_element_type3A_140 = arith.extui %lt3A_139 : i1 to i32
      %cond3A_141 = arith.constant 0 : i32
      %cond3A_142 = arith.cmpi ne, %convert_element_type3A_140, %cond3A_141 : i32
      scf.if %cond3A_142 {
        %add3A_213 = arith.addi %mul3A_2, %add3A_115 : i32
        %add3A_214 = arith.constant 3 : i32
        %add3A_215 = arith.addi %add3A_213, %add3A_214 : i32
        %dma_start3A_216 = arith.constant 0 : i32
        %dma_start3A_217 = tpu.memref_slice %arg3[%add3A_215, %dma_start3A_216] : memref<2560x128xi32, #tpu.memory_space<hbm>> -> memref<1x128xi32, #tpu.memory_space<hbm>>
        %dma_start3A_218 = tpu.memref_squeeze %dma_start3A_217 : memref<1x128xi32, #tpu.memory_space<hbm>> -> memref<128xi32, #tpu.memory_space<hbm>>
        %dma_start3A_219 = arith.constant 0 : i32
        %dma_start3A_220 = tpu.memref_slice %arg3[%add3A_215, %dma_start3A_219] : memref<2560x128xi32, #tpu.memory_space<hbm>> -> memref<1x128xi32, #tpu.memory_space<hbm>>
        %dma_start3A_221 = tpu.memref_squeeze %dma_start3A_220 : memref<1x128xi32, #tpu.memory_space<hbm>> -> memref<128xi32, #tpu.memory_space<hbm>>
        tpu.enqueue_dma source(%dma_start3A_221 : memref<128xi32, #tpu.memory_space<hbm>>) target(%arg7 : memref<128xi32, #tpu.memory_space<vmem>>) target_semaphore(%arg16 : memref<!tpu.dma_semaphore, #tpu.memory_space<semaphore_mem>>)
      } else {
      }
      %mul3A_143 = arith.constant 3 : i32
      %mul3A_144 = arith.muli %add3A_111, %mul3A_143 : i32
      %add3A_145 = arith.constant 1 : i32
      %add3A_146 = arith.addi %mul3A_144, %add3A_145 : i32
      %dma_wait3A_147 = arith.constant 0 : i32
      %dma_wait3A_148 = arith.constant 0 : i32
      %dma_wait3A_149 = tpu.memref_slice %arg2[%dma_wait3A_147, %dma_wait3A_148] : memref<10000x128xf32, #tpu.memory_space<hbm>> -> memref<10000x128xf32, #tpu.memory_space<hbm>>
      tpu.wait_indirect_dma semaphore(%arg23 : memref<!tpu.dma_semaphore, #tpu.memory_space<semaphore_mem>>) src(%dma_wait3A_149 : memref<10000x128xf32, #tpu.memory_space<hbm>>) dst(%arg14 : memref<128x128xf32, #tpu.memory_space<vmem>>)
      %dma_wait3A_150 = arith.constant 0 : i32
      %dma_wait3A_151 = tpu.memref_slice %arg4[%mul3A_2, %dma_wait3A_150] : memref<2560x128xi32, #tpu.memory_space<hbm>> -> memref<1x128xi32, #tpu.memory_space<hbm>>
      %dma_wait3A_152 = tpu.memref_squeeze %dma_wait3A_151 : memref<1x128xi32, #tpu.memory_space<hbm>> -> memref<128xi32, #tpu.memory_space<hbm>>
      %dma_wait3A_153 = arith.constant 0 : i32
      %dma_wait3A_154 = tpu.memref_slice %arg4[%mul3A_2, %dma_wait3A_153] : memref<2560x128xi32, #tpu.memory_space<hbm>> -> memref<1x128xi32, #tpu.memory_space<hbm>>
      %dma_wait3A_155 = tpu.memref_squeeze %dma_wait3A_154 : memref<1x128xi32, #tpu.memory_space<hbm>> -> memref<128xi32, #tpu.memory_space<hbm>>
      tpu.wait_dma2 semaphore(%arg20 : memref<!tpu.dma_semaphore, #tpu.memory_space<semaphore_mem>>) src(%dma_wait3A_155 : memref<128xi32, #tpu.memory_space<hbm>>) dst(%arg11 : memref<128xi32, #tpu.memory_space<vmem>>)
      %dma_start3A_156 = arith.constant 0 : i32
      %dma_start3A_157 = arith.constant 0 : i32
      %dma_start3A_158 = tpu.memref_slice %arg28[%dma_start3A_156, %dma_start3A_157] : memref<10112x128xf32, #tpu.memory_space<vmem_shared>> -> memref<10112x128xf32, #tpu.memory_space<vmem_shared>>
      tpu.enqueue_indirect_dma source(%arg14 : memref<128x128xf32, #tpu.memory_space<vmem>>) target(%dma_start3A_158 : memref<10112x128xf32, #tpu.memory_space<vmem_shared>>) offsets(%arg11 : memref<128xi32, #tpu.memory_space<vmem>>) semaphore(%arg26 : memref<!tpu.dma_semaphore, #tpu.memory_space<semaphore_mem>>) {add = true}
      %ge3A_159 = arith.constant 1 : i32
      %ge3A_160 = arith.cmpi sge, %add3A_146, %ge3A_159 : i32
      %convert_element_type3A_161 = arith.extui %ge3A_160 : i1 to i32
      %cond3A_162 = arith.constant 0 : i32
      %cond3A_163 = arith.cmpi ne, %convert_element_type3A_161, %cond3A_162 : i32
      scf.if %cond3A_163 {
        %dma_wait3A_213 = arith.constant 0 : i32
        %dma_wait3A_214 = arith.constant 0 : i32
        %dma_wait3A_215 = tpu.memref_slice %arg28[%dma_wait3A_213, %dma_wait3A_214] : memref<10112x128xf32, #tpu.memory_space<vmem_shared>> -> memref<10112x128xf32, #tpu.memory_space<vmem_shared>>
        tpu.wait_indirect_dma semaphore(%arg25 : memref<!tpu.dma_semaphore, #tpu.memory_space<semaphore_mem>>) src(%arg13 : memref<128x128xf32, #tpu.memory_space<vmem>>) dst(%dma_wait3A_215 : memref<10112x128xf32, #tpu.memory_space<vmem_shared>>)
      } else {
      }
      %add3A_164 = arith.constant 2 : i32
      %add3A_165 = arith.addi %add3A_146, %add3A_164 : i32
      %lt3A_166 = arith.constant 80 : i32
      %lt3A_167 = arith.cmpi slt, %add3A_165, %lt3A_166 : i32
      %convert_element_type3A_168 = arith.extui %lt3A_167 : i1 to i32
      %cond3A_169 = arith.constant 0 : i32
      %cond3A_170 = arith.cmpi ne, %convert_element_type3A_168, %cond3A_169 : i32
      scf.if %cond3A_170 {
        %dma_wait3A_213 = arith.constant 0 : i32
        %dma_wait3A_214 = tpu.memref_slice %arg3[%mul3A_2, %dma_wait3A_213] : memref<2560x128xi32, #tpu.memory_space<hbm>> -> memref<1x128xi32, #tpu.memory_space<hbm>>
        %dma_wait3A_215 = tpu.memref_squeeze %dma_wait3A_214 : memref<1x128xi32, #tpu.memory_space<hbm>> -> memref<128xi32, #tpu.memory_space<hbm>>
        %dma_wait3A_216 = arith.constant 0 : i32
        %dma_wait3A_217 = tpu.memref_slice %arg3[%mul3A_2, %dma_wait3A_216] : memref<2560x128xi32, #tpu.memory_space<hbm>> -> memref<1x128xi32, #tpu.memory_space<hbm>>
        %dma_wait3A_218 = tpu.memref_squeeze %dma_wait3A_217 : memref<1x128xi32, #tpu.memory_space<hbm>> -> memref<128xi32, #tpu.memory_space<hbm>>
        tpu.wait_dma2 semaphore(%arg16 : memref<!tpu.dma_semaphore, #tpu.memory_space<semaphore_mem>>) src(%dma_wait3A_218 : memref<128xi32, #tpu.memory_space<hbm>>) dst(%arg7 : memref<128xi32, #tpu.memory_space<vmem>>)
        %dma_start3A_219 = arith.constant 0 : i32
        %dma_start3A_220 = arith.constant 0 : i32
        %dma_start3A_221 = tpu.memref_slice %arg2[%dma_start3A_219, %dma_start3A_220] : memref<10000x128xf32, #tpu.memory_space<hbm>> -> memref<10000x128xf32, #tpu.memory_space<hbm>>
        tpu.enqueue_indirect_dma source(%dma_start3A_221 : memref<10000x128xf32, #tpu.memory_space<hbm>>) target(%arg13 : memref<128x128xf32, #tpu.memory_space<vmem>>) offsets(%arg7 : memref<128xi32, #tpu.memory_space<vmem>>) semaphore(%arg22 : memref<!tpu.dma_semaphore, #tpu.memory_space<semaphore_mem>>)
        %add3A_222 = arith.addi %mul3A_2, %add3A_146 : i32
        %add3A_223 = arith.constant 2 : i32
        %add3A_224 = arith.addi %add3A_222, %add3A_223 : i32
        %dma_start3A_225 = arith.constant 0 : i32
        %dma_start3A_226 = tpu.memref_slice %arg4[%add3A_224, %dma_start3A_225] : memref<2560x128xi32, #tpu.memory_space<hbm>> -> memref<1x128xi32, #tpu.memory_space<hbm>>
        %dma_start3A_227 = tpu.memref_squeeze %dma_start3A_226 : memref<1x128xi32, #tpu.memory_space<hbm>> -> memref<128xi32, #tpu.memory_space<hbm>>
        %dma_start3A_228 = arith.constant 0 : i32
        %dma_start3A_229 = tpu.memref_slice %arg4[%add3A_224, %dma_start3A_228] : memref<2560x128xi32, #tpu.memory_space<hbm>> -> memref<1x128xi32, #tpu.memory_space<hbm>>
        %dma_start3A_230 = tpu.memref_squeeze %dma_start3A_229 : memref<1x128xi32, #tpu.memory_space<hbm>> -> memref<128xi32, #tpu.memory_space<hbm>>
        tpu.enqueue_dma source(%dma_start3A_230 : memref<128xi32, #tpu.memory_space<hbm>>) target(%arg10 : memref<128xi32, #tpu.memory_space<vmem>>) target_semaphore(%arg19 : memref<!tpu.dma_semaphore, #tpu.memory_space<semaphore_mem>>)
      } else {
      }
      %add3A_171 = arith.constant 3 : i32
      %add3A_172 = arith.addi %add3A_146, %add3A_171 : i32
      %lt3A_173 = arith.constant 80 : i32
      %lt3A_174 = arith.cmpi slt, %add3A_172, %lt3A_173 : i32
      %convert_element_type3A_175 = arith.extui %lt3A_174 : i1 to i32
      %cond3A_176 = arith.constant 0 : i32
      %cond3A_177 = arith.cmpi ne, %convert_element_type3A_175, %cond3A_176 : i32
      scf.if %cond3A_177 {
        %add3A_213 = arith.addi %mul3A_2, %add3A_146 : i32
        %add3A_214 = arith.constant 3 : i32
        %add3A_215 = arith.addi %add3A_213, %add3A_214 : i32
        %dma_start3A_216 = arith.constant 0 : i32
        %dma_start3A_217 = tpu.memref_slice %arg3[%add3A_215, %dma_start3A_216] : memref<2560x128xi32, #tpu.memory_space<hbm>> -> memref<1x128xi32, #tpu.memory_space<hbm>>
        %dma_start3A_218 = tpu.memref_squeeze %dma_start3A_217 : memref<1x128xi32, #tpu.memory_space<hbm>> -> memref<128xi32, #tpu.memory_space<hbm>>
        %dma_start3A_219 = arith.constant 0 : i32
        %dma_start3A_220 = tpu.memref_slice %arg3[%add3A_215, %dma_start3A_219] : memref<2560x128xi32, #tpu.memory_space<hbm>> -> memref<1x128xi32, #tpu.memory_space<hbm>>
        %dma_start3A_221 = tpu.memref_squeeze %dma_start3A_220 : memref<1x128xi32, #tpu.memory_space<hbm>> -> memref<128xi32, #tpu.memory_space<hbm>>
        tpu.enqueue_dma source(%dma_start3A_221 : memref<128xi32, #tpu.memory_space<hbm>>) target(%arg8 : memref<128xi32, #tpu.memory_space<vmem>>) target_semaphore(%arg17 : memref<!tpu.dma_semaphore, #tpu.memory_space<semaphore_mem>>)
      } else {
      }
      %mul3A_178 = arith.constant 3 : i32
      %mul3A_179 = arith.muli %add3A_111, %mul3A_178 : i32
      %add3A_180 = arith.constant 2 : i32
      %add3A_181 = arith.addi %mul3A_179, %add3A_180 : i32
      %dma_wait3A_182 = arith.constant 0 : i32
      %dma_wait3A_183 = arith.constant 0 : i32
      %dma_wait3A_184 = tpu.memref_slice %arg2[%dma_wait3A_182, %dma_wait3A_183] : memref<10000x128xf32, #tpu.memory_space<hbm>> -> memref<10000x128xf32, #tpu.memory_space<hbm>>
      tpu.wait_indirect_dma semaphore(%arg24 : memref<!tpu.dma_semaphore, #tpu.memory_space<semaphore_mem>>) src(%dma_wait3A_184 : memref<10000x128xf32, #tpu.memory_space<hbm>>) dst(%arg15 : memref<128x128xf32, #tpu.memory_space<vmem>>)
      %dma_wait3A_185 = arith.constant 0 : i32
      %dma_wait3A_186 = tpu.memref_slice %arg4[%mul3A_2, %dma_wait3A_185] : memref<2560x128xi32, #tpu.memory_space<hbm>> -> memref<1x128xi32, #tpu.memory_space<hbm>>
      %dma_wait3A_187 = tpu.memref_squeeze %dma_wait3A_186 : memref<1x128xi32, #tpu.memory_space<hbm>> -> memref<128xi32, #tpu.memory_space<hbm>>
      %dma_wait3A_188 = arith.constant 0 : i32
      %dma_wait3A_189 = tpu.memref_slice %arg4[%mul3A_2, %dma_wait3A_188] : memref<2560x128xi32, #tpu.memory_space<hbm>> -> memref<1x128xi32, #tpu.memory_space<hbm>>
      %dma_wait3A_190 = tpu.memref_squeeze %dma_wait3A_189 : memref<1x128xi32, #tpu.memory_space<hbm>> -> memref<128xi32, #tpu.memory_space<hbm>>
      tpu.wait_dma2 semaphore(%arg21 : memref<!tpu.dma_semaphore, #tpu.memory_space<semaphore_mem>>) src(%dma_wait3A_190 : memref<128xi32, #tpu.memory_space<hbm>>) dst(%arg12 : memref<128xi32, #tpu.memory_space<vmem>>)
      %dma_start3A_191 = arith.constant 0 : i32
      %dma_start3A_192 = arith.constant 0 : i32
      %dma_start3A_193 = tpu.memref_slice %arg28[%dma_start3A_191, %dma_start3A_192] : memref<10112x128xf32, #tpu.memory_space<vmem_shared>> -> memref<10112x128xf32, #tpu.memory_space<vmem_shared>>
      tpu.enqueue_indirect_dma source(%arg15 : memref<128x128xf32, #tpu.memory_space<vmem>>) target(%dma_start3A_193 : memref<10112x128xf32, #tpu.memory_space<vmem_shared>>) offsets(%arg12 : memref<128xi32, #tpu.memory_space<vmem>>) semaphore(%arg27 : memref<!tpu.dma_semaphore, #tpu.memory_space<semaphore_mem>>) {add = true}
      %ge3A_194 = arith.constant 1 : i32
      %ge3A_195 = arith.cmpi sge, %add3A_181, %ge3A_194 : i32
      %convert_element_type3A_196 = arith.extui %ge3A_195 : i1 to i32
      %cond3A_197 = arith.constant 0 : i32
      %cond3A_198 = arith.cmpi ne, %convert_element_type3A_196, %cond3A_197 : i32
      scf.if %cond3A_198 {
        %dma_wait3A_213 = arith.constant 0 : i32
        %dma_wait3A_214 = arith.constant 0 : i32
        %dma_wait3A_215 = tpu.memref_slice %arg28[%dma_wait3A_213, %dma_wait3A_214] : memref<10112x128xf32, #tpu.memory_space<vmem_shared>> -> memref<10112x128xf32, #tpu.memory_space<vmem_shared>>
        tpu.wait_indirect_dma semaphore(%arg26 : memref<!tpu.dma_semaphore, #tpu.memory_space<semaphore_mem>>) src(%arg14 : memref<128x128xf32, #tpu.memory_space<vmem>>) dst(%dma_wait3A_215 : memref<10112x128xf32, #tpu.memory_space<vmem_shared>>)
      } else {
      }
      %add3A_199 = arith.constant 2 : i32
      %add3A_200 = arith.addi %add3A_181, %add3A_199 : i32
      %lt3A_201 = arith.constant 80 : i32
      %lt3A_202 = arith.cmpi slt, %add3A_200, %lt3A_201 : i32
      %convert_element_type3A_203 = arith.extui %lt3A_202 : i1 to i32
      %cond3A_204 = arith.constant 0 : i32
      %cond3A_205 = arith.cmpi ne, %convert_element_type3A_203, %cond3A_204 : i32
      scf.if %cond3A_205 {
        %dma_wait3A_213 = arith.constant 0 : i32
        %dma_wait3A_214 = tpu.memref_slice %arg3[%mul3A_2, %dma_wait3A_213] : memref<2560x128xi32, #tpu.memory_space<hbm>> -> memref<1x128xi32, #tpu.memory_space<hbm>>
        %dma_wait3A_215 = tpu.memref_squeeze %dma_wait3A_214 : memref<1x128xi32, #tpu.memory_space<hbm>> -> memref<128xi32, #tpu.memory_space<hbm>>
        %dma_wait3A_216 = arith.constant 0 : i32
        %dma_wait3A_217 = tpu.memref_slice %arg3[%mul3A_2, %dma_wait3A_216] : memref<2560x128xi32, #tpu.memory_space<hbm>> -> memref<1x128xi32, #tpu.memory_space<hbm>>
        %dma_wait3A_218 = tpu.memref_squeeze %dma_wait3A_217 : memref<1x128xi32, #tpu.memory_space<hbm>> -> memref<128xi32, #tpu.memory_space<hbm>>
        tpu.wait_dma2 semaphore(%arg17 : memref<!tpu.dma_semaphore, #tpu.memory_space<semaphore_mem>>) src(%dma_wait3A_218 : memref<128xi32, #tpu.memory_space<hbm>>) dst(%arg8 : memref<128xi32, #tpu.memory_space<vmem>>)
        %dma_start3A_219 = arith.constant 0 : i32
        %dma_start3A_220 = arith.constant 0 : i32
        %dma_start3A_221 = tpu.memref_slice %arg2[%dma_start3A_219, %dma_start3A_220] : memref<10000x128xf32, #tpu.memory_space<hbm>> -> memref<10000x128xf32, #tpu.memory_space<hbm>>
        tpu.enqueue_indirect_dma source(%dma_start3A_221 : memref<10000x128xf32, #tpu.memory_space<hbm>>) target(%arg14 : memref<128x128xf32, #tpu.memory_space<vmem>>) offsets(%arg8 : memref<128xi32, #tpu.memory_space<vmem>>) semaphore(%arg23 : memref<!tpu.dma_semaphore, #tpu.memory_space<semaphore_mem>>)
        %add3A_222 = arith.addi %mul3A_2, %add3A_181 : i32
        %add3A_223 = arith.constant 2 : i32
        %add3A_224 = arith.addi %add3A_222, %add3A_223 : i32
        %dma_start3A_225 = arith.constant 0 : i32
        %dma_start3A_226 = tpu.memref_slice %arg4[%add3A_224, %dma_start3A_225] : memref<2560x128xi32, #tpu.memory_space<hbm>> -> memref<1x128xi32, #tpu.memory_space<hbm>>
        %dma_start3A_227 = tpu.memref_squeeze %dma_start3A_226 : memref<1x128xi32, #tpu.memory_space<hbm>> -> memref<128xi32, #tpu.memory_space<hbm>>
        %dma_start3A_228 = arith.constant 0 : i32
        %dma_start3A_229 = tpu.memref_slice %arg4[%add3A_224, %dma_start3A_228] : memref<2560x128xi32, #tpu.memory_space<hbm>> -> memref<1x128xi32, #tpu.memory_space<hbm>>
        %dma_start3A_230 = tpu.memref_squeeze %dma_start3A_229 : memref<1x128xi32, #tpu.memory_space<hbm>> -> memref<128xi32, #tpu.memory_space<hbm>>
        tpu.enqueue_dma source(%dma_start3A_230 : memref<128xi32, #tpu.memory_space<hbm>>) target(%arg11 : memref<128xi32, #tpu.memory_space<vmem>>) target_semaphore(%arg20 : memref<!tpu.dma_semaphore, #tpu.memory_space<semaphore_mem>>)
      } else {
      }
      %add3A_206 = arith.constant 3 : i32
      %add3A_207 = arith.addi %add3A_181, %add3A_206 : i32
      %lt3A_208 = arith.constant 80 : i32
      %lt3A_209 = arith.cmpi slt, %add3A_207, %lt3A_208 : i32
      %convert_element_type3A_210 = arith.extui %lt3A_209 : i1 to i32
      %cond3A_211 = arith.constant 0 : i32
      %cond3A_212 = arith.cmpi ne, %convert_element_type3A_210, %cond3A_211 : i32
      scf.if %cond3A_212 {
        %add3A_213 = arith.addi %mul3A_2, %add3A_181 : i32
        %add3A_214 = arith.constant 3 : i32
        %add3A_215 = arith.addi %add3A_213, %add3A_214 : i32
        %dma_start3A_216 = arith.constant 0 : i32
        %dma_start3A_217 = tpu.memref_slice %arg3[%add3A_215, %dma_start3A_216] : memref<2560x128xi32, #tpu.memory_space<hbm>> -> memref<1x128xi32, #tpu.memory_space<hbm>>
        %dma_start3A_218 = tpu.memref_squeeze %dma_start3A_217 : memref<1x128xi32, #tpu.memory_space<hbm>> -> memref<128xi32, #tpu.memory_space<hbm>>
        %dma_start3A_219 = arith.constant 0 : i32
        %dma_start3A_220 = tpu.memref_slice %arg3[%add3A_215, %dma_start3A_219] : memref<2560x128xi32, #tpu.memory_space<hbm>> -> memref<1x128xi32, #tpu.memory_space<hbm>>
        %dma_start3A_221 = tpu.memref_squeeze %dma_start3A_220 : memref<1x128xi32, #tpu.memory_space<hbm>> -> memref<128xi32, #tpu.memory_space<hbm>>
        tpu.enqueue_dma source(%dma_start3A_221 : memref<128xi32, #tpu.memory_space<hbm>>) target(%arg9 : memref<128xi32, #tpu.memory_space<vmem>>) target_semaphore(%arg18 : memref<!tpu.dma_semaphore, #tpu.memory_space<semaphore_mem>>)
      } else {
      }
    }
    %scan3A_68 = arith.constant 26 : i32
    %dma_wait3A_69 = arith.constant 0 : i32
    %dma_wait3A_70 = arith.constant 0 : i32
    %dma_wait3A_71 = tpu.memref_slice %arg2[%dma_wait3A_69, %dma_wait3A_70] : memref<10000x128xf32, #tpu.memory_space<hbm>> -> memref<10000x128xf32, #tpu.memory_space<hbm>>
    tpu.wait_indirect_dma semaphore(%arg22 : memref<!tpu.dma_semaphore, #tpu.memory_space<semaphore_mem>>) src(%dma_wait3A_71 : memref<10000x128xf32, #tpu.memory_space<hbm>>) dst(%arg13 : memref<128x128xf32, #tpu.memory_space<vmem>>)
    %dma_wait3A_72 = arith.constant 0 : i32
    %dma_wait3A_73 = tpu.memref_slice %arg4[%mul3A_2, %dma_wait3A_72] : memref<2560x128xi32, #tpu.memory_space<hbm>> -> memref<1x128xi32, #tpu.memory_space<hbm>>
    %dma_wait3A_74 = tpu.memref_squeeze %dma_wait3A_73 : memref<1x128xi32, #tpu.memory_space<hbm>> -> memref<128xi32, #tpu.memory_space<hbm>>
    %dma_wait3A_75 = arith.constant 0 : i32
    %dma_wait3A_76 = tpu.memref_slice %arg4[%mul3A_2, %dma_wait3A_75] : memref<2560x128xi32, #tpu.memory_space<hbm>> -> memref<1x128xi32, #tpu.memory_space<hbm>>
    %dma_wait3A_77 = tpu.memref_squeeze %dma_wait3A_76 : memref<1x128xi32, #tpu.memory_space<hbm>> -> memref<128xi32, #tpu.memory_space<hbm>>
    tpu.wait_dma2 semaphore(%arg19 : memref<!tpu.dma_semaphore, #tpu.memory_space<semaphore_mem>>) src(%dma_wait3A_77 : memref<128xi32, #tpu.memory_space<hbm>>) dst(%arg10 : memref<128xi32, #tpu.memory_space<vmem>>)
    %dma_start3A_78 = arith.constant 0 : i32
    %dma_start3A_79 = arith.constant 0 : i32
    %dma_start3A_80 = tpu.memref_slice %arg28[%dma_start3A_78, %dma_start3A_79] : memref<10112x128xf32, #tpu.memory_space<vmem_shared>> -> memref<10112x128xf32, #tpu.memory_space<vmem_shared>>
    tpu.enqueue_indirect_dma source(%arg13 : memref<128x128xf32, #tpu.memory_space<vmem>>) target(%dma_start3A_80 : memref<10112x128xf32, #tpu.memory_space<vmem_shared>>) offsets(%arg10 : memref<128xi32, #tpu.memory_space<vmem>>) semaphore(%arg25 : memref<!tpu.dma_semaphore, #tpu.memory_space<semaphore_mem>>) {add = true}
    %dma_wait3A_81 = arith.constant 0 : i32
    %dma_wait3A_82 = arith.constant 0 : i32
    %dma_wait3A_83 = tpu.memref_slice %arg28[%dma_wait3A_81, %dma_wait3A_82] : memref<10112x128xf32, #tpu.memory_space<vmem_shared>> -> memref<10112x128xf32, #tpu.memory_space<vmem_shared>>
    tpu.wait_indirect_dma semaphore(%arg27 : memref<!tpu.dma_semaphore, #tpu.memory_space<semaphore_mem>>) src(%arg15 : memref<128x128xf32, #tpu.memory_space<vmem>>) dst(%dma_wait3A_83 : memref<10112x128xf32, #tpu.memory_space<vmem_shared>>)
    %dma_wait3A_84 = arith.constant 0 : i32
    %dma_wait3A_85 = arith.constant 0 : i32
    %dma_wait3A_86 = tpu.memref_slice %arg2[%dma_wait3A_84, %dma_wait3A_85] : memref<10000x128xf32, #tpu.memory_space<hbm>> -> memref<10000x128xf32, #tpu.memory_space<hbm>>
    tpu.wait_indirect_dma semaphore(%arg23 : memref<!tpu.dma_semaphore, #tpu.memory_space<semaphore_mem>>) src(%dma_wait3A_86 : memref<10000x128xf32, #tpu.memory_space<hbm>>) dst(%arg14 : memref<128x128xf32, #tpu.memory_space<vmem>>)
    %dma_wait3A_87 = arith.constant 0 : i32
    %dma_wait3A_88 = tpu.memref_slice %arg4[%mul3A_2, %dma_wait3A_87] : memref<2560x128xi32, #tpu.memory_space<hbm>> -> memref<1x128xi32, #tpu.memory_space<hbm>>
    %dma_wait3A_89 = tpu.memref_squeeze %dma_wait3A_88 : memref<1x128xi32, #tpu.memory_space<hbm>> -> memref<128xi32, #tpu.memory_space<hbm>>
    %dma_wait3A_90 = arith.constant 0 : i32
    %dma_wait3A_91 = tpu.memref_slice %arg4[%mul3A_2, %dma_wait3A_90] : memref<2560x128xi32, #tpu.memory_space<hbm>> -> memref<1x128xi32, #tpu.memory_space<hbm>>
    %dma_wait3A_92 = tpu.memref_squeeze %dma_wait3A_91 : memref<1x128xi32, #tpu.memory_space<hbm>> -> memref<128xi32, #tpu.memory_space<hbm>>
    tpu.wait_dma2 semaphore(%arg20 : memref<!tpu.dma_semaphore, #tpu.memory_space<semaphore_mem>>) src(%dma_wait3A_92 : memref<128xi32, #tpu.memory_space<hbm>>) dst(%arg11 : memref<128xi32, #tpu.memory_space<vmem>>)
    %dma_start3A_93 = arith.constant 0 : i32
    %dma_start3A_94 = arith.constant 0 : i32
    %dma_start3A_95 = tpu.memref_slice %arg28[%dma_start3A_93, %dma_start3A_94] : memref<10112x128xf32, #tpu.memory_space<vmem_shared>> -> memref<10112x128xf32, #tpu.memory_space<vmem_shared>>
    tpu.enqueue_indirect_dma source(%arg14 : memref<128x128xf32, #tpu.memory_space<vmem>>) target(%dma_start3A_95 : memref<10112x128xf32, #tpu.memory_space<vmem_shared>>) offsets(%arg11 : memref<128xi32, #tpu.memory_space<vmem>>) semaphore(%arg26 : memref<!tpu.dma_semaphore, #tpu.memory_space<semaphore_mem>>) {add = true}
    %dma_wait3A_96 = arith.constant 0 : i32
    %dma_wait3A_97 = arith.constant 0 : i32
    %dma_wait3A_98 = tpu.memref_slice %arg28[%dma_wait3A_96, %dma_wait3A_97] : memref<10112x128xf32, #tpu.memory_space<vmem_shared>> -> memref<10112x128xf32, #tpu.memory_space<vmem_shared>>
    tpu.wait_indirect_dma semaphore(%arg25 : memref<!tpu.dma_semaphore, #tpu.memory_space<semaphore_mem>>) src(%arg13 : memref<128x128xf32, #tpu.memory_space<vmem>>) dst(%dma_wait3A_98 : memref<10112x128xf32, #tpu.memory_space<vmem_shared>>)
    %dma_wait3A_99 = arith.constant 0 : i32
    %dma_wait3A_100 = arith.constant 0 : i32
    %dma_wait3A_101 = tpu.memref_slice %arg28[%dma_wait3A_99, %dma_wait3A_100] : memref<10112x128xf32, #tpu.memory_space<vmem_shared>> -> memref<10112x128xf32, #tpu.memory_space<vmem_shared>>
    tpu.wait_indirect_dma semaphore(%arg26 : memref<!tpu.dma_semaphore, #tpu.memory_space<semaphore_mem>>) src(%arg14 : memref<128x128xf32, #tpu.memory_space<vmem>>) dst(%dma_wait3A_101 : memref<10112x128xf32, #tpu.memory_space<vmem_shared>>)
    %barrier3A_102 = arith.constant 0 : index
    tpu.barrier barrier_id(%barrier3A_102)
    %mul3A_103 = arith.constant 632 : i32
    %mul3A_104 = arith.muli %arg1, %mul3A_103 : i32
    %mul3A_105 = arith.constant 632 : i32
    %mul3A_106 = arith.muli %arg1, %mul3A_105 : i32
    "tpu.region"() ({
      %run_scoped3A = tpu.sem_alloc : memref<!tpu.dma_semaphore, #tpu.memory_space<semaphore_mem>>
      %dma_start3A_107 = arith.constant 0 : i32
      %dma_start3A_108 = tpu.memref_slice %arg6[%arg0, %mul3A_106, %dma_start3A_107] : memref<2x10112x128xf32, #tpu.memory_space<hbm>> -> memref<1x632x128xf32, #tpu.memory_space<hbm>>
      %dma_start3A_109 = tpu.memref_squeeze %dma_start3A_108 : memref<1x632x128xf32, #tpu.memory_space<hbm>> -> memref<632x128xf32, #tpu.memory_space<hbm>>
      %dma_start3A_110 = arith.constant 0 : i32
      %dma_start3A_111 = tpu.memref_slice %arg28[%mul3A_104, %dma_start3A_110] : memref<10112x128xf32, #tpu.memory_space<vmem_shared>> -> memref<632x128xf32, #tpu.memory_space<vmem_shared>>
      tpu.enqueue_dma source(%dma_start3A_111 : memref<632x128xf32, #tpu.memory_space<vmem_shared>>) target(%dma_start3A_109 : memref<632x128xf32, #tpu.memory_space<hbm>>) target_semaphore(%run_scoped3A : memref<!tpu.dma_semaphore, #tpu.memory_space<semaphore_mem>>)
      %dma_wait3A_112 = arith.constant 0 : i32
      %dma_wait3A_113 = tpu.memref_slice %arg6[%arg0, %mul3A_106, %dma_wait3A_112] : memref<2x10112x128xf32, #tpu.memory_space<hbm>> -> memref<1x632x128xf32, #tpu.memory_space<hbm>>
      %dma_wait3A_114 = tpu.memref_squeeze %dma_wait3A_113 : memref<1x632x128xf32, #tpu.memory_space<hbm>> -> memref<632x128xf32, #tpu.memory_space<hbm>>
      %dma_wait3A_115 = arith.constant 0 : i32
      %dma_wait3A_116 = tpu.memref_slice %arg28[%mul3A_104, %dma_wait3A_115] : memref<10112x128xf32, #tpu.memory_space<vmem_shared>> -> memref<632x128xf32, #tpu.memory_space<vmem_shared>>
      tpu.wait_dma2 semaphore(%run_scoped3A : memref<!tpu.dma_semaphore, #tpu.memory_space<semaphore_mem>>) src(%dma_wait3A_116 : memref<632x128xf32, #tpu.memory_space<vmem_shared>>) dst(%dma_wait3A_114 : memref<632x128xf32, #tpu.memory_space<hbm>>)
      tpu.yield
    }) : () -> ()
    return
  }
}

#map = affine_map<(d0, d1) -> (0, 0)>
#map1 = affine_map<(d0, d1) -> (0)>
#map2 = affine_map<(d0, d1) -> (0, 0, 0)>
module attributes {stable_mosaic.version = 14 : i64} {
  func.func @_sc_deg(%arg0: i32, %arg1: i32, %arg2: memref<2560x128xi32, #tpu.memory_space<hbm>>, %arg3: memref<80xi32, #tpu.memory_space<hbm>>, %arg4: memref<632x128xf32, #tpu.memory_space<hbm>>, %arg5: memref<2x80x128xf32, #tpu.memory_space<hbm>>, %arg6: memref<128xi32, #tpu.memory_space<vmem>>, %arg7: memref<128xi32, #tpu.memory_space<vmem>>, %arg8: memref<80x128xf32, #tpu.memory_space<vmem>>, %arg9: memref<80xi32, #tpu.memory_space<vmem>>, %arg10: memref<80x128xf32, #tpu.memory_space<vmem_shared>>, %arg11: memref<!tpu.dma_semaphore, #tpu.memory_space<semaphore_mem>>, %arg12: memref<!tpu.dma_semaphore, #tpu.memory_space<semaphore_mem>>, %arg13: memref<!tpu.dma_semaphore, #tpu.memory_space<semaphore_mem>>) attributes {dimension_semantics = [#tpu.dimension_semantics<core_parallel>, #tpu.dimension_semantics<subcore_parallel>], iteration_bounds = array<i64: 2, 16>, scalar_prefetch = 0 : i64, scratch_operands = 8 : i64, tpu.core_type = #tpu.core_type<sc_vector_subcore>, window_params = [{transform_indices = #map}, {transform_indices = #map1}, {transform_indices = #map}, {transform_indices = #map2}]} {
    %mul3A = arith.constant 16 : i32
    %mul3A_0 = arith.muli %arg0, %mul3A : i32
    %add3A = arith.addi %mul3A_0, %arg1 : i32
    %mul3A_1 = arith.constant 80 : i32
    %mul3A_2 = arith.muli %add3A, %mul3A_1 : i32
    "tpu.region"() ({
      %run_scoped3A = tpu.sem_alloc : memref<!tpu.dma_semaphore, #tpu.memory_space<semaphore_mem>>
      %dma_start3A_34 = arith.constant 0 : i32
      %dma_start3A_35 = arith.constant 0 : i32
      %dma_start3A_36 = tpu.memref_slice %arg4[%dma_start3A_34, %dma_start3A_35] : memref<632x128xf32, #tpu.memory_space<hbm>> -> memref<80x128xf32, #tpu.memory_space<hbm>>
      %dma_start3A_37 = arith.constant 0 : i32
      %dma_start3A_38 = arith.constant 0 : i32
      %dma_start3A_39 = tpu.memref_slice %arg4[%dma_start3A_37, %dma_start3A_38] : memref<632x128xf32, #tpu.memory_space<hbm>> -> memref<80x128xf32, #tpu.memory_space<hbm>>
      tpu.enqueue_dma source(%dma_start3A_39 : memref<80x128xf32, #tpu.memory_space<hbm>>) target(%arg8 : memref<80x128xf32, #tpu.memory_space<vmem>>) target_semaphore(%run_scoped3A : memref<!tpu.dma_semaphore, #tpu.memory_space<semaphore_mem>>)
      %dma_wait3A_40 = arith.constant 0 : i32
      %dma_wait3A_41 = arith.constant 0 : i32
      %dma_wait3A_42 = tpu.memref_slice %arg4[%dma_wait3A_40, %dma_wait3A_41] : memref<632x128xf32, #tpu.memory_space<hbm>> -> memref<80x128xf32, #tpu.memory_space<hbm>>
      %dma_wait3A_43 = arith.constant 0 : i32
      %dma_wait3A_44 = arith.constant 0 : i32
      %dma_wait3A_45 = tpu.memref_slice %arg4[%dma_wait3A_43, %dma_wait3A_44] : memref<632x128xf32, #tpu.memory_space<hbm>> -> memref<80x128xf32, #tpu.memory_space<hbm>>
      tpu.wait_dma2 semaphore(%run_scoped3A : memref<!tpu.dma_semaphore, #tpu.memory_space<semaphore_mem>>) src(%dma_wait3A_45 : memref<80x128xf32, #tpu.memory_space<hbm>>) dst(%arg8 : memref<80x128xf32, #tpu.memory_space<vmem>>)
      tpu.yield
    }) : () -> ()
    "tpu.region"() ({
      %run_scoped3A = tpu.sem_alloc : memref<!tpu.dma_semaphore, #tpu.memory_space<semaphore_mem>>
      tpu.enqueue_dma source(%arg3 : memref<80xi32, #tpu.memory_space<hbm>>) target(%arg9 : memref<80xi32, #tpu.memory_space<vmem>>) target_semaphore(%run_scoped3A : memref<!tpu.dma_semaphore, #tpu.memory_space<semaphore_mem>>)
      tpu.wait_dma2 semaphore(%run_scoped3A : memref<!tpu.dma_semaphore, #tpu.memory_space<semaphore_mem>>) src(%arg3 : memref<80xi32, #tpu.memory_space<hbm>>) dst(%arg9 : memref<80xi32, #tpu.memory_space<vmem>>)
      tpu.yield
    }) : () -> ()
    %eq3A = arith.constant 0 : i32
    %eq3A_3 = arith.cmpi eq, %arg1, %eq3A : i32
    %convert_element_type3A = arith.extui %eq3A_3 : i1 to i32
    %cond3A = arith.constant 0 : i32
    %cond3A_4 = arith.cmpi ne, %convert_element_type3A, %cond3A : i32
    scf.if %cond3A_4 {
      "tpu.region"() ({
        %run_scoped3A = tpu.sem_alloc : memref<!tpu.dma_semaphore, #tpu.memory_space<semaphore_mem>>
        %dma_start3A_34 = arith.constant 0 : i32
        %dma_start3A_35 = arith.constant 0 : i32
        %dma_start3A_36 = tpu.memref_slice %arg4[%dma_start3A_34, %dma_start3A_35] : memref<632x128xf32, #tpu.memory_space<hbm>> -> memref<80x128xf32, #tpu.memory_space<hbm>>
        tpu.enqueue_dma source(%dma_start3A_36 : memref<80x128xf32, #tpu.memory_space<hbm>>) target(%arg10 : memref<80x128xf32, #tpu.memory_space<vmem_shared>>) target_semaphore(%run_scoped3A : memref<!tpu.dma_semaphore, #tpu.memory_space<semaphore_mem>>)
        %dma_wait3A_37 = arith.constant 0 : i32
        %dma_wait3A_38 = arith.constant 0 : i32
        %dma_wait3A_39 = tpu.memref_slice %arg4[%dma_wait3A_37, %dma_wait3A_38] : memref<632x128xf32, #tpu.memory_space<hbm>> -> memref<80x128xf32, #tpu.memory_space<hbm>>
        tpu.wait_dma2 semaphore(%run_scoped3A : memref<!tpu.dma_semaphore, #tpu.memory_space<semaphore_mem>>) src(%dma_wait3A_39 : memref<80x128xf32, #tpu.memory_space<hbm>>) dst(%arg10 : memref<80x128xf32, #tpu.memory_space<vmem_shared>>)
        tpu.yield
      }) : () -> ()
    } else {
    }
    %barrier3A = arith.constant 0 : index
    tpu.barrier barrier_id(%barrier3A)
    %dma_start3A = arith.constant 0 : i32
    %dma_start3A_5 = tpu.memref_slice %arg2[%mul3A_2, %dma_start3A] : memref<2560x128xi32, #tpu.memory_space<hbm>> -> memref<1x128xi32, #tpu.memory_space<hbm>>
    %dma_start3A_6 = tpu.memref_squeeze %dma_start3A_5 : memref<1x128xi32, #tpu.memory_space<hbm>> -> memref<128xi32, #tpu.memory_space<hbm>>
    %dma_start3A_7 = arith.constant 0 : i32
    %dma_start3A_8 = tpu.memref_slice %arg2[%mul3A_2, %dma_start3A_7] : memref<2560x128xi32, #tpu.memory_space<hbm>> -> memref<1x128xi32, #tpu.memory_space<hbm>>
    %dma_start3A_9 = tpu.memref_squeeze %dma_start3A_8 : memref<1x128xi32, #tpu.memory_space<hbm>> -> memref<128xi32, #tpu.memory_space<hbm>>
    tpu.enqueue_dma source(%dma_start3A_9 : memref<128xi32, #tpu.memory_space<hbm>>) target(%arg6 : memref<128xi32, #tpu.memory_space<vmem>>) target_semaphore(%arg11 : memref<!tpu.dma_semaphore, #tpu.memory_space<semaphore_mem>>)
    %add3A_10 = arith.constant 1 : i32
    %add3A_11 = arith.addi %mul3A_2, %add3A_10 : i32
    %dma_start3A_12 = arith.constant 0 : i32
    %dma_start3A_13 = tpu.memref_slice %arg2[%add3A_11, %dma_start3A_12] : memref<2560x128xi32, #tpu.memory_space<hbm>> -> memref<1x128xi32, #tpu.memory_space<hbm>>
    %dma_start3A_14 = tpu.memref_squeeze %dma_start3A_13 : memref<1x128xi32, #tpu.memory_space<hbm>> -> memref<128xi32, #tpu.memory_space<hbm>>
    %dma_start3A_15 = arith.constant 0 : i32
    %dma_start3A_16 = tpu.memref_slice %arg2[%add3A_11, %dma_start3A_15] : memref<2560x128xi32, #tpu.memory_space<hbm>> -> memref<1x128xi32, #tpu.memory_space<hbm>>
    %dma_start3A_17 = tpu.memref_squeeze %dma_start3A_16 : memref<1x128xi32, #tpu.memory_space<hbm>> -> memref<128xi32, #tpu.memory_space<hbm>>
    tpu.enqueue_dma source(%dma_start3A_17 : memref<128xi32, #tpu.memory_space<hbm>>) target(%arg7 : memref<128xi32, #tpu.memory_space<vmem>>) target_semaphore(%arg12 : memref<!tpu.dma_semaphore, #tpu.memory_space<semaphore_mem>>)
    %broadcast_in_dim3A = arith.constant 1.000000e+00 : f32
    %broadcast_in_dim3A_18 = vector.broadcast %broadcast_in_dim3A : f32 to vector<16xf32>
    %scan3A = arith.constant 0 : i32
    %scan3A_19 = arith.constant 40 : i32
    %scan3A_20 = arith.addi %scan3A, %scan3A_19 : i32
    %scan3A_21 = arith.constant 1 : i32
    scf.for %scan3A_34 = %scan3A to %scan3A_20 step %scan3A_21  : i32 {
      %mul3A_35 = arith.constant 1 : i32
      %mul3A_36 = arith.muli %scan3A_34, %mul3A_35 : i32
      %add3A_37 = arith.constant 0 : i32
      %add3A_38 = arith.addi %add3A_37, %mul3A_36 : i32
      %mul3A_39 = arith.constant 2 : i32
      %mul3A_40 = arith.muli %add3A_38, %mul3A_39 : i32
      %add3A_41 = arith.addi %mul3A_2, %mul3A_40 : i32
      %dma_wait3A_42 = arith.constant 0 : i32
      %dma_wait3A_43 = tpu.memref_slice %arg2[%add3A_41, %dma_wait3A_42] : memref<2560x128xi32, #tpu.memory_space<hbm>> -> memref<1x128xi32, #tpu.memory_space<hbm>>
      %dma_wait3A_44 = tpu.memref_squeeze %dma_wait3A_43 : memref<1x128xi32, #tpu.memory_space<hbm>> -> memref<128xi32, #tpu.memory_space<hbm>>
      %dma_wait3A_45 = arith.constant 0 : i32
      %dma_wait3A_46 = tpu.memref_slice %arg2[%add3A_41, %dma_wait3A_45] : memref<2560x128xi32, #tpu.memory_space<hbm>> -> memref<1x128xi32, #tpu.memory_space<hbm>>
      %dma_wait3A_47 = tpu.memref_squeeze %dma_wait3A_46 : memref<1x128xi32, #tpu.memory_space<hbm>> -> memref<128xi32, #tpu.memory_space<hbm>>
      tpu.wait_dma2 semaphore(%arg11 : memref<!tpu.dma_semaphore, #tpu.memory_space<semaphore_mem>>) src(%dma_wait3A_47 : memref<128xi32, #tpu.memory_space<hbm>>) dst(%arg6 : memref<128xi32, #tpu.memory_space<vmem>>)
      %get3A = arith.constant 0 : index
      %get3A_48 = tpu.vector_load %arg6[%get3A] {strides = array<i32>} : memref<128xi32, #tpu.memory_space<vmem>>, vector<16xi32>,
      %shift_right_logical3A = arith.constant 7 : i32
      %shift_right_logical3A_49 = vector.broadcast %shift_right_logical3A : i32 to vector<16xi32>
      %shift_right_logical3A_50 = arith.shrui %get3A_48, %shift_right_logical3A_49 : vector<16xi32>
      %and3A = arith.constant 127 : i32
      %and3A_51 = vector.broadcast %and3A : i32 to vector<16xi32>
      %and3A_52 = arith.andi %get3A_48, %and3A_51 : vector<16xi32>
      tpu.vector_store_idx %arg8[%shift_right_logical3A_50, %and3A_52], %broadcast_in_dim3A_18 {add = true} : memref<80x128xf32, #tpu.memory_space<vmem>>[vector<16xi32>, vector<16xi32>], vector<16xf32>,
      %get3A_53 = arith.constant 16 : index
      %get3A_54 = tpu.vector_load %arg6[%get3A_53] {strides = array<i32>} : memref<128xi32, #tpu.memory_space<vmem>>, vector<16xi32>,
      %shift_right_logical3A_55 = arith.constant 7 : i32
      %shift_right_logical3A_56 = vector.broadcast %shift_right_logical3A_55 : i32 to vector<16xi32>
      %shift_right_logical3A_57 = arith.shrui %get3A_54, %shift_right_logical3A_56 : vector<16xi32>
      %and3A_58 = arith.constant 127 : i32
      %and3A_59 = vector.broadcast %and3A_58 : i32 to vector<16xi32>
      %and3A_60 = arith.andi %get3A_54, %and3A_59 : vector<16xi32>
      tpu.vector_store_idx %arg8[%shift_right_logical3A_57, %and3A_60], %broadcast_in_dim3A_18 {add = true} : memref<80x128xf32, #tpu.memory_space<vmem>>[vector<16xi32>, vector<16xi32>], vector<16xf32>,
      %get3A_61 = arith.constant 32 : index
      %get3A_62 = tpu.vector_load %arg6[%get3A_61] {strides = array<i32>} : memref<128xi32, #tpu.memory_space<vmem>>, vector<16xi32>,
      %shift_right_logical3A_63 = arith.constant 7 : i32
      %shift_right_logical3A_64 = vector.broadcast %shift_right_logical3A_63 : i32 to vector<16xi32>
      %shift_right_logical3A_65 = arith.shrui %get3A_62, %shift_right_logical3A_64 : vector<16xi32>
      %and3A_66 = arith.constant 127 : i32
      %and3A_67 = vector.broadcast %and3A_66 : i32 to vector<16xi32>
      %and3A_68 = arith.andi %get3A_62, %and3A_67 : vector<16xi32>
      tpu.vector_store_idx %arg8[%shift_right_logical3A_65, %and3A_68], %broadcast_in_dim3A_18 {add = true} : memref<80x128xf32, #tpu.memory_space<vmem>>[vector<16xi32>, vector<16xi32>], vector<16xf32>,
      %get3A_69 = arith.constant 48 : index
      %get3A_70 = tpu.vector_load %arg6[%get3A_69] {strides = array<i32>} : memref<128xi32, #tpu.memory_space<vmem>>, vector<16xi32>,
      %shift_right_logical3A_71 = arith.constant 7 : i32
      %shift_right_logical3A_72 = vector.broadcast %shift_right_logical3A_71 : i32 to vector<16xi32>
      %shift_right_logical3A_73 = arith.shrui %get3A_70, %shift_right_logical3A_72 : vector<16xi32>
      %and3A_74 = arith.constant 127 : i32
      %and3A_75 = vector.broadcast %and3A_74 : i32 to vector<16xi32>
      %and3A_76 = arith.andi %get3A_70, %and3A_75 : vector<16xi32>
      tpu.vector_store_idx %arg8[%shift_right_logical3A_73, %and3A_76], %broadcast_in_dim3A_18 {add = true} : memref<80x128xf32, #tpu.memory_space<vmem>>[vector<16xi32>, vector<16xi32>], vector<16xf32>,
      %get3A_77 = arith.constant 64 : index
      %get3A_78 = tpu.vector_load %arg6[%get3A_77] {strides = array<i32>} : memref<128xi32, #tpu.memory_space<vmem>>, vector<16xi32>,
      %shift_right_logical3A_79 = arith.constant 7 : i32
      %shift_right_logical3A_80 = vector.broadcast %shift_right_logical3A_79 : i32 to vector<16xi32>
      %shift_right_logical3A_81 = arith.shrui %get3A_78, %shift_right_logical3A_80 : vector<16xi32>
      %and3A_82 = arith.constant 127 : i32
      %and3A_83 = vector.broadcast %and3A_82 : i32 to vector<16xi32>
      %and3A_84 = arith.andi %get3A_78, %and3A_83 : vector<16xi32>
      tpu.vector_store_idx %arg8[%shift_right_logical3A_81, %and3A_84], %broadcast_in_dim3A_18 {add = true} : memref<80x128xf32, #tpu.memory_space<vmem>>[vector<16xi32>, vector<16xi32>], vector<16xf32>,
      %get3A_85 = arith.constant 80 : index
      %get3A_86 = tpu.vector_load %arg6[%get3A_85] {strides = array<i32>} : memref<128xi32, #tpu.memory_space<vmem>>, vector<16xi32>,
      %shift_right_logical3A_87 = arith.constant 7 : i32
      %shift_right_logical3A_88 = vector.broadcast %shift_right_logical3A_87 : i32 to vector<16xi32>
      %shift_right_logical3A_89 = arith.shrui %get3A_86, %shift_right_logical3A_88 : vector<16xi32>
      %and3A_90 = arith.constant 127 : i32
      %and3A_91 = vector.broadcast %and3A_90 : i32 to vector<16xi32>
      %and3A_92 = arith.andi %get3A_86, %and3A_91 : vector<16xi32>
      tpu.vector_store_idx %arg8[%shift_right_logical3A_89, %and3A_92], %broadcast_in_dim3A_18 {add = true} : memref<80x128xf32, #tpu.memory_space<vmem>>[vector<16xi32>, vector<16xi32>], vector<16xf32>,
      %get3A_93 = arith.constant 96 : index
      %get3A_94 = tpu.vector_load %arg6[%get3A_93] {strides = array<i32>} : memref<128xi32, #tpu.memory_space<vmem>>, vector<16xi32>,
      %shift_right_logical3A_95 = arith.constant 7 : i32
      %shift_right_logical3A_96 = vector.broadcast %shift_right_logical3A_95 : i32 to vector<16xi32>
      %shift_right_logical3A_97 = arith.shrui %get3A_94, %shift_right_logical3A_96 : vector<16xi32>
      %and3A_98 = arith.constant 127 : i32
      %and3A_99 = vector.broadcast %and3A_98 : i32 to vector<16xi32>
      %and3A_100 = arith.andi %get3A_94, %and3A_99 : vector<16xi32>
      tpu.vector_store_idx %arg8[%shift_right_logical3A_97, %and3A_100], %broadcast_in_dim3A_18 {add = true} : memref<80x128xf32, #tpu.memory_space<vmem>>[vector<16xi32>, vector<16xi32>], vector<16xf32>,
      %get3A_101 = arith.constant 112 : index
      %get3A_102 = tpu.vector_load %arg6[%get3A_101] {strides = array<i32>} : memref<128xi32, #tpu.memory_space<vmem>>, vector<16xi32>,
      %shift_right_logical3A_103 = arith.constant 7 : i32
      %shift_right_logical3A_104 = vector.broadcast %shift_right_logical3A_103 : i32 to vector<16xi32>
      %shift_right_logical3A_105 = arith.shrui %get3A_102, %shift_right_logical3A_104 : vector<16xi32>
      %and3A_106 = arith.constant 127 : i32
      %and3A_107 = vector.broadcast %and3A_106 : i32 to vector<16xi32>
      %and3A_108 = arith.andi %get3A_102, %and3A_107 : vector<16xi32>
      tpu.vector_store_idx %arg8[%shift_right_logical3A_105, %and3A_108], %broadcast_in_dim3A_18 {add = true} : memref<80x128xf32, #tpu.memory_space<vmem>>[vector<16xi32>, vector<16xi32>], vector<16xf32>,
      %mul3A_109 = arith.constant 2 : i32
      %mul3A_110 = arith.muli %add3A_38, %mul3A_109 : i32
      %add3A_111 = arith.constant 2 : i32
      %add3A_112 = arith.addi %mul3A_110, %add3A_111 : i32
      %lt3A = arith.constant 80 : i32
      %lt3A_113 = arith.cmpi slt, %add3A_112, %lt3A : i32
      %convert_element_type3A_114 = arith.extui %lt3A_113 : i1 to i32
      %cond3A_115 = arith.constant 0 : i32
      %cond3A_116 = arith.cmpi ne, %convert_element_type3A_114, %cond3A_115 : i32
      scf.if %cond3A_116 {
        %add3A_198 = arith.constant 2 : i32
        %add3A_199 = arith.addi %add3A_41, %add3A_198 : i32
        %dma_start3A_200 = arith.constant 0 : i32
        %dma_start3A_201 = tpu.memref_slice %arg2[%add3A_199, %dma_start3A_200] : memref<2560x128xi32, #tpu.memory_space<hbm>> -> memref<1x128xi32, #tpu.memory_space<hbm>>
        %dma_start3A_202 = tpu.memref_squeeze %dma_start3A_201 : memref<1x128xi32, #tpu.memory_space<hbm>> -> memref<128xi32, #tpu.memory_space<hbm>>
        %dma_start3A_203 = arith.constant 0 : i32
        %dma_start3A_204 = tpu.memref_slice %arg2[%add3A_199, %dma_start3A_203] : memref<2560x128xi32, #tpu.memory_space<hbm>> -> memref<1x128xi32, #tpu.memory_space<hbm>>
        %dma_start3A_205 = tpu.memref_squeeze %dma_start3A_204 : memref<1x128xi32, #tpu.memory_space<hbm>> -> memref<128xi32, #tpu.memory_space<hbm>>
        tpu.enqueue_dma source(%dma_start3A_205 : memref<128xi32, #tpu.memory_space<hbm>>) target(%arg6 : memref<128xi32, #tpu.memory_space<vmem>>) target_semaphore(%arg11 : memref<!tpu.dma_semaphore, #tpu.memory_space<semaphore_mem>>)
      } else {
      }
      %add3A_117 = arith.constant 1 : i32
      %add3A_118 = arith.addi %add3A_41, %add3A_117 : i32
      %dma_wait3A_119 = arith.constant 0 : i32
      %dma_wait3A_120 = tpu.memref_slice %arg2[%add3A_118, %dma_wait3A_119] : memref<2560x128xi32, #tpu.memory_space<hbm>> -> memref<1x128xi32, #tpu.memory_space<hbm>>
      %dma_wait3A_121 = tpu.memref_squeeze %dma_wait3A_120 : memref<1x128xi32, #tpu.memory_space<hbm>> -> memref<128xi32, #tpu.memory_space<hbm>>
      %dma_wait3A_122 = arith.constant 0 : i32
      %dma_wait3A_123 = tpu.memref_slice %arg2[%add3A_118, %dma_wait3A_122] : memref<2560x128xi32, #tpu.memory_space<hbm>> -> memref<1x128xi32, #tpu.memory_space<hbm>>
      %dma_wait3A_124 = tpu.memref_squeeze %dma_wait3A_123 : memref<1x128xi32, #tpu.memory_space<hbm>> -> memref<128xi32, #tpu.memory_space<hbm>>
      tpu.wait_dma2 semaphore(%arg12 : memref<!tpu.dma_semaphore, #tpu.memory_space<semaphore_mem>>) src(%dma_wait3A_124 : memref<128xi32, #tpu.memory_space<hbm>>) dst(%arg7 : memref<128xi32, #tpu.memory_space<vmem>>)
      %get3A_125 = arith.constant 0 : index
      %get3A_126 = tpu.vector_load %arg7[%get3A_125] {strides = array<i32>} : memref<128xi32, #tpu.memory_space<vmem>>, vector<16xi32>,
      %shift_right_logical3A_127 = arith.constant 7 : i32
      %shift_right_logical3A_128 = vector.broadcast %shift_right_logical3A_127 : i32 to vector<16xi32>
      %shift_right_logical3A_129 = arith.shrui %get3A_126, %shift_right_logical3A_128 : vector<16xi32>
      %and3A_130 = arith.constant 127 : i32
      %and3A_131 = vector.broadcast %and3A_130 : i32 to vector<16xi32>
      %and3A_132 = arith.andi %get3A_126, %and3A_131 : vector<16xi32>
      tpu.vector_store_idx %arg8[%shift_right_logical3A_129, %and3A_132], %broadcast_in_dim3A_18 {add = true} : memref<80x128xf32, #tpu.memory_space<vmem>>[vector<16xi32>, vector<16xi32>], vector<16xf32>,
      %get3A_133 = arith.constant 16 : index
      %get3A_134 = tpu.vector_load %arg7[%get3A_133] {strides = array<i32>} : memref<128xi32, #tpu.memory_space<vmem>>, vector<16xi32>,
      %shift_right_logical3A_135 = arith.constant 7 : i32
      %shift_right_logical3A_136 = vector.broadcast %shift_right_logical3A_135 : i32 to vector<16xi32>
      %shift_right_logical3A_137 = arith.shrui %get3A_134, %shift_right_logical3A_136 : vector<16xi32>
      %and3A_138 = arith.constant 127 : i32
      %and3A_139 = vector.broadcast %and3A_138 : i32 to vector<16xi32>
      %and3A_140 = arith.andi %get3A_134, %and3A_139 : vector<16xi32>
      tpu.vector_store_idx %arg8[%shift_right_logical3A_137, %and3A_140], %broadcast_in_dim3A_18 {add = true} : memref<80x128xf32, #tpu.memory_space<vmem>>[vector<16xi32>, vector<16xi32>], vector<16xf32>,
      %get3A_141 = arith.constant 32 : index
      %get3A_142 = tpu.vector_load %arg7[%get3A_141] {strides = array<i32>} : memref<128xi32, #tpu.memory_space<vmem>>, vector<16xi32>,
      %shift_right_logical3A_143 = arith.constant 7 : i32
      %shift_right_logical3A_144 = vector.broadcast %shift_right_logical3A_143 : i32 to vector<16xi32>
      %shift_right_logical3A_145 = arith.shrui %get3A_142, %shift_right_logical3A_144 : vector<16xi32>
      %and3A_146 = arith.constant 127 : i32
      %and3A_147 = vector.broadcast %and3A_146 : i32 to vector<16xi32>
      %and3A_148 = arith.andi %get3A_142, %and3A_147 : vector<16xi32>
      tpu.vector_store_idx %arg8[%shift_right_logical3A_145, %and3A_148], %broadcast_in_dim3A_18 {add = true} : memref<80x128xf32, #tpu.memory_space<vmem>>[vector<16xi32>, vector<16xi32>], vector<16xf32>,
      %get3A_149 = arith.constant 48 : index
      %get3A_150 = tpu.vector_load %arg7[%get3A_149] {strides = array<i32>} : memref<128xi32, #tpu.memory_space<vmem>>, vector<16xi32>,
      %shift_right_logical3A_151 = arith.constant 7 : i32
      %shift_right_logical3A_152 = vector.broadcast %shift_right_logical3A_151 : i32 to vector<16xi32>
      %shift_right_logical3A_153 = arith.shrui %get3A_150, %shift_right_logical3A_152 : vector<16xi32>
      %and3A_154 = arith.constant 127 : i32
      %and3A_155 = vector.broadcast %and3A_154 : i32 to vector<16xi32>
      %and3A_156 = arith.andi %get3A_150, %and3A_155 : vector<16xi32>
      tpu.vector_store_idx %arg8[%shift_right_logical3A_153, %and3A_156], %broadcast_in_dim3A_18 {add = true} : memref<80x128xf32, #tpu.memory_space<vmem>>[vector<16xi32>, vector<16xi32>], vector<16xf32>,
      %get3A_157 = arith.constant 64 : index
      %get3A_158 = tpu.vector_load %arg7[%get3A_157] {strides = array<i32>} : memref<128xi32, #tpu.memory_space<vmem>>, vector<16xi32>,
      %shift_right_logical3A_159 = arith.constant 7 : i32
      %shift_right_logical3A_160 = vector.broadcast %shift_right_logical3A_159 : i32 to vector<16xi32>
      %shift_right_logical3A_161 = arith.shrui %get3A_158, %shift_right_logical3A_160 : vector<16xi32>
      %and3A_162 = arith.constant 127 : i32
      %and3A_163 = vector.broadcast %and3A_162 : i32 to vector<16xi32>
      %and3A_164 = arith.andi %get3A_158, %and3A_163 : vector<16xi32>
      tpu.vector_store_idx %arg8[%shift_right_logical3A_161, %and3A_164], %broadcast_in_dim3A_18 {add = true} : memref<80x128xf32, #tpu.memory_space<vmem>>[vector<16xi32>, vector<16xi32>], vector<16xf32>,
      %get3A_165 = arith.constant 80 : index
      %get3A_166 = tpu.vector_load %arg7[%get3A_165] {strides = array<i32>} : memref<128xi32, #tpu.memory_space<vmem>>, vector<16xi32>,
      %shift_right_logical3A_167 = arith.constant 7 : i32
      %shift_right_logical3A_168 = vector.broadcast %shift_right_logical3A_167 : i32 to vector<16xi32>
      %shift_right_logical3A_169 = arith.shrui %get3A_166, %shift_right_logical3A_168 : vector<16xi32>
      %and3A_170 = arith.constant 127 : i32
      %and3A_171 = vector.broadcast %and3A_170 : i32 to vector<16xi32>
      %and3A_172 = arith.andi %get3A_166, %and3A_171 : vector<16xi32>
      tpu.vector_store_idx %arg8[%shift_right_logical3A_169, %and3A_172], %broadcast_in_dim3A_18 {add = true} : memref<80x128xf32, #tpu.memory_space<vmem>>[vector<16xi32>, vector<16xi32>], vector<16xf32>,
      %get3A_173 = arith.constant 96 : index
      %get3A_174 = tpu.vector_load %arg7[%get3A_173] {strides = array<i32>} : memref<128xi32, #tpu.memory_space<vmem>>, vector<16xi32>,
      %shift_right_logical3A_175 = arith.constant 7 : i32
      %shift_right_logical3A_176 = vector.broadcast %shift_right_logical3A_175 : i32 to vector<16xi32>
      %shift_right_logical3A_177 = arith.shrui %get3A_174, %shift_right_logical3A_176 : vector<16xi32>
      %and3A_178 = arith.constant 127 : i32
      %and3A_179 = vector.broadcast %and3A_178 : i32 to vector<16xi32>
      %and3A_180 = arith.andi %get3A_174, %and3A_179 : vector<16xi32>
      tpu.vector_store_idx %arg8[%shift_right_logical3A_177, %and3A_180], %broadcast_in_dim3A_18 {add = true} : memref<80x128xf32, #tpu.memory_space<vmem>>[vector<16xi32>, vector<16xi32>], vector<16xf32>,
      %get3A_181 = arith.constant 112 : index
      %get3A_182 = tpu.vector_load %arg7[%get3A_181] {strides = array<i32>} : memref<128xi32, #tpu.memory_space<vmem>>, vector<16xi32>,
      %shift_right_logical3A_183 = arith.constant 7 : i32
      %shift_right_logical3A_184 = vector.broadcast %shift_right_logical3A_183 : i32 to vector<16xi32>
      %shift_right_logical3A_185 = arith.shrui %get3A_182, %shift_right_logical3A_184 : vector<16xi32>
      %and3A_186 = arith.constant 127 : i32
      %and3A_187 = vector.broadcast %and3A_186 : i32 to vector<16xi32>
      %and3A_188 = arith.andi %get3A_182, %and3A_187 : vector<16xi32>
      tpu.vector_store_idx %arg8[%shift_right_logical3A_185, %and3A_188], %broadcast_in_dim3A_18 {add = true} : memref<80x128xf32, #tpu.memory_space<vmem>>[vector<16xi32>, vector<16xi32>], vector<16xf32>,
      %mul3A_189 = arith.constant 2 : i32
      %mul3A_190 = arith.muli %add3A_38, %mul3A_189 : i32
      %add3A_191 = arith.constant 3 : i32
      %add3A_192 = arith.addi %mul3A_190, %add3A_191 : i32
      %lt3A_193 = arith.constant 80 : i32
      %lt3A_194 = arith.cmpi slt, %add3A_192, %lt3A_193 : i32
      %convert_element_type3A_195 = arith.extui %lt3A_194 : i1 to i32
      %cond3A_196 = arith.constant 0 : i32
      %cond3A_197 = arith.cmpi ne, %convert_element_type3A_195, %cond3A_196 : i32
      scf.if %cond3A_197 {
        %add3A_198 = arith.constant 3 : i32
        %add3A_199 = arith.addi %add3A_41, %add3A_198 : i32
        %dma_start3A_200 = arith.constant 0 : i32
        %dma_start3A_201 = tpu.memref_slice %arg2[%add3A_199, %dma_start3A_200] : memref<2560x128xi32, #tpu.memory_space<hbm>> -> memref<1x128xi32, #tpu.memory_space<hbm>>
        %dma_start3A_202 = tpu.memref_squeeze %dma_start3A_201 : memref<1x128xi32, #tpu.memory_space<hbm>> -> memref<128xi32, #tpu.memory_space<hbm>>
        %dma_start3A_203 = arith.constant 0 : i32
        %dma_start3A_204 = tpu.memref_slice %arg2[%add3A_199, %dma_start3A_203] : memref<2560x128xi32, #tpu.memory_space<hbm>> -> memref<1x128xi32, #tpu.memory_space<hbm>>
        %dma_start3A_205 = tpu.memref_squeeze %dma_start3A_204 : memref<1x128xi32, #tpu.memory_space<hbm>> -> memref<128xi32, #tpu.memory_space<hbm>>
        tpu.enqueue_dma source(%dma_start3A_205 : memref<128xi32, #tpu.memory_space<hbm>>) target(%arg7 : memref<128xi32, #tpu.memory_space<vmem>>) target_semaphore(%arg12 : memref<!tpu.dma_semaphore, #tpu.memory_space<semaphore_mem>>)
      } else {
      }
    }
    %scan3A_22 = arith.constant 40 : i32
    %dma_start3A_23 = arith.constant 0 : i32
    %dma_start3A_24 = arith.constant 0 : i32
    %dma_start3A_25 = tpu.memref_slice %arg10[%dma_start3A_23, %dma_start3A_24] : memref<80x128xf32, #tpu.memory_space<vmem_shared>> -> memref<80x128xf32, #tpu.memory_space<vmem_shared>>
    tpu.enqueue_indirect_dma source(%arg8 : memref<80x128xf32, #tpu.memory_space<vmem>>) target(%dma_start3A_25 : memref<80x128xf32, #tpu.memory_space<vmem_shared>>) offsets(%arg9 : memref<80xi32, #tpu.memory_space<vmem>>) semaphore(%arg13 : memref<!tpu.dma_semaphore, #tpu.memory_space<semaphore_mem>>) {add = true}
    %dma_wait3A = arith.constant 0 : i32
    %dma_wait3A_26 = arith.constant 0 : i32
    %dma_wait3A_27 = tpu.memref_slice %arg10[%dma_wait3A, %dma_wait3A_26] : memref<80x128xf32, #tpu.memory_space<vmem_shared>> -> memref<80x128xf32, #tpu.memory_space<vmem_shared>>
    tpu.wait_indirect_dma semaphore(%arg13 : memref<!tpu.dma_semaphore, #tpu.memory_space<semaphore_mem>>) src(%arg8 : memref<80x128xf32, #tpu.memory_space<vmem>>) dst(%dma_wait3A_27 : memref<80x128xf32, #tpu.memory_space<vmem_shared>>)
    %barrier3A_28 = arith.constant 0 : index
    tpu.barrier barrier_id(%barrier3A_28)
    %eq3A_29 = arith.constant 0 : i32
    %eq3A_30 = arith.cmpi eq, %arg1, %eq3A_29 : i32
    %convert_element_type3A_31 = arith.extui %eq3A_30 : i1 to i32
    %cond3A_32 = arith.constant 0 : i32
    %cond3A_33 = arith.cmpi ne, %convert_element_type3A_31, %cond3A_32 : i32
    scf.if %cond3A_33 {
      "tpu.region"() ({
        %run_scoped3A = tpu.sem_alloc : memref<!tpu.dma_semaphore, #tpu.memory_space<semaphore_mem>>
        %dma_start3A_34 = arith.constant 0 : i32
        %dma_start3A_35 = arith.constant 0 : i32
        %dma_start3A_36 = tpu.memref_slice %arg5[%arg0, %dma_start3A_34, %dma_start3A_35] : memref<2x80x128xf32, #tpu.memory_space<hbm>> -> memref<1x80x128xf32, #tpu.memory_space<hbm>>
        %dma_start3A_37 = tpu.memref_squeeze %dma_start3A_36 : memref<1x80x128xf32, #tpu.memory_space<hbm>> -> memref<80x128xf32, #tpu.memory_space<hbm>>
        tpu.enqueue_dma source(%arg10 : memref<80x128xf32, #tpu.memory_space<vmem_shared>>) target(%dma_start3A_37 : memref<80x128xf32, #tpu.memory_space<hbm>>) target_semaphore(%run_scoped3A : memref<!tpu.dma_semaphore, #tpu.memory_space<semaphore_mem>>)
        %dma_wait3A_38 = arith.constant 0 : i32
        %dma_wait3A_39 = arith.constant 0 : i32
        %dma_wait3A_40 = tpu.memref_slice %arg5[%arg0, %dma_wait3A_38, %dma_wait3A_39] : memref<2x80x128xf32, #tpu.memory_space<hbm>> -> memref<1x80x128xf32, #tpu.memory_space<hbm>>
        %dma_wait3A_41 = tpu.memref_squeeze %dma_wait3A_40 : memref<1x80x128xf32, #tpu.memory_space<hbm>> -> memref<80x128xf32, #tpu.memory_space<hbm>>
        tpu.wait_dma2 semaphore(%run_scoped3A : memref<!tpu.dma_semaphore, #tpu.memory_space<semaphore_mem>>) src(%arg10 : memref<80x128xf32, #tpu.memory_space<vmem_shared>>) dst(%dma_wait3A_41 : memref<80x128xf32, #tpu.memory_space<hbm>>)
        tpu.yield
      }) : () -> ()
    } else {
    }
    return
  }
}

#map = affine_map<(d0, d1) -> (0, 0)>
#map1 = affine_map<(d0, d1) -> (0, 0, 0)>
module attributes {stable_mosaic.version = 14 : i64} {
  func.func @_sc_hop(%arg0: i32, %arg1: i32, %arg2: memref<10000x128xf32, #tpu.memory_space<hbm>>, %arg3: memref<2560x128xi32, #tpu.memory_space<hbm>>, %arg4: memref<2560x128xi32, #tpu.memory_space<hbm>>, %arg5: memref<632x128xf32, #tpu.memory_space<hbm>>, %arg6: memref<2x10112x128xf32, #tpu.memory_space<hbm>>, %arg7: memref<128xi32, #tpu.memory_space<vmem>>, %arg8: memref<128xi32, #tpu.memory_space<vmem>>, %arg9: memref<128xi32, #tpu.memory_space<vmem>>, %arg10: memref<128xi32, #tpu.memory_space<vmem>>, %arg11: memref<128xi32, #tpu.memory_space<vmem>>, %arg12: memref<128xi32, #tpu.memory_space<vmem>>, %arg13: memref<128x128xf32, #tpu.memory_space<vmem>>, %arg14: memref<128x128xf32, #tpu.memory_space<vmem>>, %arg15: memref<128x128xf32, #tpu.memory_space<vmem>>, %arg16: memref<!tpu.dma_semaphore, #tpu.memory_space<semaphore_mem>>, %arg17: memref<!tpu.dma_semaphore, #tpu.memory_space<semaphore_mem>>, %arg18: memref<!tpu.dma_semaphore, #tpu.memory_space<semaphore_mem>>, %arg19: memref<!tpu.dma_semaphore, #tpu.memory_space<semaphore_mem>>, %arg20: memref<!tpu.dma_semaphore, #tpu.memory_space<semaphore_mem>>, %arg21: memref<!tpu.dma_semaphore, #tpu.memory_space<semaphore_mem>>, %arg22: memref<!tpu.dma_semaphore, #tpu.memory_space<semaphore_mem>>, %arg23: memref<!tpu.dma_semaphore, #tpu.memory_space<semaphore_mem>>, %arg24: memref<!tpu.dma_semaphore, #tpu.memory_space<semaphore_mem>>, %arg25: memref<!tpu.dma_semaphore, #tpu.memory_space<semaphore_mem>>, %arg26: memref<!tpu.dma_semaphore, #tpu.memory_space<semaphore_mem>>, %arg27: memref<!tpu.dma_semaphore, #tpu.memory_space<semaphore_mem>>, %arg28: memref<10112x128xf32, #tpu.memory_space<vmem_shared>>) attributes {dimension_semantics = [#tpu.dimension_semantics<core_parallel>, #tpu.dimension_semantics<subcore_parallel>], iteration_bounds = array<i64: 2, 16>, scalar_prefetch = 0 : i64, scratch_operands = 22 : i64, tpu.core_type = #tpu.core_type<sc_vector_subcore>, window_params = [{transform_indices = #map}, {transform_indices = #map}, {transform_indices = #map}, {transform_indices = #map}, {transform_indices = #map1}]} {
    %mul3A = arith.constant 16 : i32
    %mul3A_0 = arith.muli %arg0, %mul3A : i32
    %add3A = arith.addi %mul3A_0, %arg1 : i32
    %mul3A_1 = arith.constant 80 : i32
    %mul3A_2 = arith.muli %add3A, %mul3A_1 : i32
    %mul3A_3 = arith.constant 632 : i32
    %mul3A_4 = arith.muli %arg1, %mul3A_3 : i32
    "tpu.region"() ({
      %run_scoped3A = tpu.sem_alloc : memref<!tpu.dma_semaphore, #tpu.memory_space<semaphore_mem>>
      %dma_start3A_107 = arith.constant 0 : i32
      %dma_start3A_108 = tpu.memref_slice %arg28[%mul3A_4, %dma_start3A_107] : memref<10112x128xf32, #tpu.memory_space<vmem_shared>> -> memref<632x128xf32, #tpu.memory_space<vmem_shared>>
      tpu.enqueue_dma source(%arg5 : memref<632x128xf32, #tpu.memory_space<hbm>>) target(%dma_start3A_108 : memref<632x128xf32, #tpu.memory_space<vmem_shared>>) target_semaphore(%run_scoped3A : memref<!tpu.dma_semaphore, #tpu.memory_space<semaphore_mem>>)
      %dma_wait3A_109 = arith.constant 0 : i32
      %dma_wait3A_110 = tpu.memref_slice %arg28[%mul3A_4, %dma_wait3A_109] : memref<10112x128xf32, #tpu.memory_space<vmem_shared>> -> memref<632x128xf32, #tpu.memory_space<vmem_shared>>
      tpu.wait_dma2 semaphore(%run_scoped3A : memref<!tpu.dma_semaphore, #tpu.memory_space<semaphore_mem>>) src(%arg5 : memref<632x128xf32, #tpu.memory_space<hbm>>) dst(%dma_wait3A_110 : memref<632x128xf32, #tpu.memory_space<vmem_shared>>)
      tpu.yield
    }) : () -> ()
    %barrier3A = arith.constant 0 : index
    tpu.barrier barrier_id(%barrier3A)
    %add3A_5 = arith.constant 0 : i32
    %add3A_6 = arith.addi %mul3A_2, %add3A_5 : i32
    %dma_start3A = arith.constant 0 : i32
    %dma_start3A_7 = tpu.memref_slice %arg3[%add3A_6, %dma_start3A] : memref<2560x128xi32, #tpu.memory_space<hbm>> -> memref<1x128xi32, #tpu.memory_space<hbm>>
    %dma_start3A_8 = tpu.memref_squeeze %dma_start3A_7 : memref<1x128xi32, #tpu.memory_space<hbm>> -> memref<128xi32, #tpu.memory_space<hbm>>
    %dma_start3A_9 = arith.constant 0 : i32
    %dma_start3A_10 = tpu.memref_slice %arg3[%add3A_6, %dma_start3A_9] : memref<2560x128xi32, #tpu.memory_space<hbm>> -> memref<1x128xi32, #tpu.memory_space<hbm>>
    %dma_start3A_11 = tpu.memref_squeeze %dma_start3A_10 : memref<1x128xi32, #tpu.memory_space<hbm>> -> memref<128xi32, #tpu.memory_space<hbm>>
    tpu.enqueue_dma source(%dma_start3A_11 : memref<128xi32, #tpu.memory_space<hbm>>) target(%arg7 : memref<128xi32, #tpu.memory_space<vmem>>) target_semaphore(%arg16 : memref<!tpu.dma_semaphore, #tpu.memory_space<semaphore_mem>>)
    %add3A_12 = arith.constant 1 : i32
    %add3A_13 = arith.addi %mul3A_2, %add3A_12 : i32
    %dma_start3A_14 = arith.constant 0 : i32
    %dma_start3A_15 = tpu.memref_slice %arg3[%add3A_13, %dma_start3A_14] : memref<2560x128xi32, #tpu.memory_space<hbm>> -> memref<1x128xi32, #tpu.memory_space<hbm>>
    %dma_start3A_16 = tpu.memref_squeeze %dma_start3A_15 : memref<1x128xi32, #tpu.memory_space<hbm>> -> memref<128xi32, #tpu.memory_space<hbm>>
    %dma_start3A_17 = arith.constant 0 : i32
    %dma_start3A_18 = tpu.memref_slice %arg3[%add3A_13, %dma_start3A_17] : memref<2560x128xi32, #tpu.memory_space<hbm>> -> memref<1x128xi32, #tpu.memory_space<hbm>>
    %dma_start3A_19 = tpu.memref_squeeze %dma_start3A_18 : memref<1x128xi32, #tpu.memory_space<hbm>> -> memref<128xi32, #tpu.memory_space<hbm>>
    tpu.enqueue_dma source(%dma_start3A_19 : memref<128xi32, #tpu.memory_space<hbm>>) target(%arg8 : memref<128xi32, #tpu.memory_space<vmem>>) target_semaphore(%arg17 : memref<!tpu.dma_semaphore, #tpu.memory_space<semaphore_mem>>)
    %add3A_20 = arith.constant 2 : i32
    %add3A_21 = arith.addi %mul3A_2, %add3A_20 : i32
    %dma_start3A_22 = arith.constant 0 : i32
    %dma_start3A_23 = tpu.memref_slice %arg3[%add3A_21, %dma_start3A_22] : memref<2560x128xi32, #tpu.memory_space<hbm>> -> memref<1x128xi32, #tpu.memory_space<hbm>>
    %dma_start3A_24 = tpu.memref_squeeze %dma_start3A_23 : memref<1x128xi32, #tpu.memory_space<hbm>> -> memref<128xi32, #tpu.memory_space<hbm>>
    %dma_start3A_25 = arith.constant 0 : i32
    %dma_start3A_26 = tpu.memref_slice %arg3[%add3A_21, %dma_start3A_25] : memref<2560x128xi32, #tpu.memory_space<hbm>> -> memref<1x128xi32, #tpu.memory_space<hbm>>
    %dma_start3A_27 = tpu.memref_squeeze %dma_start3A_26 : memref<1x128xi32, #tpu.memory_space<hbm>> -> memref<128xi32, #tpu.memory_space<hbm>>
    tpu.enqueue_dma source(%dma_start3A_27 : memref<128xi32, #tpu.memory_space<hbm>>) target(%arg9 : memref<128xi32, #tpu.memory_space<vmem>>) target_semaphore(%arg18 : memref<!tpu.dma_semaphore, #tpu.memory_space<semaphore_mem>>)
    %add3A_28 = arith.constant 0 : i32
    %add3A_29 = arith.addi %mul3A_2, %add3A_28 : i32
    %dma_start3A_30 = arith.constant 0 : i32
    %dma_start3A_31 = tpu.memref_slice %arg4[%add3A_29, %dma_start3A_30] : memref<2560x128xi32, #tpu.memory_space<hbm>> -> memref<1x128xi32, #tpu.memory_space<hbm>>
    %dma_start3A_32 = tpu.memref_squeeze %dma_start3A_31 : memref<1x128xi32, #tpu.memory_space<hbm>> -> memref<128xi32, #tpu.memory_space<hbm>>
    %dma_start3A_33 = arith.constant 0 : i32
    %dma_start3A_34 = tpu.memref_slice %arg4[%add3A_29, %dma_start3A_33] : memref<2560x128xi32, #tpu.memory_space<hbm>> -> memref<1x128xi32, #tpu.memory_space<hbm>>
    %dma_start3A_35 = tpu.memref_squeeze %dma_start3A_34 : memref<1x128xi32, #tpu.memory_space<hbm>> -> memref<128xi32, #tpu.memory_space<hbm>>
    tpu.enqueue_dma source(%dma_start3A_35 : memref<128xi32, #tpu.memory_space<hbm>>) target(%arg10 : memref<128xi32, #tpu.memory_space<vmem>>) target_semaphore(%arg19 : memref<!tpu.dma_semaphore, #tpu.memory_space<semaphore_mem>>)
    %add3A_36 = arith.constant 0 : i32
    %add3A_37 = arith.addi %mul3A_2, %add3A_36 : i32
    %dma_wait3A = arith.constant 0 : i32
    %dma_wait3A_38 = tpu.memref_slice %arg3[%add3A_37, %dma_wait3A] : memref<2560x128xi32, #tpu.memory_space<hbm>> -> memref<1x128xi32, #tpu.memory_space<hbm>>
    %dma_wait3A_39 = tpu.memref_squeeze %dma_wait3A_38 : memref<1x128xi32, #tpu.memory_space<hbm>> -> memref<128xi32, #tpu.memory_space<hbm>>
    %dma_wait3A_40 = arith.constant 0 : i32
    %dma_wait3A_41 = tpu.memref_slice %arg3[%add3A_37, %dma_wait3A_40] : memref<2560x128xi32, #tpu.memory_space<hbm>> -> memref<1x128xi32, #tpu.memory_space<hbm>>
    %dma_wait3A_42 = tpu.memref_squeeze %dma_wait3A_41 : memref<1x128xi32, #tpu.memory_space<hbm>> -> memref<128xi32, #tpu.memory_space<hbm>>
    tpu.wait_dma2 semaphore(%arg16 : memref<!tpu.dma_semaphore, #tpu.memory_space<semaphore_mem>>) src(%dma_wait3A_42 : memref<128xi32, #tpu.memory_space<hbm>>) dst(%arg7 : memref<128xi32, #tpu.memory_space<vmem>>)
    %dma_start3A_43 = arith.constant 0 : i32
    %dma_start3A_44 = arith.constant 0 : i32
    %dma_start3A_45 = tpu.memref_slice %arg2[%dma_start3A_43, %dma_start3A_44] : memref<10000x128xf32, #tpu.memory_space<hbm>> -> memref<10000x128xf32, #tpu.memory_space<hbm>>
    tpu.enqueue_indirect_dma source(%dma_start3A_45 : memref<10000x128xf32, #tpu.memory_space<hbm>>) target(%arg13 : memref<128x128xf32, #tpu.memory_space<vmem>>) offsets(%arg7 : memref<128xi32, #tpu.memory_space<vmem>>) semaphore(%arg22 : memref<!tpu.dma_semaphore, #tpu.memory_space<semaphore_mem>>)
    %add3A_46 = arith.constant 1 : i32
    %add3A_47 = arith.addi %mul3A_2, %add3A_46 : i32
    %dma_start3A_48 = arith.constant 0 : i32
    %dma_start3A_49 = tpu.memref_slice %arg4[%add3A_47, %dma_start3A_48] : memref<2560x128xi32, #tpu.memory_space<hbm>> -> memref<1x128xi32, #tpu.memory_space<hbm>>
    %dma_start3A_50 = tpu.memref_squeeze %dma_start3A_49 : memref<1x128xi32, #tpu.memory_space<hbm>> -> memref<128xi32, #tpu.memory_space<hbm>>
    %dma_start3A_51 = arith.constant 0 : i32
    %dma_start3A_52 = tpu.memref_slice %arg4[%add3A_47, %dma_start3A_51] : memref<2560x128xi32, #tpu.memory_space<hbm>> -> memref<1x128xi32, #tpu.memory_space<hbm>>
    %dma_start3A_53 = tpu.memref_squeeze %dma_start3A_52 : memref<1x128xi32, #tpu.memory_space<hbm>> -> memref<128xi32, #tpu.memory_space<hbm>>
    tpu.enqueue_dma source(%dma_start3A_53 : memref<128xi32, #tpu.memory_space<hbm>>) target(%arg11 : memref<128xi32, #tpu.memory_space<vmem>>) target_semaphore(%arg20 : memref<!tpu.dma_semaphore, #tpu.memory_space<semaphore_mem>>)
    %add3A_54 = arith.constant 1 : i32
    %add3A_55 = arith.addi %mul3A_2, %add3A_54 : i32
    %dma_wait3A_56 = arith.constant 0 : i32
    %dma_wait3A_57 = tpu.memref_slice %arg3[%add3A_55, %dma_wait3A_56] : memref<2560x128xi32, #tpu.memory_space<hbm>> -> memref<1x128xi32, #tpu.memory_space<hbm>>
    %dma_wait3A_58 = tpu.memref_squeeze %dma_wait3A_57 : memref<1x128xi32, #tpu.memory_space<hbm>> -> memref<128xi32, #tpu.memory_space<hbm>>
    %dma_wait3A_59 = arith.constant 0 : i32
    %dma_wait3A_60 = tpu.memref_slice %arg3[%add3A_55, %dma_wait3A_59] : memref<2560x128xi32, #tpu.memory_space<hbm>> -> memref<1x128xi32, #tpu.memory_space<hbm>>
    %dma_wait3A_61 = tpu.memref_squeeze %dma_wait3A_60 : memref<1x128xi32, #tpu.memory_space<hbm>> -> memref<128xi32, #tpu.memory_space<hbm>>
    tpu.wait_dma2 semaphore(%arg17 : memref<!tpu.dma_semaphore, #tpu.memory_space<semaphore_mem>>) src(%dma_wait3A_61 : memref<128xi32, #tpu.memory_space<hbm>>) dst(%arg8 : memref<128xi32, #tpu.memory_space<vmem>>)
    %dma_start3A_62 = arith.constant 0 : i32
    %dma_start3A_63 = arith.constant 0 : i32
    %dma_start3A_64 = tpu.memref_slice %arg2[%dma_start3A_62, %dma_start3A_63] : memref<10000x128xf32, #tpu.memory_space<hbm>> -> memref<10000x128xf32, #tpu.memory_space<hbm>>
    tpu.enqueue_indirect_dma source(%dma_start3A_64 : memref<10000x128xf32, #tpu.memory_space<hbm>>) target(%arg14 : memref<128x128xf32, #tpu.memory_space<vmem>>) offsets(%arg8 : memref<128xi32, #tpu.memory_space<vmem>>) semaphore(%arg23 : memref<!tpu.dma_semaphore, #tpu.memory_space<semaphore_mem>>)
    %scan3A = arith.constant 0 : i32
    %scan3A_65 = arith.constant 26 : i32
    %scan3A_66 = arith.addi %scan3A, %scan3A_65 : i32
    %scan3A_67 = arith.constant 1 : i32
    scf.for %scan3A_107 = %scan3A to %scan3A_66 step %scan3A_67  : i32 {
      %mul3A_108 = arith.constant 1 : i32
      %mul3A_109 = arith.muli %scan3A_107, %mul3A_108 : i32
      %add3A_110 = arith.constant 0 : i32
      %add3A_111 = arith.addi %add3A_110, %mul3A_109 : i32
      %mul3A_112 = arith.constant 3 : i32
      %mul3A_113 = arith.muli %add3A_111, %mul3A_112 : i32
      %add3A_114 = arith.constant 0 : i32
      %add3A_115 = arith.addi %mul3A_113, %add3A_114 : i32
      %dma_wait3A_116 = arith.constant 0 : i32
      %dma_wait3A_117 = arith.constant 0 : i32
      %dma_wait3A_118 = tpu.memref_slice %arg2[%dma_wait3A_116, %dma_wait3A_117] : memref<10000x128xf32, #tpu.memory_space<hbm>> -> memref<10000x128xf32, #tpu.memory_space<hbm>>
      tpu.wait_indirect_dma semaphore(%arg22 : memref<!tpu.dma_semaphore, #tpu.memory_space<semaphore_mem>>) src(%dma_wait3A_118 : memref<10000x128xf32, #tpu.memory_space<hbm>>) dst(%arg13 : memref<128x128xf32, #tpu.memory_space<vmem>>)
      %dma_wait3A_119 = arith.constant 0 : i32
      %dma_wait3A_120 = tpu.memref_slice %arg4[%mul3A_2, %dma_wait3A_119] : memref<2560x128xi32, #tpu.memory_space<hbm>> -> memref<1x128xi32, #tpu.memory_space<hbm>>
      %dma_wait3A_121 = tpu.memref_squeeze %dma_wait3A_120 : memref<1x128xi32, #tpu.memory_space<hbm>> -> memref<128xi32, #tpu.memory_space<hbm>>
      %dma_wait3A_122 = arith.constant 0 : i32
      %dma_wait3A_123 = tpu.memref_slice %arg4[%mul3A_2, %dma_wait3A_122] : memref<2560x128xi32, #tpu.memory_space<hbm>> -> memref<1x128xi32, #tpu.memory_space<hbm>>
      %dma_wait3A_124 = tpu.memref_squeeze %dma_wait3A_123 : memref<1x128xi32, #tpu.memory_space<hbm>> -> memref<128xi32, #tpu.memory_space<hbm>>
      tpu.wait_dma2 semaphore(%arg19 : memref<!tpu.dma_semaphore, #tpu.memory_space<semaphore_mem>>) src(%dma_wait3A_124 : memref<128xi32, #tpu.memory_space<hbm>>) dst(%arg10 : memref<128xi32, #tpu.memory_space<vmem>>)
      %dma_start3A_125 = arith.constant 0 : i32
      %dma_start3A_126 = arith.constant 0 : i32
      %dma_start3A_127 = tpu.memref_slice %arg28[%dma_start3A_125, %dma_start3A_126] : memref<10112x128xf32, #tpu.memory_space<vmem_shared>> -> memref<10112x128xf32, #tpu.memory_space<vmem_shared>>
      tpu.enqueue_indirect_dma source(%arg13 : memref<128x128xf32, #tpu.memory_space<vmem>>) target(%dma_start3A_127 : memref<10112x128xf32, #tpu.memory_space<vmem_shared>>) offsets(%arg10 : memref<128xi32, #tpu.memory_space<vmem>>) semaphore(%arg25 : memref<!tpu.dma_semaphore, #tpu.memory_space<semaphore_mem>>) {add = true}
      %ge3A = arith.constant 1 : i32
      %ge3A_128 = arith.cmpi sge, %add3A_115, %ge3A : i32
      %convert_element_type3A = arith.extui %ge3A_128 : i1 to i32
      %cond3A = arith.constant 0 : i32
      %cond3A_129 = arith.cmpi ne, %convert_element_type3A, %cond3A : i32
      scf.if %cond3A_129 {
        %dma_wait3A_213 = arith.constant 0 : i32
        %dma_wait3A_214 = arith.constant 0 : i32
        %dma_wait3A_215 = tpu.memref_slice %arg28[%dma_wait3A_213, %dma_wait3A_214] : memref<10112x128xf32, #tpu.memory_space<vmem_shared>> -> memref<10112x128xf32, #tpu.memory_space<vmem_shared>>
        tpu.wait_indirect_dma semaphore(%arg27 : memref<!tpu.dma_semaphore, #tpu.memory_space<semaphore_mem>>) src(%arg15 : memref<128x128xf32, #tpu.memory_space<vmem>>) dst(%dma_wait3A_215 : memref<10112x128xf32, #tpu.memory_space<vmem_shared>>)
      } else {
      }
      %add3A_130 = arith.constant 2 : i32
      %add3A_131 = arith.addi %add3A_115, %add3A_130 : i32
      %lt3A = arith.constant 80 : i32
      %lt3A_132 = arith.cmpi slt, %add3A_131, %lt3A : i32
      %convert_element_type3A_133 = arith.extui %lt3A_132 : i1 to i32
      %cond3A_134 = arith.constant 0 : i32
      %cond3A_135 = arith.cmpi ne, %convert_element_type3A_133, %cond3A_134 : i32
      scf.if %cond3A_135 {
        %dma_wait3A_213 = arith.constant 0 : i32
        %dma_wait3A_214 = tpu.memref_slice %arg3[%mul3A_2, %dma_wait3A_213] : memref<2560x128xi32, #tpu.memory_space<hbm>> -> memref<1x128xi32, #tpu.memory_space<hbm>>
        %dma_wait3A_215 = tpu.memref_squeeze %dma_wait3A_214 : memref<1x128xi32, #tpu.memory_space<hbm>> -> memref<128xi32, #tpu.memory_space<hbm>>
        %dma_wait3A_216 = arith.constant 0 : i32
        %dma_wait3A_217 = tpu.memref_slice %arg3[%mul3A_2, %dma_wait3A_216] : memref<2560x128xi32, #tpu.memory_space<hbm>> -> memref<1x128xi32, #tpu.memory_space<hbm>>
        %dma_wait3A_218 = tpu.memref_squeeze %dma_wait3A_217 : memref<1x128xi32, #tpu.memory_space<hbm>> -> memref<128xi32, #tpu.memory_space<hbm>>
        tpu.wait_dma2 semaphore(%arg18 : memref<!tpu.dma_semaphore, #tpu.memory_space<semaphore_mem>>) src(%dma_wait3A_218 : memref<128xi32, #tpu.memory_space<hbm>>) dst(%arg9 : memref<128xi32, #tpu.memory_space<vmem>>)
        %dma_start3A_219 = arith.constant 0 : i32
        %dma_start3A_220 = arith.constant 0 : i32
        %dma_start3A_221 = tpu.memref_slice %arg2[%dma_start3A_219, %dma_start3A_220] : memref<10000x128xf32, #tpu.memory_space<hbm>> -> memref<10000x128xf32, #tpu.memory_space<hbm>>
        tpu.enqueue_indirect_dma source(%dma_start3A_221 : memref<10000x128xf32, #tpu.memory_space<hbm>>) target(%arg15 : memref<128x128xf32, #tpu.memory_space<vmem>>) offsets(%arg9 : memref<128xi32, #tpu.memory_space<vmem>>) semaphore(%arg24 : memref<!tpu.dma_semaphore, #tpu.memory_space<semaphore_mem>>)
        %add3A_222 = arith.addi %mul3A_2, %add3A_115 : i32
        %add3A_223 = arith.constant 2 : i32
        %add3A_224 = arith.addi %add3A_222, %add3A_223 : i32
        %dma_start3A_225 = arith.constant 0 : i32
        %dma_start3A_226 = tpu.memref_slice %arg4[%add3A_224, %dma_start3A_225] : memref<2560x128xi32, #tpu.memory_space<hbm>> -> memref<1x128xi32, #tpu.memory_space<hbm>>
        %dma_start3A_227 = tpu.memref_squeeze %dma_start3A_226 : memref<1x128xi32, #tpu.memory_space<hbm>> -> memref<128xi32, #tpu.memory_space<hbm>>
        %dma_start3A_228 = arith.constant 0 : i32
        %dma_start3A_229 = tpu.memref_slice %arg4[%add3A_224, %dma_start3A_228] : memref<2560x128xi32, #tpu.memory_space<hbm>> -> memref<1x128xi32, #tpu.memory_space<hbm>>
        %dma_start3A_230 = tpu.memref_squeeze %dma_start3A_229 : memref<1x128xi32, #tpu.memory_space<hbm>> -> memref<128xi32, #tpu.memory_space<hbm>>
        tpu.enqueue_dma source(%dma_start3A_230 : memref<128xi32, #tpu.memory_space<hbm>>) target(%arg12 : memref<128xi32, #tpu.memory_space<vmem>>) target_semaphore(%arg21 : memref<!tpu.dma_semaphore, #tpu.memory_space<semaphore_mem>>)
      } else {
      }
      %add3A_136 = arith.constant 3 : i32
      %add3A_137 = arith.addi %add3A_115, %add3A_136 : i32
      %lt3A_138 = arith.constant 80 : i32
      %lt3A_139 = arith.cmpi slt, %add3A_137, %lt3A_138 : i32
      %convert_element_type3A_140 = arith.extui %lt3A_139 : i1 to i32
      %cond3A_141 = arith.constant 0 : i32
      %cond3A_142 = arith.cmpi ne, %convert_element_type3A_140, %cond3A_141 : i32
      scf.if %cond3A_142 {
        %add3A_213 = arith.addi %mul3A_2, %add3A_115 : i32
        %add3A_214 = arith.constant 3 : i32
        %add3A_215 = arith.addi %add3A_213, %add3A_214 : i32
        %dma_start3A_216 = arith.constant 0 : i32
        %dma_start3A_217 = tpu.memref_slice %arg3[%add3A_215, %dma_start3A_216] : memref<2560x128xi32, #tpu.memory_space<hbm>> -> memref<1x128xi32, #tpu.memory_space<hbm>>
        %dma_start3A_218 = tpu.memref_squeeze %dma_start3A_217 : memref<1x128xi32, #tpu.memory_space<hbm>> -> memref<128xi32, #tpu.memory_space<hbm>>
        %dma_start3A_219 = arith.constant 0 : i32
        %dma_start3A_220 = tpu.memref_slice %arg3[%add3A_215, %dma_start3A_219] : memref<2560x128xi32, #tpu.memory_space<hbm>> -> memref<1x128xi32, #tpu.memory_space<hbm>>
        %dma_start3A_221 = tpu.memref_squeeze %dma_start3A_220 : memref<1x128xi32, #tpu.memory_space<hbm>> -> memref<128xi32, #tpu.memory_space<hbm>>
        tpu.enqueue_dma source(%dma_start3A_221 : memref<128xi32, #tpu.memory_space<hbm>>) target(%arg7 : memref<128xi32, #tpu.memory_space<vmem>>) target_semaphore(%arg16 : memref<!tpu.dma_semaphore, #tpu.memory_space<semaphore_mem>>)
      } else {
      }
      %mul3A_143 = arith.constant 3 : i32
      %mul3A_144 = arith.muli %add3A_111, %mul3A_143 : i32
      %add3A_145 = arith.constant 1 : i32
      %add3A_146 = arith.addi %mul3A_144, %add3A_145 : i32
      %dma_wait3A_147 = arith.constant 0 : i32
      %dma_wait3A_148 = arith.constant 0 : i32
      %dma_wait3A_149 = tpu.memref_slice %arg2[%dma_wait3A_147, %dma_wait3A_148] : memref<10000x128xf32, #tpu.memory_space<hbm>> -> memref<10000x128xf32, #tpu.memory_space<hbm>>
      tpu.wait_indirect_dma semaphore(%arg23 : memref<!tpu.dma_semaphore, #tpu.memory_space<semaphore_mem>>) src(%dma_wait3A_149 : memref<10000x128xf32, #tpu.memory_space<hbm>>) dst(%arg14 : memref<128x128xf32, #tpu.memory_space<vmem>>)
      %dma_wait3A_150 = arith.constant 0 : i32
      %dma_wait3A_151 = tpu.memref_slice %arg4[%mul3A_2, %dma_wait3A_150] : memref<2560x128xi32, #tpu.memory_space<hbm>> -> memref<1x128xi32, #tpu.memory_space<hbm>>
      %dma_wait3A_152 = tpu.memref_squeeze %dma_wait3A_151 : memref<1x128xi32, #tpu.memory_space<hbm>> -> memref<128xi32, #tpu.memory_space<hbm>>
      %dma_wait3A_153 = arith.constant 0 : i32
      %dma_wait3A_154 = tpu.memref_slice %arg4[%mul3A_2, %dma_wait3A_153] : memref<2560x128xi32, #tpu.memory_space<hbm>> -> memref<1x128xi32, #tpu.memory_space<hbm>>
      %dma_wait3A_155 = tpu.memref_squeeze %dma_wait3A_154 : memref<1x128xi32, #tpu.memory_space<hbm>> -> memref<128xi32, #tpu.memory_space<hbm>>
      tpu.wait_dma2 semaphore(%arg20 : memref<!tpu.dma_semaphore, #tpu.memory_space<semaphore_mem>>) src(%dma_wait3A_155 : memref<128xi32, #tpu.memory_space<hbm>>) dst(%arg11 : memref<128xi32, #tpu.memory_space<vmem>>)
      %dma_start3A_156 = arith.constant 0 : i32
      %dma_start3A_157 = arith.constant 0 : i32
      %dma_start3A_158 = tpu.memref_slice %arg28[%dma_start3A_156, %dma_start3A_157] : memref<10112x128xf32, #tpu.memory_space<vmem_shared>> -> memref<10112x128xf32, #tpu.memory_space<vmem_shared>>
      tpu.enqueue_indirect_dma source(%arg14 : memref<128x128xf32, #tpu.memory_space<vmem>>) target(%dma_start3A_158 : memref<10112x128xf32, #tpu.memory_space<vmem_shared>>) offsets(%arg11 : memref<128xi32, #tpu.memory_space<vmem>>) semaphore(%arg26 : memref<!tpu.dma_semaphore, #tpu.memory_space<semaphore_mem>>) {add = true}
      %ge3A_159 = arith.constant 1 : i32
      %ge3A_160 = arith.cmpi sge, %add3A_146, %ge3A_159 : i32
      %convert_element_type3A_161 = arith.extui %ge3A_160 : i1 to i32
      %cond3A_162 = arith.constant 0 : i32
      %cond3A_163 = arith.cmpi ne, %convert_element_type3A_161, %cond3A_162 : i32
      scf.if %cond3A_163 {
        %dma_wait3A_213 = arith.constant 0 : i32
        %dma_wait3A_214 = arith.constant 0 : i32
        %dma_wait3A_215 = tpu.memref_slice %arg28[%dma_wait3A_213, %dma_wait3A_214] : memref<10112x128xf32, #tpu.memory_space<vmem_shared>> -> memref<10112x128xf32, #tpu.memory_space<vmem_shared>>
        tpu.wait_indirect_dma semaphore(%arg25 : memref<!tpu.dma_semaphore, #tpu.memory_space<semaphore_mem>>) src(%arg13 : memref<128x128xf32, #tpu.memory_space<vmem>>) dst(%dma_wait3A_215 : memref<10112x128xf32, #tpu.memory_space<vmem_shared>>)
      } else {
      }
      %add3A_164 = arith.constant 2 : i32
      %add3A_165 = arith.addi %add3A_146, %add3A_164 : i32
      %lt3A_166 = arith.constant 80 : i32
      %lt3A_167 = arith.cmpi slt, %add3A_165, %lt3A_166 : i32
      %convert_element_type3A_168 = arith.extui %lt3A_167 : i1 to i32
      %cond3A_169 = arith.constant 0 : i32
      %cond3A_170 = arith.cmpi ne, %convert_element_type3A_168, %cond3A_169 : i32
      scf.if %cond3A_170 {
        %dma_wait3A_213 = arith.constant 0 : i32
        %dma_wait3A_214 = tpu.memref_slice %arg3[%mul3A_2, %dma_wait3A_213] : memref<2560x128xi32, #tpu.memory_space<hbm>> -> memref<1x128xi32, #tpu.memory_space<hbm>>
        %dma_wait3A_215 = tpu.memref_squeeze %dma_wait3A_214 : memref<1x128xi32, #tpu.memory_space<hbm>> -> memref<128xi32, #tpu.memory_space<hbm>>
        %dma_wait3A_216 = arith.constant 0 : i32
        %dma_wait3A_217 = tpu.memref_slice %arg3[%mul3A_2, %dma_wait3A_216] : memref<2560x128xi32, #tpu.memory_space<hbm>> -> memref<1x128xi32, #tpu.memory_space<hbm>>
        %dma_wait3A_218 = tpu.memref_squeeze %dma_wait3A_217 : memref<1x128xi32, #tpu.memory_space<hbm>> -> memref<128xi32, #tpu.memory_space<hbm>>
        tpu.wait_dma2 semaphore(%arg16 : memref<!tpu.dma_semaphore, #tpu.memory_space<semaphore_mem>>) src(%dma_wait3A_218 : memref<128xi32, #tpu.memory_space<hbm>>) dst(%arg7 : memref<128xi32, #tpu.memory_space<vmem>>)
        %dma_start3A_219 = arith.constant 0 : i32
        %dma_start3A_220 = arith.constant 0 : i32
        %dma_start3A_221 = tpu.memref_slice %arg2[%dma_start3A_219, %dma_start3A_220] : memref<10000x128xf32, #tpu.memory_space<hbm>> -> memref<10000x128xf32, #tpu.memory_space<hbm>>
        tpu.enqueue_indirect_dma source(%dma_start3A_221 : memref<10000x128xf32, #tpu.memory_space<hbm>>) target(%arg13 : memref<128x128xf32, #tpu.memory_space<vmem>>) offsets(%arg7 : memref<128xi32, #tpu.memory_space<vmem>>) semaphore(%arg22 : memref<!tpu.dma_semaphore, #tpu.memory_space<semaphore_mem>>)
        %add3A_222 = arith.addi %mul3A_2, %add3A_146 : i32
        %add3A_223 = arith.constant 2 : i32
        %add3A_224 = arith.addi %add3A_222, %add3A_223 : i32
        %dma_start3A_225 = arith.constant 0 : i32
        %dma_start3A_226 = tpu.memref_slice %arg4[%add3A_224, %dma_start3A_225] : memref<2560x128xi32, #tpu.memory_space<hbm>> -> memref<1x128xi32, #tpu.memory_space<hbm>>
        %dma_start3A_227 = tpu.memref_squeeze %dma_start3A_226 : memref<1x128xi32, #tpu.memory_space<hbm>> -> memref<128xi32, #tpu.memory_space<hbm>>
        %dma_start3A_228 = arith.constant 0 : i32
        %dma_start3A_229 = tpu.memref_slice %arg4[%add3A_224, %dma_start3A_228] : memref<2560x128xi32, #tpu.memory_space<hbm>> -> memref<1x128xi32, #tpu.memory_space<hbm>>
        %dma_start3A_230 = tpu.memref_squeeze %dma_start3A_229 : memref<1x128xi32, #tpu.memory_space<hbm>> -> memref<128xi32, #tpu.memory_space<hbm>>
        tpu.enqueue_dma source(%dma_start3A_230 : memref<128xi32, #tpu.memory_space<hbm>>) target(%arg10 : memref<128xi32, #tpu.memory_space<vmem>>) target_semaphore(%arg19 : memref<!tpu.dma_semaphore, #tpu.memory_space<semaphore_mem>>)
      } else {
      }
      %add3A_171 = arith.constant 3 : i32
      %add3A_172 = arith.addi %add3A_146, %add3A_171 : i32
      %lt3A_173 = arith.constant 80 : i32
      %lt3A_174 = arith.cmpi slt, %add3A_172, %lt3A_173 : i32
      %convert_element_type3A_175 = arith.extui %lt3A_174 : i1 to i32
      %cond3A_176 = arith.constant 0 : i32
      %cond3A_177 = arith.cmpi ne, %convert_element_type3A_175, %cond3A_176 : i32
      scf.if %cond3A_177 {
        %add3A_213 = arith.addi %mul3A_2, %add3A_146 : i32
        %add3A_214 = arith.constant 3 : i32
        %add3A_215 = arith.addi %add3A_213, %add3A_214 : i32
        %dma_start3A_216 = arith.constant 0 : i32
        %dma_start3A_217 = tpu.memref_slice %arg3[%add3A_215, %dma_start3A_216] : memref<2560x128xi32, #tpu.memory_space<hbm>> -> memref<1x128xi32, #tpu.memory_space<hbm>>
        %dma_start3A_218 = tpu.memref_squeeze %dma_start3A_217 : memref<1x128xi32, #tpu.memory_space<hbm>> -> memref<128xi32, #tpu.memory_space<hbm>>
        %dma_start3A_219 = arith.constant 0 : i32
        %dma_start3A_220 = tpu.memref_slice %arg3[%add3A_215, %dma_start3A_219] : memref<2560x128xi32, #tpu.memory_space<hbm>> -> memref<1x128xi32, #tpu.memory_space<hbm>>
        %dma_start3A_221 = tpu.memref_squeeze %dma_start3A_220 : memref<1x128xi32, #tpu.memory_space<hbm>> -> memref<128xi32, #tpu.memory_space<hbm>>
        tpu.enqueue_dma source(%dma_start3A_221 : memref<128xi32, #tpu.memory_space<hbm>>) target(%arg8 : memref<128xi32, #tpu.memory_space<vmem>>) target_semaphore(%arg17 : memref<!tpu.dma_semaphore, #tpu.memory_space<semaphore_mem>>)
      } else {
      }
      %mul3A_178 = arith.constant 3 : i32
      %mul3A_179 = arith.muli %add3A_111, %mul3A_178 : i32
      %add3A_180 = arith.constant 2 : i32
      %add3A_181 = arith.addi %mul3A_179, %add3A_180 : i32
      %dma_wait3A_182 = arith.constant 0 : i32
      %dma_wait3A_183 = arith.constant 0 : i32
      %dma_wait3A_184 = tpu.memref_slice %arg2[%dma_wait3A_182, %dma_wait3A_183] : memref<10000x128xf32, #tpu.memory_space<hbm>> -> memref<10000x128xf32, #tpu.memory_space<hbm>>
      tpu.wait_indirect_dma semaphore(%arg24 : memref<!tpu.dma_semaphore, #tpu.memory_space<semaphore_mem>>) src(%dma_wait3A_184 : memref<10000x128xf32, #tpu.memory_space<hbm>>) dst(%arg15 : memref<128x128xf32, #tpu.memory_space<vmem>>)
      %dma_wait3A_185 = arith.constant 0 : i32
      %dma_wait3A_186 = tpu.memref_slice %arg4[%mul3A_2, %dma_wait3A_185] : memref<2560x128xi32, #tpu.memory_space<hbm>> -> memref<1x128xi32, #tpu.memory_space<hbm>>
      %dma_wait3A_187 = tpu.memref_squeeze %dma_wait3A_186 : memref<1x128xi32, #tpu.memory_space<hbm>> -> memref<128xi32, #tpu.memory_space<hbm>>
      %dma_wait3A_188 = arith.constant 0 : i32
      %dma_wait3A_189 = tpu.memref_slice %arg4[%mul3A_2, %dma_wait3A_188] : memref<2560x128xi32, #tpu.memory_space<hbm>> -> memref<1x128xi32, #tpu.memory_space<hbm>>
      %dma_wait3A_190 = tpu.memref_squeeze %dma_wait3A_189 : memref<1x128xi32, #tpu.memory_space<hbm>> -> memref<128xi32, #tpu.memory_space<hbm>>
      tpu.wait_dma2 semaphore(%arg21 : memref<!tpu.dma_semaphore, #tpu.memory_space<semaphore_mem>>) src(%dma_wait3A_190 : memref<128xi32, #tpu.memory_space<hbm>>) dst(%arg12 : memref<128xi32, #tpu.memory_space<vmem>>)
      %dma_start3A_191 = arith.constant 0 : i32
      %dma_start3A_192 = arith.constant 0 : i32
      %dma_start3A_193 = tpu.memref_slice %arg28[%dma_start3A_191, %dma_start3A_192] : memref<10112x128xf32, #tpu.memory_space<vmem_shared>> -> memref<10112x128xf32, #tpu.memory_space<vmem_shared>>
      tpu.enqueue_indirect_dma source(%arg15 : memref<128x128xf32, #tpu.memory_space<vmem>>) target(%dma_start3A_193 : memref<10112x128xf32, #tpu.memory_space<vmem_shared>>) offsets(%arg12 : memref<128xi32, #tpu.memory_space<vmem>>) semaphore(%arg27 : memref<!tpu.dma_semaphore, #tpu.memory_space<semaphore_mem>>) {add = true}
      %ge3A_194 = arith.constant 1 : i32
      %ge3A_195 = arith.cmpi sge, %add3A_181, %ge3A_194 : i32
      %convert_element_type3A_196 = arith.extui %ge3A_195 : i1 to i32
      %cond3A_197 = arith.constant 0 : i32
      %cond3A_198 = arith.cmpi ne, %convert_element_type3A_196, %cond3A_197 : i32
      scf.if %cond3A_198 {
        %dma_wait3A_213 = arith.constant 0 : i32
        %dma_wait3A_214 = arith.constant 0 : i32
        %dma_wait3A_215 = tpu.memref_slice %arg28[%dma_wait3A_213, %dma_wait3A_214] : memref<10112x128xf32, #tpu.memory_space<vmem_shared>> -> memref<10112x128xf32, #tpu.memory_space<vmem_shared>>
        tpu.wait_indirect_dma semaphore(%arg26 : memref<!tpu.dma_semaphore, #tpu.memory_space<semaphore_mem>>) src(%arg14 : memref<128x128xf32, #tpu.memory_space<vmem>>) dst(%dma_wait3A_215 : memref<10112x128xf32, #tpu.memory_space<vmem_shared>>)
      } else {
      }
      %add3A_199 = arith.constant 2 : i32
      %add3A_200 = arith.addi %add3A_181, %add3A_199 : i32
      %lt3A_201 = arith.constant 80 : i32
      %lt3A_202 = arith.cmpi slt, %add3A_200, %lt3A_201 : i32
      %convert_element_type3A_203 = arith.extui %lt3A_202 : i1 to i32
      %cond3A_204 = arith.constant 0 : i32
      %cond3A_205 = arith.cmpi ne, %convert_element_type3A_203, %cond3A_204 : i32
      scf.if %cond3A_205 {
        %dma_wait3A_213 = arith.constant 0 : i32
        %dma_wait3A_214 = tpu.memref_slice %arg3[%mul3A_2, %dma_wait3A_213] : memref<2560x128xi32, #tpu.memory_space<hbm>> -> memref<1x128xi32, #tpu.memory_space<hbm>>
        %dma_wait3A_215 = tpu.memref_squeeze %dma_wait3A_214 : memref<1x128xi32, #tpu.memory_space<hbm>> -> memref<128xi32, #tpu.memory_space<hbm>>
        %dma_wait3A_216 = arith.constant 0 : i32
        %dma_wait3A_217 = tpu.memref_slice %arg3[%mul3A_2, %dma_wait3A_216] : memref<2560x128xi32, #tpu.memory_space<hbm>> -> memref<1x128xi32, #tpu.memory_space<hbm>>
        %dma_wait3A_218 = tpu.memref_squeeze %dma_wait3A_217 : memref<1x128xi32, #tpu.memory_space<hbm>> -> memref<128xi32, #tpu.memory_space<hbm>>
        tpu.wait_dma2 semaphore(%arg17 : memref<!tpu.dma_semaphore, #tpu.memory_space<semaphore_mem>>) src(%dma_wait3A_218 : memref<128xi32, #tpu.memory_space<hbm>>) dst(%arg8 : memref<128xi32, #tpu.memory_space<vmem>>)
        %dma_start3A_219 = arith.constant 0 : i32
        %dma_start3A_220 = arith.constant 0 : i32
        %dma_start3A_221 = tpu.memref_slice %arg2[%dma_start3A_219, %dma_start3A_220] : memref<10000x128xf32, #tpu.memory_space<hbm>> -> memref<10000x128xf32, #tpu.memory_space<hbm>>
        tpu.enqueue_indirect_dma source(%dma_start3A_221 : memref<10000x128xf32, #tpu.memory_space<hbm>>) target(%arg14 : memref<128x128xf32, #tpu.memory_space<vmem>>) offsets(%arg8 : memref<128xi32, #tpu.memory_space<vmem>>) semaphore(%arg23 : memref<!tpu.dma_semaphore, #tpu.memory_space<semaphore_mem>>)
        %add3A_222 = arith.addi %mul3A_2, %add3A_181 : i32
        %add3A_223 = arith.constant 2 : i32
        %add3A_224 = arith.addi %add3A_222, %add3A_223 : i32
        %dma_start3A_225 = arith.constant 0 : i32
        %dma_start3A_226 = tpu.memref_slice %arg4[%add3A_224, %dma_start3A_225] : memref<2560x128xi32, #tpu.memory_space<hbm>> -> memref<1x128xi32, #tpu.memory_space<hbm>>
        %dma_start3A_227 = tpu.memref_squeeze %dma_start3A_226 : memref<1x128xi32, #tpu.memory_space<hbm>> -> memref<128xi32, #tpu.memory_space<hbm>>
        %dma_start3A_228 = arith.constant 0 : i32
        %dma_start3A_229 = tpu.memref_slice %arg4[%add3A_224, %dma_start3A_228] : memref<2560x128xi32, #tpu.memory_space<hbm>> -> memref<1x128xi32, #tpu.memory_space<hbm>>
        %dma_start3A_230 = tpu.memref_squeeze %dma_start3A_229 : memref<1x128xi32, #tpu.memory_space<hbm>> -> memref<128xi32, #tpu.memory_space<hbm>>
        tpu.enqueue_dma source(%dma_start3A_230 : memref<128xi32, #tpu.memory_space<hbm>>) target(%arg11 : memref<128xi32, #tpu.memory_space<vmem>>) target_semaphore(%arg20 : memref<!tpu.dma_semaphore, #tpu.memory_space<semaphore_mem>>)
      } else {
      }
      %add3A_206 = arith.constant 3 : i32
      %add3A_207 = arith.addi %add3A_181, %add3A_206 : i32
      %lt3A_208 = arith.constant 80 : i32
      %lt3A_209 = arith.cmpi slt, %add3A_207, %lt3A_208 : i32
      %convert_element_type3A_210 = arith.extui %lt3A_209 : i1 to i32
      %cond3A_211 = arith.constant 0 : i32
      %cond3A_212 = arith.cmpi ne, %convert_element_type3A_210, %cond3A_211 : i32
      scf.if %cond3A_212 {
        %add3A_213 = arith.addi %mul3A_2, %add3A_181 : i32
        %add3A_214 = arith.constant 3 : i32
        %add3A_215 = arith.addi %add3A_213, %add3A_214 : i32
        %dma_start3A_216 = arith.constant 0 : i32
        %dma_start3A_217 = tpu.memref_slice %arg3[%add3A_215, %dma_start3A_216] : memref<2560x128xi32, #tpu.memory_space<hbm>> -> memref<1x128xi32, #tpu.memory_space<hbm>>
        %dma_start3A_218 = tpu.memref_squeeze %dma_start3A_217 : memref<1x128xi32, #tpu.memory_space<hbm>> -> memref<128xi32, #tpu.memory_space<hbm>>
        %dma_start3A_219 = arith.constant 0 : i32
        %dma_start3A_220 = tpu.memref_slice %arg3[%add3A_215, %dma_start3A_219] : memref<2560x128xi32, #tpu.memory_space<hbm>> -> memref<1x128xi32, #tpu.memory_space<hbm>>
        %dma_start3A_221 = tpu.memref_squeeze %dma_start3A_220 : memref<1x128xi32, #tpu.memory_space<hbm>> -> memref<128xi32, #tpu.memory_space<hbm>>
        tpu.enqueue_dma source(%dma_start3A_221 : memref<128xi32, #tpu.memory_space<hbm>>) target(%arg9 : memref<128xi32, #tpu.memory_space<vmem>>) target_semaphore(%arg18 : memref<!tpu.dma_semaphore, #tpu.memory_space<semaphore_mem>>)
      } else {
      }
    }
    %scan3A_68 = arith.constant 26 : i32
    %dma_wait3A_69 = arith.constant 0 : i32
    %dma_wait3A_70 = arith.constant 0 : i32
    %dma_wait3A_71 = tpu.memref_slice %arg2[%dma_wait3A_69, %dma_wait3A_70] : memref<10000x128xf32, #tpu.memory_space<hbm>> -> memref<10000x128xf32, #tpu.memory_space<hbm>>
    tpu.wait_indirect_dma semaphore(%arg22 : memref<!tpu.dma_semaphore, #tpu.memory_space<semaphore_mem>>) src(%dma_wait3A_71 : memref<10000x128xf32, #tpu.memory_space<hbm>>) dst(%arg13 : memref<128x128xf32, #tpu.memory_space<vmem>>)
    %dma_wait3A_72 = arith.constant 0 : i32
    %dma_wait3A_73 = tpu.memref_slice %arg4[%mul3A_2, %dma_wait3A_72] : memref<2560x128xi32, #tpu.memory_space<hbm>> -> memref<1x128xi32, #tpu.memory_space<hbm>>
    %dma_wait3A_74 = tpu.memref_squeeze %dma_wait3A_73 : memref<1x128xi32, #tpu.memory_space<hbm>> -> memref<128xi32, #tpu.memory_space<hbm>>
    %dma_wait3A_75 = arith.constant 0 : i32
    %dma_wait3A_76 = tpu.memref_slice %arg4[%mul3A_2, %dma_wait3A_75] : memref<2560x128xi32, #tpu.memory_space<hbm>> -> memref<1x128xi32, #tpu.memory_space<hbm>>
    %dma_wait3A_77 = tpu.memref_squeeze %dma_wait3A_76 : memref<1x128xi32, #tpu.memory_space<hbm>> -> memref<128xi32, #tpu.memory_space<hbm>>
    tpu.wait_dma2 semaphore(%arg19 : memref<!tpu.dma_semaphore, #tpu.memory_space<semaphore_mem>>) src(%dma_wait3A_77 : memref<128xi32, #tpu.memory_space<hbm>>) dst(%arg10 : memref<128xi32, #tpu.memory_space<vmem>>)
    %dma_start3A_78 = arith.constant 0 : i32
    %dma_start3A_79 = arith.constant 0 : i32
    %dma_start3A_80 = tpu.memref_slice %arg28[%dma_start3A_78, %dma_start3A_79] : memref<10112x128xf32, #tpu.memory_space<vmem_shared>> -> memref<10112x128xf32, #tpu.memory_space<vmem_shared>>
    tpu.enqueue_indirect_dma source(%arg13 : memref<128x128xf32, #tpu.memory_space<vmem>>) target(%dma_start3A_80 : memref<10112x128xf32, #tpu.memory_space<vmem_shared>>) offsets(%arg10 : memref<128xi32, #tpu.memory_space<vmem>>) semaphore(%arg25 : memref<!tpu.dma_semaphore, #tpu.memory_space<semaphore_mem>>) {add = true}
    %dma_wait3A_81 = arith.constant 0 : i32
    %dma_wait3A_82 = arith.constant 0 : i32
    %dma_wait3A_83 = tpu.memref_slice %arg28[%dma_wait3A_81, %dma_wait3A_82] : memref<10112x128xf32, #tpu.memory_space<vmem_shared>> -> memref<10112x128xf32, #tpu.memory_space<vmem_shared>>
    tpu.wait_indirect_dma semaphore(%arg27 : memref<!tpu.dma_semaphore, #tpu.memory_space<semaphore_mem>>) src(%arg15 : memref<128x128xf32, #tpu.memory_space<vmem>>) dst(%dma_wait3A_83 : memref<10112x128xf32, #tpu.memory_space<vmem_shared>>)
    %dma_wait3A_84 = arith.constant 0 : i32
    %dma_wait3A_85 = arith.constant 0 : i32
    %dma_wait3A_86 = tpu.memref_slice %arg2[%dma_wait3A_84, %dma_wait3A_85] : memref<10000x128xf32, #tpu.memory_space<hbm>> -> memref<10000x128xf32, #tpu.memory_space<hbm>>
    tpu.wait_indirect_dma semaphore(%arg23 : memref<!tpu.dma_semaphore, #tpu.memory_space<semaphore_mem>>) src(%dma_wait3A_86 : memref<10000x128xf32, #tpu.memory_space<hbm>>) dst(%arg14 : memref<128x128xf32, #tpu.memory_space<vmem>>)
    %dma_wait3A_87 = arith.constant 0 : i32
    %dma_wait3A_88 = tpu.memref_slice %arg4[%mul3A_2, %dma_wait3A_87] : memref<2560x128xi32, #tpu.memory_space<hbm>> -> memref<1x128xi32, #tpu.memory_space<hbm>>
    %dma_wait3A_89 = tpu.memref_squeeze %dma_wait3A_88 : memref<1x128xi32, #tpu.memory_space<hbm>> -> memref<128xi32, #tpu.memory_space<hbm>>
    %dma_wait3A_90 = arith.constant 0 : i32
    %dma_wait3A_91 = tpu.memref_slice %arg4[%mul3A_2, %dma_wait3A_90] : memref<2560x128xi32, #tpu.memory_space<hbm>> -> memref<1x128xi32, #tpu.memory_space<hbm>>
    %dma_wait3A_92 = tpu.memref_squeeze %dma_wait3A_91 : memref<1x128xi32, #tpu.memory_space<hbm>> -> memref<128xi32, #tpu.memory_space<hbm>>
    tpu.wait_dma2 semaphore(%arg20 : memref<!tpu.dma_semaphore, #tpu.memory_space<semaphore_mem>>) src(%dma_wait3A_92 : memref<128xi32, #tpu.memory_space<hbm>>) dst(%arg11 : memref<128xi32, #tpu.memory_space<vmem>>)
    %dma_start3A_93 = arith.constant 0 : i32
    %dma_start3A_94 = arith.constant 0 : i32
    %dma_start3A_95 = tpu.memref_slice %arg28[%dma_start3A_93, %dma_start3A_94] : memref<10112x128xf32, #tpu.memory_space<vmem_shared>> -> memref<10112x128xf32, #tpu.memory_space<vmem_shared>>
    tpu.enqueue_indirect_dma source(%arg14 : memref<128x128xf32, #tpu.memory_space<vmem>>) target(%dma_start3A_95 : memref<10112x128xf32, #tpu.memory_space<vmem_shared>>) offsets(%arg11 : memref<128xi32, #tpu.memory_space<vmem>>) semaphore(%arg26 : memref<!tpu.dma_semaphore, #tpu.memory_space<semaphore_mem>>) {add = true}
    %dma_wait3A_96 = arith.constant 0 : i32
    %dma_wait3A_97 = arith.constant 0 : i32
    %dma_wait3A_98 = tpu.memref_slice %arg28[%dma_wait3A_96, %dma_wait3A_97] : memref<10112x128xf32, #tpu.memory_space<vmem_shared>> -> memref<10112x128xf32, #tpu.memory_space<vmem_shared>>
    tpu.wait_indirect_dma semaphore(%arg25 : memref<!tpu.dma_semaphore, #tpu.memory_space<semaphore_mem>>) src(%arg13 : memref<128x128xf32, #tpu.memory_space<vmem>>) dst(%dma_wait3A_98 : memref<10112x128xf32, #tpu.memory_space<vmem_shared>>)
    %dma_wait3A_99 = arith.constant 0 : i32
    %dma_wait3A_100 = arith.constant 0 : i32
    %dma_wait3A_101 = tpu.memref_slice %arg28[%dma_wait3A_99, %dma_wait3A_100] : memref<10112x128xf32, #tpu.memory_space<vmem_shared>> -> memref<10112x128xf32, #tpu.memory_space<vmem_shared>>
    tpu.wait_indirect_dma semaphore(%arg26 : memref<!tpu.dma_semaphore, #tpu.memory_space<semaphore_mem>>) src(%arg14 : memref<128x128xf32, #tpu.memory_space<vmem>>) dst(%dma_wait3A_101 : memref<10112x128xf32, #tpu.memory_space<vmem_shared>>)
    %barrier3A_102 = arith.constant 0 : index
    tpu.barrier barrier_id(%barrier3A_102)
    %mul3A_103 = arith.constant 632 : i32
    %mul3A_104 = arith.muli %arg1, %mul3A_103 : i32
    %mul3A_105 = arith.constant 632 : i32
    %mul3A_106 = arith.muli %arg1, %mul3A_105 : i32
    "tpu.region"() ({
      %run_scoped3A = tpu.sem_alloc : memref<!tpu.dma_semaphore, #tpu.memory_space<semaphore_mem>>
      %dma_start3A_107 = arith.constant 0 : i32
      %dma_start3A_108 = tpu.memref_slice %arg6[%arg0, %mul3A_106, %dma_start3A_107] : memref<2x10112x128xf32, #tpu.memory_space<hbm>> -> memref<1x632x128xf32, #tpu.memory_space<hbm>>
      %dma_start3A_109 = tpu.memref_squeeze %dma_start3A_108 : memref<1x632x128xf32, #tpu.memory_space<hbm>> -> memref<632x128xf32, #tpu.memory_space<hbm>>
      %dma_start3A_110 = arith.constant 0 : i32
      %dma_start3A_111 = tpu.memref_slice %arg28[%mul3A_104, %dma_start3A_110] : memref<10112x128xf32, #tpu.memory_space<vmem_shared>> -> memref<632x128xf32, #tpu.memory_space<vmem_shared>>
      tpu.enqueue_dma source(%dma_start3A_111 : memref<632x128xf32, #tpu.memory_space<vmem_shared>>) target(%dma_start3A_109 : memref<632x128xf32, #tpu.memory_space<hbm>>) target_semaphore(%run_scoped3A : memref<!tpu.dma_semaphore, #tpu.memory_space<semaphore_mem>>)
      %dma_wait3A_112 = arith.constant 0 : i32
      %dma_wait3A_113 = tpu.memref_slice %arg6[%arg0, %mul3A_106, %dma_wait3A_112] : memref<2x10112x128xf32, #tpu.memory_space<hbm>> -> memref<1x632x128xf32, #tpu.memory_space<hbm>>
      %dma_wait3A_114 = tpu.memref_squeeze %dma_wait3A_113 : memref<1x632x128xf32, #tpu.memory_space<hbm>> -> memref<632x128xf32, #tpu.memory_space<hbm>>
      %dma_wait3A_115 = arith.constant 0 : i32
      %dma_wait3A_116 = tpu.memref_slice %arg28[%mul3A_104, %dma_wait3A_115] : memref<10112x128xf32, #tpu.memory_space<vmem_shared>> -> memref<632x128xf32, #tpu.memory_space<vmem_shared>>
      tpu.wait_dma2 semaphore(%run_scoped3A : memref<!tpu.dma_semaphore, #tpu.memory_space<semaphore_mem>>) src(%dma_wait3A_116 : memref<632x128xf32, #tpu.memory_space<vmem_shared>>) dst(%dma_wait3A_114 : memref<632x128xf32, #tpu.memory_space<hbm>>)
      tpu.yield
    }) : () -> ()
    return
  }
}

#map = affine_map<(d0, d1) -> (0, 0)>
#map1 = affine_map<(d0, d1) -> (0, 0, 0)>
module attributes {stable_mosaic.version = 14 : i64} {
  func.func @_sc_hop(%arg0: i32, %arg1: i32, %arg2: memref<10000x128xf32, #tpu.memory_space<hbm>>, %arg3: memref<2560x128xi32, #tpu.memory_space<hbm>>, %arg4: memref<2560x128xi32, #tpu.memory_space<hbm>>, %arg5: memref<632x128xf32, #tpu.memory_space<hbm>>, %arg6: memref<2x10112x128xf32, #tpu.memory_space<hbm>>, %arg7: memref<128xi32, #tpu.memory_space<vmem>>, %arg8: memref<128xi32, #tpu.memory_space<vmem>>, %arg9: memref<128xi32, #tpu.memory_space<vmem>>, %arg10: memref<128xi32, #tpu.memory_space<vmem>>, %arg11: memref<128xi32, #tpu.memory_space<vmem>>, %arg12: memref<128xi32, #tpu.memory_space<vmem>>, %arg13: memref<128x128xf32, #tpu.memory_space<vmem>>, %arg14: memref<128x128xf32, #tpu.memory_space<vmem>>, %arg15: memref<128x128xf32, #tpu.memory_space<vmem>>, %arg16: memref<!tpu.dma_semaphore, #tpu.memory_space<semaphore_mem>>, %arg17: memref<!tpu.dma_semaphore, #tpu.memory_space<semaphore_mem>>, %arg18: memref<!tpu.dma_semaphore, #tpu.memory_space<semaphore_mem>>, %arg19: memref<!tpu.dma_semaphore, #tpu.memory_space<semaphore_mem>>, %arg20: memref<!tpu.dma_semaphore, #tpu.memory_space<semaphore_mem>>, %arg21: memref<!tpu.dma_semaphore, #tpu.memory_space<semaphore_mem>>, %arg22: memref<!tpu.dma_semaphore, #tpu.memory_space<semaphore_mem>>, %arg23: memref<!tpu.dma_semaphore, #tpu.memory_space<semaphore_mem>>, %arg24: memref<!tpu.dma_semaphore, #tpu.memory_space<semaphore_mem>>, %arg25: memref<!tpu.dma_semaphore, #tpu.memory_space<semaphore_mem>>, %arg26: memref<!tpu.dma_semaphore, #tpu.memory_space<semaphore_mem>>, %arg27: memref<!tpu.dma_semaphore, #tpu.memory_space<semaphore_mem>>, %arg28: memref<10112x128xf32, #tpu.memory_space<vmem_shared>>) attributes {dimension_semantics = [#tpu.dimension_semantics<core_parallel>, #tpu.dimension_semantics<subcore_parallel>], iteration_bounds = array<i64: 2, 16>, scalar_prefetch = 0 : i64, scratch_operands = 22 : i64, tpu.core_type = #tpu.core_type<sc_vector_subcore>, window_params = [{transform_indices = #map}, {transform_indices = #map}, {transform_indices = #map}, {transform_indices = #map}, {transform_indices = #map1}]} {
    %mul3A = arith.constant 16 : i32
    %mul3A_0 = arith.muli %arg0, %mul3A : i32
    %add3A = arith.addi %mul3A_0, %arg1 : i32
    %mul3A_1 = arith.constant 80 : i32
    %mul3A_2 = arith.muli %add3A, %mul3A_1 : i32
    %mul3A_3 = arith.constant 632 : i32
    %mul3A_4 = arith.muli %arg1, %mul3A_3 : i32
    "tpu.region"() ({
      %run_scoped3A = tpu.sem_alloc : memref<!tpu.dma_semaphore, #tpu.memory_space<semaphore_mem>>
      %dma_start3A_107 = arith.constant 0 : i32
      %dma_start3A_108 = tpu.memref_slice %arg28[%mul3A_4, %dma_start3A_107] : memref<10112x128xf32, #tpu.memory_space<vmem_shared>> -> memref<632x128xf32, #tpu.memory_space<vmem_shared>>
      tpu.enqueue_dma source(%arg5 : memref<632x128xf32, #tpu.memory_space<hbm>>) target(%dma_start3A_108 : memref<632x128xf32, #tpu.memory_space<vmem_shared>>) target_semaphore(%run_scoped3A : memref<!tpu.dma_semaphore, #tpu.memory_space<semaphore_mem>>)
      %dma_wait3A_109 = arith.constant 0 : i32
      %dma_wait3A_110 = tpu.memref_slice %arg28[%mul3A_4, %dma_wait3A_109] : memref<10112x128xf32, #tpu.memory_space<vmem_shared>> -> memref<632x128xf32, #tpu.memory_space<vmem_shared>>
      tpu.wait_dma2 semaphore(%run_scoped3A : memref<!tpu.dma_semaphore, #tpu.memory_space<semaphore_mem>>) src(%arg5 : memref<632x128xf32, #tpu.memory_space<hbm>>) dst(%dma_wait3A_110 : memref<632x128xf32, #tpu.memory_space<vmem_shared>>)
      tpu.yield
    }) : () -> ()
    %barrier3A = arith.constant 0 : index
    tpu.barrier barrier_id(%barrier3A)
    %add3A_5 = arith.constant 0 : i32
    %add3A_6 = arith.addi %mul3A_2, %add3A_5 : i32
    %dma_start3A = arith.constant 0 : i32
    %dma_start3A_7 = tpu.memref_slice %arg3[%add3A_6, %dma_start3A] : memref<2560x128xi32, #tpu.memory_space<hbm>> -> memref<1x128xi32, #tpu.memory_space<hbm>>
    %dma_start3A_8 = tpu.memref_squeeze %dma_start3A_7 : memref<1x128xi32, #tpu.memory_space<hbm>> -> memref<128xi32, #tpu.memory_space<hbm>>
    %dma_start3A_9 = arith.constant 0 : i32
    %dma_start3A_10 = tpu.memref_slice %arg3[%add3A_6, %dma_start3A_9] : memref<2560x128xi32, #tpu.memory_space<hbm>> -> memref<1x128xi32, #tpu.memory_space<hbm>>
    %dma_start3A_11 = tpu.memref_squeeze %dma_start3A_10 : memref<1x128xi32, #tpu.memory_space<hbm>> -> memref<128xi32, #tpu.memory_space<hbm>>
    tpu.enqueue_dma source(%dma_start3A_11 : memref<128xi32, #tpu.memory_space<hbm>>) target(%arg7 : memref<128xi32, #tpu.memory_space<vmem>>) target_semaphore(%arg16 : memref<!tpu.dma_semaphore, #tpu.memory_space<semaphore_mem>>)
    %add3A_12 = arith.constant 1 : i32
    %add3A_13 = arith.addi %mul3A_2, %add3A_12 : i32
    %dma_start3A_14 = arith.constant 0 : i32
    %dma_start3A_15 = tpu.memref_slice %arg3[%add3A_13, %dma_start3A_14] : memref<2560x128xi32, #tpu.memory_space<hbm>> -> memref<1x128xi32, #tpu.memory_space<hbm>>
    %dma_start3A_16 = tpu.memref_squeeze %dma_start3A_15 : memref<1x128xi32, #tpu.memory_space<hbm>> -> memref<128xi32, #tpu.memory_space<hbm>>
    %dma_start3A_17 = arith.constant 0 : i32
    %dma_start3A_18 = tpu.memref_slice %arg3[%add3A_13, %dma_start3A_17] : memref<2560x128xi32, #tpu.memory_space<hbm>> -> memref<1x128xi32, #tpu.memory_space<hbm>>
    %dma_start3A_19 = tpu.memref_squeeze %dma_start3A_18 : memref<1x128xi32, #tpu.memory_space<hbm>> -> memref<128xi32, #tpu.memory_space<hbm>>
    tpu.enqueue_dma source(%dma_start3A_19 : memref<128xi32, #tpu.memory_space<hbm>>) target(%arg8 : memref<128xi32, #tpu.memory_space<vmem>>) target_semaphore(%arg17 : memref<!tpu.dma_semaphore, #tpu.memory_space<semaphore_mem>>)
    %add3A_20 = arith.constant 2 : i32
    %add3A_21 = arith.addi %mul3A_2, %add3A_20 : i32
    %dma_start3A_22 = arith.constant 0 : i32
    %dma_start3A_23 = tpu.memref_slice %arg3[%add3A_21, %dma_start3A_22] : memref<2560x128xi32, #tpu.memory_space<hbm>> -> memref<1x128xi32, #tpu.memory_space<hbm>>
    %dma_start3A_24 = tpu.memref_squeeze %dma_start3A_23 : memref<1x128xi32, #tpu.memory_space<hbm>> -> memref<128xi32, #tpu.memory_space<hbm>>
    %dma_start3A_25 = arith.constant 0 : i32
    %dma_start3A_26 = tpu.memref_slice %arg3[%add3A_21, %dma_start3A_25] : memref<2560x128xi32, #tpu.memory_space<hbm>> -> memref<1x128xi32, #tpu.memory_space<hbm>>
    %dma_start3A_27 = tpu.memref_squeeze %dma_start3A_26 : memref<1x128xi32, #tpu.memory_space<hbm>> -> memref<128xi32, #tpu.memory_space<hbm>>
    tpu.enqueue_dma source(%dma_start3A_27 : memref<128xi32, #tpu.memory_space<hbm>>) target(%arg9 : memref<128xi32, #tpu.memory_space<vmem>>) target_semaphore(%arg18 : memref<!tpu.dma_semaphore, #tpu.memory_space<semaphore_mem>>)
    %add3A_28 = arith.constant 0 : i32
    %add3A_29 = arith.addi %mul3A_2, %add3A_28 : i32
    %dma_start3A_30 = arith.constant 0 : i32
    %dma_start3A_31 = tpu.memref_slice %arg4[%add3A_29, %dma_start3A_30] : memref<2560x128xi32, #tpu.memory_space<hbm>> -> memref<1x128xi32, #tpu.memory_space<hbm>>
    %dma_start3A_32 = tpu.memref_squeeze %dma_start3A_31 : memref<1x128xi32, #tpu.memory_space<hbm>> -> memref<128xi32, #tpu.memory_space<hbm>>
    %dma_start3A_33 = arith.constant 0 : i32
    %dma_start3A_34 = tpu.memref_slice %arg4[%add3A_29, %dma_start3A_33] : memref<2560x128xi32, #tpu.memory_space<hbm>> -> memref<1x128xi32, #tpu.memory_space<hbm>>
    %dma_start3A_35 = tpu.memref_squeeze %dma_start3A_34 : memref<1x128xi32, #tpu.memory_space<hbm>> -> memref<128xi32, #tpu.memory_space<hbm>>
    tpu.enqueue_dma source(%dma_start3A_35 : memref<128xi32, #tpu.memory_space<hbm>>) target(%arg10 : memref<128xi32, #tpu.memory_space<vmem>>) target_semaphore(%arg19 : memref<!tpu.dma_semaphore, #tpu.memory_space<semaphore_mem>>)
    %add3A_36 = arith.constant 0 : i32
    %add3A_37 = arith.addi %mul3A_2, %add3A_36 : i32
    %dma_wait3A = arith.constant 0 : i32
    %dma_wait3A_38 = tpu.memref_slice %arg3[%add3A_37, %dma_wait3A] : memref<2560x128xi32, #tpu.memory_space<hbm>> -> memref<1x128xi32, #tpu.memory_space<hbm>>
    %dma_wait3A_39 = tpu.memref_squeeze %dma_wait3A_38 : memref<1x128xi32, #tpu.memory_space<hbm>> -> memref<128xi32, #tpu.memory_space<hbm>>
    %dma_wait3A_40 = arith.constant 0 : i32
    %dma_wait3A_41 = tpu.memref_slice %arg3[%add3A_37, %dma_wait3A_40] : memref<2560x128xi32, #tpu.memory_space<hbm>> -> memref<1x128xi32, #tpu.memory_space<hbm>>
    %dma_wait3A_42 = tpu.memref_squeeze %dma_wait3A_41 : memref<1x128xi32, #tpu.memory_space<hbm>> -> memref<128xi32, #tpu.memory_space<hbm>>
    tpu.wait_dma2 semaphore(%arg16 : memref<!tpu.dma_semaphore, #tpu.memory_space<semaphore_mem>>) src(%dma_wait3A_42 : memref<128xi32, #tpu.memory_space<hbm>>) dst(%arg7 : memref<128xi32, #tpu.memory_space<vmem>>)
    %dma_start3A_43 = arith.constant 0 : i32
    %dma_start3A_44 = arith.constant 0 : i32
    %dma_start3A_45 = tpu.memref_slice %arg2[%dma_start3A_43, %dma_start3A_44] : memref<10000x128xf32, #tpu.memory_space<hbm>> -> memref<10000x128xf32, #tpu.memory_space<hbm>>
    tpu.enqueue_indirect_dma source(%dma_start3A_45 : memref<10000x128xf32, #tpu.memory_space<hbm>>) target(%arg13 : memref<128x128xf32, #tpu.memory_space<vmem>>) offsets(%arg7 : memref<128xi32, #tpu.memory_space<vmem>>) semaphore(%arg22 : memref<!tpu.dma_semaphore, #tpu.memory_space<semaphore_mem>>)
    %add3A_46 = arith.constant 1 : i32
    %add3A_47 = arith.addi %mul3A_2, %add3A_46 : i32
    %dma_start3A_48 = arith.constant 0 : i32
    %dma_start3A_49 = tpu.memref_slice %arg4[%add3A_47, %dma_start3A_48] : memref<2560x128xi32, #tpu.memory_space<hbm>> -> memref<1x128xi32, #tpu.memory_space<hbm>>
    %dma_start3A_50 = tpu.memref_squeeze %dma_start3A_49 : memref<1x128xi32, #tpu.memory_space<hbm>> -> memref<128xi32, #tpu.memory_space<hbm>>
    %dma_start3A_51 = arith.constant 0 : i32
    %dma_start3A_52 = tpu.memref_slice %arg4[%add3A_47, %dma_start3A_51] : memref<2560x128xi32, #tpu.memory_space<hbm>> -> memref<1x128xi32, #tpu.memory_space<hbm>>
    %dma_start3A_53 = tpu.memref_squeeze %dma_start3A_52 : memref<1x128xi32, #tpu.memory_space<hbm>> -> memref<128xi32, #tpu.memory_space<hbm>>
    tpu.enqueue_dma source(%dma_start3A_53 : memref<128xi32, #tpu.memory_space<hbm>>) target(%arg11 : memref<128xi32, #tpu.memory_space<vmem>>) target_semaphore(%arg20 : memref<!tpu.dma_semaphore, #tpu.memory_space<semaphore_mem>>)
    %add3A_54 = arith.constant 1 : i32
    %add3A_55 = arith.addi %mul3A_2, %add3A_54 : i32
    %dma_wait3A_56 = arith.constant 0 : i32
    %dma_wait3A_57 = tpu.memref_slice %arg3[%add3A_55, %dma_wait3A_56] : memref<2560x128xi32, #tpu.memory_space<hbm>> -> memref<1x128xi32, #tpu.memory_space<hbm>>
    %dma_wait3A_58 = tpu.memref_squeeze %dma_wait3A_57 : memref<1x128xi32, #tpu.memory_space<hbm>> -> memref<128xi32, #tpu.memory_space<hbm>>
    %dma_wait3A_59 = arith.constant 0 : i32
    %dma_wait3A_60 = tpu.memref_slice %arg3[%add3A_55, %dma_wait3A_59] : memref<2560x128xi32, #tpu.memory_space<hbm>> -> memref<1x128xi32, #tpu.memory_space<hbm>>
    %dma_wait3A_61 = tpu.memref_squeeze %dma_wait3A_60 : memref<1x128xi32, #tpu.memory_space<hbm>> -> memref<128xi32, #tpu.memory_space<hbm>>
    tpu.wait_dma2 semaphore(%arg17 : memref<!tpu.dma_semaphore, #tpu.memory_space<semaphore_mem>>) src(%dma_wait3A_61 : memref<128xi32, #tpu.memory_space<hbm>>) dst(%arg8 : memref<128xi32, #tpu.memory_space<vmem>>)
    %dma_start3A_62 = arith.constant 0 : i32
    %dma_start3A_63 = arith.constant 0 : i32
    %dma_start3A_64 = tpu.memref_slice %arg2[%dma_start3A_62, %dma_start3A_63] : memref<10000x128xf32, #tpu.memory_space<hbm>> -> memref<10000x128xf32, #tpu.memory_space<hbm>>
    tpu.enqueue_indirect_dma source(%dma_start3A_64 : memref<10000x128xf32, #tpu.memory_space<hbm>>) target(%arg14 : memref<128x128xf32, #tpu.memory_space<vmem>>) offsets(%arg8 : memref<128xi32, #tpu.memory_space<vmem>>) semaphore(%arg23 : memref<!tpu.dma_semaphore, #tpu.memory_space<semaphore_mem>>)
    %scan3A = arith.constant 0 : i32
    %scan3A_65 = arith.constant 26 : i32
    %scan3A_66 = arith.addi %scan3A, %scan3A_65 : i32
    %scan3A_67 = arith.constant 1 : i32
    scf.for %scan3A_107 = %scan3A to %scan3A_66 step %scan3A_67  : i32 {
      %mul3A_108 = arith.constant 1 : i32
      %mul3A_109 = arith.muli %scan3A_107, %mul3A_108 : i32
      %add3A_110 = arith.constant 0 : i32
      %add3A_111 = arith.addi %add3A_110, %mul3A_109 : i32
      %mul3A_112 = arith.constant 3 : i32
      %mul3A_113 = arith.muli %add3A_111, %mul3A_112 : i32
      %add3A_114 = arith.constant 0 : i32
      %add3A_115 = arith.addi %mul3A_113, %add3A_114 : i32
      %dma_wait3A_116 = arith.constant 0 : i32
      %dma_wait3A_117 = arith.constant 0 : i32
      %dma_wait3A_118 = tpu.memref_slice %arg2[%dma_wait3A_116, %dma_wait3A_117] : memref<10000x128xf32, #tpu.memory_space<hbm>> -> memref<10000x128xf32, #tpu.memory_space<hbm>>
      tpu.wait_indirect_dma semaphore(%arg22 : memref<!tpu.dma_semaphore, #tpu.memory_space<semaphore_mem>>) src(%dma_wait3A_118 : memref<10000x128xf32, #tpu.memory_space<hbm>>) dst(%arg13 : memref<128x128xf32, #tpu.memory_space<vmem>>)
      %dma_wait3A_119 = arith.constant 0 : i32
      %dma_wait3A_120 = tpu.memref_slice %arg4[%mul3A_2, %dma_wait3A_119] : memref<2560x128xi32, #tpu.memory_space<hbm>> -> memref<1x128xi32, #tpu.memory_space<hbm>>
      %dma_wait3A_121 = tpu.memref_squeeze %dma_wait3A_120 : memref<1x128xi32, #tpu.memory_space<hbm>> -> memref<128xi32, #tpu.memory_space<hbm>>
      %dma_wait3A_122 = arith.constant 0 : i32
      %dma_wait3A_123 = tpu.memref_slice %arg4[%mul3A_2, %dma_wait3A_122] : memref<2560x128xi32, #tpu.memory_space<hbm>> -> memref<1x128xi32, #tpu.memory_space<hbm>>
      %dma_wait3A_124 = tpu.memref_squeeze %dma_wait3A_123 : memref<1x128xi32, #tpu.memory_space<hbm>> -> memref<128xi32, #tpu.memory_space<hbm>>
      tpu.wait_dma2 semaphore(%arg19 : memref<!tpu.dma_semaphore, #tpu.memory_space<semaphore_mem>>) src(%dma_wait3A_124 : memref<128xi32, #tpu.memory_space<hbm>>) dst(%arg10 : memref<128xi32, #tpu.memory_space<vmem>>)
      %dma_start3A_125 = arith.constant 0 : i32
      %dma_start3A_126 = arith.constant 0 : i32
      %dma_start3A_127 = tpu.memref_slice %arg28[%dma_start3A_125, %dma_start3A_126] : memref<10112x128xf32, #tpu.memory_space<vmem_shared>> -> memref<10112x128xf32, #tpu.memory_space<vmem_shared>>
      tpu.enqueue_indirect_dma source(%arg13 : memref<128x128xf32, #tpu.memory_space<vmem>>) target(%dma_start3A_127 : memref<10112x128xf32, #tpu.memory_space<vmem_shared>>) offsets(%arg10 : memref<128xi32, #tpu.memory_space<vmem>>) semaphore(%arg25 : memref<!tpu.dma_semaphore, #tpu.memory_space<semaphore_mem>>) {add = true}
      %ge3A = arith.constant 1 : i32
      %ge3A_128 = arith.cmpi sge, %add3A_115, %ge3A : i32
      %convert_element_type3A = arith.extui %ge3A_128 : i1 to i32
      %cond3A = arith.constant 0 : i32
      %cond3A_129 = arith.cmpi ne, %convert_element_type3A, %cond3A : i32
      scf.if %cond3A_129 {
        %dma_wait3A_213 = arith.constant 0 : i32
        %dma_wait3A_214 = arith.constant 0 : i32
        %dma_wait3A_215 = tpu.memref_slice %arg28[%dma_wait3A_213, %dma_wait3A_214] : memref<10112x128xf32, #tpu.memory_space<vmem_shared>> -> memref<10112x128xf32, #tpu.memory_space<vmem_shared>>
        tpu.wait_indirect_dma semaphore(%arg27 : memref<!tpu.dma_semaphore, #tpu.memory_space<semaphore_mem>>) src(%arg15 : memref<128x128xf32, #tpu.memory_space<vmem>>) dst(%dma_wait3A_215 : memref<10112x128xf32, #tpu.memory_space<vmem_shared>>)
      } else {
      }
      %add3A_130 = arith.constant 2 : i32
      %add3A_131 = arith.addi %add3A_115, %add3A_130 : i32
      %lt3A = arith.constant 80 : i32
      %lt3A_132 = arith.cmpi slt, %add3A_131, %lt3A : i32
      %convert_element_type3A_133 = arith.extui %lt3A_132 : i1 to i32
      %cond3A_134 = arith.constant 0 : i32
      %cond3A_135 = arith.cmpi ne, %convert_element_type3A_133, %cond3A_134 : i32
      scf.if %cond3A_135 {
        %dma_wait3A_213 = arith.constant 0 : i32
        %dma_wait3A_214 = tpu.memref_slice %arg3[%mul3A_2, %dma_wait3A_213] : memref<2560x128xi32, #tpu.memory_space<hbm>> -> memref<1x128xi32, #tpu.memory_space<hbm>>
        %dma_wait3A_215 = tpu.memref_squeeze %dma_wait3A_214 : memref<1x128xi32, #tpu.memory_space<hbm>> -> memref<128xi32, #tpu.memory_space<hbm>>
        %dma_wait3A_216 = arith.constant 0 : i32
        %dma_wait3A_217 = tpu.memref_slice %arg3[%mul3A_2, %dma_wait3A_216] : memref<2560x128xi32, #tpu.memory_space<hbm>> -> memref<1x128xi32, #tpu.memory_space<hbm>>
        %dma_wait3A_218 = tpu.memref_squeeze %dma_wait3A_217 : memref<1x128xi32, #tpu.memory_space<hbm>> -> memref<128xi32, #tpu.memory_space<hbm>>
        tpu.wait_dma2 semaphore(%arg18 : memref<!tpu.dma_semaphore, #tpu.memory_space<semaphore_mem>>) src(%dma_wait3A_218 : memref<128xi32, #tpu.memory_space<hbm>>) dst(%arg9 : memref<128xi32, #tpu.memory_space<vmem>>)
        %dma_start3A_219 = arith.constant 0 : i32
        %dma_start3A_220 = arith.constant 0 : i32
        %dma_start3A_221 = tpu.memref_slice %arg2[%dma_start3A_219, %dma_start3A_220] : memref<10000x128xf32, #tpu.memory_space<hbm>> -> memref<10000x128xf32, #tpu.memory_space<hbm>>
        tpu.enqueue_indirect_dma source(%dma_start3A_221 : memref<10000x128xf32, #tpu.memory_space<hbm>>) target(%arg15 : memref<128x128xf32, #tpu.memory_space<vmem>>) offsets(%arg9 : memref<128xi32, #tpu.memory_space<vmem>>) semaphore(%arg24 : memref<!tpu.dma_semaphore, #tpu.memory_space<semaphore_mem>>)
        %add3A_222 = arith.addi %mul3A_2, %add3A_115 : i32
        %add3A_223 = arith.constant 2 : i32
        %add3A_224 = arith.addi %add3A_222, %add3A_223 : i32
        %dma_start3A_225 = arith.constant 0 : i32
        %dma_start3A_226 = tpu.memref_slice %arg4[%add3A_224, %dma_start3A_225] : memref<2560x128xi32, #tpu.memory_space<hbm>> -> memref<1x128xi32, #tpu.memory_space<hbm>>
        %dma_start3A_227 = tpu.memref_squeeze %dma_start3A_226 : memref<1x128xi32, #tpu.memory_space<hbm>> -> memref<128xi32, #tpu.memory_space<hbm>>
        %dma_start3A_228 = arith.constant 0 : i32
        %dma_start3A_229 = tpu.memref_slice %arg4[%add3A_224, %dma_start3A_228] : memref<2560x128xi32, #tpu.memory_space<hbm>> -> memref<1x128xi32, #tpu.memory_space<hbm>>
        %dma_start3A_230 = tpu.memref_squeeze %dma_start3A_229 : memref<1x128xi32, #tpu.memory_space<hbm>> -> memref<128xi32, #tpu.memory_space<hbm>>
        tpu.enqueue_dma source(%dma_start3A_230 : memref<128xi32, #tpu.memory_space<hbm>>) target(%arg12 : memref<128xi32, #tpu.memory_space<vmem>>) target_semaphore(%arg21 : memref<!tpu.dma_semaphore, #tpu.memory_space<semaphore_mem>>)
      } else {
      }
      %add3A_136 = arith.constant 3 : i32
      %add3A_137 = arith.addi %add3A_115, %add3A_136 : i32
      %lt3A_138 = arith.constant 80 : i32
      %lt3A_139 = arith.cmpi slt, %add3A_137, %lt3A_138 : i32
      %convert_element_type3A_140 = arith.extui %lt3A_139 : i1 to i32
      %cond3A_141 = arith.constant 0 : i32
      %cond3A_142 = arith.cmpi ne, %convert_element_type3A_140, %cond3A_141 : i32
      scf.if %cond3A_142 {
        %add3A_213 = arith.addi %mul3A_2, %add3A_115 : i32
        %add3A_214 = arith.constant 3 : i32
        %add3A_215 = arith.addi %add3A_213, %add3A_214 : i32
        %dma_start3A_216 = arith.constant 0 : i32
        %dma_start3A_217 = tpu.memref_slice %arg3[%add3A_215, %dma_start3A_216] : memref<2560x128xi32, #tpu.memory_space<hbm>> -> memref<1x128xi32, #tpu.memory_space<hbm>>
        %dma_start3A_218 = tpu.memref_squeeze %dma_start3A_217 : memref<1x128xi32, #tpu.memory_space<hbm>> -> memref<128xi32, #tpu.memory_space<hbm>>
        %dma_start3A_219 = arith.constant 0 : i32
        %dma_start3A_220 = tpu.memref_slice %arg3[%add3A_215, %dma_start3A_219] : memref<2560x128xi32, #tpu.memory_space<hbm>> -> memref<1x128xi32, #tpu.memory_space<hbm>>
        %dma_start3A_221 = tpu.memref_squeeze %dma_start3A_220 : memref<1x128xi32, #tpu.memory_space<hbm>> -> memref<128xi32, #tpu.memory_space<hbm>>
        tpu.enqueue_dma source(%dma_start3A_221 : memref<128xi32, #tpu.memory_space<hbm>>) target(%arg7 : memref<128xi32, #tpu.memory_space<vmem>>) target_semaphore(%arg16 : memref<!tpu.dma_semaphore, #tpu.memory_space<semaphore_mem>>)
      } else {
      }
      %mul3A_143 = arith.constant 3 : i32
      %mul3A_144 = arith.muli %add3A_111, %mul3A_143 : i32
      %add3A_145 = arith.constant 1 : i32
      %add3A_146 = arith.addi %mul3A_144, %add3A_145 : i32
      %dma_wait3A_147 = arith.constant 0 : i32
      %dma_wait3A_148 = arith.constant 0 : i32
      %dma_wait3A_149 = tpu.memref_slice %arg2[%dma_wait3A_147, %dma_wait3A_148] : memref<10000x128xf32, #tpu.memory_space<hbm>> -> memref<10000x128xf32, #tpu.memory_space<hbm>>
      tpu.wait_indirect_dma semaphore(%arg23 : memref<!tpu.dma_semaphore, #tpu.memory_space<semaphore_mem>>) src(%dma_wait3A_149 : memref<10000x128xf32, #tpu.memory_space<hbm>>) dst(%arg14 : memref<128x128xf32, #tpu.memory_space<vmem>>)
      %dma_wait3A_150 = arith.constant 0 : i32
      %dma_wait3A_151 = tpu.memref_slice %arg4[%mul3A_2, %dma_wait3A_150] : memref<2560x128xi32, #tpu.memory_space<hbm>> -> memref<1x128xi32, #tpu.memory_space<hbm>>
      %dma_wait3A_152 = tpu.memref_squeeze %dma_wait3A_151 : memref<1x128xi32, #tpu.memory_space<hbm>> -> memref<128xi32, #tpu.memory_space<hbm>>
      %dma_wait3A_153 = arith.constant 0 : i32
      %dma_wait3A_154 = tpu.memref_slice %arg4[%mul3A_2, %dma_wait3A_153] : memref<2560x128xi32, #tpu.memory_space<hbm>> -> memref<1x128xi32, #tpu.memory_space<hbm>>
      %dma_wait3A_155 = tpu.memref_squeeze %dma_wait3A_154 : memref<1x128xi32, #tpu.memory_space<hbm>> -> memref<128xi32, #tpu.memory_space<hbm>>
      tpu.wait_dma2 semaphore(%arg20 : memref<!tpu.dma_semaphore, #tpu.memory_space<semaphore_mem>>) src(%dma_wait3A_155 : memref<128xi32, #tpu.memory_space<hbm>>) dst(%arg11 : memref<128xi32, #tpu.memory_space<vmem>>)
      %dma_start3A_156 = arith.constant 0 : i32
      %dma_start3A_157 = arith.constant 0 : i32
      %dma_start3A_158 = tpu.memref_slice %arg28[%dma_start3A_156, %dma_start3A_157] : memref<10112x128xf32, #tpu.memory_space<vmem_shared>> -> memref<10112x128xf32, #tpu.memory_space<vmem_shared>>
      tpu.enqueue_indirect_dma source(%arg14 : memref<128x128xf32, #tpu.memory_space<vmem>>) target(%dma_start3A_158 : memref<10112x128xf32, #tpu.memory_space<vmem_shared>>) offsets(%arg11 : memref<128xi32, #tpu.memory_space<vmem>>) semaphore(%arg26 : memref<!tpu.dma_semaphore, #tpu.memory_space<semaphore_mem>>) {add = true}
      %ge3A_159 = arith.constant 1 : i32
      %ge3A_160 = arith.cmpi sge, %add3A_146, %ge3A_159 : i32
      %convert_element_type3A_161 = arith.extui %ge3A_160 : i1 to i32
      %cond3A_162 = arith.constant 0 : i32
      %cond3A_163 = arith.cmpi ne, %convert_element_type3A_161, %cond3A_162 : i32
      scf.if %cond3A_163 {
        %dma_wait3A_213 = arith.constant 0 : i32
        %dma_wait3A_214 = arith.constant 0 : i32
        %dma_wait3A_215 = tpu.memref_slice %arg28[%dma_wait3A_213, %dma_wait3A_214] : memref<10112x128xf32, #tpu.memory_space<vmem_shared>> -> memref<10112x128xf32, #tpu.memory_space<vmem_shared>>
        tpu.wait_indirect_dma semaphore(%arg25 : memref<!tpu.dma_semaphore, #tpu.memory_space<semaphore_mem>>) src(%arg13 : memref<128x128xf32, #tpu.memory_space<vmem>>) dst(%dma_wait3A_215 : memref<10112x128xf32, #tpu.memory_space<vmem_shared>>)
      } else {
      }
      %add3A_164 = arith.constant 2 : i32
      %add3A_165 = arith.addi %add3A_146, %add3A_164 : i32
      %lt3A_166 = arith.constant 80 : i32
      %lt3A_167 = arith.cmpi slt, %add3A_165, %lt3A_166 : i32
      %convert_element_type3A_168 = arith.extui %lt3A_167 : i1 to i32
      %cond3A_169 = arith.constant 0 : i32
      %cond3A_170 = arith.cmpi ne, %convert_element_type3A_168, %cond3A_169 : i32
      scf.if %cond3A_170 {
        %dma_wait3A_213 = arith.constant 0 : i32
        %dma_wait3A_214 = tpu.memref_slice %arg3[%mul3A_2, %dma_wait3A_213] : memref<2560x128xi32, #tpu.memory_space<hbm>> -> memref<1x128xi32, #tpu.memory_space<hbm>>
        %dma_wait3A_215 = tpu.memref_squeeze %dma_wait3A_214 : memref<1x128xi32, #tpu.memory_space<hbm>> -> memref<128xi32, #tpu.memory_space<hbm>>
        %dma_wait3A_216 = arith.constant 0 : i32
        %dma_wait3A_217 = tpu.memref_slice %arg3[%mul3A_2, %dma_wait3A_216] : memref<2560x128xi32, #tpu.memory_space<hbm>> -> memref<1x128xi32, #tpu.memory_space<hbm>>
        %dma_wait3A_218 = tpu.memref_squeeze %dma_wait3A_217 : memref<1x128xi32, #tpu.memory_space<hbm>> -> memref<128xi32, #tpu.memory_space<hbm>>
        tpu.wait_dma2 semaphore(%arg16 : memref<!tpu.dma_semaphore, #tpu.memory_space<semaphore_mem>>) src(%dma_wait3A_218 : memref<128xi32, #tpu.memory_space<hbm>>) dst(%arg7 : memref<128xi32, #tpu.memory_space<vmem>>)
        %dma_start3A_219 = arith.constant 0 : i32
        %dma_start3A_220 = arith.constant 0 : i32
        %dma_start3A_221 = tpu.memref_slice %arg2[%dma_start3A_219, %dma_start3A_220] : memref<10000x128xf32, #tpu.memory_space<hbm>> -> memref<10000x128xf32, #tpu.memory_space<hbm>>
        tpu.enqueue_indirect_dma source(%dma_start3A_221 : memref<10000x128xf32, #tpu.memory_space<hbm>>) target(%arg13 : memref<128x128xf32, #tpu.memory_space<vmem>>) offsets(%arg7 : memref<128xi32, #tpu.memory_space<vmem>>) semaphore(%arg22 : memref<!tpu.dma_semaphore, #tpu.memory_space<semaphore_mem>>)
        %add3A_222 = arith.addi %mul3A_2, %add3A_146 : i32
        %add3A_223 = arith.constant 2 : i32
        %add3A_224 = arith.addi %add3A_222, %add3A_223 : i32
        %dma_start3A_225 = arith.constant 0 : i32
        %dma_start3A_226 = tpu.memref_slice %arg4[%add3A_224, %dma_start3A_225] : memref<2560x128xi32, #tpu.memory_space<hbm>> -> memref<1x128xi32, #tpu.memory_space<hbm>>
        %dma_start3A_227 = tpu.memref_squeeze %dma_start3A_226 : memref<1x128xi32, #tpu.memory_space<hbm>> -> memref<128xi32, #tpu.memory_space<hbm>>
        %dma_start3A_228 = arith.constant 0 : i32
        %dma_start3A_229 = tpu.memref_slice %arg4[%add3A_224, %dma_start3A_228] : memref<2560x128xi32, #tpu.memory_space<hbm>> -> memref<1x128xi32, #tpu.memory_space<hbm>>
        %dma_start3A_230 = tpu.memref_squeeze %dma_start3A_229 : memref<1x128xi32, #tpu.memory_space<hbm>> -> memref<128xi32, #tpu.memory_space<hbm>>
        tpu.enqueue_dma source(%dma_start3A_230 : memref<128xi32, #tpu.memory_space<hbm>>) target(%arg10 : memref<128xi32, #tpu.memory_space<vmem>>) target_semaphore(%arg19 : memref<!tpu.dma_semaphore, #tpu.memory_space<semaphore_mem>>)
      } else {
      }
      %add3A_171 = arith.constant 3 : i32
      %add3A_172 = arith.addi %add3A_146, %add3A_171 : i32
      %lt3A_173 = arith.constant 80 : i32
      %lt3A_174 = arith.cmpi slt, %add3A_172, %lt3A_173 : i32
      %convert_element_type3A_175 = arith.extui %lt3A_174 : i1 to i32
      %cond3A_176 = arith.constant 0 : i32
      %cond3A_177 = arith.cmpi ne, %convert_element_type3A_175, %cond3A_176 : i32
      scf.if %cond3A_177 {
        %add3A_213 = arith.addi %mul3A_2, %add3A_146 : i32
        %add3A_214 = arith.constant 3 : i32
        %add3A_215 = arith.addi %add3A_213, %add3A_214 : i32
        %dma_start3A_216 = arith.constant 0 : i32
        %dma_start3A_217 = tpu.memref_slice %arg3[%add3A_215, %dma_start3A_216] : memref<2560x128xi32, #tpu.memory_space<hbm>> -> memref<1x128xi32, #tpu.memory_space<hbm>>
        %dma_start3A_218 = tpu.memref_squeeze %dma_start3A_217 : memref<1x128xi32, #tpu.memory_space<hbm>> -> memref<128xi32, #tpu.memory_space<hbm>>
        %dma_start3A_219 = arith.constant 0 : i32
        %dma_start3A_220 = tpu.memref_slice %arg3[%add3A_215, %dma_start3A_219] : memref<2560x128xi32, #tpu.memory_space<hbm>> -> memref<1x128xi32, #tpu.memory_space<hbm>>
        %dma_start3A_221 = tpu.memref_squeeze %dma_start3A_220 : memref<1x128xi32, #tpu.memory_space<hbm>> -> memref<128xi32, #tpu.memory_space<hbm>>
        tpu.enqueue_dma source(%dma_start3A_221 : memref<128xi32, #tpu.memory_space<hbm>>) target(%arg8 : memref<128xi32, #tpu.memory_space<vmem>>) target_semaphore(%arg17 : memref<!tpu.dma_semaphore, #tpu.memory_space<semaphore_mem>>)
      } else {
      }
      %mul3A_178 = arith.constant 3 : i32
      %mul3A_179 = arith.muli %add3A_111, %mul3A_178 : i32
      %add3A_180 = arith.constant 2 : i32
      %add3A_181 = arith.addi %mul3A_179, %add3A_180 : i32
      %dma_wait3A_182 = arith.constant 0 : i32
      %dma_wait3A_183 = arith.constant 0 : i32
      %dma_wait3A_184 = tpu.memref_slice %arg2[%dma_wait3A_182, %dma_wait3A_183] : memref<10000x128xf32, #tpu.memory_space<hbm>> -> memref<10000x128xf32, #tpu.memory_space<hbm>>
      tpu.wait_indirect_dma semaphore(%arg24 : memref<!tpu.dma_semaphore, #tpu.memory_space<semaphore_mem>>) src(%dma_wait3A_184 : memref<10000x128xf32, #tpu.memory_space<hbm>>) dst(%arg15 : memref<128x128xf32, #tpu.memory_space<vmem>>)
      %dma_wait3A_185 = arith.constant 0 : i32
      %dma_wait3A_186 = tpu.memref_slice %arg4[%mul3A_2, %dma_wait3A_185] : memref<2560x128xi32, #tpu.memory_space<hbm>> -> memref<1x128xi32, #tpu.memory_space<hbm>>
      %dma_wait3A_187 = tpu.memref_squeeze %dma_wait3A_186 : memref<1x128xi32, #tpu.memory_space<hbm>> -> memref<128xi32, #tpu.memory_space<hbm>>
      %dma_wait3A_188 = arith.constant 0 : i32
      %dma_wait3A_189 = tpu.memref_slice %arg4[%mul3A_2, %dma_wait3A_188] : memref<2560x128xi32, #tpu.memory_space<hbm>> -> memref<1x128xi32, #tpu.memory_space<hbm>>
      %dma_wait3A_190 = tpu.memref_squeeze %dma_wait3A_189 : memref<1x128xi32, #tpu.memory_space<hbm>> -> memref<128xi32, #tpu.memory_space<hbm>>
      tpu.wait_dma2 semaphore(%arg21 : memref<!tpu.dma_semaphore, #tpu.memory_space<semaphore_mem>>) src(%dma_wait3A_190 : memref<128xi32, #tpu.memory_space<hbm>>) dst(%arg12 : memref<128xi32, #tpu.memory_space<vmem>>)
      %dma_start3A_191 = arith.constant 0 : i32
      %dma_start3A_192 = arith.constant 0 : i32
      %dma_start3A_193 = tpu.memref_slice %arg28[%dma_start3A_191, %dma_start3A_192] : memref<10112x128xf32, #tpu.memory_space<vmem_shared>> -> memref<10112x128xf32, #tpu.memory_space<vmem_shared>>
      tpu.enqueue_indirect_dma source(%arg15 : memref<128x128xf32, #tpu.memory_space<vmem>>) target(%dma_start3A_193 : memref<10112x128xf32, #tpu.memory_space<vmem_shared>>) offsets(%arg12 : memref<128xi32, #tpu.memory_space<vmem>>) semaphore(%arg27 : memref<!tpu.dma_semaphore, #tpu.memory_space<semaphore_mem>>) {add = true}
      %ge3A_194 = arith.constant 1 : i32
      %ge3A_195 = arith.cmpi sge, %add3A_181, %ge3A_194 : i32
      %convert_element_type3A_196 = arith.extui %ge3A_195 : i1 to i32
      %cond3A_197 = arith.constant 0 : i32
      %cond3A_198 = arith.cmpi ne, %convert_element_type3A_196, %cond3A_197 : i32
      scf.if %cond3A_198 {
        %dma_wait3A_213 = arith.constant 0 : i32
        %dma_wait3A_214 = arith.constant 0 : i32
        %dma_wait3A_215 = tpu.memref_slice %arg28[%dma_wait3A_213, %dma_wait3A_214] : memref<10112x128xf32, #tpu.memory_space<vmem_shared>> -> memref<10112x128xf32, #tpu.memory_space<vmem_shared>>
        tpu.wait_indirect_dma semaphore(%arg26 : memref<!tpu.dma_semaphore, #tpu.memory_space<semaphore_mem>>) src(%arg14 : memref<128x128xf32, #tpu.memory_space<vmem>>) dst(%dma_wait3A_215 : memref<10112x128xf32, #tpu.memory_space<vmem_shared>>)
      } else {
      }
      %add3A_199 = arith.constant 2 : i32
      %add3A_200 = arith.addi %add3A_181, %add3A_199 : i32
      %lt3A_201 = arith.constant 80 : i32
      %lt3A_202 = arith.cmpi slt, %add3A_200, %lt3A_201 : i32
      %convert_element_type3A_203 = arith.extui %lt3A_202 : i1 to i32
      %cond3A_204 = arith.constant 0 : i32
      %cond3A_205 = arith.cmpi ne, %convert_element_type3A_203, %cond3A_204 : i32
      scf.if %cond3A_205 {
        %dma_wait3A_213 = arith.constant 0 : i32
        %dma_wait3A_214 = tpu.memref_slice %arg3[%mul3A_2, %dma_wait3A_213] : memref<2560x128xi32, #tpu.memory_space<hbm>> -> memref<1x128xi32, #tpu.memory_space<hbm>>
        %dma_wait3A_215 = tpu.memref_squeeze %dma_wait3A_214 : memref<1x128xi32, #tpu.memory_space<hbm>> -> memref<128xi32, #tpu.memory_space<hbm>>
        %dma_wait3A_216 = arith.constant 0 : i32
        %dma_wait3A_217 = tpu.memref_slice %arg3[%mul3A_2, %dma_wait3A_216] : memref<2560x128xi32, #tpu.memory_space<hbm>> -> memref<1x128xi32, #tpu.memory_space<hbm>>
        %dma_wait3A_218 = tpu.memref_squeeze %dma_wait3A_217 : memref<1x128xi32, #tpu.memory_space<hbm>> -> memref<128xi32, #tpu.memory_space<hbm>>
        tpu.wait_dma2 semaphore(%arg17 : memref<!tpu.dma_semaphore, #tpu.memory_space<semaphore_mem>>) src(%dma_wait3A_218 : memref<128xi32, #tpu.memory_space<hbm>>) dst(%arg8 : memref<128xi32, #tpu.memory_space<vmem>>)
        %dma_start3A_219 = arith.constant 0 : i32
        %dma_start3A_220 = arith.constant 0 : i32
        %dma_start3A_221 = tpu.memref_slice %arg2[%dma_start3A_219, %dma_start3A_220] : memref<10000x128xf32, #tpu.memory_space<hbm>> -> memref<10000x128xf32, #tpu.memory_space<hbm>>
        tpu.enqueue_indirect_dma source(%dma_start3A_221 : memref<10000x128xf32, #tpu.memory_space<hbm>>) target(%arg14 : memref<128x128xf32, #tpu.memory_space<vmem>>) offsets(%arg8 : memref<128xi32, #tpu.memory_space<vmem>>) semaphore(%arg23 : memref<!tpu.dma_semaphore, #tpu.memory_space<semaphore_mem>>)
        %add3A_222 = arith.addi %mul3A_2, %add3A_181 : i32
        %add3A_223 = arith.constant 2 : i32
        %add3A_224 = arith.addi %add3A_222, %add3A_223 : i32
        %dma_start3A_225 = arith.constant 0 : i32
        %dma_start3A_226 = tpu.memref_slice %arg4[%add3A_224, %dma_start3A_225] : memref<2560x128xi32, #tpu.memory_space<hbm>> -> memref<1x128xi32, #tpu.memory_space<hbm>>
        %dma_start3A_227 = tpu.memref_squeeze %dma_start3A_226 : memref<1x128xi32, #tpu.memory_space<hbm>> -> memref<128xi32, #tpu.memory_space<hbm>>
        %dma_start3A_228 = arith.constant 0 : i32
        %dma_start3A_229 = tpu.memref_slice %arg4[%add3A_224, %dma_start3A_228] : memref<2560x128xi32, #tpu.memory_space<hbm>> -> memref<1x128xi32, #tpu.memory_space<hbm>>
        %dma_start3A_230 = tpu.memref_squeeze %dma_start3A_229 : memref<1x128xi32, #tpu.memory_space<hbm>> -> memref<128xi32, #tpu.memory_space<hbm>>
        tpu.enqueue_dma source(%dma_start3A_230 : memref<128xi32, #tpu.memory_space<hbm>>) target(%arg11 : memref<128xi32, #tpu.memory_space<vmem>>) target_semaphore(%arg20 : memref<!tpu.dma_semaphore, #tpu.memory_space<semaphore_mem>>)
      } else {
      }
      %add3A_206 = arith.constant 3 : i32
      %add3A_207 = arith.addi %add3A_181, %add3A_206 : i32
      %lt3A_208 = arith.constant 80 : i32
      %lt3A_209 = arith.cmpi slt, %add3A_207, %lt3A_208 : i32
      %convert_element_type3A_210 = arith.extui %lt3A_209 : i1 to i32
      %cond3A_211 = arith.constant 0 : i32
      %cond3A_212 = arith.cmpi ne, %convert_element_type3A_210, %cond3A_211 : i32
      scf.if %cond3A_212 {
        %add3A_213 = arith.addi %mul3A_2, %add3A_181 : i32
        %add3A_214 = arith.constant 3 : i32
        %add3A_215 = arith.addi %add3A_213, %add3A_214 : i32
        %dma_start3A_216 = arith.constant 0 : i32
        %dma_start3A_217 = tpu.memref_slice %arg3[%add3A_215, %dma_start3A_216] : memref<2560x128xi32, #tpu.memory_space<hbm>> -> memref<1x128xi32, #tpu.memory_space<hbm>>
        %dma_start3A_218 = tpu.memref_squeeze %dma_start3A_217 : memref<1x128xi32, #tpu.memory_space<hbm>> -> memref<128xi32, #tpu.memory_space<hbm>>
        %dma_start3A_219 = arith.constant 0 : i32
        %dma_start3A_220 = tpu.memref_slice %arg3[%add3A_215, %dma_start3A_219] : memref<2560x128xi32, #tpu.memory_space<hbm>> -> memref<1x128xi32, #tpu.memory_space<hbm>>
        %dma_start3A_221 = tpu.memref_squeeze %dma_start3A_220 : memref<1x128xi32, #tpu.memory_space<hbm>> -> memref<128xi32, #tpu.memory_space<hbm>>
        tpu.enqueue_dma source(%dma_start3A_221 : memref<128xi32, #tpu.memory_space<hbm>>) target(%arg9 : memref<128xi32, #tpu.memory_space<vmem>>) target_semaphore(%arg18 : memref<!tpu.dma_semaphore, #tpu.memory_space<semaphore_mem>>)
      } else {
      }
    }
    %scan3A_68 = arith.constant 26 : i32
    %dma_wait3A_69 = arith.constant 0 : i32
    %dma_wait3A_70 = arith.constant 0 : i32
    %dma_wait3A_71 = tpu.memref_slice %arg2[%dma_wait3A_69, %dma_wait3A_70] : memref<10000x128xf32, #tpu.memory_space<hbm>> -> memref<10000x128xf32, #tpu.memory_space<hbm>>
    tpu.wait_indirect_dma semaphore(%arg22 : memref<!tpu.dma_semaphore, #tpu.memory_space<semaphore_mem>>) src(%dma_wait3A_71 : memref<10000x128xf32, #tpu.memory_space<hbm>>) dst(%arg13 : memref<128x128xf32, #tpu.memory_space<vmem>>)
    %dma_wait3A_72 = arith.constant 0 : i32
    %dma_wait3A_73 = tpu.memref_slice %arg4[%mul3A_2, %dma_wait3A_72] : memref<2560x128xi32, #tpu.memory_space<hbm>> -> memref<1x128xi32, #tpu.memory_space<hbm>>
    %dma_wait3A_74 = tpu.memref_squeeze %dma_wait3A_73 : memref<1x128xi32, #tpu.memory_space<hbm>> -> memref<128xi32, #tpu.memory_space<hbm>>
    %dma_wait3A_75 = arith.constant 0 : i32
    %dma_wait3A_76 = tpu.memref_slice %arg4[%mul3A_2, %dma_wait3A_75] : memref<2560x128xi32, #tpu.memory_space<hbm>> -> memref<1x128xi32, #tpu.memory_space<hbm>>
    %dma_wait3A_77 = tpu.memref_squeeze %dma_wait3A_76 : memref<1x128xi32, #tpu.memory_space<hbm>> -> memref<128xi32, #tpu.memory_space<hbm>>
    tpu.wait_dma2 semaphore(%arg19 : memref<!tpu.dma_semaphore, #tpu.memory_space<semaphore_mem>>) src(%dma_wait3A_77 : memref<128xi32, #tpu.memory_space<hbm>>) dst(%arg10 : memref<128xi32, #tpu.memory_space<vmem>>)
    %dma_start3A_78 = arith.constant 0 : i32
    %dma_start3A_79 = arith.constant 0 : i32
    %dma_start3A_80 = tpu.memref_slice %arg28[%dma_start3A_78, %dma_start3A_79] : memref<10112x128xf32, #tpu.memory_space<vmem_shared>> -> memref<10112x128xf32, #tpu.memory_space<vmem_shared>>
    tpu.enqueue_indirect_dma source(%arg13 : memref<128x128xf32, #tpu.memory_space<vmem>>) target(%dma_start3A_80 : memref<10112x128xf32, #tpu.memory_space<vmem_shared>>) offsets(%arg10 : memref<128xi32, #tpu.memory_space<vmem>>) semaphore(%arg25 : memref<!tpu.dma_semaphore, #tpu.memory_space<semaphore_mem>>) {add = true}
    %dma_wait3A_81 = arith.constant 0 : i32
    %dma_wait3A_82 = arith.constant 0 : i32
    %dma_wait3A_83 = tpu.memref_slice %arg28[%dma_wait3A_81, %dma_wait3A_82] : memref<10112x128xf32, #tpu.memory_space<vmem_shared>> -> memref<10112x128xf32, #tpu.memory_space<vmem_shared>>
    tpu.wait_indirect_dma semaphore(%arg27 : memref<!tpu.dma_semaphore, #tpu.memory_space<semaphore_mem>>) src(%arg15 : memref<128x128xf32, #tpu.memory_space<vmem>>) dst(%dma_wait3A_83 : memref<10112x128xf32, #tpu.memory_space<vmem_shared>>)
    %dma_wait3A_84 = arith.constant 0 : i32
    %dma_wait3A_85 = arith.constant 0 : i32
    %dma_wait3A_86 = tpu.memref_slice %arg2[%dma_wait3A_84, %dma_wait3A_85] : memref<10000x128xf32, #tpu.memory_space<hbm>> -> memref<10000x128xf32, #tpu.memory_space<hbm>>
    tpu.wait_indirect_dma semaphore(%arg23 : memref<!tpu.dma_semaphore, #tpu.memory_space<semaphore_mem>>) src(%dma_wait3A_86 : memref<10000x128xf32, #tpu.memory_space<hbm>>) dst(%arg14 : memref<128x128xf32, #tpu.memory_space<vmem>>)
    %dma_wait3A_87 = arith.constant 0 : i32
    %dma_wait3A_88 = tpu.memref_slice %arg4[%mul3A_2, %dma_wait3A_87] : memref<2560x128xi32, #tpu.memory_space<hbm>> -> memref<1x128xi32, #tpu.memory_space<hbm>>
    %dma_wait3A_89 = tpu.memref_squeeze %dma_wait3A_88 : memref<1x128xi32, #tpu.memory_space<hbm>> -> memref<128xi32, #tpu.memory_space<hbm>>
    %dma_wait3A_90 = arith.constant 0 : i32
    %dma_wait3A_91 = tpu.memref_slice %arg4[%mul3A_2, %dma_wait3A_90] : memref<2560x128xi32, #tpu.memory_space<hbm>> -> memref<1x128xi32, #tpu.memory_space<hbm>>
    %dma_wait3A_92 = tpu.memref_squeeze %dma_wait3A_91 : memref<1x128xi32, #tpu.memory_space<hbm>> -> memref<128xi32, #tpu.memory_space<hbm>>
    tpu.wait_dma2 semaphore(%arg20 : memref<!tpu.dma_semaphore, #tpu.memory_space<semaphore_mem>>) src(%dma_wait3A_92 : memref<128xi32, #tpu.memory_space<hbm>>) dst(%arg11 : memref<128xi32, #tpu.memory_space<vmem>>)
    %dma_start3A_93 = arith.constant 0 : i32
    %dma_start3A_94 = arith.constant 0 : i32
    %dma_start3A_95 = tpu.memref_slice %arg28[%dma_start3A_93, %dma_start3A_94] : memref<10112x128xf32, #tpu.memory_space<vmem_shared>> -> memref<10112x128xf32, #tpu.memory_space<vmem_shared>>
    tpu.enqueue_indirect_dma source(%arg14 : memref<128x128xf32, #tpu.memory_space<vmem>>) target(%dma_start3A_95 : memref<10112x128xf32, #tpu.memory_space<vmem_shared>>) offsets(%arg11 : memref<128xi32, #tpu.memory_space<vmem>>) semaphore(%arg26 : memref<!tpu.dma_semaphore, #tpu.memory_space<semaphore_mem>>) {add = true}
    %dma_wait3A_96 = arith.constant 0 : i32
    %dma_wait3A_97 = arith.constant 0 : i32
    %dma_wait3A_98 = tpu.memref_slice %arg28[%dma_wait3A_96, %dma_wait3A_97] : memref<10112x128xf32, #tpu.memory_space<vmem_shared>> -> memref<10112x128xf32, #tpu.memory_space<vmem_shared>>
    tpu.wait_indirect_dma semaphore(%arg25 : memref<!tpu.dma_semaphore, #tpu.memory_space<semaphore_mem>>) src(%arg13 : memref<128x128xf32, #tpu.memory_space<vmem>>) dst(%dma_wait3A_98 : memref<10112x128xf32, #tpu.memory_space<vmem_shared>>)
    %dma_wait3A_99 = arith.constant 0 : i32
    %dma_wait3A_100 = arith.constant 0 : i32
    %dma_wait3A_101 = tpu.memref_slice %arg28[%dma_wait3A_99, %dma_wait3A_100] : memref<10112x128xf32, #tpu.memory_space<vmem_shared>> -> memref<10112x128xf32, #tpu.memory_space<vmem_shared>>
    tpu.wait_indirect_dma semaphore(%arg26 : memref<!tpu.dma_semaphore, #tpu.memory_space<semaphore_mem>>) src(%arg14 : memref<128x128xf32, #tpu.memory_space<vmem>>) dst(%dma_wait3A_101 : memref<10112x128xf32, #tpu.memory_space<vmem_shared>>)
    %barrier3A_102 = arith.constant 0 : index
    tpu.barrier barrier_id(%barrier3A_102)
    %mul3A_103 = arith.constant 632 : i32
    %mul3A_104 = arith.muli %arg1, %mul3A_103 : i32
    %mul3A_105 = arith.constant 632 : i32
    %mul3A_106 = arith.muli %arg1, %mul3A_105 : i32
    "tpu.region"() ({
      %run_scoped3A = tpu.sem_alloc : memref<!tpu.dma_semaphore, #tpu.memory_space<semaphore_mem>>
      %dma_start3A_107 = arith.constant 0 : i32
      %dma_start3A_108 = tpu.memref_slice %arg6[%arg0, %mul3A_106, %dma_start3A_107] : memref<2x10112x128xf32, #tpu.memory_space<hbm>> -> memref<1x632x128xf32, #tpu.memory_space<hbm>>
      %dma_start3A_109 = tpu.memref_squeeze %dma_start3A_108 : memref<1x632x128xf32, #tpu.memory_space<hbm>> -> memref<632x128xf32, #tpu.memory_space<hbm>>
      %dma_start3A_110 = arith.constant 0 : i32
      %dma_start3A_111 = tpu.memref_slice %arg28[%mul3A_104, %dma_start3A_110] : memref<10112x128xf32, #tpu.memory_space<vmem_shared>> -> memref<632x128xf32, #tpu.memory_space<vmem_shared>>
      tpu.enqueue_dma source(%dma_start3A_111 : memref<632x128xf32, #tpu.memory_space<vmem_shared>>) target(%dma_start3A_109 : memref<632x128xf32, #tpu.memory_space<hbm>>) target_semaphore(%run_scoped3A : memref<!tpu.dma_semaphore, #tpu.memory_space<semaphore_mem>>)
      %dma_wait3A_112 = arith.constant 0 : i32
      %dma_wait3A_113 = tpu.memref_slice %arg6[%arg0, %mul3A_106, %dma_wait3A_112] : memref<2x10112x128xf32, #tpu.memory_space<hbm>> -> memref<1x632x128xf32, #tpu.memory_space<hbm>>
      %dma_wait3A_114 = tpu.memref_squeeze %dma_wait3A_113 : memref<1x632x128xf32, #tpu.memory_space<hbm>> -> memref<632x128xf32, #tpu.memory_space<hbm>>
      %dma_wait3A_115 = arith.constant 0 : i32
      %dma_wait3A_116 = tpu.memref_slice %arg28[%mul3A_104, %dma_wait3A_115] : memref<10112x128xf32, #tpu.memory_space<vmem_shared>> -> memref<632x128xf32, #tpu.memory_space<vmem_shared>>
      tpu.wait_dma2 semaphore(%run_scoped3A : memref<!tpu.dma_semaphore, #tpu.memory_space<semaphore_mem>>) src(%dma_wait3A_116 : memref<632x128xf32, #tpu.memory_space<vmem_shared>>) dst(%dma_wait3A_114 : memref<632x128xf32, #tpu.memory_space<hbm>>)
      tpu.yield
    }) : () -> ()
    return
  }
}

#map = affine_map<(d0, d1) -> (0, 0)>
#map1 = affine_map<(d0, d1) -> (0, 0, 0)>
module attributes {stable_mosaic.version = 14 : i64} {
  func.func @_sc_hop(%arg0: i32, %arg1: i32, %arg2: memref<10000x128xf32, #tpu.memory_space<hbm>>, %arg3: memref<2560x128xi32, #tpu.memory_space<hbm>>, %arg4: memref<2560x128xi32, #tpu.memory_space<hbm>>, %arg5: memref<632x128xf32, #tpu.memory_space<hbm>>, %arg6: memref<2x10112x128xf32, #tpu.memory_space<hbm>>, %arg7: memref<128xi32, #tpu.memory_space<vmem>>, %arg8: memref<128xi32, #tpu.memory_space<vmem>>, %arg9: memref<128xi32, #tpu.memory_space<vmem>>, %arg10: memref<128xi32, #tpu.memory_space<vmem>>, %arg11: memref<128xi32, #tpu.memory_space<vmem>>, %arg12: memref<128xi32, #tpu.memory_space<vmem>>, %arg13: memref<128x128xf32, #tpu.memory_space<vmem>>, %arg14: memref<128x128xf32, #tpu.memory_space<vmem>>, %arg15: memref<128x128xf32, #tpu.memory_space<vmem>>, %arg16: memref<!tpu.dma_semaphore, #tpu.memory_space<semaphore_mem>>, %arg17: memref<!tpu.dma_semaphore, #tpu.memory_space<semaphore_mem>>, %arg18: memref<!tpu.dma_semaphore, #tpu.memory_space<semaphore_mem>>, %arg19: memref<!tpu.dma_semaphore, #tpu.memory_space<semaphore_mem>>, %arg20: memref<!tpu.dma_semaphore, #tpu.memory_space<semaphore_mem>>, %arg21: memref<!tpu.dma_semaphore, #tpu.memory_space<semaphore_mem>>, %arg22: memref<!tpu.dma_semaphore, #tpu.memory_space<semaphore_mem>>, %arg23: memref<!tpu.dma_semaphore, #tpu.memory_space<semaphore_mem>>, %arg24: memref<!tpu.dma_semaphore, #tpu.memory_space<semaphore_mem>>, %arg25: memref<!tpu.dma_semaphore, #tpu.memory_space<semaphore_mem>>, %arg26: memref<!tpu.dma_semaphore, #tpu.memory_space<semaphore_mem>>, %arg27: memref<!tpu.dma_semaphore, #tpu.memory_space<semaphore_mem>>, %arg28: memref<10112x128xf32, #tpu.memory_space<vmem_shared>>) attributes {dimension_semantics = [#tpu.dimension_semantics<core_parallel>, #tpu.dimension_semantics<subcore_parallel>], iteration_bounds = array<i64: 2, 16>, scalar_prefetch = 0 : i64, scratch_operands = 22 : i64, tpu.core_type = #tpu.core_type<sc_vector_subcore>, window_params = [{transform_indices = #map}, {transform_indices = #map}, {transform_indices = #map}, {transform_indices = #map}, {transform_indices = #map1}]} {
    %mul3A = arith.constant 16 : i32
    %mul3A_0 = arith.muli %arg0, %mul3A : i32
    %add3A = arith.addi %mul3A_0, %arg1 : i32
    %mul3A_1 = arith.constant 80 : i32
    %mul3A_2 = arith.muli %add3A, %mul3A_1 : i32
    %mul3A_3 = arith.constant 632 : i32
    %mul3A_4 = arith.muli %arg1, %mul3A_3 : i32
    "tpu.region"() ({
      %run_scoped3A = tpu.sem_alloc : memref<!tpu.dma_semaphore, #tpu.memory_space<semaphore_mem>>
      %dma_start3A_107 = arith.constant 0 : i32
      %dma_start3A_108 = tpu.memref_slice %arg28[%mul3A_4, %dma_start3A_107] : memref<10112x128xf32, #tpu.memory_space<vmem_shared>> -> memref<632x128xf32, #tpu.memory_space<vmem_shared>>
      tpu.enqueue_dma source(%arg5 : memref<632x128xf32, #tpu.memory_space<hbm>>) target(%dma_start3A_108 : memref<632x128xf32, #tpu.memory_space<vmem_shared>>) target_semaphore(%run_scoped3A : memref<!tpu.dma_semaphore, #tpu.memory_space<semaphore_mem>>)
      %dma_wait3A_109 = arith.constant 0 : i32
      %dma_wait3A_110 = tpu.memref_slice %arg28[%mul3A_4, %dma_wait3A_109] : memref<10112x128xf32, #tpu.memory_space<vmem_shared>> -> memref<632x128xf32, #tpu.memory_space<vmem_shared>>
      tpu.wait_dma2 semaphore(%run_scoped3A : memref<!tpu.dma_semaphore, #tpu.memory_space<semaphore_mem>>) src(%arg5 : memref<632x128xf32, #tpu.memory_space<hbm>>) dst(%dma_wait3A_110 : memref<632x128xf32, #tpu.memory_space<vmem_shared>>)
      tpu.yield
    }) : () -> ()
    %barrier3A = arith.constant 0 : index
    tpu.barrier barrier_id(%barrier3A)
    %add3A_5 = arith.constant 0 : i32
    %add3A_6 = arith.addi %mul3A_2, %add3A_5 : i32
    %dma_start3A = arith.constant 0 : i32
    %dma_start3A_7 = tpu.memref_slice %arg3[%add3A_6, %dma_start3A] : memref<2560x128xi32, #tpu.memory_space<hbm>> -> memref<1x128xi32, #tpu.memory_space<hbm>>
    %dma_start3A_8 = tpu.memref_squeeze %dma_start3A_7 : memref<1x128xi32, #tpu.memory_space<hbm>> -> memref<128xi32, #tpu.memory_space<hbm>>
    %dma_start3A_9 = arith.constant 0 : i32
    %dma_start3A_10 = tpu.memref_slice %arg3[%add3A_6, %dma_start3A_9] : memref<2560x128xi32, #tpu.memory_space<hbm>> -> memref<1x128xi32, #tpu.memory_space<hbm>>
    %dma_start3A_11 = tpu.memref_squeeze %dma_start3A_10 : memref<1x128xi32, #tpu.memory_space<hbm>> -> memref<128xi32, #tpu.memory_space<hbm>>
    tpu.enqueue_dma source(%dma_start3A_11 : memref<128xi32, #tpu.memory_space<hbm>>) target(%arg7 : memref<128xi32, #tpu.memory_space<vmem>>) target_semaphore(%arg16 : memref<!tpu.dma_semaphore, #tpu.memory_space<semaphore_mem>>)
    %add3A_12 = arith.constant 1 : i32
    %add3A_13 = arith.addi %mul3A_2, %add3A_12 : i32
    %dma_start3A_14 = arith.constant 0 : i32
    %dma_start3A_15 = tpu.memref_slice %arg3[%add3A_13, %dma_start3A_14] : memref<2560x128xi32, #tpu.memory_space<hbm>> -> memref<1x128xi32, #tpu.memory_space<hbm>>
    %dma_start3A_16 = tpu.memref_squeeze %dma_start3A_15 : memref<1x128xi32, #tpu.memory_space<hbm>> -> memref<128xi32, #tpu.memory_space<hbm>>
    %dma_start3A_17 = arith.constant 0 : i32
    %dma_start3A_18 = tpu.memref_slice %arg3[%add3A_13, %dma_start3A_17] : memref<2560x128xi32, #tpu.memory_space<hbm>> -> memref<1x128xi32, #tpu.memory_space<hbm>>
    %dma_start3A_19 = tpu.memref_squeeze %dma_start3A_18 : memref<1x128xi32, #tpu.memory_space<hbm>> -> memref<128xi32, #tpu.memory_space<hbm>>
    tpu.enqueue_dma source(%dma_start3A_19 : memref<128xi32, #tpu.memory_space<hbm>>) target(%arg8 : memref<128xi32, #tpu.memory_space<vmem>>) target_semaphore(%arg17 : memref<!tpu.dma_semaphore, #tpu.memory_space<semaphore_mem>>)
    %add3A_20 = arith.constant 2 : i32
    %add3A_21 = arith.addi %mul3A_2, %add3A_20 : i32
    %dma_start3A_22 = arith.constant 0 : i32
    %dma_start3A_23 = tpu.memref_slice %arg3[%add3A_21, %dma_start3A_22] : memref<2560x128xi32, #tpu.memory_space<hbm>> -> memref<1x128xi32, #tpu.memory_space<hbm>>
    %dma_start3A_24 = tpu.memref_squeeze %dma_start3A_23 : memref<1x128xi32, #tpu.memory_space<hbm>> -> memref<128xi32, #tpu.memory_space<hbm>>
    %dma_start3A_25 = arith.constant 0 : i32
    %dma_start3A_26 = tpu.memref_slice %arg3[%add3A_21, %dma_start3A_25] : memref<2560x128xi32, #tpu.memory_space<hbm>> -> memref<1x128xi32, #tpu.memory_space<hbm>>
    %dma_start3A_27 = tpu.memref_squeeze %dma_start3A_26 : memref<1x128xi32, #tpu.memory_space<hbm>> -> memref<128xi32, #tpu.memory_space<hbm>>
    tpu.enqueue_dma source(%dma_start3A_27 : memref<128xi32, #tpu.memory_space<hbm>>) target(%arg9 : memref<128xi32, #tpu.memory_space<vmem>>) target_semaphore(%arg18 : memref<!tpu.dma_semaphore, #tpu.memory_space<semaphore_mem>>)
    %add3A_28 = arith.constant 0 : i32
    %add3A_29 = arith.addi %mul3A_2, %add3A_28 : i32
    %dma_start3A_30 = arith.constant 0 : i32
    %dma_start3A_31 = tpu.memref_slice %arg4[%add3A_29, %dma_start3A_30] : memref<2560x128xi32, #tpu.memory_space<hbm>> -> memref<1x128xi32, #tpu.memory_space<hbm>>
    %dma_start3A_32 = tpu.memref_squeeze %dma_start3A_31 : memref<1x128xi32, #tpu.memory_space<hbm>> -> memref<128xi32, #tpu.memory_space<hbm>>
    %dma_start3A_33 = arith.constant 0 : i32
    %dma_start3A_34 = tpu.memref_slice %arg4[%add3A_29, %dma_start3A_33] : memref<2560x128xi32, #tpu.memory_space<hbm>> -> memref<1x128xi32, #tpu.memory_space<hbm>>
    %dma_start3A_35 = tpu.memref_squeeze %dma_start3A_34 : memref<1x128xi32, #tpu.memory_space<hbm>> -> memref<128xi32, #tpu.memory_space<hbm>>
    tpu.enqueue_dma source(%dma_start3A_35 : memref<128xi32, #tpu.memory_space<hbm>>) target(%arg10 : memref<128xi32, #tpu.memory_space<vmem>>) target_semaphore(%arg19 : memref<!tpu.dma_semaphore, #tpu.memory_space<semaphore_mem>>)
    %add3A_36 = arith.constant 0 : i32
    %add3A_37 = arith.addi %mul3A_2, %add3A_36 : i32
    %dma_wait3A = arith.constant 0 : i32
    %dma_wait3A_38 = tpu.memref_slice %arg3[%add3A_37, %dma_wait3A] : memref<2560x128xi32, #tpu.memory_space<hbm>> -> memref<1x128xi32, #tpu.memory_space<hbm>>
    %dma_wait3A_39 = tpu.memref_squeeze %dma_wait3A_38 : memref<1x128xi32, #tpu.memory_space<hbm>> -> memref<128xi32, #tpu.memory_space<hbm>>
    %dma_wait3A_40 = arith.constant 0 : i32
    %dma_wait3A_41 = tpu.memref_slice %arg3[%add3A_37, %dma_wait3A_40] : memref<2560x128xi32, #tpu.memory_space<hbm>> -> memref<1x128xi32, #tpu.memory_space<hbm>>
    %dma_wait3A_42 = tpu.memref_squeeze %dma_wait3A_41 : memref<1x128xi32, #tpu.memory_space<hbm>> -> memref<128xi32, #tpu.memory_space<hbm>>
    tpu.wait_dma2 semaphore(%arg16 : memref<!tpu.dma_semaphore, #tpu.memory_space<semaphore_mem>>) src(%dma_wait3A_42 : memref<128xi32, #tpu.memory_space<hbm>>) dst(%arg7 : memref<128xi32, #tpu.memory_space<vmem>>)
    %dma_start3A_43 = arith.constant 0 : i32
    %dma_start3A_44 = arith.constant 0 : i32
    %dma_start3A_45 = tpu.memref_slice %arg2[%dma_start3A_43, %dma_start3A_44] : memref<10000x128xf32, #tpu.memory_space<hbm>> -> memref<10000x128xf32, #tpu.memory_space<hbm>>
    tpu.enqueue_indirect_dma source(%dma_start3A_45 : memref<10000x128xf32, #tpu.memory_space<hbm>>) target(%arg13 : memref<128x128xf32, #tpu.memory_space<vmem>>) offsets(%arg7 : memref<128xi32, #tpu.memory_space<vmem>>) semaphore(%arg22 : memref<!tpu.dma_semaphore, #tpu.memory_space<semaphore_mem>>)
    %add3A_46 = arith.constant 1 : i32
    %add3A_47 = arith.addi %mul3A_2, %add3A_46 : i32
    %dma_start3A_48 = arith.constant 0 : i32
    %dma_start3A_49 = tpu.memref_slice %arg4[%add3A_47, %dma_start3A_48] : memref<2560x128xi32, #tpu.memory_space<hbm>> -> memref<1x128xi32, #tpu.memory_space<hbm>>
    %dma_start3A_50 = tpu.memref_squeeze %dma_start3A_49 : memref<1x128xi32, #tpu.memory_space<hbm>> -> memref<128xi32, #tpu.memory_space<hbm>>
    %dma_start3A_51 = arith.constant 0 : i32
    %dma_start3A_52 = tpu.memref_slice %arg4[%add3A_47, %dma_start3A_51] : memref<2560x128xi32, #tpu.memory_space<hbm>> -> memref<1x128xi32, #tpu.memory_space<hbm>>
    %dma_start3A_53 = tpu.memref_squeeze %dma_start3A_52 : memref<1x128xi32, #tpu.memory_space<hbm>> -> memref<128xi32, #tpu.memory_space<hbm>>
    tpu.enqueue_dma source(%dma_start3A_53 : memref<128xi32, #tpu.memory_space<hbm>>) target(%arg11 : memref<128xi32, #tpu.memory_space<vmem>>) target_semaphore(%arg20 : memref<!tpu.dma_semaphore, #tpu.memory_space<semaphore_mem>>)
    %add3A_54 = arith.constant 1 : i32
    %add3A_55 = arith.addi %mul3A_2, %add3A_54 : i32
    %dma_wait3A_56 = arith.constant 0 : i32
    %dma_wait3A_57 = tpu.memref_slice %arg3[%add3A_55, %dma_wait3A_56] : memref<2560x128xi32, #tpu.memory_space<hbm>> -> memref<1x128xi32, #tpu.memory_space<hbm>>
    %dma_wait3A_58 = tpu.memref_squeeze %dma_wait3A_57 : memref<1x128xi32, #tpu.memory_space<hbm>> -> memref<128xi32, #tpu.memory_space<hbm>>
    %dma_wait3A_59 = arith.constant 0 : i32
    %dma_wait3A_60 = tpu.memref_slice %arg3[%add3A_55, %dma_wait3A_59] : memref<2560x128xi32, #tpu.memory_space<hbm>> -> memref<1x128xi32, #tpu.memory_space<hbm>>
    %dma_wait3A_61 = tpu.memref_squeeze %dma_wait3A_60 : memref<1x128xi32, #tpu.memory_space<hbm>> -> memref<128xi32, #tpu.memory_space<hbm>>
    tpu.wait_dma2 semaphore(%arg17 : memref<!tpu.dma_semaphore, #tpu.memory_space<semaphore_mem>>) src(%dma_wait3A_61 : memref<128xi32, #tpu.memory_space<hbm>>) dst(%arg8 : memref<128xi32, #tpu.memory_space<vmem>>)
    %dma_start3A_62 = arith.constant 0 : i32
    %dma_start3A_63 = arith.constant 0 : i32
    %dma_start3A_64 = tpu.memref_slice %arg2[%dma_start3A_62, %dma_start3A_63] : memref<10000x128xf32, #tpu.memory_space<hbm>> -> memref<10000x128xf32, #tpu.memory_space<hbm>>
    tpu.enqueue_indirect_dma source(%dma_start3A_64 : memref<10000x128xf32, #tpu.memory_space<hbm>>) target(%arg14 : memref<128x128xf32, #tpu.memory_space<vmem>>) offsets(%arg8 : memref<128xi32, #tpu.memory_space<vmem>>) semaphore(%arg23 : memref<!tpu.dma_semaphore, #tpu.memory_space<semaphore_mem>>)
    %scan3A = arith.constant 0 : i32
    %scan3A_65 = arith.constant 26 : i32
    %scan3A_66 = arith.addi %scan3A, %scan3A_65 : i32
    %scan3A_67 = arith.constant 1 : i32
    scf.for %scan3A_107 = %scan3A to %scan3A_66 step %scan3A_67  : i32 {
      %mul3A_108 = arith.constant 1 : i32
      %mul3A_109 = arith.muli %scan3A_107, %mul3A_108 : i32
      %add3A_110 = arith.constant 0 : i32
      %add3A_111 = arith.addi %add3A_110, %mul3A_109 : i32
      %mul3A_112 = arith.constant 3 : i32
      %mul3A_113 = arith.muli %add3A_111, %mul3A_112 : i32
      %add3A_114 = arith.constant 0 : i32
      %add3A_115 = arith.addi %mul3A_113, %add3A_114 : i32
      %dma_wait3A_116 = arith.constant 0 : i32
      %dma_wait3A_117 = arith.constant 0 : i32
      %dma_wait3A_118 = tpu.memref_slice %arg2[%dma_wait3A_116, %dma_wait3A_117] : memref<10000x128xf32, #tpu.memory_space<hbm>> -> memref<10000x128xf32, #tpu.memory_space<hbm>>
      tpu.wait_indirect_dma semaphore(%arg22 : memref<!tpu.dma_semaphore, #tpu.memory_space<semaphore_mem>>) src(%dma_wait3A_118 : memref<10000x128xf32, #tpu.memory_space<hbm>>) dst(%arg13 : memref<128x128xf32, #tpu.memory_space<vmem>>)
      %dma_wait3A_119 = arith.constant 0 : i32
      %dma_wait3A_120 = tpu.memref_slice %arg4[%mul3A_2, %dma_wait3A_119] : memref<2560x128xi32, #tpu.memory_space<hbm>> -> memref<1x128xi32, #tpu.memory_space<hbm>>
      %dma_wait3A_121 = tpu.memref_squeeze %dma_wait3A_120 : memref<1x128xi32, #tpu.memory_space<hbm>> -> memref<128xi32, #tpu.memory_space<hbm>>
      %dma_wait3A_122 = arith.constant 0 : i32
      %dma_wait3A_123 = tpu.memref_slice %arg4[%mul3A_2, %dma_wait3A_122] : memref<2560x128xi32, #tpu.memory_space<hbm>> -> memref<1x128xi32, #tpu.memory_space<hbm>>
      %dma_wait3A_124 = tpu.memref_squeeze %dma_wait3A_123 : memref<1x128xi32, #tpu.memory_space<hbm>> -> memref<128xi32, #tpu.memory_space<hbm>>
      tpu.wait_dma2 semaphore(%arg19 : memref<!tpu.dma_semaphore, #tpu.memory_space<semaphore_mem>>) src(%dma_wait3A_124 : memref<128xi32, #tpu.memory_space<hbm>>) dst(%arg10 : memref<128xi32, #tpu.memory_space<vmem>>)
      %dma_start3A_125 = arith.constant 0 : i32
      %dma_start3A_126 = arith.constant 0 : i32
      %dma_start3A_127 = tpu.memref_slice %arg28[%dma_start3A_125, %dma_start3A_126] : memref<10112x128xf32, #tpu.memory_space<vmem_shared>> -> memref<10112x128xf32, #tpu.memory_space<vmem_shared>>
      tpu.enqueue_indirect_dma source(%arg13 : memref<128x128xf32, #tpu.memory_space<vmem>>) target(%dma_start3A_127 : memref<10112x128xf32, #tpu.memory_space<vmem_shared>>) offsets(%arg10 : memref<128xi32, #tpu.memory_space<vmem>>) semaphore(%arg25 : memref<!tpu.dma_semaphore, #tpu.memory_space<semaphore_mem>>) {add = true}
      %ge3A = arith.constant 1 : i32
      %ge3A_128 = arith.cmpi sge, %add3A_115, %ge3A : i32
      %convert_element_type3A = arith.extui %ge3A_128 : i1 to i32
      %cond3A = arith.constant 0 : i32
      %cond3A_129 = arith.cmpi ne, %convert_element_type3A, %cond3A : i32
      scf.if %cond3A_129 {
        %dma_wait3A_213 = arith.constant 0 : i32
        %dma_wait3A_214 = arith.constant 0 : i32
        %dma_wait3A_215 = tpu.memref_slice %arg28[%dma_wait3A_213, %dma_wait3A_214] : memref<10112x128xf32, #tpu.memory_space<vmem_shared>> -> memref<10112x128xf32, #tpu.memory_space<vmem_shared>>
        tpu.wait_indirect_dma semaphore(%arg27 : memref<!tpu.dma_semaphore, #tpu.memory_space<semaphore_mem>>) src(%arg15 : memref<128x128xf32, #tpu.memory_space<vmem>>) dst(%dma_wait3A_215 : memref<10112x128xf32, #tpu.memory_space<vmem_shared>>)
      } else {
      }
      %add3A_130 = arith.constant 2 : i32
      %add3A_131 = arith.addi %add3A_115, %add3A_130 : i32
      %lt3A = arith.constant 80 : i32
      %lt3A_132 = arith.cmpi slt, %add3A_131, %lt3A : i32
      %convert_element_type3A_133 = arith.extui %lt3A_132 : i1 to i32
      %cond3A_134 = arith.constant 0 : i32
      %cond3A_135 = arith.cmpi ne, %convert_element_type3A_133, %cond3A_134 : i32
      scf.if %cond3A_135 {
        %dma_wait3A_213 = arith.constant 0 : i32
        %dma_wait3A_214 = tpu.memref_slice %arg3[%mul3A_2, %dma_wait3A_213] : memref<2560x128xi32, #tpu.memory_space<hbm>> -> memref<1x128xi32, #tpu.memory_space<hbm>>
        %dma_wait3A_215 = tpu.memref_squeeze %dma_wait3A_214 : memref<1x128xi32, #tpu.memory_space<hbm>> -> memref<128xi32, #tpu.memory_space<hbm>>
        %dma_wait3A_216 = arith.constant 0 : i32
        %dma_wait3A_217 = tpu.memref_slice %arg3[%mul3A_2, %dma_wait3A_216] : memref<2560x128xi32, #tpu.memory_space<hbm>> -> memref<1x128xi32, #tpu.memory_space<hbm>>
        %dma_wait3A_218 = tpu.memref_squeeze %dma_wait3A_217 : memref<1x128xi32, #tpu.memory_space<hbm>> -> memref<128xi32, #tpu.memory_space<hbm>>
        tpu.wait_dma2 semaphore(%arg18 : memref<!tpu.dma_semaphore, #tpu.memory_space<semaphore_mem>>) src(%dma_wait3A_218 : memref<128xi32, #tpu.memory_space<hbm>>) dst(%arg9 : memref<128xi32, #tpu.memory_space<vmem>>)
        %dma_start3A_219 = arith.constant 0 : i32
        %dma_start3A_220 = arith.constant 0 : i32
        %dma_start3A_221 = tpu.memref_slice %arg2[%dma_start3A_219, %dma_start3A_220] : memref<10000x128xf32, #tpu.memory_space<hbm>> -> memref<10000x128xf32, #tpu.memory_space<hbm>>
        tpu.enqueue_indirect_dma source(%dma_start3A_221 : memref<10000x128xf32, #tpu.memory_space<hbm>>) target(%arg15 : memref<128x128xf32, #tpu.memory_space<vmem>>) offsets(%arg9 : memref<128xi32, #tpu.memory_space<vmem>>) semaphore(%arg24 : memref<!tpu.dma_semaphore, #tpu.memory_space<semaphore_mem>>)
        %add3A_222 = arith.addi %mul3A_2, %add3A_115 : i32
        %add3A_223 = arith.constant 2 : i32
        %add3A_224 = arith.addi %add3A_222, %add3A_223 : i32
        %dma_start3A_225 = arith.constant 0 : i32
        %dma_start3A_226 = tpu.memref_slice %arg4[%add3A_224, %dma_start3A_225] : memref<2560x128xi32, #tpu.memory_space<hbm>> -> memref<1x128xi32, #tpu.memory_space<hbm>>
        %dma_start3A_227 = tpu.memref_squeeze %dma_start3A_226 : memref<1x128xi32, #tpu.memory_space<hbm>> -> memref<128xi32, #tpu.memory_space<hbm>>
        %dma_start3A_228 = arith.constant 0 : i32
        %dma_start3A_229 = tpu.memref_slice %arg4[%add3A_224, %dma_start3A_228] : memref<2560x128xi32, #tpu.memory_space<hbm>> -> memref<1x128xi32, #tpu.memory_space<hbm>>
        %dma_start3A_230 = tpu.memref_squeeze %dma_start3A_229 : memref<1x128xi32, #tpu.memory_space<hbm>> -> memref<128xi32, #tpu.memory_space<hbm>>
        tpu.enqueue_dma source(%dma_start3A_230 : memref<128xi32, #tpu.memory_space<hbm>>) target(%arg12 : memref<128xi32, #tpu.memory_space<vmem>>) target_semaphore(%arg21 : memref<!tpu.dma_semaphore, #tpu.memory_space<semaphore_mem>>)
      } else {
      }
      %add3A_136 = arith.constant 3 : i32
      %add3A_137 = arith.addi %add3A_115, %add3A_136 : i32
      %lt3A_138 = arith.constant 80 : i32
      %lt3A_139 = arith.cmpi slt, %add3A_137, %lt3A_138 : i32
      %convert_element_type3A_140 = arith.extui %lt3A_139 : i1 to i32
      %cond3A_141 = arith.constant 0 : i32
      %cond3A_142 = arith.cmpi ne, %convert_element_type3A_140, %cond3A_141 : i32
      scf.if %cond3A_142 {
        %add3A_213 = arith.addi %mul3A_2, %add3A_115 : i32
        %add3A_214 = arith.constant 3 : i32
        %add3A_215 = arith.addi %add3A_213, %add3A_214 : i32
        %dma_start3A_216 = arith.constant 0 : i32
        %dma_start3A_217 = tpu.memref_slice %arg3[%add3A_215, %dma_start3A_216] : memref<2560x128xi32, #tpu.memory_space<hbm>> -> memref<1x128xi32, #tpu.memory_space<hbm>>
        %dma_start3A_218 = tpu.memref_squeeze %dma_start3A_217 : memref<1x128xi32, #tpu.memory_space<hbm>> -> memref<128xi32, #tpu.memory_space<hbm>>
        %dma_start3A_219 = arith.constant 0 : i32
        %dma_start3A_220 = tpu.memref_slice %arg3[%add3A_215, %dma_start3A_219] : memref<2560x128xi32, #tpu.memory_space<hbm>> -> memref<1x128xi32, #tpu.memory_space<hbm>>
        %dma_start3A_221 = tpu.memref_squeeze %dma_start3A_220 : memref<1x128xi32, #tpu.memory_space<hbm>> -> memref<128xi32, #tpu.memory_space<hbm>>
        tpu.enqueue_dma source(%dma_start3A_221 : memref<128xi32, #tpu.memory_space<hbm>>) target(%arg7 : memref<128xi32, #tpu.memory_space<vmem>>) target_semaphore(%arg16 : memref<!tpu.dma_semaphore, #tpu.memory_space<semaphore_mem>>)
      } else {
      }
      %mul3A_143 = arith.constant 3 : i32
      %mul3A_144 = arith.muli %add3A_111, %mul3A_143 : i32
      %add3A_145 = arith.constant 1 : i32
      %add3A_146 = arith.addi %mul3A_144, %add3A_145 : i32
      %dma_wait3A_147 = arith.constant 0 : i32
      %dma_wait3A_148 = arith.constant 0 : i32
      %dma_wait3A_149 = tpu.memref_slice %arg2[%dma_wait3A_147, %dma_wait3A_148] : memref<10000x128xf32, #tpu.memory_space<hbm>> -> memref<10000x128xf32, #tpu.memory_space<hbm>>
      tpu.wait_indirect_dma semaphore(%arg23 : memref<!tpu.dma_semaphore, #tpu.memory_space<semaphore_mem>>) src(%dma_wait3A_149 : memref<10000x128xf32, #tpu.memory_space<hbm>>) dst(%arg14 : memref<128x128xf32, #tpu.memory_space<vmem>>)
      %dma_wait3A_150 = arith.constant 0 : i32
      %dma_wait3A_151 = tpu.memref_slice %arg4[%mul3A_2, %dma_wait3A_150] : memref<2560x128xi32, #tpu.memory_space<hbm>> -> memref<1x128xi32, #tpu.memory_space<hbm>>
      %dma_wait3A_152 = tpu.memref_squeeze %dma_wait3A_151 : memref<1x128xi32, #tpu.memory_space<hbm>> -> memref<128xi32, #tpu.memory_space<hbm>>
      %dma_wait3A_153 = arith.constant 0 : i32
      %dma_wait3A_154 = tpu.memref_slice %arg4[%mul3A_2, %dma_wait3A_153] : memref<2560x128xi32, #tpu.memory_space<hbm>> -> memref<1x128xi32, #tpu.memory_space<hbm>>
      %dma_wait3A_155 = tpu.memref_squeeze %dma_wait3A_154 : memref<1x128xi32, #tpu.memory_space<hbm>> -> memref<128xi32, #tpu.memory_space<hbm>>
      tpu.wait_dma2 semaphore(%arg20 : memref<!tpu.dma_semaphore, #tpu.memory_space<semaphore_mem>>) src(%dma_wait3A_155 : memref<128xi32, #tpu.memory_space<hbm>>) dst(%arg11 : memref<128xi32, #tpu.memory_space<vmem>>)
      %dma_start3A_156 = arith.constant 0 : i32
      %dma_start3A_157 = arith.constant 0 : i32
      %dma_start3A_158 = tpu.memref_slice %arg28[%dma_start3A_156, %dma_start3A_157] : memref<10112x128xf32, #tpu.memory_space<vmem_shared>> -> memref<10112x128xf32, #tpu.memory_space<vmem_shared>>
      tpu.enqueue_indirect_dma source(%arg14 : memref<128x128xf32, #tpu.memory_space<vmem>>) target(%dma_start3A_158 : memref<10112x128xf32, #tpu.memory_space<vmem_shared>>) offsets(%arg11 : memref<128xi32, #tpu.memory_space<vmem>>) semaphore(%arg26 : memref<!tpu.dma_semaphore, #tpu.memory_space<semaphore_mem>>) {add = true}
      %ge3A_159 = arith.constant 1 : i32
      %ge3A_160 = arith.cmpi sge, %add3A_146, %ge3A_159 : i32
      %convert_element_type3A_161 = arith.extui %ge3A_160 : i1 to i32
      %cond3A_162 = arith.constant 0 : i32
      %cond3A_163 = arith.cmpi ne, %convert_element_type3A_161, %cond3A_162 : i32
      scf.if %cond3A_163 {
        %dma_wait3A_213 = arith.constant 0 : i32
        %dma_wait3A_214 = arith.constant 0 : i32
        %dma_wait3A_215 = tpu.memref_slice %arg28[%dma_wait3A_213, %dma_wait3A_214] : memref<10112x128xf32, #tpu.memory_space<vmem_shared>> -> memref<10112x128xf32, #tpu.memory_space<vmem_shared>>
        tpu.wait_indirect_dma semaphore(%arg25 : memref<!tpu.dma_semaphore, #tpu.memory_space<semaphore_mem>>) src(%arg13 : memref<128x128xf32, #tpu.memory_space<vmem>>) dst(%dma_wait3A_215 : memref<10112x128xf32, #tpu.memory_space<vmem_shared>>)
      } else {
      }
      %add3A_164 = arith.constant 2 : i32
      %add3A_165 = arith.addi %add3A_146, %add3A_164 : i32
      %lt3A_166 = arith.constant 80 : i32
      %lt3A_167 = arith.cmpi slt, %add3A_165, %lt3A_166 : i32
      %convert_element_type3A_168 = arith.extui %lt3A_167 : i1 to i32
      %cond3A_169 = arith.constant 0 : i32
      %cond3A_170 = arith.cmpi ne, %convert_element_type3A_168, %cond3A_169 : i32
      scf.if %cond3A_170 {
        %dma_wait3A_213 = arith.constant 0 : i32
        %dma_wait3A_214 = tpu.memref_slice %arg3[%mul3A_2, %dma_wait3A_213] : memref<2560x128xi32, #tpu.memory_space<hbm>> -> memref<1x128xi32, #tpu.memory_space<hbm>>
        %dma_wait3A_215 = tpu.memref_squeeze %dma_wait3A_214 : memref<1x128xi32, #tpu.memory_space<hbm>> -> memref<128xi32, #tpu.memory_space<hbm>>
        %dma_wait3A_216 = arith.constant 0 : i32
        %dma_wait3A_217 = tpu.memref_slice %arg3[%mul3A_2, %dma_wait3A_216] : memref<2560x128xi32, #tpu.memory_space<hbm>> -> memref<1x128xi32, #tpu.memory_space<hbm>>
        %dma_wait3A_218 = tpu.memref_squeeze %dma_wait3A_217 : memref<1x128xi32, #tpu.memory_space<hbm>> -> memref<128xi32, #tpu.memory_space<hbm>>
        tpu.wait_dma2 semaphore(%arg16 : memref<!tpu.dma_semaphore, #tpu.memory_space<semaphore_mem>>) src(%dma_wait3A_218 : memref<128xi32, #tpu.memory_space<hbm>>) dst(%arg7 : memref<128xi32, #tpu.memory_space<vmem>>)
        %dma_start3A_219 = arith.constant 0 : i32
        %dma_start3A_220 = arith.constant 0 : i32
        %dma_start3A_221 = tpu.memref_slice %arg2[%dma_start3A_219, %dma_start3A_220] : memref<10000x128xf32, #tpu.memory_space<hbm>> -> memref<10000x128xf32, #tpu.memory_space<hbm>>
        tpu.enqueue_indirect_dma source(%dma_start3A_221 : memref<10000x128xf32, #tpu.memory_space<hbm>>) target(%arg13 : memref<128x128xf32, #tpu.memory_space<vmem>>) offsets(%arg7 : memref<128xi32, #tpu.memory_space<vmem>>) semaphore(%arg22 : memref<!tpu.dma_semaphore, #tpu.memory_space<semaphore_mem>>)
        %add3A_222 = arith.addi %mul3A_2, %add3A_146 : i32
        %add3A_223 = arith.constant 2 : i32
        %add3A_224 = arith.addi %add3A_222, %add3A_223 : i32
        %dma_start3A_225 = arith.constant 0 : i32
        %dma_start3A_226 = tpu.memref_slice %arg4[%add3A_224, %dma_start3A_225] : memref<2560x128xi32, #tpu.memory_space<hbm>> -> memref<1x128xi32, #tpu.memory_space<hbm>>
        %dma_start3A_227 = tpu.memref_squeeze %dma_start3A_226 : memref<1x128xi32, #tpu.memory_space<hbm>> -> memref<128xi32, #tpu.memory_space<hbm>>
        %dma_start3A_228 = arith.constant 0 : i32
        %dma_start3A_229 = tpu.memref_slice %arg4[%add3A_224, %dma_start3A_228] : memref<2560x128xi32, #tpu.memory_space<hbm>> -> memref<1x128xi32, #tpu.memory_space<hbm>>
        %dma_start3A_230 = tpu.memref_squeeze %dma_start3A_229 : memref<1x128xi32, #tpu.memory_space<hbm>> -> memref<128xi32, #tpu.memory_space<hbm>>
        tpu.enqueue_dma source(%dma_start3A_230 : memref<128xi32, #tpu.memory_space<hbm>>) target(%arg10 : memref<128xi32, #tpu.memory_space<vmem>>) target_semaphore(%arg19 : memref<!tpu.dma_semaphore, #tpu.memory_space<semaphore_mem>>)
      } else {
      }
      %add3A_171 = arith.constant 3 : i32
      %add3A_172 = arith.addi %add3A_146, %add3A_171 : i32
      %lt3A_173 = arith.constant 80 : i32
      %lt3A_174 = arith.cmpi slt, %add3A_172, %lt3A_173 : i32
      %convert_element_type3A_175 = arith.extui %lt3A_174 : i1 to i32
      %cond3A_176 = arith.constant 0 : i32
      %cond3A_177 = arith.cmpi ne, %convert_element_type3A_175, %cond3A_176 : i32
      scf.if %cond3A_177 {
        %add3A_213 = arith.addi %mul3A_2, %add3A_146 : i32
        %add3A_214 = arith.constant 3 : i32
        %add3A_215 = arith.addi %add3A_213, %add3A_214 : i32
        %dma_start3A_216 = arith.constant 0 : i32
        %dma_start3A_217 = tpu.memref_slice %arg3[%add3A_215, %dma_start3A_216] : memref<2560x128xi32, #tpu.memory_space<hbm>> -> memref<1x128xi32, #tpu.memory_space<hbm>>
        %dma_start3A_218 = tpu.memref_squeeze %dma_start3A_217 : memref<1x128xi32, #tpu.memory_space<hbm>> -> memref<128xi32, #tpu.memory_space<hbm>>
        %dma_start3A_219 = arith.constant 0 : i32
        %dma_start3A_220 = tpu.memref_slice %arg3[%add3A_215, %dma_start3A_219] : memref<2560x128xi32, #tpu.memory_space<hbm>> -> memref<1x128xi32, #tpu.memory_space<hbm>>
        %dma_start3A_221 = tpu.memref_squeeze %dma_start3A_220 : memref<1x128xi32, #tpu.memory_space<hbm>> -> memref<128xi32, #tpu.memory_space<hbm>>
        tpu.enqueue_dma source(%dma_start3A_221 : memref<128xi32, #tpu.memory_space<hbm>>) target(%arg8 : memref<128xi32, #tpu.memory_space<vmem>>) target_semaphore(%arg17 : memref<!tpu.dma_semaphore, #tpu.memory_space<semaphore_mem>>)
      } else {
      }
      %mul3A_178 = arith.constant 3 : i32
      %mul3A_179 = arith.muli %add3A_111, %mul3A_178 : i32
      %add3A_180 = arith.constant 2 : i32
      %add3A_181 = arith.addi %mul3A_179, %add3A_180 : i32
      %dma_wait3A_182 = arith.constant 0 : i32
      %dma_wait3A_183 = arith.constant 0 : i32
      %dma_wait3A_184 = tpu.memref_slice %arg2[%dma_wait3A_182, %dma_wait3A_183] : memref<10000x128xf32, #tpu.memory_space<hbm>> -> memref<10000x128xf32, #tpu.memory_space<hbm>>
      tpu.wait_indirect_dma semaphore(%arg24 : memref<!tpu.dma_semaphore, #tpu.memory_space<semaphore_mem>>) src(%dma_wait3A_184 : memref<10000x128xf32, #tpu.memory_space<hbm>>) dst(%arg15 : memref<128x128xf32, #tpu.memory_space<vmem>>)
      %dma_wait3A_185 = arith.constant 0 : i32
      %dma_wait3A_186 = tpu.memref_slice %arg4[%mul3A_2, %dma_wait3A_185] : memref<2560x128xi32, #tpu.memory_space<hbm>> -> memref<1x128xi32, #tpu.memory_space<hbm>>
      %dma_wait3A_187 = tpu.memref_squeeze %dma_wait3A_186 : memref<1x128xi32, #tpu.memory_space<hbm>> -> memref<128xi32, #tpu.memory_space<hbm>>
      %dma_wait3A_188 = arith.constant 0 : i32
      %dma_wait3A_189 = tpu.memref_slice %arg4[%mul3A_2, %dma_wait3A_188] : memref<2560x128xi32, #tpu.memory_space<hbm>> -> memref<1x128xi32, #tpu.memory_space<hbm>>
      %dma_wait3A_190 = tpu.memref_squeeze %dma_wait3A_189 : memref<1x128xi32, #tpu.memory_space<hbm>> -> memref<128xi32, #tpu.memory_space<hbm>>
      tpu.wait_dma2 semaphore(%arg21 : memref<!tpu.dma_semaphore, #tpu.memory_space<semaphore_mem>>) src(%dma_wait3A_190 : memref<128xi32, #tpu.memory_space<hbm>>) dst(%arg12 : memref<128xi32, #tpu.memory_space<vmem>>)
      %dma_start3A_191 = arith.constant 0 : i32
      %dma_start3A_192 = arith.constant 0 : i32
      %dma_start3A_193 = tpu.memref_slice %arg28[%dma_start3A_191, %dma_start3A_192] : memref<10112x128xf32, #tpu.memory_space<vmem_shared>> -> memref<10112x128xf32, #tpu.memory_space<vmem_shared>>
      tpu.enqueue_indirect_dma source(%arg15 : memref<128x128xf32, #tpu.memory_space<vmem>>) target(%dma_start3A_193 : memref<10112x128xf32, #tpu.memory_space<vmem_shared>>) offsets(%arg12 : memref<128xi32, #tpu.memory_space<vmem>>) semaphore(%arg27 : memref<!tpu.dma_semaphore, #tpu.memory_space<semaphore_mem>>) {add = true}
      %ge3A_194 = arith.constant 1 : i32
      %ge3A_195 = arith.cmpi sge, %add3A_181, %ge3A_194 : i32
      %convert_element_type3A_196 = arith.extui %ge3A_195 : i1 to i32
      %cond3A_197 = arith.constant 0 : i32
      %cond3A_198 = arith.cmpi ne, %convert_element_type3A_196, %cond3A_197 : i32
      scf.if %cond3A_198 {
        %dma_wait3A_213 = arith.constant 0 : i32
        %dma_wait3A_214 = arith.constant 0 : i32
        %dma_wait3A_215 = tpu.memref_slice %arg28[%dma_wait3A_213, %dma_wait3A_214] : memref<10112x128xf32, #tpu.memory_space<vmem_shared>> -> memref<10112x128xf32, #tpu.memory_space<vmem_shared>>
        tpu.wait_indirect_dma semaphore(%arg26 : memref<!tpu.dma_semaphore, #tpu.memory_space<semaphore_mem>>) src(%arg14 : memref<128x128xf32, #tpu.memory_space<vmem>>) dst(%dma_wait3A_215 : memref<10112x128xf32, #tpu.memory_space<vmem_shared>>)
      } else {
      }
      %add3A_199 = arith.constant 2 : i32
      %add3A_200 = arith.addi %add3A_181, %add3A_199 : i32
      %lt3A_201 = arith.constant 80 : i32
      %lt3A_202 = arith.cmpi slt, %add3A_200, %lt3A_201 : i32
      %convert_element_type3A_203 = arith.extui %lt3A_202 : i1 to i32
      %cond3A_204 = arith.constant 0 : i32
      %cond3A_205 = arith.cmpi ne, %convert_element_type3A_203, %cond3A_204 : i32
      scf.if %cond3A_205 {
        %dma_wait3A_213 = arith.constant 0 : i32
        %dma_wait3A_214 = tpu.memref_slice %arg3[%mul3A_2, %dma_wait3A_213] : memref<2560x128xi32, #tpu.memory_space<hbm>> -> memref<1x128xi32, #tpu.memory_space<hbm>>
        %dma_wait3A_215 = tpu.memref_squeeze %dma_wait3A_214 : memref<1x128xi32, #tpu.memory_space<hbm>> -> memref<128xi32, #tpu.memory_space<hbm>>
        %dma_wait3A_216 = arith.constant 0 : i32
        %dma_wait3A_217 = tpu.memref_slice %arg3[%mul3A_2, %dma_wait3A_216] : memref<2560x128xi32, #tpu.memory_space<hbm>> -> memref<1x128xi32, #tpu.memory_space<hbm>>
        %dma_wait3A_218 = tpu.memref_squeeze %dma_wait3A_217 : memref<1x128xi32, #tpu.memory_space<hbm>> -> memref<128xi32, #tpu.memory_space<hbm>>
        tpu.wait_dma2 semaphore(%arg17 : memref<!tpu.dma_semaphore, #tpu.memory_space<semaphore_mem>>) src(%dma_wait3A_218 : memref<128xi32, #tpu.memory_space<hbm>>) dst(%arg8 : memref<128xi32, #tpu.memory_space<vmem>>)
        %dma_start3A_219 = arith.constant 0 : i32
        %dma_start3A_220 = arith.constant 0 : i32
        %dma_start3A_221 = tpu.memref_slice %arg2[%dma_start3A_219, %dma_start3A_220] : memref<10000x128xf32, #tpu.memory_space<hbm>> -> memref<10000x128xf32, #tpu.memory_space<hbm>>
        tpu.enqueue_indirect_dma source(%dma_start3A_221 : memref<10000x128xf32, #tpu.memory_space<hbm>>) target(%arg14 : memref<128x128xf32, #tpu.memory_space<vmem>>) offsets(%arg8 : memref<128xi32, #tpu.memory_space<vmem>>) semaphore(%arg23 : memref<!tpu.dma_semaphore, #tpu.memory_space<semaphore_mem>>)
        %add3A_222 = arith.addi %mul3A_2, %add3A_181 : i32
        %add3A_223 = arith.constant 2 : i32
        %add3A_224 = arith.addi %add3A_222, %add3A_223 : i32
        %dma_start3A_225 = arith.constant 0 : i32
        %dma_start3A_226 = tpu.memref_slice %arg4[%add3A_224, %dma_start3A_225] : memref<2560x128xi32, #tpu.memory_space<hbm>> -> memref<1x128xi32, #tpu.memory_space<hbm>>
        %dma_start3A_227 = tpu.memref_squeeze %dma_start3A_226 : memref<1x128xi32, #tpu.memory_space<hbm>> -> memref<128xi32, #tpu.memory_space<hbm>>
        %dma_start3A_228 = arith.constant 0 : i32
        %dma_start3A_229 = tpu.memref_slice %arg4[%add3A_224, %dma_start3A_228] : memref<2560x128xi32, #tpu.memory_space<hbm>> -> memref<1x128xi32, #tpu.memory_space<hbm>>
        %dma_start3A_230 = tpu.memref_squeeze %dma_start3A_229 : memref<1x128xi32, #tpu.memory_space<hbm>> -> memref<128xi32, #tpu.memory_space<hbm>>
        tpu.enqueue_dma source(%dma_start3A_230 : memref<128xi32, #tpu.memory_space<hbm>>) target(%arg11 : memref<128xi32, #tpu.memory_space<vmem>>) target_semaphore(%arg20 : memref<!tpu.dma_semaphore, #tpu.memory_space<semaphore_mem>>)
      } else {
      }
      %add3A_206 = arith.constant 3 : i32
      %add3A_207 = arith.addi %add3A_181, %add3A_206 : i32
      %lt3A_208 = arith.constant 80 : i32
      %lt3A_209 = arith.cmpi slt, %add3A_207, %lt3A_208 : i32
      %convert_element_type3A_210 = arith.extui %lt3A_209 : i1 to i32
      %cond3A_211 = arith.constant 0 : i32
      %cond3A_212 = arith.cmpi ne, %convert_element_type3A_210, %cond3A_211 : i32
      scf.if %cond3A_212 {
        %add3A_213 = arith.addi %mul3A_2, %add3A_181 : i32
        %add3A_214 = arith.constant 3 : i32
        %add3A_215 = arith.addi %add3A_213, %add3A_214 : i32
        %dma_start3A_216 = arith.constant 0 : i32
        %dma_start3A_217 = tpu.memref_slice %arg3[%add3A_215, %dma_start3A_216] : memref<2560x128xi32, #tpu.memory_space<hbm>> -> memref<1x128xi32, #tpu.memory_space<hbm>>
        %dma_start3A_218 = tpu.memref_squeeze %dma_start3A_217 : memref<1x128xi32, #tpu.memory_space<hbm>> -> memref<128xi32, #tpu.memory_space<hbm>>
        %dma_start3A_219 = arith.constant 0 : i32
        %dma_start3A_220 = tpu.memref_slice %arg3[%add3A_215, %dma_start3A_219] : memref<2560x128xi32, #tpu.memory_space<hbm>> -> memref<1x128xi32, #tpu.memory_space<hbm>>
        %dma_start3A_221 = tpu.memref_squeeze %dma_start3A_220 : memref<1x128xi32, #tpu.memory_space<hbm>> -> memref<128xi32, #tpu.memory_space<hbm>>
        tpu.enqueue_dma source(%dma_start3A_221 : memref<128xi32, #tpu.memory_space<hbm>>) target(%arg9 : memref<128xi32, #tpu.memory_space<vmem>>) target_semaphore(%arg18 : memref<!tpu.dma_semaphore, #tpu.memory_space<semaphore_mem>>)
      } else {
      }
    }
    %scan3A_68 = arith.constant 26 : i32
    %dma_wait3A_69 = arith.constant 0 : i32
    %dma_wait3A_70 = arith.constant 0 : i32
    %dma_wait3A_71 = tpu.memref_slice %arg2[%dma_wait3A_69, %dma_wait3A_70] : memref<10000x128xf32, #tpu.memory_space<hbm>> -> memref<10000x128xf32, #tpu.memory_space<hbm>>
    tpu.wait_indirect_dma semaphore(%arg22 : memref<!tpu.dma_semaphore, #tpu.memory_space<semaphore_mem>>) src(%dma_wait3A_71 : memref<10000x128xf32, #tpu.memory_space<hbm>>) dst(%arg13 : memref<128x128xf32, #tpu.memory_space<vmem>>)
    %dma_wait3A_72 = arith.constant 0 : i32
    %dma_wait3A_73 = tpu.memref_slice %arg4[%mul3A_2, %dma_wait3A_72] : memref<2560x128xi32, #tpu.memory_space<hbm>> -> memref<1x128xi32, #tpu.memory_space<hbm>>
    %dma_wait3A_74 = tpu.memref_squeeze %dma_wait3A_73 : memref<1x128xi32, #tpu.memory_space<hbm>> -> memref<128xi32, #tpu.memory_space<hbm>>
    %dma_wait3A_75 = arith.constant 0 : i32
    %dma_wait3A_76 = tpu.memref_slice %arg4[%mul3A_2, %dma_wait3A_75] : memref<2560x128xi32, #tpu.memory_space<hbm>> -> memref<1x128xi32, #tpu.memory_space<hbm>>
    %dma_wait3A_77 = tpu.memref_squeeze %dma_wait3A_76 : memref<1x128xi32, #tpu.memory_space<hbm>> -> memref<128xi32, #tpu.memory_space<hbm>>
    tpu.wait_dma2 semaphore(%arg19 : memref<!tpu.dma_semaphore, #tpu.memory_space<semaphore_mem>>) src(%dma_wait3A_77 : memref<128xi32, #tpu.memory_space<hbm>>) dst(%arg10 : memref<128xi32, #tpu.memory_space<vmem>>)
    %dma_start3A_78 = arith.constant 0 : i32
    %dma_start3A_79 = arith.constant 0 : i32
    %dma_start3A_80 = tpu.memref_slice %arg28[%dma_start3A_78, %dma_start3A_79] : memref<10112x128xf32, #tpu.memory_space<vmem_shared>> -> memref<10112x128xf32, #tpu.memory_space<vmem_shared>>
    tpu.enqueue_indirect_dma source(%arg13 : memref<128x128xf32, #tpu.memory_space<vmem>>) target(%dma_start3A_80 : memref<10112x128xf32, #tpu.memory_space<vmem_shared>>) offsets(%arg10 : memref<128xi32, #tpu.memory_space<vmem>>) semaphore(%arg25 : memref<!tpu.dma_semaphore, #tpu.memory_space<semaphore_mem>>) {add = true}
    %dma_wait3A_81 = arith.constant 0 : i32
    %dma_wait3A_82 = arith.constant 0 : i32
    %dma_wait3A_83 = tpu.memref_slice %arg28[%dma_wait3A_81, %dma_wait3A_82] : memref<10112x128xf32, #tpu.memory_space<vmem_shared>> -> memref<10112x128xf32, #tpu.memory_space<vmem_shared>>
    tpu.wait_indirect_dma semaphore(%arg27 : memref<!tpu.dma_semaphore, #tpu.memory_space<semaphore_mem>>) src(%arg15 : memref<128x128xf32, #tpu.memory_space<vmem>>) dst(%dma_wait3A_83 : memref<10112x128xf32, #tpu.memory_space<vmem_shared>>)
    %dma_wait3A_84 = arith.constant 0 : i32
    %dma_wait3A_85 = arith.constant 0 : i32
    %dma_wait3A_86 = tpu.memref_slice %arg2[%dma_wait3A_84, %dma_wait3A_85] : memref<10000x128xf32, #tpu.memory_space<hbm>> -> memref<10000x128xf32, #tpu.memory_space<hbm>>
    tpu.wait_indirect_dma semaphore(%arg23 : memref<!tpu.dma_semaphore, #tpu.memory_space<semaphore_mem>>) src(%dma_wait3A_86 : memref<10000x128xf32, #tpu.memory_space<hbm>>) dst(%arg14 : memref<128x128xf32, #tpu.memory_space<vmem>>)
    %dma_wait3A_87 = arith.constant 0 : i32
    %dma_wait3A_88 = tpu.memref_slice %arg4[%mul3A_2, %dma_wait3A_87] : memref<2560x128xi32, #tpu.memory_space<hbm>> -> memref<1x128xi32, #tpu.memory_space<hbm>>
    %dma_wait3A_89 = tpu.memref_squeeze %dma_wait3A_88 : memref<1x128xi32, #tpu.memory_space<hbm>> -> memref<128xi32, #tpu.memory_space<hbm>>
    %dma_wait3A_90 = arith.constant 0 : i32
    %dma_wait3A_91 = tpu.memref_slice %arg4[%mul3A_2, %dma_wait3A_90] : memref<2560x128xi32, #tpu.memory_space<hbm>> -> memref<1x128xi32, #tpu.memory_space<hbm>>
    %dma_wait3A_92 = tpu.memref_squeeze %dma_wait3A_91 : memref<1x128xi32, #tpu.memory_space<hbm>> -> memref<128xi32, #tpu.memory_space<hbm>>
    tpu.wait_dma2 semaphore(%arg20 : memref<!tpu.dma_semaphore, #tpu.memory_space<semaphore_mem>>) src(%dma_wait3A_92 : memref<128xi32, #tpu.memory_space<hbm>>) dst(%arg11 : memref<128xi32, #tpu.memory_space<vmem>>)
    %dma_start3A_93 = arith.constant 0 : i32
    %dma_start3A_94 = arith.constant 0 : i32
    %dma_start3A_95 = tpu.memref_slice %arg28[%dma_start3A_93, %dma_start3A_94] : memref<10112x128xf32, #tpu.memory_space<vmem_shared>> -> memref<10112x128xf32, #tpu.memory_space<vmem_shared>>
    tpu.enqueue_indirect_dma source(%arg14 : memref<128x128xf32, #tpu.memory_space<vmem>>) target(%dma_start3A_95 : memref<10112x128xf32, #tpu.memory_space<vmem_shared>>) offsets(%arg11 : memref<128xi32, #tpu.memory_space<vmem>>) semaphore(%arg26 : memref<!tpu.dma_semaphore, #tpu.memory_space<semaphore_mem>>) {add = true}
    %dma_wait3A_96 = arith.constant 0 : i32
    %dma_wait3A_97 = arith.constant 0 : i32
    %dma_wait3A_98 = tpu.memref_slice %arg28[%dma_wait3A_96, %dma_wait3A_97] : memref<10112x128xf32, #tpu.memory_space<vmem_shared>> -> memref<10112x128xf32, #tpu.memory_space<vmem_shared>>
    tpu.wait_indirect_dma semaphore(%arg25 : memref<!tpu.dma_semaphore, #tpu.memory_space<semaphore_mem>>) src(%arg13 : memref<128x128xf32, #tpu.memory_space<vmem>>) dst(%dma_wait3A_98 : memref<10112x128xf32, #tpu.memory_space<vmem_shared>>)
    %dma_wait3A_99 = arith.constant 0 : i32
    %dma_wait3A_100 = arith.constant 0 : i32
    %dma_wait3A_101 = tpu.memref_slice %arg28[%dma_wait3A_99, %dma_wait3A_100] : memref<10112x128xf32, #tpu.memory_space<vmem_shared>> -> memref<10112x128xf32, #tpu.memory_space<vmem_shared>>
    tpu.wait_indirect_dma semaphore(%arg26 : memref<!tpu.dma_semaphore, #tpu.memory_space<semaphore_mem>>) src(%arg14 : memref<128x128xf32, #tpu.memory_space<vmem>>) dst(%dma_wait3A_101 : memref<10112x128xf32, #tpu.memory_space<vmem_shared>>)
    %barrier3A_102 = arith.constant 0 : index
    tpu.barrier barrier_id(%barrier3A_102)
    %mul3A_103 = arith.constant 632 : i32
    %mul3A_104 = arith.muli %arg1, %mul3A_103 : i32
    %mul3A_105 = arith.constant 632 : i32
    %mul3A_106 = arith.muli %arg1, %mul3A_105 : i32
    "tpu.region"() ({
      %run_scoped3A = tpu.sem_alloc : memref<!tpu.dma_semaphore, #tpu.memory_space<semaphore_mem>>
      %dma_start3A_107 = arith.constant 0 : i32
      %dma_start3A_108 = tpu.memref_slice %arg6[%arg0, %mul3A_106, %dma_start3A_107] : memref<2x10112x128xf32, #tpu.memory_space<hbm>> -> memref<1x632x128xf32, #tpu.memory_space<hbm>>
      %dma_start3A_109 = tpu.memref_squeeze %dma_start3A_108 : memref<1x632x128xf32, #tpu.memory_space<hbm>> -> memref<632x128xf32, #tpu.memory_space<hbm>>
      %dma_start3A_110 = arith.constant 0 : i32
      %dma_start3A_111 = tpu.memref_slice %arg28[%mul3A_104, %dma_start3A_110] : memref<10112x128xf32, #tpu.memory_space<vmem_shared>> -> memref<632x128xf32, #tpu.memory_space<vmem_shared>>
      tpu.enqueue_dma source(%dma_start3A_111 : memref<632x128xf32, #tpu.memory_space<vmem_shared>>) target(%dma_start3A_109 : memref<632x128xf32, #tpu.memory_space<hbm>>) target_semaphore(%run_scoped3A : memref<!tpu.dma_semaphore, #tpu.memory_space<semaphore_mem>>)
      %dma_wait3A_112 = arith.constant 0 : i32
      %dma_wait3A_113 = tpu.memref_slice %arg6[%arg0, %mul3A_106, %dma_wait3A_112] : memref<2x10112x128xf32, #tpu.memory_space<hbm>> -> memref<1x632x128xf32, #tpu.memory_space<hbm>>
      %dma_wait3A_114 = tpu.memref_squeeze %dma_wait3A_113 : memref<1x632x128xf32, #tpu.memory_space<hbm>> -> memref<632x128xf32, #tpu.memory_space<hbm>>
      %dma_wait3A_115 = arith.constant 0 : i32
      %dma_wait3A_116 = tpu.memref_slice %arg28[%mul3A_104, %dma_wait3A_115] : memref<10112x128xf32, #tpu.memory_space<vmem_shared>> -> memref<632x128xf32, #tpu.memory_space<vmem_shared>>
      tpu.wait_dma2 semaphore(%run_scoped3A : memref<!tpu.dma_semaphore, #tpu.memory_space<semaphore_mem>>) src(%dma_wait3A_116 : memref<632x128xf32, #tpu.memory_space<vmem_shared>>) dst(%dma_wait3A_114 : memref<632x128xf32, #tpu.memory_space<hbm>>)
      tpu.yield
    }) : () -> ()
    return
  }
}

#map = affine_map<(d0, d1) -> (0, 0)>
#map1 = affine_map<(d0, d1) -> (0, 0, 0)>
module attributes {stable_mosaic.version = 14 : i64} {
  func.func @_sc_hop(%arg0: i32, %arg1: i32, %arg2: memref<10000x128xf32, #tpu.memory_space<hbm>>, %arg3: memref<2560x128xi32, #tpu.memory_space<hbm>>, %arg4: memref<2560x128xi32, #tpu.memory_space<hbm>>, %arg5: memref<632x128xf32, #tpu.memory_space<hbm>>, %arg6: memref<2x10112x128xf32, #tpu.memory_space<hbm>>, %arg7: memref<128xi32, #tpu.memory_space<vmem>>, %arg8: memref<128xi32, #tpu.memory_space<vmem>>, %arg9: memref<128xi32, #tpu.memory_space<vmem>>, %arg10: memref<128xi32, #tpu.memory_space<vmem>>, %arg11: memref<128xi32, #tpu.memory_space<vmem>>, %arg12: memref<128xi32, #tpu.memory_space<vmem>>, %arg13: memref<128x128xf32, #tpu.memory_space<vmem>>, %arg14: memref<128x128xf32, #tpu.memory_space<vmem>>, %arg15: memref<128x128xf32, #tpu.memory_space<vmem>>, %arg16: memref<!tpu.dma_semaphore, #tpu.memory_space<semaphore_mem>>, %arg17: memref<!tpu.dma_semaphore, #tpu.memory_space<semaphore_mem>>, %arg18: memref<!tpu.dma_semaphore, #tpu.memory_space<semaphore_mem>>, %arg19: memref<!tpu.dma_semaphore, #tpu.memory_space<semaphore_mem>>, %arg20: memref<!tpu.dma_semaphore, #tpu.memory_space<semaphore_mem>>, %arg21: memref<!tpu.dma_semaphore, #tpu.memory_space<semaphore_mem>>, %arg22: memref<!tpu.dma_semaphore, #tpu.memory_space<semaphore_mem>>, %arg23: memref<!tpu.dma_semaphore, #tpu.memory_space<semaphore_mem>>, %arg24: memref<!tpu.dma_semaphore, #tpu.memory_space<semaphore_mem>>, %arg25: memref<!tpu.dma_semaphore, #tpu.memory_space<semaphore_mem>>, %arg26: memref<!tpu.dma_semaphore, #tpu.memory_space<semaphore_mem>>, %arg27: memref<!tpu.dma_semaphore, #tpu.memory_space<semaphore_mem>>, %arg28: memref<10112x128xf32, #tpu.memory_space<vmem_shared>>) attributes {dimension_semantics = [#tpu.dimension_semantics<core_parallel>, #tpu.dimension_semantics<subcore_parallel>], iteration_bounds = array<i64: 2, 16>, scalar_prefetch = 0 : i64, scratch_operands = 22 : i64, tpu.core_type = #tpu.core_type<sc_vector_subcore>, window_params = [{transform_indices = #map}, {transform_indices = #map}, {transform_indices = #map}, {transform_indices = #map}, {transform_indices = #map1}]} {
    %mul3A = arith.constant 16 : i32
    %mul3A_0 = arith.muli %arg0, %mul3A : i32
    %add3A = arith.addi %mul3A_0, %arg1 : i32
    %mul3A_1 = arith.constant 80 : i32
    %mul3A_2 = arith.muli %add3A, %mul3A_1 : i32
    %mul3A_3 = arith.constant 632 : i32
    %mul3A_4 = arith.muli %arg1, %mul3A_3 : i32
    "tpu.region"() ({
      %run_scoped3A = tpu.sem_alloc : memref<!tpu.dma_semaphore, #tpu.memory_space<semaphore_mem>>
      %dma_start3A_107 = arith.constant 0 : i32
      %dma_start3A_108 = tpu.memref_slice %arg28[%mul3A_4, %dma_start3A_107] : memref<10112x128xf32, #tpu.memory_space<vmem_shared>> -> memref<632x128xf32, #tpu.memory_space<vmem_shared>>
      tpu.enqueue_dma source(%arg5 : memref<632x128xf32, #tpu.memory_space<hbm>>) target(%dma_start3A_108 : memref<632x128xf32, #tpu.memory_space<vmem_shared>>) target_semaphore(%run_scoped3A : memref<!tpu.dma_semaphore, #tpu.memory_space<semaphore_mem>>)
      %dma_wait3A_109 = arith.constant 0 : i32
      %dma_wait3A_110 = tpu.memref_slice %arg28[%mul3A_4, %dma_wait3A_109] : memref<10112x128xf32, #tpu.memory_space<vmem_shared>> -> memref<632x128xf32, #tpu.memory_space<vmem_shared>>
      tpu.wait_dma2 semaphore(%run_scoped3A : memref<!tpu.dma_semaphore, #tpu.memory_space<semaphore_mem>>) src(%arg5 : memref<632x128xf32, #tpu.memory_space<hbm>>) dst(%dma_wait3A_110 : memref<632x128xf32, #tpu.memory_space<vmem_shared>>)
      tpu.yield
    }) : () -> ()
    %barrier3A = arith.constant 0 : index
    tpu.barrier barrier_id(%barrier3A)
    %add3A_5 = arith.constant 0 : i32
    %add3A_6 = arith.addi %mul3A_2, %add3A_5 : i32
    %dma_start3A = arith.constant 0 : i32
    %dma_start3A_7 = tpu.memref_slice %arg3[%add3A_6, %dma_start3A] : memref<2560x128xi32, #tpu.memory_space<hbm>> -> memref<1x128xi32, #tpu.memory_space<hbm>>
    %dma_start3A_8 = tpu.memref_squeeze %dma_start3A_7 : memref<1x128xi32, #tpu.memory_space<hbm>> -> memref<128xi32, #tpu.memory_space<hbm>>
    %dma_start3A_9 = arith.constant 0 : i32
    %dma_start3A_10 = tpu.memref_slice %arg3[%add3A_6, %dma_start3A_9] : memref<2560x128xi32, #tpu.memory_space<hbm>> -> memref<1x128xi32, #tpu.memory_space<hbm>>
    %dma_start3A_11 = tpu.memref_squeeze %dma_start3A_10 : memref<1x128xi32, #tpu.memory_space<hbm>> -> memref<128xi32, #tpu.memory_space<hbm>>
    tpu.enqueue_dma source(%dma_start3A_11 : memref<128xi32, #tpu.memory_space<hbm>>) target(%arg7 : memref<128xi32, #tpu.memory_space<vmem>>) target_semaphore(%arg16 : memref<!tpu.dma_semaphore, #tpu.memory_space<semaphore_mem>>)
    %add3A_12 = arith.constant 1 : i32
    %add3A_13 = arith.addi %mul3A_2, %add3A_12 : i32
    %dma_start3A_14 = arith.constant 0 : i32
    %dma_start3A_15 = tpu.memref_slice %arg3[%add3A_13, %dma_start3A_14] : memref<2560x128xi32, #tpu.memory_space<hbm>> -> memref<1x128xi32, #tpu.memory_space<hbm>>
    %dma_start3A_16 = tpu.memref_squeeze %dma_start3A_15 : memref<1x128xi32, #tpu.memory_space<hbm>> -> memref<128xi32, #tpu.memory_space<hbm>>
    %dma_start3A_17 = arith.constant 0 : i32
    %dma_start3A_18 = tpu.memref_slice %arg3[%add3A_13, %dma_start3A_17] : memref<2560x128xi32, #tpu.memory_space<hbm>> -> memref<1x128xi32, #tpu.memory_space<hbm>>
    %dma_start3A_19 = tpu.memref_squeeze %dma_start3A_18 : memref<1x128xi32, #tpu.memory_space<hbm>> -> memref<128xi32, #tpu.memory_space<hbm>>
    tpu.enqueue_dma source(%dma_start3A_19 : memref<128xi32, #tpu.memory_space<hbm>>) target(%arg8 : memref<128xi32, #tpu.memory_space<vmem>>) target_semaphore(%arg17 : memref<!tpu.dma_semaphore, #tpu.memory_space<semaphore_mem>>)
    %add3A_20 = arith.constant 2 : i32
    %add3A_21 = arith.addi %mul3A_2, %add3A_20 : i32
    %dma_start3A_22 = arith.constant 0 : i32
    %dma_start3A_23 = tpu.memref_slice %arg3[%add3A_21, %dma_start3A_22] : memref<2560x128xi32, #tpu.memory_space<hbm>> -> memref<1x128xi32, #tpu.memory_space<hbm>>
    %dma_start3A_24 = tpu.memref_squeeze %dma_start3A_23 : memref<1x128xi32, #tpu.memory_space<hbm>> -> memref<128xi32, #tpu.memory_space<hbm>>
    %dma_start3A_25 = arith.constant 0 : i32
    %dma_start3A_26 = tpu.memref_slice %arg3[%add3A_21, %dma_start3A_25] : memref<2560x128xi32, #tpu.memory_space<hbm>> -> memref<1x128xi32, #tpu.memory_space<hbm>>
    %dma_start3A_27 = tpu.memref_squeeze %dma_start3A_26 : memref<1x128xi32, #tpu.memory_space<hbm>> -> memref<128xi32, #tpu.memory_space<hbm>>
    tpu.enqueue_dma source(%dma_start3A_27 : memref<128xi32, #tpu.memory_space<hbm>>) target(%arg9 : memref<128xi32, #tpu.memory_space<vmem>>) target_semaphore(%arg18 : memref<!tpu.dma_semaphore, #tpu.memory_space<semaphore_mem>>)
    %add3A_28 = arith.constant 0 : i32
    %add3A_29 = arith.addi %mul3A_2, %add3A_28 : i32
    %dma_start3A_30 = arith.constant 0 : i32
    %dma_start3A_31 = tpu.memref_slice %arg4[%add3A_29, %dma_start3A_30] : memref<2560x128xi32, #tpu.memory_space<hbm>> -> memref<1x128xi32, #tpu.memory_space<hbm>>
    %dma_start3A_32 = tpu.memref_squeeze %dma_start3A_31 : memref<1x128xi32, #tpu.memory_space<hbm>> -> memref<128xi32, #tpu.memory_space<hbm>>
    %dma_start3A_33 = arith.constant 0 : i32
    %dma_start3A_34 = tpu.memref_slice %arg4[%add3A_29, %dma_start3A_33] : memref<2560x128xi32, #tpu.memory_space<hbm>> -> memref<1x128xi32, #tpu.memory_space<hbm>>
    %dma_start3A_35 = tpu.memref_squeeze %dma_start3A_34 : memref<1x128xi32, #tpu.memory_space<hbm>> -> memref<128xi32, #tpu.memory_space<hbm>>
    tpu.enqueue_dma source(%dma_start3A_35 : memref<128xi32, #tpu.memory_space<hbm>>) target(%arg10 : memref<128xi32, #tpu.memory_space<vmem>>) target_semaphore(%arg19 : memref<!tpu.dma_semaphore, #tpu.memory_space<semaphore_mem>>)
    %add3A_36 = arith.constant 0 : i32
    %add3A_37 = arith.addi %mul3A_2, %add3A_36 : i32
    %dma_wait3A = arith.constant 0 : i32
    %dma_wait3A_38 = tpu.memref_slice %arg3[%add3A_37, %dma_wait3A] : memref<2560x128xi32, #tpu.memory_space<hbm>> -> memref<1x128xi32, #tpu.memory_space<hbm>>
    %dma_wait3A_39 = tpu.memref_squeeze %dma_wait3A_38 : memref<1x128xi32, #tpu.memory_space<hbm>> -> memref<128xi32, #tpu.memory_space<hbm>>
    %dma_wait3A_40 = arith.constant 0 : i32
    %dma_wait3A_41 = tpu.memref_slice %arg3[%add3A_37, %dma_wait3A_40] : memref<2560x128xi32, #tpu.memory_space<hbm>> -> memref<1x128xi32, #tpu.memory_space<hbm>>
    %dma_wait3A_42 = tpu.memref_squeeze %dma_wait3A_41 : memref<1x128xi32, #tpu.memory_space<hbm>> -> memref<128xi32, #tpu.memory_space<hbm>>
    tpu.wait_dma2 semaphore(%arg16 : memref<!tpu.dma_semaphore, #tpu.memory_space<semaphore_mem>>) src(%dma_wait3A_42 : memref<128xi32, #tpu.memory_space<hbm>>) dst(%arg7 : memref<128xi32, #tpu.memory_space<vmem>>)
    %dma_start3A_43 = arith.constant 0 : i32
    %dma_start3A_44 = arith.constant 0 : i32
    %dma_start3A_45 = tpu.memref_slice %arg2[%dma_start3A_43, %dma_start3A_44] : memref<10000x128xf32, #tpu.memory_space<hbm>> -> memref<10000x128xf32, #tpu.memory_space<hbm>>
    tpu.enqueue_indirect_dma source(%dma_start3A_45 : memref<10000x128xf32, #tpu.memory_space<hbm>>) target(%arg13 : memref<128x128xf32, #tpu.memory_space<vmem>>) offsets(%arg7 : memref<128xi32, #tpu.memory_space<vmem>>) semaphore(%arg22 : memref<!tpu.dma_semaphore, #tpu.memory_space<semaphore_mem>>)
    %add3A_46 = arith.constant 1 : i32
    %add3A_47 = arith.addi %mul3A_2, %add3A_46 : i32
    %dma_start3A_48 = arith.constant 0 : i32
    %dma_start3A_49 = tpu.memref_slice %arg4[%add3A_47, %dma_start3A_48] : memref<2560x128xi32, #tpu.memory_space<hbm>> -> memref<1x128xi32, #tpu.memory_space<hbm>>
    %dma_start3A_50 = tpu.memref_squeeze %dma_start3A_49 : memref<1x128xi32, #tpu.memory_space<hbm>> -> memref<128xi32, #tpu.memory_space<hbm>>
    %dma_start3A_51 = arith.constant 0 : i32
    %dma_start3A_52 = tpu.memref_slice %arg4[%add3A_47, %dma_start3A_51] : memref<2560x128xi32, #tpu.memory_space<hbm>> -> memref<1x128xi32, #tpu.memory_space<hbm>>
    %dma_start3A_53 = tpu.memref_squeeze %dma_start3A_52 : memref<1x128xi32, #tpu.memory_space<hbm>> -> memref<128xi32, #tpu.memory_space<hbm>>
    tpu.enqueue_dma source(%dma_start3A_53 : memref<128xi32, #tpu.memory_space<hbm>>) target(%arg11 : memref<128xi32, #tpu.memory_space<vmem>>) target_semaphore(%arg20 : memref<!tpu.dma_semaphore, #tpu.memory_space<semaphore_mem>>)
    %add3A_54 = arith.constant 1 : i32
    %add3A_55 = arith.addi %mul3A_2, %add3A_54 : i32
    %dma_wait3A_56 = arith.constant 0 : i32
    %dma_wait3A_57 = tpu.memref_slice %arg3[%add3A_55, %dma_wait3A_56] : memref<2560x128xi32, #tpu.memory_space<hbm>> -> memref<1x128xi32, #tpu.memory_space<hbm>>
    %dma_wait3A_58 = tpu.memref_squeeze %dma_wait3A_57 : memref<1x128xi32, #tpu.memory_space<hbm>> -> memref<128xi32, #tpu.memory_space<hbm>>
    %dma_wait3A_59 = arith.constant 0 : i32
    %dma_wait3A_60 = tpu.memref_slice %arg3[%add3A_55, %dma_wait3A_59] : memref<2560x128xi32, #tpu.memory_space<hbm>> -> memref<1x128xi32, #tpu.memory_space<hbm>>
    %dma_wait3A_61 = tpu.memref_squeeze %dma_wait3A_60 : memref<1x128xi32, #tpu.memory_space<hbm>> -> memref<128xi32, #tpu.memory_space<hbm>>
    tpu.wait_dma2 semaphore(%arg17 : memref<!tpu.dma_semaphore, #tpu.memory_space<semaphore_mem>>) src(%dma_wait3A_61 : memref<128xi32, #tpu.memory_space<hbm>>) dst(%arg8 : memref<128xi32, #tpu.memory_space<vmem>>)
    %dma_start3A_62 = arith.constant 0 : i32
    %dma_start3A_63 = arith.constant 0 : i32
    %dma_start3A_64 = tpu.memref_slice %arg2[%dma_start3A_62, %dma_start3A_63] : memref<10000x128xf32, #tpu.memory_space<hbm>> -> memref<10000x128xf32, #tpu.memory_space<hbm>>
    tpu.enqueue_indirect_dma source(%dma_start3A_64 : memref<10000x128xf32, #tpu.memory_space<hbm>>) target(%arg14 : memref<128x128xf32, #tpu.memory_space<vmem>>) offsets(%arg8 : memref<128xi32, #tpu.memory_space<vmem>>) semaphore(%arg23 : memref<!tpu.dma_semaphore, #tpu.memory_space<semaphore_mem>>)
    %scan3A = arith.constant 0 : i32
    %scan3A_65 = arith.constant 26 : i32
    %scan3A_66 = arith.addi %scan3A, %scan3A_65 : i32
    %scan3A_67 = arith.constant 1 : i32
    scf.for %scan3A_107 = %scan3A to %scan3A_66 step %scan3A_67  : i32 {
      %mul3A_108 = arith.constant 1 : i32
      %mul3A_109 = arith.muli %scan3A_107, %mul3A_108 : i32
      %add3A_110 = arith.constant 0 : i32
      %add3A_111 = arith.addi %add3A_110, %mul3A_109 : i32
      %mul3A_112 = arith.constant 3 : i32
      %mul3A_113 = arith.muli %add3A_111, %mul3A_112 : i32
      %add3A_114 = arith.constant 0 : i32
      %add3A_115 = arith.addi %mul3A_113, %add3A_114 : i32
      %dma_wait3A_116 = arith.constant 0 : i32
      %dma_wait3A_117 = arith.constant 0 : i32
      %dma_wait3A_118 = tpu.memref_slice %arg2[%dma_wait3A_116, %dma_wait3A_117] : memref<10000x128xf32, #tpu.memory_space<hbm>> -> memref<10000x128xf32, #tpu.memory_space<hbm>>
      tpu.wait_indirect_dma semaphore(%arg22 : memref<!tpu.dma_semaphore, #tpu.memory_space<semaphore_mem>>) src(%dma_wait3A_118 : memref<10000x128xf32, #tpu.memory_space<hbm>>) dst(%arg13 : memref<128x128xf32, #tpu.memory_space<vmem>>)
      %dma_wait3A_119 = arith.constant 0 : i32
      %dma_wait3A_120 = tpu.memref_slice %arg4[%mul3A_2, %dma_wait3A_119] : memref<2560x128xi32, #tpu.memory_space<hbm>> -> memref<1x128xi32, #tpu.memory_space<hbm>>
      %dma_wait3A_121 = tpu.memref_squeeze %dma_wait3A_120 : memref<1x128xi32, #tpu.memory_space<hbm>> -> memref<128xi32, #tpu.memory_space<hbm>>
      %dma_wait3A_122 = arith.constant 0 : i32
      %dma_wait3A_123 = tpu.memref_slice %arg4[%mul3A_2, %dma_wait3A_122] : memref<2560x128xi32, #tpu.memory_space<hbm>> -> memref<1x128xi32, #tpu.memory_space<hbm>>
      %dma_wait3A_124 = tpu.memref_squeeze %dma_wait3A_123 : memref<1x128xi32, #tpu.memory_space<hbm>> -> memref<128xi32, #tpu.memory_space<hbm>>
      tpu.wait_dma2 semaphore(%arg19 : memref<!tpu.dma_semaphore, #tpu.memory_space<semaphore_mem>>) src(%dma_wait3A_124 : memref<128xi32, #tpu.memory_space<hbm>>) dst(%arg10 : memref<128xi32, #tpu.memory_space<vmem>>)
      %dma_start3A_125 = arith.constant 0 : i32
      %dma_start3A_126 = arith.constant 0 : i32
      %dma_start3A_127 = tpu.memref_slice %arg28[%dma_start3A_125, %dma_start3A_126] : memref<10112x128xf32, #tpu.memory_space<vmem_shared>> -> memref<10112x128xf32, #tpu.memory_space<vmem_shared>>
      tpu.enqueue_indirect_dma source(%arg13 : memref<128x128xf32, #tpu.memory_space<vmem>>) target(%dma_start3A_127 : memref<10112x128xf32, #tpu.memory_space<vmem_shared>>) offsets(%arg10 : memref<128xi32, #tpu.memory_space<vmem>>) semaphore(%arg25 : memref<!tpu.dma_semaphore, #tpu.memory_space<semaphore_mem>>) {add = true}
      %ge3A = arith.constant 1 : i32
      %ge3A_128 = arith.cmpi sge, %add3A_115, %ge3A : i32
      %convert_element_type3A = arith.extui %ge3A_128 : i1 to i32
      %cond3A = arith.constant 0 : i32
      %cond3A_129 = arith.cmpi ne, %convert_element_type3A, %cond3A : i32
      scf.if %cond3A_129 {
        %dma_wait3A_213 = arith.constant 0 : i32
        %dma_wait3A_214 = arith.constant 0 : i32
        %dma_wait3A_215 = tpu.memref_slice %arg28[%dma_wait3A_213, %dma_wait3A_214] : memref<10112x128xf32, #tpu.memory_space<vmem_shared>> -> memref<10112x128xf32, #tpu.memory_space<vmem_shared>>
        tpu.wait_indirect_dma semaphore(%arg27 : memref<!tpu.dma_semaphore, #tpu.memory_space<semaphore_mem>>) src(%arg15 : memref<128x128xf32, #tpu.memory_space<vmem>>) dst(%dma_wait3A_215 : memref<10112x128xf32, #tpu.memory_space<vmem_shared>>)
      } else {
      }
      %add3A_130 = arith.constant 2 : i32
      %add3A_131 = arith.addi %add3A_115, %add3A_130 : i32
      %lt3A = arith.constant 80 : i32
      %lt3A_132 = arith.cmpi slt, %add3A_131, %lt3A : i32
      %convert_element_type3A_133 = arith.extui %lt3A_132 : i1 to i32
      %cond3A_134 = arith.constant 0 : i32
      %cond3A_135 = arith.cmpi ne, %convert_element_type3A_133, %cond3A_134 : i32
      scf.if %cond3A_135 {
        %dma_wait3A_213 = arith.constant 0 : i32
        %dma_wait3A_214 = tpu.memref_slice %arg3[%mul3A_2, %dma_wait3A_213] : memref<2560x128xi32, #tpu.memory_space<hbm>> -> memref<1x128xi32, #tpu.memory_space<hbm>>
        %dma_wait3A_215 = tpu.memref_squeeze %dma_wait3A_214 : memref<1x128xi32, #tpu.memory_space<hbm>> -> memref<128xi32, #tpu.memory_space<hbm>>
        %dma_wait3A_216 = arith.constant 0 : i32
        %dma_wait3A_217 = tpu.memref_slice %arg3[%mul3A_2, %dma_wait3A_216] : memref<2560x128xi32, #tpu.memory_space<hbm>> -> memref<1x128xi32, #tpu.memory_space<hbm>>
        %dma_wait3A_218 = tpu.memref_squeeze %dma_wait3A_217 : memref<1x128xi32, #tpu.memory_space<hbm>> -> memref<128xi32, #tpu.memory_space<hbm>>
        tpu.wait_dma2 semaphore(%arg18 : memref<!tpu.dma_semaphore, #tpu.memory_space<semaphore_mem>>) src(%dma_wait3A_218 : memref<128xi32, #tpu.memory_space<hbm>>) dst(%arg9 : memref<128xi32, #tpu.memory_space<vmem>>)
        %dma_start3A_219 = arith.constant 0 : i32
        %dma_start3A_220 = arith.constant 0 : i32
        %dma_start3A_221 = tpu.memref_slice %arg2[%dma_start3A_219, %dma_start3A_220] : memref<10000x128xf32, #tpu.memory_space<hbm>> -> memref<10000x128xf32, #tpu.memory_space<hbm>>
        tpu.enqueue_indirect_dma source(%dma_start3A_221 : memref<10000x128xf32, #tpu.memory_space<hbm>>) target(%arg15 : memref<128x128xf32, #tpu.memory_space<vmem>>) offsets(%arg9 : memref<128xi32, #tpu.memory_space<vmem>>) semaphore(%arg24 : memref<!tpu.dma_semaphore, #tpu.memory_space<semaphore_mem>>)
        %add3A_222 = arith.addi %mul3A_2, %add3A_115 : i32
        %add3A_223 = arith.constant 2 : i32
        %add3A_224 = arith.addi %add3A_222, %add3A_223 : i32
        %dma_start3A_225 = arith.constant 0 : i32
        %dma_start3A_226 = tpu.memref_slice %arg4[%add3A_224, %dma_start3A_225] : memref<2560x128xi32, #tpu.memory_space<hbm>> -> memref<1x128xi32, #tpu.memory_space<hbm>>
        %dma_start3A_227 = tpu.memref_squeeze %dma_start3A_226 : memref<1x128xi32, #tpu.memory_space<hbm>> -> memref<128xi32, #tpu.memory_space<hbm>>
        %dma_start3A_228 = arith.constant 0 : i32
        %dma_start3A_229 = tpu.memref_slice %arg4[%add3A_224, %dma_start3A_228] : memref<2560x128xi32, #tpu.memory_space<hbm>> -> memref<1x128xi32, #tpu.memory_space<hbm>>
        %dma_start3A_230 = tpu.memref_squeeze %dma_start3A_229 : memref<1x128xi32, #tpu.memory_space<hbm>> -> memref<128xi32, #tpu.memory_space<hbm>>
        tpu.enqueue_dma source(%dma_start3A_230 : memref<128xi32, #tpu.memory_space<hbm>>) target(%arg12 : memref<128xi32, #tpu.memory_space<vmem>>) target_semaphore(%arg21 : memref<!tpu.dma_semaphore, #tpu.memory_space<semaphore_mem>>)
      } else {
      }
      %add3A_136 = arith.constant 3 : i32
      %add3A_137 = arith.addi %add3A_115, %add3A_136 : i32
      %lt3A_138 = arith.constant 80 : i32
      %lt3A_139 = arith.cmpi slt, %add3A_137, %lt3A_138 : i32
      %convert_element_type3A_140 = arith.extui %lt3A_139 : i1 to i32
      %cond3A_141 = arith.constant 0 : i32
      %cond3A_142 = arith.cmpi ne, %convert_element_type3A_140, %cond3A_141 : i32
      scf.if %cond3A_142 {
        %add3A_213 = arith.addi %mul3A_2, %add3A_115 : i32
        %add3A_214 = arith.constant 3 : i32
        %add3A_215 = arith.addi %add3A_213, %add3A_214 : i32
        %dma_start3A_216 = arith.constant 0 : i32
        %dma_start3A_217 = tpu.memref_slice %arg3[%add3A_215, %dma_start3A_216] : memref<2560x128xi32, #tpu.memory_space<hbm>> -> memref<1x128xi32, #tpu.memory_space<hbm>>
        %dma_start3A_218 = tpu.memref_squeeze %dma_start3A_217 : memref<1x128xi32, #tpu.memory_space<hbm>> -> memref<128xi32, #tpu.memory_space<hbm>>
        %dma_start3A_219 = arith.constant 0 : i32
        %dma_start3A_220 = tpu.memref_slice %arg3[%add3A_215, %dma_start3A_219] : memref<2560x128xi32, #tpu.memory_space<hbm>> -> memref<1x128xi32, #tpu.memory_space<hbm>>
        %dma_start3A_221 = tpu.memref_squeeze %dma_start3A_220 : memref<1x128xi32, #tpu.memory_space<hbm>> -> memref<128xi32, #tpu.memory_space<hbm>>
        tpu.enqueue_dma source(%dma_start3A_221 : memref<128xi32, #tpu.memory_space<hbm>>) target(%arg7 : memref<128xi32, #tpu.memory_space<vmem>>) target_semaphore(%arg16 : memref<!tpu.dma_semaphore, #tpu.memory_space<semaphore_mem>>)
      } else {
      }
      %mul3A_143 = arith.constant 3 : i32
      %mul3A_144 = arith.muli %add3A_111, %mul3A_143 : i32
      %add3A_145 = arith.constant 1 : i32
      %add3A_146 = arith.addi %mul3A_144, %add3A_145 : i32
      %dma_wait3A_147 = arith.constant 0 : i32
      %dma_wait3A_148 = arith.constant 0 : i32
      %dma_wait3A_149 = tpu.memref_slice %arg2[%dma_wait3A_147, %dma_wait3A_148] : memref<10000x128xf32, #tpu.memory_space<hbm>> -> memref<10000x128xf32, #tpu.memory_space<hbm>>
      tpu.wait_indirect_dma semaphore(%arg23 : memref<!tpu.dma_semaphore, #tpu.memory_space<semaphore_mem>>) src(%dma_wait3A_149 : memref<10000x128xf32, #tpu.memory_space<hbm>>) dst(%arg14 : memref<128x128xf32, #tpu.memory_space<vmem>>)
      %dma_wait3A_150 = arith.constant 0 : i32
      %dma_wait3A_151 = tpu.memref_slice %arg4[%mul3A_2, %dma_wait3A_150] : memref<2560x128xi32, #tpu.memory_space<hbm>> -> memref<1x128xi32, #tpu.memory_space<hbm>>
      %dma_wait3A_152 = tpu.memref_squeeze %dma_wait3A_151 : memref<1x128xi32, #tpu.memory_space<hbm>> -> memref<128xi32, #tpu.memory_space<hbm>>
      %dma_wait3A_153 = arith.constant 0 : i32
      %dma_wait3A_154 = tpu.memref_slice %arg4[%mul3A_2, %dma_wait3A_153] : memref<2560x128xi32, #tpu.memory_space<hbm>> -> memref<1x128xi32, #tpu.memory_space<hbm>>
      %dma_wait3A_155 = tpu.memref_squeeze %dma_wait3A_154 : memref<1x128xi32, #tpu.memory_space<hbm>> -> memref<128xi32, #tpu.memory_space<hbm>>
      tpu.wait_dma2 semaphore(%arg20 : memref<!tpu.dma_semaphore, #tpu.memory_space<semaphore_mem>>) src(%dma_wait3A_155 : memref<128xi32, #tpu.memory_space<hbm>>) dst(%arg11 : memref<128xi32, #tpu.memory_space<vmem>>)
      %dma_start3A_156 = arith.constant 0 : i32
      %dma_start3A_157 = arith.constant 0 : i32
      %dma_start3A_158 = tpu.memref_slice %arg28[%dma_start3A_156, %dma_start3A_157] : memref<10112x128xf32, #tpu.memory_space<vmem_shared>> -> memref<10112x128xf32, #tpu.memory_space<vmem_shared>>
      tpu.enqueue_indirect_dma source(%arg14 : memref<128x128xf32, #tpu.memory_space<vmem>>) target(%dma_start3A_158 : memref<10112x128xf32, #tpu.memory_space<vmem_shared>>) offsets(%arg11 : memref<128xi32, #tpu.memory_space<vmem>>) semaphore(%arg26 : memref<!tpu.dma_semaphore, #tpu.memory_space<semaphore_mem>>) {add = true}
      %ge3A_159 = arith.constant 1 : i32
      %ge3A_160 = arith.cmpi sge, %add3A_146, %ge3A_159 : i32
      %convert_element_type3A_161 = arith.extui %ge3A_160 : i1 to i32
      %cond3A_162 = arith.constant 0 : i32
      %cond3A_163 = arith.cmpi ne, %convert_element_type3A_161, %cond3A_162 : i32
      scf.if %cond3A_163 {
        %dma_wait3A_213 = arith.constant 0 : i32
        %dma_wait3A_214 = arith.constant 0 : i32
        %dma_wait3A_215 = tpu.memref_slice %arg28[%dma_wait3A_213, %dma_wait3A_214] : memref<10112x128xf32, #tpu.memory_space<vmem_shared>> -> memref<10112x128xf32, #tpu.memory_space<vmem_shared>>
        tpu.wait_indirect_dma semaphore(%arg25 : memref<!tpu.dma_semaphore, #tpu.memory_space<semaphore_mem>>) src(%arg13 : memref<128x128xf32, #tpu.memory_space<vmem>>) dst(%dma_wait3A_215 : memref<10112x128xf32, #tpu.memory_space<vmem_shared>>)
      } else {
      }
      %add3A_164 = arith.constant 2 : i32
      %add3A_165 = arith.addi %add3A_146, %add3A_164 : i32
      %lt3A_166 = arith.constant 80 : i32
      %lt3A_167 = arith.cmpi slt, %add3A_165, %lt3A_166 : i32
      %convert_element_type3A_168 = arith.extui %lt3A_167 : i1 to i32
      %cond3A_169 = arith.constant 0 : i32
      %cond3A_170 = arith.cmpi ne, %convert_element_type3A_168, %cond3A_169 : i32
      scf.if %cond3A_170 {
        %dma_wait3A_213 = arith.constant 0 : i32
        %dma_wait3A_214 = tpu.memref_slice %arg3[%mul3A_2, %dma_wait3A_213] : memref<2560x128xi32, #tpu.memory_space<hbm>> -> memref<1x128xi32, #tpu.memory_space<hbm>>
        %dma_wait3A_215 = tpu.memref_squeeze %dma_wait3A_214 : memref<1x128xi32, #tpu.memory_space<hbm>> -> memref<128xi32, #tpu.memory_space<hbm>>
        %dma_wait3A_216 = arith.constant 0 : i32
        %dma_wait3A_217 = tpu.memref_slice %arg3[%mul3A_2, %dma_wait3A_216] : memref<2560x128xi32, #tpu.memory_space<hbm>> -> memref<1x128xi32, #tpu.memory_space<hbm>>
        %dma_wait3A_218 = tpu.memref_squeeze %dma_wait3A_217 : memref<1x128xi32, #tpu.memory_space<hbm>> -> memref<128xi32, #tpu.memory_space<hbm>>
        tpu.wait_dma2 semaphore(%arg16 : memref<!tpu.dma_semaphore, #tpu.memory_space<semaphore_mem>>) src(%dma_wait3A_218 : memref<128xi32, #tpu.memory_space<hbm>>) dst(%arg7 : memref<128xi32, #tpu.memory_space<vmem>>)
        %dma_start3A_219 = arith.constant 0 : i32
        %dma_start3A_220 = arith.constant 0 : i32
        %dma_start3A_221 = tpu.memref_slice %arg2[%dma_start3A_219, %dma_start3A_220] : memref<10000x128xf32, #tpu.memory_space<hbm>> -> memref<10000x128xf32, #tpu.memory_space<hbm>>
        tpu.enqueue_indirect_dma source(%dma_start3A_221 : memref<10000x128xf32, #tpu.memory_space<hbm>>) target(%arg13 : memref<128x128xf32, #tpu.memory_space<vmem>>) offsets(%arg7 : memref<128xi32, #tpu.memory_space<vmem>>) semaphore(%arg22 : memref<!tpu.dma_semaphore, #tpu.memory_space<semaphore_mem>>)
        %add3A_222 = arith.addi %mul3A_2, %add3A_146 : i32
        %add3A_223 = arith.constant 2 : i32
        %add3A_224 = arith.addi %add3A_222, %add3A_223 : i32
        %dma_start3A_225 = arith.constant 0 : i32
        %dma_start3A_226 = tpu.memref_slice %arg4[%add3A_224, %dma_start3A_225] : memref<2560x128xi32, #tpu.memory_space<hbm>> -> memref<1x128xi32, #tpu.memory_space<hbm>>
        %dma_start3A_227 = tpu.memref_squeeze %dma_start3A_226 : memref<1x128xi32, #tpu.memory_space<hbm>> -> memref<128xi32, #tpu.memory_space<hbm>>
        %dma_start3A_228 = arith.constant 0 : i32
        %dma_start3A_229 = tpu.memref_slice %arg4[%add3A_224, %dma_start3A_228] : memref<2560x128xi32, #tpu.memory_space<hbm>> -> memref<1x128xi32, #tpu.memory_space<hbm>>
        %dma_start3A_230 = tpu.memref_squeeze %dma_start3A_229 : memref<1x128xi32, #tpu.memory_space<hbm>> -> memref<128xi32, #tpu.memory_space<hbm>>
        tpu.enqueue_dma source(%dma_start3A_230 : memref<128xi32, #tpu.memory_space<hbm>>) target(%arg10 : memref<128xi32, #tpu.memory_space<vmem>>) target_semaphore(%arg19 : memref<!tpu.dma_semaphore, #tpu.memory_space<semaphore_mem>>)
      } else {
      }
      %add3A_171 = arith.constant 3 : i32
      %add3A_172 = arith.addi %add3A_146, %add3A_171 : i32
      %lt3A_173 = arith.constant 80 : i32
      %lt3A_174 = arith.cmpi slt, %add3A_172, %lt3A_173 : i32
      %convert_element_type3A_175 = arith.extui %lt3A_174 : i1 to i32
      %cond3A_176 = arith.constant 0 : i32
      %cond3A_177 = arith.cmpi ne, %convert_element_type3A_175, %cond3A_176 : i32
      scf.if %cond3A_177 {
        %add3A_213 = arith.addi %mul3A_2, %add3A_146 : i32
        %add3A_214 = arith.constant 3 : i32
        %add3A_215 = arith.addi %add3A_213, %add3A_214 : i32
        %dma_start3A_216 = arith.constant 0 : i32
        %dma_start3A_217 = tpu.memref_slice %arg3[%add3A_215, %dma_start3A_216] : memref<2560x128xi32, #tpu.memory_space<hbm>> -> memref<1x128xi32, #tpu.memory_space<hbm>>
        %dma_start3A_218 = tpu.memref_squeeze %dma_start3A_217 : memref<1x128xi32, #tpu.memory_space<hbm>> -> memref<128xi32, #tpu.memory_space<hbm>>
        %dma_start3A_219 = arith.constant 0 : i32
        %dma_start3A_220 = tpu.memref_slice %arg3[%add3A_215, %dma_start3A_219] : memref<2560x128xi32, #tpu.memory_space<hbm>> -> memref<1x128xi32, #tpu.memory_space<hbm>>
        %dma_start3A_221 = tpu.memref_squeeze %dma_start3A_220 : memref<1x128xi32, #tpu.memory_space<hbm>> -> memref<128xi32, #tpu.memory_space<hbm>>
        tpu.enqueue_dma source(%dma_start3A_221 : memref<128xi32, #tpu.memory_space<hbm>>) target(%arg8 : memref<128xi32, #tpu.memory_space<vmem>>) target_semaphore(%arg17 : memref<!tpu.dma_semaphore, #tpu.memory_space<semaphore_mem>>)
      } else {
      }
      %mul3A_178 = arith.constant 3 : i32
      %mul3A_179 = arith.muli %add3A_111, %mul3A_178 : i32
      %add3A_180 = arith.constant 2 : i32
      %add3A_181 = arith.addi %mul3A_179, %add3A_180 : i32
      %dma_wait3A_182 = arith.constant 0 : i32
      %dma_wait3A_183 = arith.constant 0 : i32
      %dma_wait3A_184 = tpu.memref_slice %arg2[%dma_wait3A_182, %dma_wait3A_183] : memref<10000x128xf32, #tpu.memory_space<hbm>> -> memref<10000x128xf32, #tpu.memory_space<hbm>>
      tpu.wait_indirect_dma semaphore(%arg24 : memref<!tpu.dma_semaphore, #tpu.memory_space<semaphore_mem>>) src(%dma_wait3A_184 : memref<10000x128xf32, #tpu.memory_space<hbm>>) dst(%arg15 : memref<128x128xf32, #tpu.memory_space<vmem>>)
      %dma_wait3A_185 = arith.constant 0 : i32
      %dma_wait3A_186 = tpu.memref_slice %arg4[%mul3A_2, %dma_wait3A_185] : memref<2560x128xi32, #tpu.memory_space<hbm>> -> memref<1x128xi32, #tpu.memory_space<hbm>>
      %dma_wait3A_187 = tpu.memref_squeeze %dma_wait3A_186 : memref<1x128xi32, #tpu.memory_space<hbm>> -> memref<128xi32, #tpu.memory_space<hbm>>
      %dma_wait3A_188 = arith.constant 0 : i32
      %dma_wait3A_189 = tpu.memref_slice %arg4[%mul3A_2, %dma_wait3A_188] : memref<2560x128xi32, #tpu.memory_space<hbm>> -> memref<1x128xi32, #tpu.memory_space<hbm>>
      %dma_wait3A_190 = tpu.memref_squeeze %dma_wait3A_189 : memref<1x128xi32, #tpu.memory_space<hbm>> -> memref<128xi32, #tpu.memory_space<hbm>>
      tpu.wait_dma2 semaphore(%arg21 : memref<!tpu.dma_semaphore, #tpu.memory_space<semaphore_mem>>) src(%dma_wait3A_190 : memref<128xi32, #tpu.memory_space<hbm>>) dst(%arg12 : memref<128xi32, #tpu.memory_space<vmem>>)
      %dma_start3A_191 = arith.constant 0 : i32
      %dma_start3A_192 = arith.constant 0 : i32
      %dma_start3A_193 = tpu.memref_slice %arg28[%dma_start3A_191, %dma_start3A_192] : memref<10112x128xf32, #tpu.memory_space<vmem_shared>> -> memref<10112x128xf32, #tpu.memory_space<vmem_shared>>
      tpu.enqueue_indirect_dma source(%arg15 : memref<128x128xf32, #tpu.memory_space<vmem>>) target(%dma_start3A_193 : memref<10112x128xf32, #tpu.memory_space<vmem_shared>>) offsets(%arg12 : memref<128xi32, #tpu.memory_space<vmem>>) semaphore(%arg27 : memref<!tpu.dma_semaphore, #tpu.memory_space<semaphore_mem>>) {add = true}
      %ge3A_194 = arith.constant 1 : i32
      %ge3A_195 = arith.cmpi sge, %add3A_181, %ge3A_194 : i32
      %convert_element_type3A_196 = arith.extui %ge3A_195 : i1 to i32
      %cond3A_197 = arith.constant 0 : i32
      %cond3A_198 = arith.cmpi ne, %convert_element_type3A_196, %cond3A_197 : i32
      scf.if %cond3A_198 {
        %dma_wait3A_213 = arith.constant 0 : i32
        %dma_wait3A_214 = arith.constant 0 : i32
        %dma_wait3A_215 = tpu.memref_slice %arg28[%dma_wait3A_213, %dma_wait3A_214] : memref<10112x128xf32, #tpu.memory_space<vmem_shared>> -> memref<10112x128xf32, #tpu.memory_space<vmem_shared>>
        tpu.wait_indirect_dma semaphore(%arg26 : memref<!tpu.dma_semaphore, #tpu.memory_space<semaphore_mem>>) src(%arg14 : memref<128x128xf32, #tpu.memory_space<vmem>>) dst(%dma_wait3A_215 : memref<10112x128xf32, #tpu.memory_space<vmem_shared>>)
      } else {
      }
      %add3A_199 = arith.constant 2 : i32
      %add3A_200 = arith.addi %add3A_181, %add3A_199 : i32
      %lt3A_201 = arith.constant 80 : i32
      %lt3A_202 = arith.cmpi slt, %add3A_200, %lt3A_201 : i32
      %convert_element_type3A_203 = arith.extui %lt3A_202 : i1 to i32
      %cond3A_204 = arith.constant 0 : i32
      %cond3A_205 = arith.cmpi ne, %convert_element_type3A_203, %cond3A_204 : i32
      scf.if %cond3A_205 {
        %dma_wait3A_213 = arith.constant 0 : i32
        %dma_wait3A_214 = tpu.memref_slice %arg3[%mul3A_2, %dma_wait3A_213] : memref<2560x128xi32, #tpu.memory_space<hbm>> -> memref<1x128xi32, #tpu.memory_space<hbm>>
        %dma_wait3A_215 = tpu.memref_squeeze %dma_wait3A_214 : memref<1x128xi32, #tpu.memory_space<hbm>> -> memref<128xi32, #tpu.memory_space<hbm>>
        %dma_wait3A_216 = arith.constant 0 : i32
        %dma_wait3A_217 = tpu.memref_slice %arg3[%mul3A_2, %dma_wait3A_216] : memref<2560x128xi32, #tpu.memory_space<hbm>> -> memref<1x128xi32, #tpu.memory_space<hbm>>
        %dma_wait3A_218 = tpu.memref_squeeze %dma_wait3A_217 : memref<1x128xi32, #tpu.memory_space<hbm>> -> memref<128xi32, #tpu.memory_space<hbm>>
        tpu.wait_dma2 semaphore(%arg17 : memref<!tpu.dma_semaphore, #tpu.memory_space<semaphore_mem>>) src(%dma_wait3A_218 : memref<128xi32, #tpu.memory_space<hbm>>) dst(%arg8 : memref<128xi32, #tpu.memory_space<vmem>>)
        %dma_start3A_219 = arith.constant 0 : i32
        %dma_start3A_220 = arith.constant 0 : i32
        %dma_start3A_221 = tpu.memref_slice %arg2[%dma_start3A_219, %dma_start3A_220] : memref<10000x128xf32, #tpu.memory_space<hbm>> -> memref<10000x128xf32, #tpu.memory_space<hbm>>
        tpu.enqueue_indirect_dma source(%dma_start3A_221 : memref<10000x128xf32, #tpu.memory_space<hbm>>) target(%arg14 : memref<128x128xf32, #tpu.memory_space<vmem>>) offsets(%arg8 : memref<128xi32, #tpu.memory_space<vmem>>) semaphore(%arg23 : memref<!tpu.dma_semaphore, #tpu.memory_space<semaphore_mem>>)
        %add3A_222 = arith.addi %mul3A_2, %add3A_181 : i32
        %add3A_223 = arith.constant 2 : i32
        %add3A_224 = arith.addi %add3A_222, %add3A_223 : i32
        %dma_start3A_225 = arith.constant 0 : i32
        %dma_start3A_226 = tpu.memref_slice %arg4[%add3A_224, %dma_start3A_225] : memref<2560x128xi32, #tpu.memory_space<hbm>> -> memref<1x128xi32, #tpu.memory_space<hbm>>
        %dma_start3A_227 = tpu.memref_squeeze %dma_start3A_226 : memref<1x128xi32, #tpu.memory_space<hbm>> -> memref<128xi32, #tpu.memory_space<hbm>>
        %dma_start3A_228 = arith.constant 0 : i32
        %dma_start3A_229 = tpu.memref_slice %arg4[%add3A_224, %dma_start3A_228] : memref<2560x128xi32, #tpu.memory_space<hbm>> -> memref<1x128xi32, #tpu.memory_space<hbm>>
        %dma_start3A_230 = tpu.memref_squeeze %dma_start3A_229 : memref<1x128xi32, #tpu.memory_space<hbm>> -> memref<128xi32, #tpu.memory_space<hbm>>
        tpu.enqueue_dma source(%dma_start3A_230 : memref<128xi32, #tpu.memory_space<hbm>>) target(%arg11 : memref<128xi32, #tpu.memory_space<vmem>>) target_semaphore(%arg20 : memref<!tpu.dma_semaphore, #tpu.memory_space<semaphore_mem>>)
      } else {
      }
      %add3A_206 = arith.constant 3 : i32
      %add3A_207 = arith.addi %add3A_181, %add3A_206 : i32
      %lt3A_208 = arith.constant 80 : i32
      %lt3A_209 = arith.cmpi slt, %add3A_207, %lt3A_208 : i32
      %convert_element_type3A_210 = arith.extui %lt3A_209 : i1 to i32
      %cond3A_211 = arith.constant 0 : i32
      %cond3A_212 = arith.cmpi ne, %convert_element_type3A_210, %cond3A_211 : i32
      scf.if %cond3A_212 {
        %add3A_213 = arith.addi %mul3A_2, %add3A_181 : i32
        %add3A_214 = arith.constant 3 : i32
        %add3A_215 = arith.addi %add3A_213, %add3A_214 : i32
        %dma_start3A_216 = arith.constant 0 : i32
        %dma_start3A_217 = tpu.memref_slice %arg3[%add3A_215, %dma_start3A_216] : memref<2560x128xi32, #tpu.memory_space<hbm>> -> memref<1x128xi32, #tpu.memory_space<hbm>>
        %dma_start3A_218 = tpu.memref_squeeze %dma_start3A_217 : memref<1x128xi32, #tpu.memory_space<hbm>> -> memref<128xi32, #tpu.memory_space<hbm>>
        %dma_start3A_219 = arith.constant 0 : i32
        %dma_start3A_220 = tpu.memref_slice %arg3[%add3A_215, %dma_start3A_219] : memref<2560x128xi32, #tpu.memory_space<hbm>> -> memref<1x128xi32, #tpu.memory_space<hbm>>
        %dma_start3A_221 = tpu.memref_squeeze %dma_start3A_220 : memref<1x128xi32, #tpu.memory_space<hbm>> -> memref<128xi32, #tpu.memory_space<hbm>>
        tpu.enqueue_dma source(%dma_start3A_221 : memref<128xi32, #tpu.memory_space<hbm>>) target(%arg9 : memref<128xi32, #tpu.memory_space<vmem>>) target_semaphore(%arg18 : memref<!tpu.dma_semaphore, #tpu.memory_space<semaphore_mem>>)
      } else {
      }
    }
    %scan3A_68 = arith.constant 26 : i32
    %dma_wait3A_69 = arith.constant 0 : i32
    %dma_wait3A_70 = arith.constant 0 : i32
    %dma_wait3A_71 = tpu.memref_slice %arg2[%dma_wait3A_69, %dma_wait3A_70] : memref<10000x128xf32, #tpu.memory_space<hbm>> -> memref<10000x128xf32, #tpu.memory_space<hbm>>
    tpu.wait_indirect_dma semaphore(%arg22 : memref<!tpu.dma_semaphore, #tpu.memory_space<semaphore_mem>>) src(%dma_wait3A_71 : memref<10000x128xf32, #tpu.memory_space<hbm>>) dst(%arg13 : memref<128x128xf32, #tpu.memory_space<vmem>>)
    %dma_wait3A_72 = arith.constant 0 : i32
    %dma_wait3A_73 = tpu.memref_slice %arg4[%mul3A_2, %dma_wait3A_72] : memref<2560x128xi32, #tpu.memory_space<hbm>> -> memref<1x128xi32, #tpu.memory_space<hbm>>
    %dma_wait3A_74 = tpu.memref_squeeze %dma_wait3A_73 : memref<1x128xi32, #tpu.memory_space<hbm>> -> memref<128xi32, #tpu.memory_space<hbm>>
    %dma_wait3A_75 = arith.constant 0 : i32
    %dma_wait3A_76 = tpu.memref_slice %arg4[%mul3A_2, %dma_wait3A_75] : memref<2560x128xi32, #tpu.memory_space<hbm>> -> memref<1x128xi32, #tpu.memory_space<hbm>>
    %dma_wait3A_77 = tpu.memref_squeeze %dma_wait3A_76 : memref<1x128xi32, #tpu.memory_space<hbm>> -> memref<128xi32, #tpu.memory_space<hbm>>
    tpu.wait_dma2 semaphore(%arg19 : memref<!tpu.dma_semaphore, #tpu.memory_space<semaphore_mem>>) src(%dma_wait3A_77 : memref<128xi32, #tpu.memory_space<hbm>>) dst(%arg10 : memref<128xi32, #tpu.memory_space<vmem>>)
    %dma_start3A_78 = arith.constant 0 : i32
    %dma_start3A_79 = arith.constant 0 : i32
    %dma_start3A_80 = tpu.memref_slice %arg28[%dma_start3A_78, %dma_start3A_79] : memref<10112x128xf32, #tpu.memory_space<vmem_shared>> -> memref<10112x128xf32, #tpu.memory_space<vmem_shared>>
    tpu.enqueue_indirect_dma source(%arg13 : memref<128x128xf32, #tpu.memory_space<vmem>>) target(%dma_start3A_80 : memref<10112x128xf32, #tpu.memory_space<vmem_shared>>) offsets(%arg10 : memref<128xi32, #tpu.memory_space<vmem>>) semaphore(%arg25 : memref<!tpu.dma_semaphore, #tpu.memory_space<semaphore_mem>>) {add = true}
    %dma_wait3A_81 = arith.constant 0 : i32
    %dma_wait3A_82 = arith.constant 0 : i32
    %dma_wait3A_83 = tpu.memref_slice %arg28[%dma_wait3A_81, %dma_wait3A_82] : memref<10112x128xf32, #tpu.memory_space<vmem_shared>> -> memref<10112x128xf32, #tpu.memory_space<vmem_shared>>
    tpu.wait_indirect_dma semaphore(%arg27 : memref<!tpu.dma_semaphore, #tpu.memory_space<semaphore_mem>>) src(%arg15 : memref<128x128xf32, #tpu.memory_space<vmem>>) dst(%dma_wait3A_83 : memref<10112x128xf32, #tpu.memory_space<vmem_shared>>)
    %dma_wait3A_84 = arith.constant 0 : i32
    %dma_wait3A_85 = arith.constant 0 : i32
    %dma_wait3A_86 = tpu.memref_slice %arg2[%dma_wait3A_84, %dma_wait3A_85] : memref<10000x128xf32, #tpu.memory_space<hbm>> -> memref<10000x128xf32, #tpu.memory_space<hbm>>
    tpu.wait_indirect_dma semaphore(%arg23 : memref<!tpu.dma_semaphore, #tpu.memory_space<semaphore_mem>>) src(%dma_wait3A_86 : memref<10000x128xf32, #tpu.memory_space<hbm>>) dst(%arg14 : memref<128x128xf32, #tpu.memory_space<vmem>>)
    %dma_wait3A_87 = arith.constant 0 : i32
    %dma_wait3A_88 = tpu.memref_slice %arg4[%mul3A_2, %dma_wait3A_87] : memref<2560x128xi32, #tpu.memory_space<hbm>> -> memref<1x128xi32, #tpu.memory_space<hbm>>
    %dma_wait3A_89 = tpu.memref_squeeze %dma_wait3A_88 : memref<1x128xi32, #tpu.memory_space<hbm>> -> memref<128xi32, #tpu.memory_space<hbm>>
    %dma_wait3A_90 = arith.constant 0 : i32
    %dma_wait3A_91 = tpu.memref_slice %arg4[%mul3A_2, %dma_wait3A_90] : memref<2560x128xi32, #tpu.memory_space<hbm>> -> memref<1x128xi32, #tpu.memory_space<hbm>>
    %dma_wait3A_92 = tpu.memref_squeeze %dma_wait3A_91 : memref<1x128xi32, #tpu.memory_space<hbm>> -> memref<128xi32, #tpu.memory_space<hbm>>
    tpu.wait_dma2 semaphore(%arg20 : memref<!tpu.dma_semaphore, #tpu.memory_space<semaphore_mem>>) src(%dma_wait3A_92 : memref<128xi32, #tpu.memory_space<hbm>>) dst(%arg11 : memref<128xi32, #tpu.memory_space<vmem>>)
    %dma_start3A_93 = arith.constant 0 : i32
    %dma_start3A_94 = arith.constant 0 : i32
    %dma_start3A_95 = tpu.memref_slice %arg28[%dma_start3A_93, %dma_start3A_94] : memref<10112x128xf32, #tpu.memory_space<vmem_shared>> -> memref<10112x128xf32, #tpu.memory_space<vmem_shared>>
    tpu.enqueue_indirect_dma source(%arg14 : memref<128x128xf32, #tpu.memory_space<vmem>>) target(%dma_start3A_95 : memref<10112x128xf32, #tpu.memory_space<vmem_shared>>) offsets(%arg11 : memref<128xi32, #tpu.memory_space<vmem>>) semaphore(%arg26 : memref<!tpu.dma_semaphore, #tpu.memory_space<semaphore_mem>>) {add = true}
    %dma_wait3A_96 = arith.constant 0 : i32
    %dma_wait3A_97 = arith.constant 0 : i32
    %dma_wait3A_98 = tpu.memref_slice %arg28[%dma_wait3A_96, %dma_wait3A_97] : memref<10112x128xf32, #tpu.memory_space<vmem_shared>> -> memref<10112x128xf32, #tpu.memory_space<vmem_shared>>
    tpu.wait_indirect_dma semaphore(%arg25 : memref<!tpu.dma_semaphore, #tpu.memory_space<semaphore_mem>>) src(%arg13 : memref<128x128xf32, #tpu.memory_space<vmem>>) dst(%dma_wait3A_98 : memref<10112x128xf32, #tpu.memory_space<vmem_shared>>)
    %dma_wait3A_99 = arith.constant 0 : i32
    %dma_wait3A_100 = arith.constant 0 : i32
    %dma_wait3A_101 = tpu.memref_slice %arg28[%dma_wait3A_99, %dma_wait3A_100] : memref<10112x128xf32, #tpu.memory_space<vmem_shared>> -> memref<10112x128xf32, #tpu.memory_space<vmem_shared>>
    tpu.wait_indirect_dma semaphore(%arg26 : memref<!tpu.dma_semaphore, #tpu.memory_space<semaphore_mem>>) src(%arg14 : memref<128x128xf32, #tpu.memory_space<vmem>>) dst(%dma_wait3A_101 : memref<10112x128xf32, #tpu.memory_space<vmem_shared>>)
    %barrier3A_102 = arith.constant 0 : index
    tpu.barrier barrier_id(%barrier3A_102)
    %mul3A_103 = arith.constant 632 : i32
    %mul3A_104 = arith.muli %arg1, %mul3A_103 : i32
    %mul3A_105 = arith.constant 632 : i32
    %mul3A_106 = arith.muli %arg1, %mul3A_105 : i32
    "tpu.region"() ({
      %run_scoped3A = tpu.sem_alloc : memref<!tpu.dma_semaphore, #tpu.memory_space<semaphore_mem>>
      %dma_start3A_107 = arith.constant 0 : i32
      %dma_start3A_108 = tpu.memref_slice %arg6[%arg0, %mul3A_106, %dma_start3A_107] : memref<2x10112x128xf32, #tpu.memory_space<hbm>> -> memref<1x632x128xf32, #tpu.memory_space<hbm>>
      %dma_start3A_109 = tpu.memref_squeeze %dma_start3A_108 : memref<1x632x128xf32, #tpu.memory_space<hbm>> -> memref<632x128xf32, #tpu.memory_space<hbm>>
      %dma_start3A_110 = arith.constant 0 : i32
      %dma_start3A_111 = tpu.memref_slice %arg28[%mul3A_104, %dma_start3A_110] : memref<10112x128xf32, #tpu.memory_space<vmem_shared>> -> memref<632x128xf32, #tpu.memory_space<vmem_shared>>
      tpu.enqueue_dma source(%dma_start3A_111 : memref<632x128xf32, #tpu.memory_space<vmem_shared>>) target(%dma_start3A_109 : memref<632x128xf32, #tpu.memory_space<hbm>>) target_semaphore(%run_scoped3A : memref<!tpu.dma_semaphore, #tpu.memory_space<semaphore_mem>>)
      %dma_wait3A_112 = arith.constant 0 : i32
      %dma_wait3A_113 = tpu.memref_slice %arg6[%arg0, %mul3A_106, %dma_wait3A_112] : memref<2x10112x128xf32, #tpu.memory_space<hbm>> -> memref<1x632x128xf32, #tpu.memory_space<hbm>>
      %dma_wait3A_114 = tpu.memref_squeeze %dma_wait3A_113 : memref<1x632x128xf32, #tpu.memory_space<hbm>> -> memref<632x128xf32, #tpu.memory_space<hbm>>
      %dma_wait3A_115 = arith.constant 0 : i32
      %dma_wait3A_116 = tpu.memref_slice %arg28[%mul3A_104, %dma_wait3A_115] : memref<10112x128xf32, #tpu.memory_space<vmem_shared>> -> memref<632x128xf32, #tpu.memory_space<vmem_shared>>
      tpu.wait_dma2 semaphore(%run_scoped3A : memref<!tpu.dma_semaphore, #tpu.memory_space<semaphore_mem>>) src(%dma_wait3A_116 : memref<632x128xf32, #tpu.memory_space<vmem_shared>>) dst(%dma_wait3A_114 : memref<632x128xf32, #tpu.memory_space<hbm>>)
      tpu.yield
    }) : () -> ()
    return
  }
}

#map = affine_map<(d0, d1) -> (0, 0)>
#map1 = affine_map<(d0, d1) -> (0, 0, 0)>
module attributes {stable_mosaic.version = 14 : i64} {
  func.func @_sc_hop(%arg0: i32, %arg1: i32, %arg2: memref<10000x128xf32, #tpu.memory_space<hbm>>, %arg3: memref<2560x128xi32, #tpu.memory_space<hbm>>, %arg4: memref<2560x128xi32, #tpu.memory_space<hbm>>, %arg5: memref<632x128xf32, #tpu.memory_space<hbm>>, %arg6: memref<2x10112x128xf32, #tpu.memory_space<hbm>>, %arg7: memref<128xi32, #tpu.memory_space<vmem>>, %arg8: memref<128xi32, #tpu.memory_space<vmem>>, %arg9: memref<128xi32, #tpu.memory_space<vmem>>, %arg10: memref<128xi32, #tpu.memory_space<vmem>>, %arg11: memref<128xi32, #tpu.memory_space<vmem>>, %arg12: memref<128xi32, #tpu.memory_space<vmem>>, %arg13: memref<128x128xf32, #tpu.memory_space<vmem>>, %arg14: memref<128x128xf32, #tpu.memory_space<vmem>>, %arg15: memref<128x128xf32, #tpu.memory_space<vmem>>, %arg16: memref<!tpu.dma_semaphore, #tpu.memory_space<semaphore_mem>>, %arg17: memref<!tpu.dma_semaphore, #tpu.memory_space<semaphore_mem>>, %arg18: memref<!tpu.dma_semaphore, #tpu.memory_space<semaphore_mem>>, %arg19: memref<!tpu.dma_semaphore, #tpu.memory_space<semaphore_mem>>, %arg20: memref<!tpu.dma_semaphore, #tpu.memory_space<semaphore_mem>>, %arg21: memref<!tpu.dma_semaphore, #tpu.memory_space<semaphore_mem>>, %arg22: memref<!tpu.dma_semaphore, #tpu.memory_space<semaphore_mem>>, %arg23: memref<!tpu.dma_semaphore, #tpu.memory_space<semaphore_mem>>, %arg24: memref<!tpu.dma_semaphore, #tpu.memory_space<semaphore_mem>>, %arg25: memref<!tpu.dma_semaphore, #tpu.memory_space<semaphore_mem>>, %arg26: memref<!tpu.dma_semaphore, #tpu.memory_space<semaphore_mem>>, %arg27: memref<!tpu.dma_semaphore, #tpu.memory_space<semaphore_mem>>, %arg28: memref<10112x128xf32, #tpu.memory_space<vmem_shared>>) attributes {dimension_semantics = [#tpu.dimension_semantics<core_parallel>, #tpu.dimension_semantics<subcore_parallel>], iteration_bounds = array<i64: 2, 16>, scalar_prefetch = 0 : i64, scratch_operands = 22 : i64, tpu.core_type = #tpu.core_type<sc_vector_subcore>, window_params = [{transform_indices = #map}, {transform_indices = #map}, {transform_indices = #map}, {transform_indices = #map}, {transform_indices = #map1}]} {
    %mul3A = arith.constant 16 : i32
    %mul3A_0 = arith.muli %arg0, %mul3A : i32
    %add3A = arith.addi %mul3A_0, %arg1 : i32
    %mul3A_1 = arith.constant 80 : i32
    %mul3A_2 = arith.muli %add3A, %mul3A_1 : i32
    %mul3A_3 = arith.constant 632 : i32
    %mul3A_4 = arith.muli %arg1, %mul3A_3 : i32
    "tpu.region"() ({
      %run_scoped3A = tpu.sem_alloc : memref<!tpu.dma_semaphore, #tpu.memory_space<semaphore_mem>>
      %dma_start3A_107 = arith.constant 0 : i32
      %dma_start3A_108 = tpu.memref_slice %arg28[%mul3A_4, %dma_start3A_107] : memref<10112x128xf32, #tpu.memory_space<vmem_shared>> -> memref<632x128xf32, #tpu.memory_space<vmem_shared>>
      tpu.enqueue_dma source(%arg5 : memref<632x128xf32, #tpu.memory_space<hbm>>) target(%dma_start3A_108 : memref<632x128xf32, #tpu.memory_space<vmem_shared>>) target_semaphore(%run_scoped3A : memref<!tpu.dma_semaphore, #tpu.memory_space<semaphore_mem>>)
      %dma_wait3A_109 = arith.constant 0 : i32
      %dma_wait3A_110 = tpu.memref_slice %arg28[%mul3A_4, %dma_wait3A_109] : memref<10112x128xf32, #tpu.memory_space<vmem_shared>> -> memref<632x128xf32, #tpu.memory_space<vmem_shared>>
      tpu.wait_dma2 semaphore(%run_scoped3A : memref<!tpu.dma_semaphore, #tpu.memory_space<semaphore_mem>>) src(%arg5 : memref<632x128xf32, #tpu.memory_space<hbm>>) dst(%dma_wait3A_110 : memref<632x128xf32, #tpu.memory_space<vmem_shared>>)
      tpu.yield
    }) : () -> ()
    %barrier3A = arith.constant 0 : index
    tpu.barrier barrier_id(%barrier3A)
    %add3A_5 = arith.constant 0 : i32
    %add3A_6 = arith.addi %mul3A_2, %add3A_5 : i32
    %dma_start3A = arith.constant 0 : i32
    %dma_start3A_7 = tpu.memref_slice %arg3[%add3A_6, %dma_start3A] : memref<2560x128xi32, #tpu.memory_space<hbm>> -> memref<1x128xi32, #tpu.memory_space<hbm>>
    %dma_start3A_8 = tpu.memref_squeeze %dma_start3A_7 : memref<1x128xi32, #tpu.memory_space<hbm>> -> memref<128xi32, #tpu.memory_space<hbm>>
    %dma_start3A_9 = arith.constant 0 : i32
    %dma_start3A_10 = tpu.memref_slice %arg3[%add3A_6, %dma_start3A_9] : memref<2560x128xi32, #tpu.memory_space<hbm>> -> memref<1x128xi32, #tpu.memory_space<hbm>>
    %dma_start3A_11 = tpu.memref_squeeze %dma_start3A_10 : memref<1x128xi32, #tpu.memory_space<hbm>> -> memref<128xi32, #tpu.memory_space<hbm>>
    tpu.enqueue_dma source(%dma_start3A_11 : memref<128xi32, #tpu.memory_space<hbm>>) target(%arg7 : memref<128xi32, #tpu.memory_space<vmem>>) target_semaphore(%arg16 : memref<!tpu.dma_semaphore, #tpu.memory_space<semaphore_mem>>)
    %add3A_12 = arith.constant 1 : i32
    %add3A_13 = arith.addi %mul3A_2, %add3A_12 : i32
    %dma_start3A_14 = arith.constant 0 : i32
    %dma_start3A_15 = tpu.memref_slice %arg3[%add3A_13, %dma_start3A_14] : memref<2560x128xi32, #tpu.memory_space<hbm>> -> memref<1x128xi32, #tpu.memory_space<hbm>>
    %dma_start3A_16 = tpu.memref_squeeze %dma_start3A_15 : memref<1x128xi32, #tpu.memory_space<hbm>> -> memref<128xi32, #tpu.memory_space<hbm>>
    %dma_start3A_17 = arith.constant 0 : i32
    %dma_start3A_18 = tpu.memref_slice %arg3[%add3A_13, %dma_start3A_17] : memref<2560x128xi32, #tpu.memory_space<hbm>> -> memref<1x128xi32, #tpu.memory_space<hbm>>
    %dma_start3A_19 = tpu.memref_squeeze %dma_start3A_18 : memref<1x128xi32, #tpu.memory_space<hbm>> -> memref<128xi32, #tpu.memory_space<hbm>>
    tpu.enqueue_dma source(%dma_start3A_19 : memref<128xi32, #tpu.memory_space<hbm>>) target(%arg8 : memref<128xi32, #tpu.memory_space<vmem>>) target_semaphore(%arg17 : memref<!tpu.dma_semaphore, #tpu.memory_space<semaphore_mem>>)
    %add3A_20 = arith.constant 2 : i32
    %add3A_21 = arith.addi %mul3A_2, %add3A_20 : i32
    %dma_start3A_22 = arith.constant 0 : i32
    %dma_start3A_23 = tpu.memref_slice %arg3[%add3A_21, %dma_start3A_22] : memref<2560x128xi32, #tpu.memory_space<hbm>> -> memref<1x128xi32, #tpu.memory_space<hbm>>
    %dma_start3A_24 = tpu.memref_squeeze %dma_start3A_23 : memref<1x128xi32, #tpu.memory_space<hbm>> -> memref<128xi32, #tpu.memory_space<hbm>>
    %dma_start3A_25 = arith.constant 0 : i32
    %dma_start3A_26 = tpu.memref_slice %arg3[%add3A_21, %dma_start3A_25] : memref<2560x128xi32, #tpu.memory_space<hbm>> -> memref<1x128xi32, #tpu.memory_space<hbm>>
    %dma_start3A_27 = tpu.memref_squeeze %dma_start3A_26 : memref<1x128xi32, #tpu.memory_space<hbm>> -> memref<128xi32, #tpu.memory_space<hbm>>
    tpu.enqueue_dma source(%dma_start3A_27 : memref<128xi32, #tpu.memory_space<hbm>>) target(%arg9 : memref<128xi32, #tpu.memory_space<vmem>>) target_semaphore(%arg18 : memref<!tpu.dma_semaphore, #tpu.memory_space<semaphore_mem>>)
    %add3A_28 = arith.constant 0 : i32
    %add3A_29 = arith.addi %mul3A_2, %add3A_28 : i32
    %dma_start3A_30 = arith.constant 0 : i32
    %dma_start3A_31 = tpu.memref_slice %arg4[%add3A_29, %dma_start3A_30] : memref<2560x128xi32, #tpu.memory_space<hbm>> -> memref<1x128xi32, #tpu.memory_space<hbm>>
    %dma_start3A_32 = tpu.memref_squeeze %dma_start3A_31 : memref<1x128xi32, #tpu.memory_space<hbm>> -> memref<128xi32, #tpu.memory_space<hbm>>
    %dma_start3A_33 = arith.constant 0 : i32
    %dma_start3A_34 = tpu.memref_slice %arg4[%add3A_29, %dma_start3A_33] : memref<2560x128xi32, #tpu.memory_space<hbm>> -> memref<1x128xi32, #tpu.memory_space<hbm>>
    %dma_start3A_35 = tpu.memref_squeeze %dma_start3A_34 : memref<1x128xi32, #tpu.memory_space<hbm>> -> memref<128xi32, #tpu.memory_space<hbm>>
    tpu.enqueue_dma source(%dma_start3A_35 : memref<128xi32, #tpu.memory_space<hbm>>) target(%arg10 : memref<128xi32, #tpu.memory_space<vmem>>) target_semaphore(%arg19 : memref<!tpu.dma_semaphore, #tpu.memory_space<semaphore_mem>>)
    %add3A_36 = arith.constant 0 : i32
    %add3A_37 = arith.addi %mul3A_2, %add3A_36 : i32
    %dma_wait3A = arith.constant 0 : i32
    %dma_wait3A_38 = tpu.memref_slice %arg3[%add3A_37, %dma_wait3A] : memref<2560x128xi32, #tpu.memory_space<hbm>> -> memref<1x128xi32, #tpu.memory_space<hbm>>
    %dma_wait3A_39 = tpu.memref_squeeze %dma_wait3A_38 : memref<1x128xi32, #tpu.memory_space<hbm>> -> memref<128xi32, #tpu.memory_space<hbm>>
    %dma_wait3A_40 = arith.constant 0 : i32
    %dma_wait3A_41 = tpu.memref_slice %arg3[%add3A_37, %dma_wait3A_40] : memref<2560x128xi32, #tpu.memory_space<hbm>> -> memref<1x128xi32, #tpu.memory_space<hbm>>
    %dma_wait3A_42 = tpu.memref_squeeze %dma_wait3A_41 : memref<1x128xi32, #tpu.memory_space<hbm>> -> memref<128xi32, #tpu.memory_space<hbm>>
    tpu.wait_dma2 semaphore(%arg16 : memref<!tpu.dma_semaphore, #tpu.memory_space<semaphore_mem>>) src(%dma_wait3A_42 : memref<128xi32, #tpu.memory_space<hbm>>) dst(%arg7 : memref<128xi32, #tpu.memory_space<vmem>>)
    %dma_start3A_43 = arith.constant 0 : i32
    %dma_start3A_44 = arith.constant 0 : i32
    %dma_start3A_45 = tpu.memref_slice %arg2[%dma_start3A_43, %dma_start3A_44] : memref<10000x128xf32, #tpu.memory_space<hbm>> -> memref<10000x128xf32, #tpu.memory_space<hbm>>
    tpu.enqueue_indirect_dma source(%dma_start3A_45 : memref<10000x128xf32, #tpu.memory_space<hbm>>) target(%arg13 : memref<128x128xf32, #tpu.memory_space<vmem>>) offsets(%arg7 : memref<128xi32, #tpu.memory_space<vmem>>) semaphore(%arg22 : memref<!tpu.dma_semaphore, #tpu.memory_space<semaphore_mem>>)
    %add3A_46 = arith.constant 1 : i32
    %add3A_47 = arith.addi %mul3A_2, %add3A_46 : i32
    %dma_start3A_48 = arith.constant 0 : i32
    %dma_start3A_49 = tpu.memref_slice %arg4[%add3A_47, %dma_start3A_48] : memref<2560x128xi32, #tpu.memory_space<hbm>> -> memref<1x128xi32, #tpu.memory_space<hbm>>
    %dma_start3A_50 = tpu.memref_squeeze %dma_start3A_49 : memref<1x128xi32, #tpu.memory_space<hbm>> -> memref<128xi32, #tpu.memory_space<hbm>>
    %dma_start3A_51 = arith.constant 0 : i32
    %dma_start3A_52 = tpu.memref_slice %arg4[%add3A_47, %dma_start3A_51] : memref<2560x128xi32, #tpu.memory_space<hbm>> -> memref<1x128xi32, #tpu.memory_space<hbm>>
    %dma_start3A_53 = tpu.memref_squeeze %dma_start3A_52 : memref<1x128xi32, #tpu.memory_space<hbm>> -> memref<128xi32, #tpu.memory_space<hbm>>
    tpu.enqueue_dma source(%dma_start3A_53 : memref<128xi32, #tpu.memory_space<hbm>>) target(%arg11 : memref<128xi32, #tpu.memory_space<vmem>>) target_semaphore(%arg20 : memref<!tpu.dma_semaphore, #tpu.memory_space<semaphore_mem>>)
    %add3A_54 = arith.constant 1 : i32
    %add3A_55 = arith.addi %mul3A_2, %add3A_54 : i32
    %dma_wait3A_56 = arith.constant 0 : i32
    %dma_wait3A_57 = tpu.memref_slice %arg3[%add3A_55, %dma_wait3A_56] : memref<2560x128xi32, #tpu.memory_space<hbm>> -> memref<1x128xi32, #tpu.memory_space<hbm>>
    %dma_wait3A_58 = tpu.memref_squeeze %dma_wait3A_57 : memref<1x128xi32, #tpu.memory_space<hbm>> -> memref<128xi32, #tpu.memory_space<hbm>>
    %dma_wait3A_59 = arith.constant 0 : i32
    %dma_wait3A_60 = tpu.memref_slice %arg3[%add3A_55, %dma_wait3A_59] : memref<2560x128xi32, #tpu.memory_space<hbm>> -> memref<1x128xi32, #tpu.memory_space<hbm>>
    %dma_wait3A_61 = tpu.memref_squeeze %dma_wait3A_60 : memref<1x128xi32, #tpu.memory_space<hbm>> -> memref<128xi32, #tpu.memory_space<hbm>>
    tpu.wait_dma2 semaphore(%arg17 : memref<!tpu.dma_semaphore, #tpu.memory_space<semaphore_mem>>) src(%dma_wait3A_61 : memref<128xi32, #tpu.memory_space<hbm>>) dst(%arg8 : memref<128xi32, #tpu.memory_space<vmem>>)
    %dma_start3A_62 = arith.constant 0 : i32
    %dma_start3A_63 = arith.constant 0 : i32
    %dma_start3A_64 = tpu.memref_slice %arg2[%dma_start3A_62, %dma_start3A_63] : memref<10000x128xf32, #tpu.memory_space<hbm>> -> memref<10000x128xf32, #tpu.memory_space<hbm>>
    tpu.enqueue_indirect_dma source(%dma_start3A_64 : memref<10000x128xf32, #tpu.memory_space<hbm>>) target(%arg14 : memref<128x128xf32, #tpu.memory_space<vmem>>) offsets(%arg8 : memref<128xi32, #tpu.memory_space<vmem>>) semaphore(%arg23 : memref<!tpu.dma_semaphore, #tpu.memory_space<semaphore_mem>>)
    %scan3A = arith.constant 0 : i32
    %scan3A_65 = arith.constant 26 : i32
    %scan3A_66 = arith.addi %scan3A, %scan3A_65 : i32
    %scan3A_67 = arith.constant 1 : i32
    scf.for %scan3A_107 = %scan3A to %scan3A_66 step %scan3A_67  : i32 {
      %mul3A_108 = arith.constant 1 : i32
      %mul3A_109 = arith.muli %scan3A_107, %mul3A_108 : i32
      %add3A_110 = arith.constant 0 : i32
      %add3A_111 = arith.addi %add3A_110, %mul3A_109 : i32
      %mul3A_112 = arith.constant 3 : i32
      %mul3A_113 = arith.muli %add3A_111, %mul3A_112 : i32
      %add3A_114 = arith.constant 0 : i32
      %add3A_115 = arith.addi %mul3A_113, %add3A_114 : i32
      %dma_wait3A_116 = arith.constant 0 : i32
      %dma_wait3A_117 = arith.constant 0 : i32
      %dma_wait3A_118 = tpu.memref_slice %arg2[%dma_wait3A_116, %dma_wait3A_117] : memref<10000x128xf32, #tpu.memory_space<hbm>> -> memref<10000x128xf32, #tpu.memory_space<hbm>>
      tpu.wait_indirect_dma semaphore(%arg22 : memref<!tpu.dma_semaphore, #tpu.memory_space<semaphore_mem>>) src(%dma_wait3A_118 : memref<10000x128xf32, #tpu.memory_space<hbm>>) dst(%arg13 : memref<128x128xf32, #tpu.memory_space<vmem>>)
      %dma_wait3A_119 = arith.constant 0 : i32
      %dma_wait3A_120 = tpu.memref_slice %arg4[%mul3A_2, %dma_wait3A_119] : memref<2560x128xi32, #tpu.memory_space<hbm>> -> memref<1x128xi32, #tpu.memory_space<hbm>>
      %dma_wait3A_121 = tpu.memref_squeeze %dma_wait3A_120 : memref<1x128xi32, #tpu.memory_space<hbm>> -> memref<128xi32, #tpu.memory_space<hbm>>
      %dma_wait3A_122 = arith.constant 0 : i32
      %dma_wait3A_123 = tpu.memref_slice %arg4[%mul3A_2, %dma_wait3A_122] : memref<2560x128xi32, #tpu.memory_space<hbm>> -> memref<1x128xi32, #tpu.memory_space<hbm>>
      %dma_wait3A_124 = tpu.memref_squeeze %dma_wait3A_123 : memref<1x128xi32, #tpu.memory_space<hbm>> -> memref<128xi32, #tpu.memory_space<hbm>>
      tpu.wait_dma2 semaphore(%arg19 : memref<!tpu.dma_semaphore, #tpu.memory_space<semaphore_mem>>) src(%dma_wait3A_124 : memref<128xi32, #tpu.memory_space<hbm>>) dst(%arg10 : memref<128xi32, #tpu.memory_space<vmem>>)
      %dma_start3A_125 = arith.constant 0 : i32
      %dma_start3A_126 = arith.constant 0 : i32
      %dma_start3A_127 = tpu.memref_slice %arg28[%dma_start3A_125, %dma_start3A_126] : memref<10112x128xf32, #tpu.memory_space<vmem_shared>> -> memref<10112x128xf32, #tpu.memory_space<vmem_shared>>
      tpu.enqueue_indirect_dma source(%arg13 : memref<128x128xf32, #tpu.memory_space<vmem>>) target(%dma_start3A_127 : memref<10112x128xf32, #tpu.memory_space<vmem_shared>>) offsets(%arg10 : memref<128xi32, #tpu.memory_space<vmem>>) semaphore(%arg25 : memref<!tpu.dma_semaphore, #tpu.memory_space<semaphore_mem>>) {add = true}
      %ge3A = arith.constant 1 : i32
      %ge3A_128 = arith.cmpi sge, %add3A_115, %ge3A : i32
      %convert_element_type3A = arith.extui %ge3A_128 : i1 to i32
      %cond3A = arith.constant 0 : i32
      %cond3A_129 = arith.cmpi ne, %convert_element_type3A, %cond3A : i32
      scf.if %cond3A_129 {
        %dma_wait3A_213 = arith.constant 0 : i32
        %dma_wait3A_214 = arith.constant 0 : i32
        %dma_wait3A_215 = tpu.memref_slice %arg28[%dma_wait3A_213, %dma_wait3A_214] : memref<10112x128xf32, #tpu.memory_space<vmem_shared>> -> memref<10112x128xf32, #tpu.memory_space<vmem_shared>>
        tpu.wait_indirect_dma semaphore(%arg27 : memref<!tpu.dma_semaphore, #tpu.memory_space<semaphore_mem>>) src(%arg15 : memref<128x128xf32, #tpu.memory_space<vmem>>) dst(%dma_wait3A_215 : memref<10112x128xf32, #tpu.memory_space<vmem_shared>>)
      } else {
      }
      %add3A_130 = arith.constant 2 : i32
      %add3A_131 = arith.addi %add3A_115, %add3A_130 : i32
      %lt3A = arith.constant 80 : i32
      %lt3A_132 = arith.cmpi slt, %add3A_131, %lt3A : i32
      %convert_element_type3A_133 = arith.extui %lt3A_132 : i1 to i32
      %cond3A_134 = arith.constant 0 : i32
      %cond3A_135 = arith.cmpi ne, %convert_element_type3A_133, %cond3A_134 : i32
      scf.if %cond3A_135 {
        %dma_wait3A_213 = arith.constant 0 : i32
        %dma_wait3A_214 = tpu.memref_slice %arg3[%mul3A_2, %dma_wait3A_213] : memref<2560x128xi32, #tpu.memory_space<hbm>> -> memref<1x128xi32, #tpu.memory_space<hbm>>
        %dma_wait3A_215 = tpu.memref_squeeze %dma_wait3A_214 : memref<1x128xi32, #tpu.memory_space<hbm>> -> memref<128xi32, #tpu.memory_space<hbm>>
        %dma_wait3A_216 = arith.constant 0 : i32
        %dma_wait3A_217 = tpu.memref_slice %arg3[%mul3A_2, %dma_wait3A_216] : memref<2560x128xi32, #tpu.memory_space<hbm>> -> memref<1x128xi32, #tpu.memory_space<hbm>>
        %dma_wait3A_218 = tpu.memref_squeeze %dma_wait3A_217 : memref<1x128xi32, #tpu.memory_space<hbm>> -> memref<128xi32, #tpu.memory_space<hbm>>
        tpu.wait_dma2 semaphore(%arg18 : memref<!tpu.dma_semaphore, #tpu.memory_space<semaphore_mem>>) src(%dma_wait3A_218 : memref<128xi32, #tpu.memory_space<hbm>>) dst(%arg9 : memref<128xi32, #tpu.memory_space<vmem>>)
        %dma_start3A_219 = arith.constant 0 : i32
        %dma_start3A_220 = arith.constant 0 : i32
        %dma_start3A_221 = tpu.memref_slice %arg2[%dma_start3A_219, %dma_start3A_220] : memref<10000x128xf32, #tpu.memory_space<hbm>> -> memref<10000x128xf32, #tpu.memory_space<hbm>>
        tpu.enqueue_indirect_dma source(%dma_start3A_221 : memref<10000x128xf32, #tpu.memory_space<hbm>>) target(%arg15 : memref<128x128xf32, #tpu.memory_space<vmem>>) offsets(%arg9 : memref<128xi32, #tpu.memory_space<vmem>>) semaphore(%arg24 : memref<!tpu.dma_semaphore, #tpu.memory_space<semaphore_mem>>)
        %add3A_222 = arith.addi %mul3A_2, %add3A_115 : i32
        %add3A_223 = arith.constant 2 : i32
        %add3A_224 = arith.addi %add3A_222, %add3A_223 : i32
        %dma_start3A_225 = arith.constant 0 : i32
        %dma_start3A_226 = tpu.memref_slice %arg4[%add3A_224, %dma_start3A_225] : memref<2560x128xi32, #tpu.memory_space<hbm>> -> memref<1x128xi32, #tpu.memory_space<hbm>>
        %dma_start3A_227 = tpu.memref_squeeze %dma_start3A_226 : memref<1x128xi32, #tpu.memory_space<hbm>> -> memref<128xi32, #tpu.memory_space<hbm>>
        %dma_start3A_228 = arith.constant 0 : i32
        %dma_start3A_229 = tpu.memref_slice %arg4[%add3A_224, %dma_start3A_228] : memref<2560x128xi32, #tpu.memory_space<hbm>> -> memref<1x128xi32, #tpu.memory_space<hbm>>
        %dma_start3A_230 = tpu.memref_squeeze %dma_start3A_229 : memref<1x128xi32, #tpu.memory_space<hbm>> -> memref<128xi32, #tpu.memory_space<hbm>>
        tpu.enqueue_dma source(%dma_start3A_230 : memref<128xi32, #tpu.memory_space<hbm>>) target(%arg12 : memref<128xi32, #tpu.memory_space<vmem>>) target_semaphore(%arg21 : memref<!tpu.dma_semaphore, #tpu.memory_space<semaphore_mem>>)
      } else {
      }
      %add3A_136 = arith.constant 3 : i32
      %add3A_137 = arith.addi %add3A_115, %add3A_136 : i32
      %lt3A_138 = arith.constant 80 : i32
      %lt3A_139 = arith.cmpi slt, %add3A_137, %lt3A_138 : i32
      %convert_element_type3A_140 = arith.extui %lt3A_139 : i1 to i32
      %cond3A_141 = arith.constant 0 : i32
      %cond3A_142 = arith.cmpi ne, %convert_element_type3A_140, %cond3A_141 : i32
      scf.if %cond3A_142 {
        %add3A_213 = arith.addi %mul3A_2, %add3A_115 : i32
        %add3A_214 = arith.constant 3 : i32
        %add3A_215 = arith.addi %add3A_213, %add3A_214 : i32
        %dma_start3A_216 = arith.constant 0 : i32
        %dma_start3A_217 = tpu.memref_slice %arg3[%add3A_215, %dma_start3A_216] : memref<2560x128xi32, #tpu.memory_space<hbm>> -> memref<1x128xi32, #tpu.memory_space<hbm>>
        %dma_start3A_218 = tpu.memref_squeeze %dma_start3A_217 : memref<1x128xi32, #tpu.memory_space<hbm>> -> memref<128xi32, #tpu.memory_space<hbm>>
        %dma_start3A_219 = arith.constant 0 : i32
        %dma_start3A_220 = tpu.memref_slice %arg3[%add3A_215, %dma_start3A_219] : memref<2560x128xi32, #tpu.memory_space<hbm>> -> memref<1x128xi32, #tpu.memory_space<hbm>>
        %dma_start3A_221 = tpu.memref_squeeze %dma_start3A_220 : memref<1x128xi32, #tpu.memory_space<hbm>> -> memref<128xi32, #tpu.memory_space<hbm>>
        tpu.enqueue_dma source(%dma_start3A_221 : memref<128xi32, #tpu.memory_space<hbm>>) target(%arg7 : memref<128xi32, #tpu.memory_space<vmem>>) target_semaphore(%arg16 : memref<!tpu.dma_semaphore, #tpu.memory_space<semaphore_mem>>)
      } else {
      }
      %mul3A_143 = arith.constant 3 : i32
      %mul3A_144 = arith.muli %add3A_111, %mul3A_143 : i32
      %add3A_145 = arith.constant 1 : i32
      %add3A_146 = arith.addi %mul3A_144, %add3A_145 : i32
      %dma_wait3A_147 = arith.constant 0 : i32
      %dma_wait3A_148 = arith.constant 0 : i32
      %dma_wait3A_149 = tpu.memref_slice %arg2[%dma_wait3A_147, %dma_wait3A_148] : memref<10000x128xf32, #tpu.memory_space<hbm>> -> memref<10000x128xf32, #tpu.memory_space<hbm>>
      tpu.wait_indirect_dma semaphore(%arg23 : memref<!tpu.dma_semaphore, #tpu.memory_space<semaphore_mem>>) src(%dma_wait3A_149 : memref<10000x128xf32, #tpu.memory_space<hbm>>) dst(%arg14 : memref<128x128xf32, #tpu.memory_space<vmem>>)
      %dma_wait3A_150 = arith.constant 0 : i32
      %dma_wait3A_151 = tpu.memref_slice %arg4[%mul3A_2, %dma_wait3A_150] : memref<2560x128xi32, #tpu.memory_space<hbm>> -> memref<1x128xi32, #tpu.memory_space<hbm>>
      %dma_wait3A_152 = tpu.memref_squeeze %dma_wait3A_151 : memref<1x128xi32, #tpu.memory_space<hbm>> -> memref<128xi32, #tpu.memory_space<hbm>>
      %dma_wait3A_153 = arith.constant 0 : i32
      %dma_wait3A_154 = tpu.memref_slice %arg4[%mul3A_2, %dma_wait3A_153] : memref<2560x128xi32, #tpu.memory_space<hbm>> -> memref<1x128xi32, #tpu.memory_space<hbm>>
      %dma_wait3A_155 = tpu.memref_squeeze %dma_wait3A_154 : memref<1x128xi32, #tpu.memory_space<hbm>> -> memref<128xi32, #tpu.memory_space<hbm>>
      tpu.wait_dma2 semaphore(%arg20 : memref<!tpu.dma_semaphore, #tpu.memory_space<semaphore_mem>>) src(%dma_wait3A_155 : memref<128xi32, #tpu.memory_space<hbm>>) dst(%arg11 : memref<128xi32, #tpu.memory_space<vmem>>)
      %dma_start3A_156 = arith.constant 0 : i32
      %dma_start3A_157 = arith.constant 0 : i32
      %dma_start3A_158 = tpu.memref_slice %arg28[%dma_start3A_156, %dma_start3A_157] : memref<10112x128xf32, #tpu.memory_space<vmem_shared>> -> memref<10112x128xf32, #tpu.memory_space<vmem_shared>>
      tpu.enqueue_indirect_dma source(%arg14 : memref<128x128xf32, #tpu.memory_space<vmem>>) target(%dma_start3A_158 : memref<10112x128xf32, #tpu.memory_space<vmem_shared>>) offsets(%arg11 : memref<128xi32, #tpu.memory_space<vmem>>) semaphore(%arg26 : memref<!tpu.dma_semaphore, #tpu.memory_space<semaphore_mem>>) {add = true}
      %ge3A_159 = arith.constant 1 : i32
      %ge3A_160 = arith.cmpi sge, %add3A_146, %ge3A_159 : i32
      %convert_element_type3A_161 = arith.extui %ge3A_160 : i1 to i32
      %cond3A_162 = arith.constant 0 : i32
      %cond3A_163 = arith.cmpi ne, %convert_element_type3A_161, %cond3A_162 : i32
      scf.if %cond3A_163 {
        %dma_wait3A_213 = arith.constant 0 : i32
        %dma_wait3A_214 = arith.constant 0 : i32
        %dma_wait3A_215 = tpu.memref_slice %arg28[%dma_wait3A_213, %dma_wait3A_214] : memref<10112x128xf32, #tpu.memory_space<vmem_shared>> -> memref<10112x128xf32, #tpu.memory_space<vmem_shared>>
        tpu.wait_indirect_dma semaphore(%arg25 : memref<!tpu.dma_semaphore, #tpu.memory_space<semaphore_mem>>) src(%arg13 : memref<128x128xf32, #tpu.memory_space<vmem>>) dst(%dma_wait3A_215 : memref<10112x128xf32, #tpu.memory_space<vmem_shared>>)
      } else {
      }
      %add3A_164 = arith.constant 2 : i32
      %add3A_165 = arith.addi %add3A_146, %add3A_164 : i32
      %lt3A_166 = arith.constant 80 : i32
      %lt3A_167 = arith.cmpi slt, %add3A_165, %lt3A_166 : i32
      %convert_element_type3A_168 = arith.extui %lt3A_167 : i1 to i32
      %cond3A_169 = arith.constant 0 : i32
      %cond3A_170 = arith.cmpi ne, %convert_element_type3A_168, %cond3A_169 : i32
      scf.if %cond3A_170 {
        %dma_wait3A_213 = arith.constant 0 : i32
        %dma_wait3A_214 = tpu.memref_slice %arg3[%mul3A_2, %dma_wait3A_213] : memref<2560x128xi32, #tpu.memory_space<hbm>> -> memref<1x128xi32, #tpu.memory_space<hbm>>
        %dma_wait3A_215 = tpu.memref_squeeze %dma_wait3A_214 : memref<1x128xi32, #tpu.memory_space<hbm>> -> memref<128xi32, #tpu.memory_space<hbm>>
        %dma_wait3A_216 = arith.constant 0 : i32
        %dma_wait3A_217 = tpu.memref_slice %arg3[%mul3A_2, %dma_wait3A_216] : memref<2560x128xi32, #tpu.memory_space<hbm>> -> memref<1x128xi32, #tpu.memory_space<hbm>>
        %dma_wait3A_218 = tpu.memref_squeeze %dma_wait3A_217 : memref<1x128xi32, #tpu.memory_space<hbm>> -> memref<128xi32, #tpu.memory_space<hbm>>
        tpu.wait_dma2 semaphore(%arg16 : memref<!tpu.dma_semaphore, #tpu.memory_space<semaphore_mem>>) src(%dma_wait3A_218 : memref<128xi32, #tpu.memory_space<hbm>>) dst(%arg7 : memref<128xi32, #tpu.memory_space<vmem>>)
        %dma_start3A_219 = arith.constant 0 : i32
        %dma_start3A_220 = arith.constant 0 : i32
        %dma_start3A_221 = tpu.memref_slice %arg2[%dma_start3A_219, %dma_start3A_220] : memref<10000x128xf32, #tpu.memory_space<hbm>> -> memref<10000x128xf32, #tpu.memory_space<hbm>>
        tpu.enqueue_indirect_dma source(%dma_start3A_221 : memref<10000x128xf32, #tpu.memory_space<hbm>>) target(%arg13 : memref<128x128xf32, #tpu.memory_space<vmem>>) offsets(%arg7 : memref<128xi32, #tpu.memory_space<vmem>>) semaphore(%arg22 : memref<!tpu.dma_semaphore, #tpu.memory_space<semaphore_mem>>)
        %add3A_222 = arith.addi %mul3A_2, %add3A_146 : i32
        %add3A_223 = arith.constant 2 : i32
        %add3A_224 = arith.addi %add3A_222, %add3A_223 : i32
        %dma_start3A_225 = arith.constant 0 : i32
        %dma_start3A_226 = tpu.memref_slice %arg4[%add3A_224, %dma_start3A_225] : memref<2560x128xi32, #tpu.memory_space<hbm>> -> memref<1x128xi32, #tpu.memory_space<hbm>>
        %dma_start3A_227 = tpu.memref_squeeze %dma_start3A_226 : memref<1x128xi32, #tpu.memory_space<hbm>> -> memref<128xi32, #tpu.memory_space<hbm>>
        %dma_start3A_228 = arith.constant 0 : i32
        %dma_start3A_229 = tpu.memref_slice %arg4[%add3A_224, %dma_start3A_228] : memref<2560x128xi32, #tpu.memory_space<hbm>> -> memref<1x128xi32, #tpu.memory_space<hbm>>
        %dma_start3A_230 = tpu.memref_squeeze %dma_start3A_229 : memref<1x128xi32, #tpu.memory_space<hbm>> -> memref<128xi32, #tpu.memory_space<hbm>>
        tpu.enqueue_dma source(%dma_start3A_230 : memref<128xi32, #tpu.memory_space<hbm>>) target(%arg10 : memref<128xi32, #tpu.memory_space<vmem>>) target_semaphore(%arg19 : memref<!tpu.dma_semaphore, #tpu.memory_space<semaphore_mem>>)
      } else {
      }
      %add3A_171 = arith.constant 3 : i32
      %add3A_172 = arith.addi %add3A_146, %add3A_171 : i32
      %lt3A_173 = arith.constant 80 : i32
      %lt3A_174 = arith.cmpi slt, %add3A_172, %lt3A_173 : i32
      %convert_element_type3A_175 = arith.extui %lt3A_174 : i1 to i32
      %cond3A_176 = arith.constant 0 : i32
      %cond3A_177 = arith.cmpi ne, %convert_element_type3A_175, %cond3A_176 : i32
      scf.if %cond3A_177 {
        %add3A_213 = arith.addi %mul3A_2, %add3A_146 : i32
        %add3A_214 = arith.constant 3 : i32
        %add3A_215 = arith.addi %add3A_213, %add3A_214 : i32
        %dma_start3A_216 = arith.constant 0 : i32
        %dma_start3A_217 = tpu.memref_slice %arg3[%add3A_215, %dma_start3A_216] : memref<2560x128xi32, #tpu.memory_space<hbm>> -> memref<1x128xi32, #tpu.memory_space<hbm>>
        %dma_start3A_218 = tpu.memref_squeeze %dma_start3A_217 : memref<1x128xi32, #tpu.memory_space<hbm>> -> memref<128xi32, #tpu.memory_space<hbm>>
        %dma_start3A_219 = arith.constant 0 : i32
        %dma_start3A_220 = tpu.memref_slice %arg3[%add3A_215, %dma_start3A_219] : memref<2560x128xi32, #tpu.memory_space<hbm>> -> memref<1x128xi32, #tpu.memory_space<hbm>>
        %dma_start3A_221 = tpu.memref_squeeze %dma_start3A_220 : memref<1x128xi32, #tpu.memory_space<hbm>> -> memref<128xi32, #tpu.memory_space<hbm>>
        tpu.enqueue_dma source(%dma_start3A_221 : memref<128xi32, #tpu.memory_space<hbm>>) target(%arg8 : memref<128xi32, #tpu.memory_space<vmem>>) target_semaphore(%arg17 : memref<!tpu.dma_semaphore, #tpu.memory_space<semaphore_mem>>)
      } else {
      }
      %mul3A_178 = arith.constant 3 : i32
      %mul3A_179 = arith.muli %add3A_111, %mul3A_178 : i32
      %add3A_180 = arith.constant 2 : i32
      %add3A_181 = arith.addi %mul3A_179, %add3A_180 : i32
      %dma_wait3A_182 = arith.constant 0 : i32
      %dma_wait3A_183 = arith.constant 0 : i32
      %dma_wait3A_184 = tpu.memref_slice %arg2[%dma_wait3A_182, %dma_wait3A_183] : memref<10000x128xf32, #tpu.memory_space<hbm>> -> memref<10000x128xf32, #tpu.memory_space<hbm>>
      tpu.wait_indirect_dma semaphore(%arg24 : memref<!tpu.dma_semaphore, #tpu.memory_space<semaphore_mem>>) src(%dma_wait3A_184 : memref<10000x128xf32, #tpu.memory_space<hbm>>) dst(%arg15 : memref<128x128xf32, #tpu.memory_space<vmem>>)
      %dma_wait3A_185 = arith.constant 0 : i32
      %dma_wait3A_186 = tpu.memref_slice %arg4[%mul3A_2, %dma_wait3A_185] : memref<2560x128xi32, #tpu.memory_space<hbm>> -> memref<1x128xi32, #tpu.memory_space<hbm>>
      %dma_wait3A_187 = tpu.memref_squeeze %dma_wait3A_186 : memref<1x128xi32, #tpu.memory_space<hbm>> -> memref<128xi32, #tpu.memory_space<hbm>>
      %dma_wait3A_188 = arith.constant 0 : i32
      %dma_wait3A_189 = tpu.memref_slice %arg4[%mul3A_2, %dma_wait3A_188] : memref<2560x128xi32, #tpu.memory_space<hbm>> -> memref<1x128xi32, #tpu.memory_space<hbm>>
      %dma_wait3A_190 = tpu.memref_squeeze %dma_wait3A_189 : memref<1x128xi32, #tpu.memory_space<hbm>> -> memref<128xi32, #tpu.memory_space<hbm>>
      tpu.wait_dma2 semaphore(%arg21 : memref<!tpu.dma_semaphore, #tpu.memory_space<semaphore_mem>>) src(%dma_wait3A_190 : memref<128xi32, #tpu.memory_space<hbm>>) dst(%arg12 : memref<128xi32, #tpu.memory_space<vmem>>)
      %dma_start3A_191 = arith.constant 0 : i32
      %dma_start3A_192 = arith.constant 0 : i32
      %dma_start3A_193 = tpu.memref_slice %arg28[%dma_start3A_191, %dma_start3A_192] : memref<10112x128xf32, #tpu.memory_space<vmem_shared>> -> memref<10112x128xf32, #tpu.memory_space<vmem_shared>>
      tpu.enqueue_indirect_dma source(%arg15 : memref<128x128xf32, #tpu.memory_space<vmem>>) target(%dma_start3A_193 : memref<10112x128xf32, #tpu.memory_space<vmem_shared>>) offsets(%arg12 : memref<128xi32, #tpu.memory_space<vmem>>) semaphore(%arg27 : memref<!tpu.dma_semaphore, #tpu.memory_space<semaphore_mem>>) {add = true}
      %ge3A_194 = arith.constant 1 : i32
      %ge3A_195 = arith.cmpi sge, %add3A_181, %ge3A_194 : i32
      %convert_element_type3A_196 = arith.extui %ge3A_195 : i1 to i32
      %cond3A_197 = arith.constant 0 : i32
      %cond3A_198 = arith.cmpi ne, %convert_element_type3A_196, %cond3A_197 : i32
      scf.if %cond3A_198 {
        %dma_wait3A_213 = arith.constant 0 : i32
        %dma_wait3A_214 = arith.constant 0 : i32
        %dma_wait3A_215 = tpu.memref_slice %arg28[%dma_wait3A_213, %dma_wait3A_214] : memref<10112x128xf32, #tpu.memory_space<vmem_shared>> -> memref<10112x128xf32, #tpu.memory_space<vmem_shared>>
        tpu.wait_indirect_dma semaphore(%arg26 : memref<!tpu.dma_semaphore, #tpu.memory_space<semaphore_mem>>) src(%arg14 : memref<128x128xf32, #tpu.memory_space<vmem>>) dst(%dma_wait3A_215 : memref<10112x128xf32, #tpu.memory_space<vmem_shared>>)
      } else {
      }
      %add3A_199 = arith.constant 2 : i32
      %add3A_200 = arith.addi %add3A_181, %add3A_199 : i32
      %lt3A_201 = arith.constant 80 : i32
      %lt3A_202 = arith.cmpi slt, %add3A_200, %lt3A_201 : i32
      %convert_element_type3A_203 = arith.extui %lt3A_202 : i1 to i32
      %cond3A_204 = arith.constant 0 : i32
      %cond3A_205 = arith.cmpi ne, %convert_element_type3A_203, %cond3A_204 : i32
      scf.if %cond3A_205 {
        %dma_wait3A_213 = arith.constant 0 : i32
        %dma_wait3A_214 = tpu.memref_slice %arg3[%mul3A_2, %dma_wait3A_213] : memref<2560x128xi32, #tpu.memory_space<hbm>> -> memref<1x128xi32, #tpu.memory_space<hbm>>
        %dma_wait3A_215 = tpu.memref_squeeze %dma_wait3A_214 : memref<1x128xi32, #tpu.memory_space<hbm>> -> memref<128xi32, #tpu.memory_space<hbm>>
        %dma_wait3A_216 = arith.constant 0 : i32
        %dma_wait3A_217 = tpu.memref_slice %arg3[%mul3A_2, %dma_wait3A_216] : memref<2560x128xi32, #tpu.memory_space<hbm>> -> memref<1x128xi32, #tpu.memory_space<hbm>>
        %dma_wait3A_218 = tpu.memref_squeeze %dma_wait3A_217 : memref<1x128xi32, #tpu.memory_space<hbm>> -> memref<128xi32, #tpu.memory_space<hbm>>
        tpu.wait_dma2 semaphore(%arg17 : memref<!tpu.dma_semaphore, #tpu.memory_space<semaphore_mem>>) src(%dma_wait3A_218 : memref<128xi32, #tpu.memory_space<hbm>>) dst(%arg8 : memref<128xi32, #tpu.memory_space<vmem>>)
        %dma_start3A_219 = arith.constant 0 : i32
        %dma_start3A_220 = arith.constant 0 : i32
        %dma_start3A_221 = tpu.memref_slice %arg2[%dma_start3A_219, %dma_start3A_220] : memref<10000x128xf32, #tpu.memory_space<hbm>> -> memref<10000x128xf32, #tpu.memory_space<hbm>>
        tpu.enqueue_indirect_dma source(%dma_start3A_221 : memref<10000x128xf32, #tpu.memory_space<hbm>>) target(%arg14 : memref<128x128xf32, #tpu.memory_space<vmem>>) offsets(%arg8 : memref<128xi32, #tpu.memory_space<vmem>>) semaphore(%arg23 : memref<!tpu.dma_semaphore, #tpu.memory_space<semaphore_mem>>)
        %add3A_222 = arith.addi %mul3A_2, %add3A_181 : i32
        %add3A_223 = arith.constant 2 : i32
        %add3A_224 = arith.addi %add3A_222, %add3A_223 : i32
        %dma_start3A_225 = arith.constant 0 : i32
        %dma_start3A_226 = tpu.memref_slice %arg4[%add3A_224, %dma_start3A_225] : memref<2560x128xi32, #tpu.memory_space<hbm>> -> memref<1x128xi32, #tpu.memory_space<hbm>>
        %dma_start3A_227 = tpu.memref_squeeze %dma_start3A_226 : memref<1x128xi32, #tpu.memory_space<hbm>> -> memref<128xi32, #tpu.memory_space<hbm>>
        %dma_start3A_228 = arith.constant 0 : i32
        %dma_start3A_229 = tpu.memref_slice %arg4[%add3A_224, %dma_start3A_228] : memref<2560x128xi32, #tpu.memory_space<hbm>> -> memref<1x128xi32, #tpu.memory_space<hbm>>
        %dma_start3A_230 = tpu.memref_squeeze %dma_start3A_229 : memref<1x128xi32, #tpu.memory_space<hbm>> -> memref<128xi32, #tpu.memory_space<hbm>>
        tpu.enqueue_dma source(%dma_start3A_230 : memref<128xi32, #tpu.memory_space<hbm>>) target(%arg11 : memref<128xi32, #tpu.memory_space<vmem>>) target_semaphore(%arg20 : memref<!tpu.dma_semaphore, #tpu.memory_space<semaphore_mem>>)
      } else {
      }
      %add3A_206 = arith.constant 3 : i32
      %add3A_207 = arith.addi %add3A_181, %add3A_206 : i32
      %lt3A_208 = arith.constant 80 : i32
      %lt3A_209 = arith.cmpi slt, %add3A_207, %lt3A_208 : i32
      %convert_element_type3A_210 = arith.extui %lt3A_209 : i1 to i32
      %cond3A_211 = arith.constant 0 : i32
      %cond3A_212 = arith.cmpi ne, %convert_element_type3A_210, %cond3A_211 : i32
      scf.if %cond3A_212 {
        %add3A_213 = arith.addi %mul3A_2, %add3A_181 : i32
        %add3A_214 = arith.constant 3 : i32
        %add3A_215 = arith.addi %add3A_213, %add3A_214 : i32
        %dma_start3A_216 = arith.constant 0 : i32
        %dma_start3A_217 = tpu.memref_slice %arg3[%add3A_215, %dma_start3A_216] : memref<2560x128xi32, #tpu.memory_space<hbm>> -> memref<1x128xi32, #tpu.memory_space<hbm>>
        %dma_start3A_218 = tpu.memref_squeeze %dma_start3A_217 : memref<1x128xi32, #tpu.memory_space<hbm>> -> memref<128xi32, #tpu.memory_space<hbm>>
        %dma_start3A_219 = arith.constant 0 : i32
        %dma_start3A_220 = tpu.memref_slice %arg3[%add3A_215, %dma_start3A_219] : memref<2560x128xi32, #tpu.memory_space<hbm>> -> memref<1x128xi32, #tpu.memory_space<hbm>>
        %dma_start3A_221 = tpu.memref_squeeze %dma_start3A_220 : memref<1x128xi32, #tpu.memory_space<hbm>> -> memref<128xi32, #tpu.memory_space<hbm>>
        tpu.enqueue_dma source(%dma_start3A_221 : memref<128xi32, #tpu.memory_space<hbm>>) target(%arg9 : memref<128xi32, #tpu.memory_space<vmem>>) target_semaphore(%arg18 : memref<!tpu.dma_semaphore, #tpu.memory_space<semaphore_mem>>)
      } else {
      }
    }
    %scan3A_68 = arith.constant 26 : i32
    %dma_wait3A_69 = arith.constant 0 : i32
    %dma_wait3A_70 = arith.constant 0 : i32
    %dma_wait3A_71 = tpu.memref_slice %arg2[%dma_wait3A_69, %dma_wait3A_70] : memref<10000x128xf32, #tpu.memory_space<hbm>> -> memref<10000x128xf32, #tpu.memory_space<hbm>>
    tpu.wait_indirect_dma semaphore(%arg22 : memref<!tpu.dma_semaphore, #tpu.memory_space<semaphore_mem>>) src(%dma_wait3A_71 : memref<10000x128xf32, #tpu.memory_space<hbm>>) dst(%arg13 : memref<128x128xf32, #tpu.memory_space<vmem>>)
    %dma_wait3A_72 = arith.constant 0 : i32
    %dma_wait3A_73 = tpu.memref_slice %arg4[%mul3A_2, %dma_wait3A_72] : memref<2560x128xi32, #tpu.memory_space<hbm>> -> memref<1x128xi32, #tpu.memory_space<hbm>>
    %dma_wait3A_74 = tpu.memref_squeeze %dma_wait3A_73 : memref<1x128xi32, #tpu.memory_space<hbm>> -> memref<128xi32, #tpu.memory_space<hbm>>
    %dma_wait3A_75 = arith.constant 0 : i32
    %dma_wait3A_76 = tpu.memref_slice %arg4[%mul3A_2, %dma_wait3A_75] : memref<2560x128xi32, #tpu.memory_space<hbm>> -> memref<1x128xi32, #tpu.memory_space<hbm>>
    %dma_wait3A_77 = tpu.memref_squeeze %dma_wait3A_76 : memref<1x128xi32, #tpu.memory_space<hbm>> -> memref<128xi32, #tpu.memory_space<hbm>>
    tpu.wait_dma2 semaphore(%arg19 : memref<!tpu.dma_semaphore, #tpu.memory_space<semaphore_mem>>) src(%dma_wait3A_77 : memref<128xi32, #tpu.memory_space<hbm>>) dst(%arg10 : memref<128xi32, #tpu.memory_space<vmem>>)
    %dma_start3A_78 = arith.constant 0 : i32
    %dma_start3A_79 = arith.constant 0 : i32
    %dma_start3A_80 = tpu.memref_slice %arg28[%dma_start3A_78, %dma_start3A_79] : memref<10112x128xf32, #tpu.memory_space<vmem_shared>> -> memref<10112x128xf32, #tpu.memory_space<vmem_shared>>
    tpu.enqueue_indirect_dma source(%arg13 : memref<128x128xf32, #tpu.memory_space<vmem>>) target(%dma_start3A_80 : memref<10112x128xf32, #tpu.memory_space<vmem_shared>>) offsets(%arg10 : memref<128xi32, #tpu.memory_space<vmem>>) semaphore(%arg25 : memref<!tpu.dma_semaphore, #tpu.memory_space<semaphore_mem>>) {add = true}
    %dma_wait3A_81 = arith.constant 0 : i32
    %dma_wait3A_82 = arith.constant 0 : i32
    %dma_wait3A_83 = tpu.memref_slice %arg28[%dma_wait3A_81, %dma_wait3A_82] : memref<10112x128xf32, #tpu.memory_space<vmem_shared>> -> memref<10112x128xf32, #tpu.memory_space<vmem_shared>>
    tpu.wait_indirect_dma semaphore(%arg27 : memref<!tpu.dma_semaphore, #tpu.memory_space<semaphore_mem>>) src(%arg15 : memref<128x128xf32, #tpu.memory_space<vmem>>) dst(%dma_wait3A_83 : memref<10112x128xf32, #tpu.memory_space<vmem_shared>>)
    %dma_wait3A_84 = arith.constant 0 : i32
    %dma_wait3A_85 = arith.constant 0 : i32
    %dma_wait3A_86 = tpu.memref_slice %arg2[%dma_wait3A_84, %dma_wait3A_85] : memref<10000x128xf32, #tpu.memory_space<hbm>> -> memref<10000x128xf32, #tpu.memory_space<hbm>>
    tpu.wait_indirect_dma semaphore(%arg23 : memref<!tpu.dma_semaphore, #tpu.memory_space<semaphore_mem>>) src(%dma_wait3A_86 : memref<10000x128xf32, #tpu.memory_space<hbm>>) dst(%arg14 : memref<128x128xf32, #tpu.memory_space<vmem>>)
    %dma_wait3A_87 = arith.constant 0 : i32
    %dma_wait3A_88 = tpu.memref_slice %arg4[%mul3A_2, %dma_wait3A_87] : memref<2560x128xi32, #tpu.memory_space<hbm>> -> memref<1x128xi32, #tpu.memory_space<hbm>>
    %dma_wait3A_89 = tpu.memref_squeeze %dma_wait3A_88 : memref<1x128xi32, #tpu.memory_space<hbm>> -> memref<128xi32, #tpu.memory_space<hbm>>
    %dma_wait3A_90 = arith.constant 0 : i32
    %dma_wait3A_91 = tpu.memref_slice %arg4[%mul3A_2, %dma_wait3A_90] : memref<2560x128xi32, #tpu.memory_space<hbm>> -> memref<1x128xi32, #tpu.memory_space<hbm>>
    %dma_wait3A_92 = tpu.memref_squeeze %dma_wait3A_91 : memref<1x128xi32, #tpu.memory_space<hbm>> -> memref<128xi32, #tpu.memory_space<hbm>>
    tpu.wait_dma2 semaphore(%arg20 : memref<!tpu.dma_semaphore, #tpu.memory_space<semaphore_mem>>) src(%dma_wait3A_92 : memref<128xi32, #tpu.memory_space<hbm>>) dst(%arg11 : memref<128xi32, #tpu.memory_space<vmem>>)
    %dma_start3A_93 = arith.constant 0 : i32
    %dma_start3A_94 = arith.constant 0 : i32
    %dma_start3A_95 = tpu.memref_slice %arg28[%dma_start3A_93, %dma_start3A_94] : memref<10112x128xf32, #tpu.memory_space<vmem_shared>> -> memref<10112x128xf32, #tpu.memory_space<vmem_shared>>
    tpu.enqueue_indirect_dma source(%arg14 : memref<128x128xf32, #tpu.memory_space<vmem>>) target(%dma_start3A_95 : memref<10112x128xf32, #tpu.memory_space<vmem_shared>>) offsets(%arg11 : memref<128xi32, #tpu.memory_space<vmem>>) semaphore(%arg26 : memref<!tpu.dma_semaphore, #tpu.memory_space<semaphore_mem>>) {add = true}
    %dma_wait3A_96 = arith.constant 0 : i32
    %dma_wait3A_97 = arith.constant 0 : i32
    %dma_wait3A_98 = tpu.memref_slice %arg28[%dma_wait3A_96, %dma_wait3A_97] : memref<10112x128xf32, #tpu.memory_space<vmem_shared>> -> memref<10112x128xf32, #tpu.memory_space<vmem_shared>>
    tpu.wait_indirect_dma semaphore(%arg25 : memref<!tpu.dma_semaphore, #tpu.memory_space<semaphore_mem>>) src(%arg13 : memref<128x128xf32, #tpu.memory_space<vmem>>) dst(%dma_wait3A_98 : memref<10112x128xf32, #tpu.memory_space<vmem_shared>>)
    %dma_wait3A_99 = arith.constant 0 : i32
    %dma_wait3A_100 = arith.constant 0 : i32
    %dma_wait3A_101 = tpu.memref_slice %arg28[%dma_wait3A_99, %dma_wait3A_100] : memref<10112x128xf32, #tpu.memory_space<vmem_shared>> -> memref<10112x128xf32, #tpu.memory_space<vmem_shared>>
    tpu.wait_indirect_dma semaphore(%arg26 : memref<!tpu.dma_semaphore, #tpu.memory_space<semaphore_mem>>) src(%arg14 : memref<128x128xf32, #tpu.memory_space<vmem>>) dst(%dma_wait3A_101 : memref<10112x128xf32, #tpu.memory_space<vmem_shared>>)
    %barrier3A_102 = arith.constant 0 : index
    tpu.barrier barrier_id(%barrier3A_102)
    %mul3A_103 = arith.constant 632 : i32
    %mul3A_104 = arith.muli %arg1, %mul3A_103 : i32
    %mul3A_105 = arith.constant 632 : i32
    %mul3A_106 = arith.muli %arg1, %mul3A_105 : i32
    "tpu.region"() ({
      %run_scoped3A = tpu.sem_alloc : memref<!tpu.dma_semaphore, #tpu.memory_space<semaphore_mem>>
      %dma_start3A_107 = arith.constant 0 : i32
      %dma_start3A_108 = tpu.memref_slice %arg6[%arg0, %mul3A_106, %dma_start3A_107] : memref<2x10112x128xf32, #tpu.memory_space<hbm>> -> memref<1x632x128xf32, #tpu.memory_space<hbm>>
      %dma_start3A_109 = tpu.memref_squeeze %dma_start3A_108 : memref<1x632x128xf32, #tpu.memory_space<hbm>> -> memref<632x128xf32, #tpu.memory_space<hbm>>
      %dma_start3A_110 = arith.constant 0 : i32
      %dma_start3A_111 = tpu.memref_slice %arg28[%mul3A_104, %dma_start3A_110] : memref<10112x128xf32, #tpu.memory_space<vmem_shared>> -> memref<632x128xf32, #tpu.memory_space<vmem_shared>>
      tpu.enqueue_dma source(%dma_start3A_111 : memref<632x128xf32, #tpu.memory_space<vmem_shared>>) target(%dma_start3A_109 : memref<632x128xf32, #tpu.memory_space<hbm>>) target_semaphore(%run_scoped3A : memref<!tpu.dma_semaphore, #tpu.memory_space<semaphore_mem>>)
      %dma_wait3A_112 = arith.constant 0 : i32
      %dma_wait3A_113 = tpu.memref_slice %arg6[%arg0, %mul3A_106, %dma_wait3A_112] : memref<2x10112x128xf32, #tpu.memory_space<hbm>> -> memref<1x632x128xf32, #tpu.memory_space<hbm>>
      %dma_wait3A_114 = tpu.memref_squeeze %dma_wait3A_113 : memref<1x632x128xf32, #tpu.memory_space<hbm>> -> memref<632x128xf32, #tpu.memory_space<hbm>>
      %dma_wait3A_115 = arith.constant 0 : i32
      %dma_wait3A_116 = tpu.memref_slice %arg28[%mul3A_104, %dma_wait3A_115] : memref<10112x128xf32, #tpu.memory_space<vmem_shared>> -> memref<632x128xf32, #tpu.memory_space<vmem_shared>>
      tpu.wait_dma2 semaphore(%run_scoped3A : memref<!tpu.dma_semaphore, #tpu.memory_space<semaphore_mem>>) src(%dma_wait3A_116 : memref<632x128xf32, #tpu.memory_space<vmem_shared>>) dst(%dma_wait3A_114 : memref<632x128xf32, #tpu.memory_space<hbm>>)
      tpu.yield
    }) : () -> ()
    return
  }
}

module attributes {stable_mosaic.version = 14 : i64} {
  func.func @_dis_body(%arg0: i32, %arg1: memref<1000x1xf32, #tpu.memory_space<vmem>>, %arg2: memref<1000x1xf32, #tpu.memory_space<vmem>>, %arg3: memref<1000x128xf32, #tpu.memory_space<vmem>>) attributes {dimension_semantics = [#tpu.dimension_semantics<arbitrary>], iteration_bounds = array<i64: 10>, scalar_prefetch = 0 : i64, scratch_operands = 0 : i64, tpu.core_type = #tpu.core_type<tc>, window_params = [{transform_indices = @transform_0, window_bounds = array<i64: 1000, 1>}, {transform_indices = @transform_1, window_bounds = array<i64: 1000, 1>}, {transform_indices = @transform_2, window_bounds = array<i64: 1000, 128>}]} {
    %get3A = arith.constant 0 : index
    %get3A_0 = arith.constant 0 : index
    %get3A_1 = vector.load %arg1[%get3A, %get3A_0] : memref<1000x1xf32, #tpu.memory_space<vmem>>, vector<1000x1xf32>
    %get3A_2 = arith.constant 0 : index
    %get3A_3 = arith.constant 0 : index
    %get3A_4 = vector.load %arg2[%get3A_2, %get3A_3] : memref<1000x1xf32, #tpu.memory_space<vmem>>, vector<1000x1xf32>
    %add3A = arith.addf %get3A_1, %get3A_4 : vector<1000x1xf32>
    %gt3A = arith.constant 0.000000e+00 : f32
    %gt3A_5 = vector.broadcast %gt3A : f32 to vector<1000x1xf32>
    %gt3A_6 = arith.cmpf ogt, %add3A, %gt3A_5 : vector<1000x1xf32>
    %max3A = arith.constant 9.99999996E-13 : f32
    %max3A_7 = vector.broadcast %max3A : f32 to vector<1000x1xf32>
    %max3A_8 = arith.maximumf %add3A, %max3A_7 : vector<1000x1xf32>
    %rsqrt3A = math.rsqrt %max3A_8 : vector<1000x1xf32>
    %jit3A = arith.constant 0.000000e+00 : f32
    %broadcast_in_dim3A = vector.broadcast %jit3A : f32 to vector<1000x1xf32>
    %select_n3A = arith.select %gt3A_6, %rsqrt3A, %broadcast_in_dim3A : vector<1000x1xi1>, vector<1000x1xf32>
    %broadcast_in_dim3A_9 = vector.shape_cast %select_n3A : vector<1000x1xf32> to vector<1000x1xf32>
    %broadcast_in_dim3A_10 = vector.broadcast %broadcast_in_dim3A_9 : vector<1000x1xf32> to vector<1000x128xf32>
    %swap3A = arith.constant 0 : index
    %swap3A_11 = arith.constant 0 : index
    %swap3A_12 = vector.load %arg3[%swap3A, %swap3A_11] : memref<1000x128xf32, #tpu.memory_space<vmem>>, vector<1000x128xf32>
    tpu.vector_store %arg3[%swap3A, %swap3A_11], %broadcast_in_dim3A_10 {strides = array<i32>} : memref<1000x128xf32, #tpu.memory_space<vmem>>, vector<1000x128xf32>,
    return
  }
  func.func @transform_0(%arg0: i32) -> (i32, i32) {
    %c0_i32 = arith.constant 0 : i32
    %c0_i32_0 = arith.constant 0 : i32
    return %arg0, %c0_i32 : i32, i32
  }
  func.func @transform_1(%arg0: i32) -> (i32, i32) {
    %c0_i32 = arith.constant 0 : i32
    %c0_i32_0 = arith.constant 0 : i32
    return %arg0, %c0_i32 : i32, i32
  }
  func.func @transform_2(%arg0: i32) -> (i32, i32) {
    %c0_i32 = arith.constant 0 : i32
    %c0_i32_0 = arith.constant 0 : i32
    return %arg0, %c0_i32 : i32, i32
  }
}

module attributes {stable_mosaic.version = 14 : i64} {
  func.func @_mm_body(%arg0: i32, %arg1: memref<1000x128xf32, #tpu.memory_space<vmem>>, %arg2: memref<128x128xf32, #tpu.memory_space<vmem>>, %arg3: memref<1x128xf32, #tpu.memory_space<vmem>>, %arg4: memref<1000x128xf32, #tpu.memory_space<vmem>>, %arg5: memref<1000x128xf32, #tpu.memory_space<vmem>>, %arg6: memref<1000x128xf32, #tpu.memory_space<vmem>>) attributes {dimension_semantics = [#tpu.dimension_semantics<arbitrary>], iteration_bounds = array<i64: 10>, scalar_prefetch = 0 : i64, scratch_operands = 0 : i64, tpu.core_type = #tpu.core_type<tc>, window_params = [{transform_indices = @transform_0, window_bounds = array<i64: 1000, 128>}, {pipeline_mode = #tpu.pipeline_mode<synchronous>, transform_indices = @transform_1, window_bounds = array<i64: 128, 128>}, {pipeline_mode = #tpu.pipeline_mode<synchronous>, transform_indices = @transform_2, window_bounds = array<i64: 1, 128>}, {transform_indices = @transform_3, window_bounds = array<i64: 1000, 128>}, {transform_indices = @transform_4, window_bounds = array<i64: 1000, 128>}, {transform_indices = @transform_5, window_bounds = array<i64: 1000, 128>}]} {
    %get3A = arith.constant 0 : index
    %get3A_0 = arith.constant 0 : index
    %get3A_1 = vector.load %arg1[%get3A, %get3A_0] : memref<1000x128xf32, #tpu.memory_space<vmem>>, vector<1000x128xf32>
    %get3A_2 = arith.constant 0 : index
    %get3A_3 = arith.constant 0 : index
    %get3A_4 = vector.load %arg2[%get3A_2, %get3A_3] : memref<128x128xf32, #tpu.memory_space<vmem>>, vector<128x128xf32>
    %dot_general3A = arith.constant dense<0.000000e+00> : vector<1000x128xf32>
    %dot_general3A_5 = tpu.matmul %get3A_1, %get3A_4, %dot_general3A {dimension_numbers = #tpu.dot_dimension_numbers<[1], [0], [0], [1], [0, 0, 1, 1], [], []>, precision = #tpu.contract_precision<fp32>, transpose_lhs_hint = false} : vector<1000x128xf32>, vector<128x128xf32>, vector<1000x128xf32> -> vector<1000x128xf32>
    %get3A_6 = arith.constant 0 : index
    %get3A_7 = arith.constant 0 : index
    %get3A_8 = vector.load %arg3[%get3A_6, %get3A_7] : memref<1x128xf32, #tpu.memory_space<vmem>>, vector<1x128xf32>
    %add3A = vector.broadcast %get3A_8 : vector<1x128xf32> to vector<1000x128xf32>
    %add3A_9 = arith.addf %dot_general3A_5, %add3A : vector<1000x128xf32>
    %swap3A = arith.constant 0 : index
    %swap3A_10 = arith.constant 0 : index
    %swap3A_11 = vector.load %arg5[%swap3A, %swap3A_10] : memref<1000x128xf32, #tpu.memory_space<vmem>>, vector<1000x128xf32>
    tpu.vector_store %arg5[%swap3A, %swap3A_10], %add3A_9 {strides = array<i32>} : memref<1000x128xf32, #tpu.memory_space<vmem>>, vector<1000x128xf32>,
    %get3A_12 = arith.constant 0 : index
    %get3A_13 = arith.constant 0 : index
    %get3A_14 = vector.load %arg4[%get3A_12, %get3A_13] : memref<1000x128xf32, #tpu.memory_space<vmem>>, vector<1000x128xf32>
    %mul3A = arith.mulf %add3A_9, %get3A_14 : vector<1000x128xf32>
    %swap3A_15 = arith.constant 0 : index
    %swap3A_16 = arith.constant 0 : index
    %swap3A_17 = vector.load %arg6[%swap3A_15, %swap3A_16] : memref<1000x128xf32, #tpu.memory_space<vmem>>, vector<1000x128xf32>
    tpu.vector_store %arg6[%swap3A_15, %swap3A_16], %mul3A {strides = array<i32>} : memref<1000x128xf32, #tpu.memory_space<vmem>>, vector<1000x128xf32>,
    return
  }
  func.func @transform_0(%arg0: i32) -> (i32, i32) {
    %c0_i32 = arith.constant 0 : i32
    %c0_i32_0 = arith.constant 0 : i32
    return %arg0, %c0_i32 : i32, i32
  }
  func.func @transform_1(%arg0: i32) -> (i32, i32) {
    %c0_i32 = arith.constant 0 : i32
    %c0_i32_0 = arith.constant 0 : i32
    %c0_i32_1 = arith.constant 0 : i32
    return %c0_i32, %c0_i32_0 : i32, i32
  }
  func.func @transform_2(%arg0: i32) -> (i32, i32) {
    %c0_i32 = arith.constant 0 : i32
    %c0_i32_0 = arith.constant 0 : i32
    %c0_i32_1 = arith.constant 0 : i32
    return %c0_i32, %c0_i32_0 : i32, i32
  }
  func.func @transform_3(%arg0: i32) -> (i32, i32) {
    %c0_i32 = arith.constant 0 : i32
    %c0_i32_0 = arith.constant 0 : i32
    return %arg0, %c0_i32 : i32, i32
  }
  func.func @transform_4(%arg0: i32) -> (i32, i32) {
    %c0_i32 = arith.constant 0 : i32
    %c0_i32_0 = arith.constant 0 : i32
    return %arg0, %c0_i32 : i32, i32
  }
  func.func @transform_5(%arg0: i32) -> (i32, i32) {
    %c0_i32 = arith.constant 0 : i32
    %c0_i32_0 = arith.constant 0 : i32
    return %arg0, %c0_i32 : i32, i32
  }
}

module attributes {stable_mosaic.version = 14 : i64} {
  func.func @_comb_body(%arg0: i32, %arg1: memref<1x1000x128xf32, #tpu.memory_space<vmem>>, %arg2: memref<1x1000x128xf32, #tpu.memory_space<vmem>>, %arg3: memref<1000x128xf32, #tpu.memory_space<vmem>>, %arg4: memref<1000x128xf32, #tpu.memory_space<vmem>>, %arg5: memref<1000x128xf32, #tpu.memory_space<vmem>>) attributes {dimension_semantics = [#tpu.dimension_semantics<arbitrary>], iteration_bounds = array<i64: 10>, scalar_prefetch = 0 : i64, scratch_operands = 0 : i64, tpu.core_type = #tpu.core_type<tc>, window_params = [{transform_indices = @transform_0, window_bounds = array<i64: 1, 1000, 128>}, {transform_indices = @transform_1, window_bounds = array<i64: 1, 1000, 128>}, {transform_indices = @transform_2, window_bounds = array<i64: 1000, 128>}, {transform_indices = @transform_3, window_bounds = array<i64: 1000, 128>}, {transform_indices = @transform_4, window_bounds = array<i64: 1000, 128>}]} {
    %get3A = arith.constant 0 : index
    %get3A_0 = arith.constant 0 : index
    %get3A_1 = vector.load %arg3[%get3A, %get3A_0] : memref<1000x128xf32, #tpu.memory_space<vmem>>, vector<1000x128xf32>
    %get3A_2 = arith.constant 0 : index
    %get3A_3 = arith.constant 0 : index
    %get3A_4 = arith.constant 0 : index
    %get3A_5 = vector.load %arg1[%get3A_2, %get3A_3, %get3A_4] : memref<1x1000x128xf32, #tpu.memory_space<vmem>>, vector<1x1000x128xf32>
    %get3A_6 = arith.constant 0 : index
    %get3A_7 = arith.constant 0 : index
    %get3A_8 = arith.constant 0 : index
    %get3A_9 = vector.load %arg2[%get3A_6, %get3A_7, %get3A_8] : memref<1x1000x128xf32, #tpu.memory_space<vmem>>, vector<1x1000x128xf32>
    %add3A = arith.addf %get3A_5, %get3A_9 : vector<1x1000x128xf32>
    %squeeze3A = vector.shape_cast %add3A : vector<1x1000x128xf32> to vector<1000x128xf32>
    %mul3A = arith.mulf %squeeze3A, %get3A_1 : vector<1000x128xf32>
    %swap3A = arith.constant 0 : index
    %swap3A_10 = arith.constant 0 : index
    %swap3A_11 = vector.load %arg4[%swap3A, %swap3A_10] : memref<1000x128xf32, #tpu.memory_space<vmem>>, vector<1000x128xf32>
    tpu.vector_store %arg4[%swap3A, %swap3A_10], %mul3A {strides = array<i32>} : memref<1000x128xf32, #tpu.memory_space<vmem>>, vector<1000x128xf32>,
    %mul3A_12 = arith.mulf %mul3A, %get3A_1 : vector<1000x128xf32>
    %swap3A_13 = arith.constant 0 : index
    %swap3A_14 = arith.constant 0 : index
    %swap3A_15 = vector.load %arg5[%swap3A_13, %swap3A_14] : memref<1000x128xf32, #tpu.memory_space<vmem>>, vector<1000x128xf32>
    tpu.vector_store %arg5[%swap3A_13, %swap3A_14], %mul3A_12 {strides = array<i32>} : memref<1000x128xf32, #tpu.memory_space<vmem>>, vector<1000x128xf32>,
    return
  }
  func.func @transform_0(%arg0: i32) -> (i32, i32, i32) {
    %c0_i32 = arith.constant 0 : i32
    %c0_i32_0 = arith.constant 0 : i32
    %c0_i32_1 = arith.constant 0 : i32
    return %c0_i32, %arg0, %c0_i32_0 : i32, i32, i32
  }
  func.func @transform_1(%arg0: i32) -> (i32, i32, i32) {
    %c1_i32 = arith.constant 1 : i32
    %c0_i32 = arith.constant 0 : i32
    %c0_i32_0 = arith.constant 0 : i32
    return %c1_i32, %arg0, %c0_i32 : i32, i32, i32
  }
  func.func @transform_2(%arg0: i32) -> (i32, i32) {
    %c0_i32 = arith.constant 0 : i32
    %c0_i32_0 = arith.constant 0 : i32
    return %arg0, %c0_i32 : i32, i32
  }
  func.func @transform_3(%arg0: i32) -> (i32, i32) {
    %c0_i32 = arith.constant 0 : i32
    %c0_i32_0 = arith.constant 0 : i32
    return %arg0, %c0_i32 : i32, i32
  }
  func.func @transform_4(%arg0: i32) -> (i32, i32) {
    %c0_i32 = arith.constant 0 : i32
    %c0_i32_0 = arith.constant 0 : i32
    return %arg0, %c0_i32 : i32, i32
  }
}

module attributes {stable_mosaic.version = 14 : i64} {
  func.func @_se0_body(%arg0: i32, %arg1: memref<1000x128xf32, #tpu.memory_space<vmem>>, %arg2: memref<1000x128xf32, #tpu.memory_space<vmem>>, %arg3: memref<1000x128xf32, #tpu.memory_space<vmem>>, %arg4: memref<1x1000x128xf32, #tpu.memory_space<vmem>>, %arg5: memref<1x1000x128xf32, #tpu.memory_space<vmem>>, %arg6: memref<1000x128xf32, #tpu.memory_space<vmem>>, %arg7: memref<4x4xf32, #tpu.memory_space<smem>>, %arg8: memref<4x4xf32, #tpu.memory_space<smem>>, %arg9: memref<1x128xf32, #tpu.memory_space<vmem>>, %arg10: memref<1x128xf32, #tpu.memory_space<vmem>>, %arg11: memref<1000x128xf32, #tpu.memory_space<vmem>>) attributes {dimension_semantics = [#tpu.dimension_semantics<arbitrary>], iteration_bounds = array<i64: 10>, scalar_prefetch = 0 : i64, scratch_operands = 0 : i64, tpu.core_type = #tpu.core_type<tc>, window_params = [{transform_indices = @transform_0, window_bounds = array<i64: 1000, 128>}, {transform_indices = @transform_1, window_bounds = array<i64: 1000, 128>}, {transform_indices = @transform_2, window_bounds = array<i64: 1000, 128>}, {transform_indices = @transform_3, window_bounds = array<i64: 1, 1000, 128>}, {transform_indices = @transform_4, window_bounds = array<i64: 1, 1000, 128>}, {transform_indices = @transform_5, window_bounds = array<i64: 1000, 128>}, {transform_indices = @transform_6, window_bounds = array<i64: 4, 4>}, {transform_indices = @transform_7, window_bounds = array<i64: 4, 4>}, {pipeline_mode = #tpu.pipeline_mode<synchronous>, transform_indices = @transform_8, window_bounds = array<i64: 1, 128>}, {pipeline_mode = #tpu.pipeline_mode<synchronous>, transform_indices = @transform_9, window_bounds = array<i64: 1, 128>}, {transform_indices = @transform_10, window_bounds = array<i64: 1000, 128>}]} {
    %get3A = arith.constant 0 : index
    %get3A_0 = arith.constant 0 : index
    %get3A_1 = arith.constant 0 : index
    %get3A_2 = vector.load %arg4[%get3A, %get3A_0, %get3A_1] : memref<1x1000x128xf32, #tpu.memory_space<vmem>>, vector<1x1000x128xf32>
    %get3A_3 = arith.constant 0 : index
    %get3A_4 = arith.constant 0 : index
    %get3A_5 = arith.constant 0 : index
    %get3A_6 = vector.load %arg5[%get3A_3, %get3A_4, %get3A_5] : memref<1x1000x128xf32, #tpu.memory_space<vmem>>, vector<1x1000x128xf32>
    %add3A = arith.addf %get3A_2, %get3A_6 : vector<1x1000x128xf32>
    %squeeze3A = vector.shape_cast %add3A : vector<1x1000x128xf32> to vector<1000x128xf32>
    %get3A_7 = arith.constant 0 : index
    %get3A_8 = arith.constant 0 : index
    %get3A_9 = vector.load %arg6[%get3A_7, %get3A_8] : memref<1000x128xf32, #tpu.memory_space<vmem>>, vector<1000x128xf32>
    %mul3A = arith.mulf %squeeze3A, %get3A_9 : vector<1000x128xf32>
    %get3A_10 = arith.constant 0 : index
    %get3A_11 = arith.constant 0 : index
    %get3A_12 = vector.load %arg1[%get3A_10, %get3A_11] : memref<1000x128xf32, #tpu.memory_space<vmem>>, vector<1000x128xf32>
    %get3A_13 = arith.constant 0 : index
    %get3A_14 = arith.constant 0 : index
    %get3A_15 = vector.load %arg2[%get3A_13, %get3A_14] : memref<1000x128xf32, #tpu.memory_space<vmem>>, vector<1000x128xf32>
    %get3A_16 = arith.constant 0 : index
    %get3A_17 = arith.constant 0 : index
    %get3A_18 = vector.load %arg3[%get3A_16, %get3A_17] : memref<1000x128xf32, #tpu.memory_space<vmem>>, vector<1000x128xf32>
    %reduce_sum3A = arith.constant dense<0.000000e+00> : vector<1000xf32>
    %reduce_sum3A_19 = vector.multi_reduction <add>, %get3A_12, %reduce_sum3A [1] : vector<1000x128xf32> to vector<1000xf32>
    %broadcast_in_dim3A = vector.shape_cast %reduce_sum3A_19 : vector<1000xf32> to vector<1000x1xf32>
    %div3A = arith.constant 1.280000e+02 : f32
    %div3A_20 = vector.broadcast %div3A : f32 to vector<1000x1xf32>
    %div3A_21 = arith.divf %broadcast_in_dim3A, %div3A_20 : vector<1000x1xf32>
    %reduce_sum3A_22 = arith.constant dense<0.000000e+00> : vector<1000xf32>
    %reduce_sum3A_23 = vector.multi_reduction <add>, %get3A_15, %reduce_sum3A_22 [1] : vector<1000x128xf32> to vector<1000xf32>
    %broadcast_in_dim3A_24 = vector.shape_cast %reduce_sum3A_23 : vector<1000xf32> to vector<1000x1xf32>
    %div3A_25 = arith.constant 1.280000e+02 : f32
    %div3A_26 = vector.broadcast %div3A_25 : f32 to vector<1000x1xf32>
    %div3A_27 = arith.divf %broadcast_in_dim3A_24, %div3A_26 : vector<1000x1xf32>
    %reduce_sum3A_28 = arith.constant dense<0.000000e+00> : vector<1000xf32>
    %reduce_sum3A_29 = vector.multi_reduction <add>, %get3A_18, %reduce_sum3A_28 [1] : vector<1000x128xf32> to vector<1000xf32>
    %broadcast_in_dim3A_30 = vector.shape_cast %reduce_sum3A_29 : vector<1000xf32> to vector<1000x1xf32>
    %div3A_31 = arith.constant 1.280000e+02 : f32
    %div3A_32 = vector.broadcast %div3A_31 : f32 to vector<1000x1xf32>
    %div3A_33 = arith.divf %broadcast_in_dim3A_30, %div3A_32 : vector<1000x1xf32>
    %reduce_sum3A_34 = arith.constant dense<0.000000e+00> : vector<1000xf32>
    %reduce_sum3A_35 = vector.multi_reduction <add>, %mul3A, %reduce_sum3A_34 [1] : vector<1000x128xf32> to vector<1000xf32>
    %broadcast_in_dim3A_36 = vector.shape_cast %reduce_sum3A_35 : vector<1000xf32> to vector<1000x1xf32>
    %div3A_37 = arith.constant 1.280000e+02 : f32
    %div3A_38 = vector.broadcast %div3A_37 : f32 to vector<1000x1xf32>
    %div3A_39 = arith.divf %broadcast_in_dim3A_36, %div3A_38 : vector<1000x1xf32>
    %get3A_40 = arith.constant 0 : index
    %get3A_41 = arith.constant 0 : index
    %get3A_42 = memref.load %arg7[%get3A_40, %get3A_41] : memref<4x4xf32, #tpu.memory_space<smem>>
    %mul3A_43 = vector.broadcast %get3A_42 : f32 to vector<1000x1xf32>
    %mul3A_44 = arith.mulf %div3A_21, %mul3A_43 : vector<1000x1xf32>
    %add3A_45 = arith.constant 0.000000e+00 : f32
    %add3A_46 = vector.broadcast %add3A_45 : f32 to vector<1000x1xf32>
    %add3A_47 = arith.addf %add3A_46, %mul3A_44 : vector<1000x1xf32>
    %get3A_48 = arith.constant 1 : index
    %get3A_49 = arith.constant 0 : index
    %get3A_50 = memref.load %arg7[%get3A_48, %get3A_49] : memref<4x4xf32, #tpu.memory_space<smem>>
    %mul3A_51 = vector.broadcast %get3A_50 : f32 to vector<1000x1xf32>
    %mul3A_52 = arith.mulf %div3A_27, %mul3A_51 : vector<1000x1xf32>
    %add3A_53 = arith.addf %add3A_47, %mul3A_52 : vector<1000x1xf32>
    %get3A_54 = arith.constant 2 : index
    %get3A_55 = arith.constant 0 : index
    %get3A_56 = memref.load %arg7[%get3A_54, %get3A_55] : memref<4x4xf32, #tpu.memory_space<smem>>
    %mul3A_57 = vector.broadcast %get3A_56 : f32 to vector<1000x1xf32>
    %mul3A_58 = arith.mulf %div3A_33, %mul3A_57 : vector<1000x1xf32>
    %add3A_59 = arith.addf %add3A_53, %mul3A_58 : vector<1000x1xf32>
    %get3A_60 = arith.constant 3 : index
    %get3A_61 = arith.constant 0 : index
    %get3A_62 = memref.load %arg7[%get3A_60, %get3A_61] : memref<4x4xf32, #tpu.memory_space<smem>>
    %mul3A_63 = vector.broadcast %get3A_62 : f32 to vector<1000x1xf32>
    %mul3A_64 = arith.mulf %div3A_39, %mul3A_63 : vector<1000x1xf32>
    %add3A_65 = arith.addf %add3A_59, %mul3A_64 : vector<1000x1xf32>
    %max3A = arith.constant 0.000000e+00 : f32
    %max3A_66 = vector.broadcast %max3A : f32 to vector<1000x1xf32>
    %max3A_67 = arith.maximumf %add3A_65, %max3A_66 : vector<1000x1xf32>
    %get3A_68 = arith.constant 0 : index
    %get3A_69 = arith.constant 1 : index
    %get3A_70 = memref.load %arg7[%get3A_68, %get3A_69] : memref<4x4xf32, #tpu.memory_space<smem>>
    %mul3A_71 = vector.broadcast %get3A_70 : f32 to vector<1000x1xf32>
    %mul3A_72 = arith.mulf %div3A_21, %mul3A_71 : vector<1000x1xf32>
    %add3A_73 = arith.constant 0.000000e+00 : f32
    %add3A_74 = vector.broadcast %add3A_73 : f32 to vector<1000x1xf32>
    %add3A_75 = arith.addf %add3A_74, %mul3A_72 : vector<1000x1xf32>
    %get3A_76 = arith.constant 1 : index
    %get3A_77 = arith.constant 1 : index
    %get3A_78 = memref.load %arg7[%get3A_76, %get3A_77] : memref<4x4xf32, #tpu.memory_space<smem>>
    %mul3A_79 = vector.broadcast %get3A_78 : f32 to vector<1000x1xf32>
    %mul3A_80 = arith.mulf %div3A_27, %mul3A_79 : vector<1000x1xf32>
    %add3A_81 = arith.addf %add3A_75, %mul3A_80 : vector<1000x1xf32>
    %get3A_82 = arith.constant 2 : index
    %get3A_83 = arith.constant 1 : index
    %get3A_84 = memref.load %arg7[%get3A_82, %get3A_83] : memref<4x4xf32, #tpu.memory_space<smem>>
    %mul3A_85 = vector.broadcast %get3A_84 : f32 to vector<1000x1xf32>
    %mul3A_86 = arith.mulf %div3A_33, %mul3A_85 : vector<1000x1xf32>
    %add3A_87 = arith.addf %add3A_81, %mul3A_86 : vector<1000x1xf32>
    %get3A_88 = arith.constant 3 : index
    %get3A_89 = arith.constant 1 : index
    %get3A_90 = memref.load %arg7[%get3A_88, %get3A_89] : memref<4x4xf32, #tpu.memory_space<smem>>
    %mul3A_91 = vector.broadcast %get3A_90 : f32 to vector<1000x1xf32>
    %mul3A_92 = arith.mulf %div3A_39, %mul3A_91 : vector<1000x1xf32>
    %add3A_93 = arith.addf %add3A_87, %mul3A_92 : vector<1000x1xf32>
    %max3A_94 = arith.constant 0.000000e+00 : f32
    %max3A_95 = vector.broadcast %max3A_94 : f32 to vector<1000x1xf32>
    %max3A_96 = arith.maximumf %add3A_93, %max3A_95 : vector<1000x1xf32>
    %get3A_97 = arith.constant 0 : index
    %get3A_98 = arith.constant 2 : index
    %get3A_99 = memref.load %arg7[%get3A_97, %get3A_98] : memref<4x4xf32, #tpu.memory_space<smem>>
    %mul3A_100 = vector.broadcast %get3A_99 : f32 to vector<1000x1xf32>
    %mul3A_101 = arith.mulf %div3A_21, %mul3A_100 : vector<1000x1xf32>
    %add3A_102 = arith.constant 0.000000e+00 : f32
    %add3A_103 = vector.broadcast %add3A_102 : f32 to vector<1000x1xf32>
    %add3A_104 = arith.addf %add3A_103, %mul3A_101 : vector<1000x1xf32>
    %get3A_105 = arith.constant 1 : index
    %get3A_106 = arith.constant 2 : index
    %get3A_107 = memref.load %arg7[%get3A_105, %get3A_106] : memref<4x4xf32, #tpu.memory_space<smem>>
    %mul3A_108 = vector.broadcast %get3A_107 : f32 to vector<1000x1xf32>
    %mul3A_109 = arith.mulf %div3A_27, %mul3A_108 : vector<1000x1xf32>
    %add3A_110 = arith.addf %add3A_104, %mul3A_109 : vector<1000x1xf32>
    %get3A_111 = arith.constant 2 : index
    %get3A_112 = arith.constant 2 : index
    %get3A_113 = memref.load %arg7[%get3A_111, %get3A_112] : memref<4x4xf32, #tpu.memory_space<smem>>
    %mul3A_114 = vector.broadcast %get3A_113 : f32 to vector<1000x1xf32>
    %mul3A_115 = arith.mulf %div3A_33, %mul3A_114 : vector<1000x1xf32>
    %add3A_116 = arith.addf %add3A_110, %mul3A_115 : vector<1000x1xf32>
    %get3A_117 = arith.constant 3 : index
    %get3A_118 = arith.constant 2 : index
    %get3A_119 = memref.load %arg7[%get3A_117, %get3A_118] : memref<4x4xf32, #tpu.memory_space<smem>>
    %mul3A_120 = vector.broadcast %get3A_119 : f32 to vector<1000x1xf32>
    %mul3A_121 = arith.mulf %div3A_39, %mul3A_120 : vector<1000x1xf32>
    %add3A_122 = arith.addf %add3A_116, %mul3A_121 : vector<1000x1xf32>
    %max3A_123 = arith.constant 0.000000e+00 : f32
    %max3A_124 = vector.broadcast %max3A_123 : f32 to vector<1000x1xf32>
    %max3A_125 = arith.maximumf %add3A_122, %max3A_124 : vector<1000x1xf32>
    %get3A_126 = arith.constant 0 : index
    %get3A_127 = arith.constant 3 : index
    %get3A_128 = memref.load %arg7[%get3A_126, %get3A_127] : memref<4x4xf32, #tpu.memory_space<smem>>
    %mul3A_129 = vector.broadcast %get3A_128 : f32 to vector<1000x1xf32>
    %mul3A_130 = arith.mulf %div3A_21, %mul3A_129 : vector<1000x1xf32>
    %add3A_131 = arith.constant 0.000000e+00 : f32
    %add3A_132 = vector.broadcast %add3A_131 : f32 to vector<1000x1xf32>
    %add3A_133 = arith.addf %add3A_132, %mul3A_130 : vector<1000x1xf32>
    %get3A_134 = arith.constant 1 : index
    %get3A_135 = arith.constant 3 : index
    %get3A_136 = memref.load %arg7[%get3A_134, %get3A_135] : memref<4x4xf32, #tpu.memory_space<smem>>
    %mul3A_137 = vector.broadcast %get3A_136 : f32 to vector<1000x1xf32>
    %mul3A_138 = arith.mulf %div3A_27, %mul3A_137 : vector<1000x1xf32>
    %add3A_139 = arith.addf %add3A_133, %mul3A_138 : vector<1000x1xf32>
    %get3A_140 = arith.constant 2 : index
    %get3A_141 = arith.constant 3 : index
    %get3A_142 = memref.load %arg7[%get3A_140, %get3A_141] : memref<4x4xf32, #tpu.memory_space<smem>>
    %mul3A_143 = vector.broadcast %get3A_142 : f32 to vector<1000x1xf32>
    %mul3A_144 = arith.mulf %div3A_33, %mul3A_143 : vector<1000x1xf32>
    %add3A_145 = arith.addf %add3A_139, %mul3A_144 : vector<1000x1xf32>
    %get3A_146 = arith.constant 3 : index
    %get3A_147 = arith.constant 3 : index
    %get3A_148 = memref.load %arg7[%get3A_146, %get3A_147] : memref<4x4xf32, #tpu.memory_space<smem>>
    %mul3A_149 = vector.broadcast %get3A_148 : f32 to vector<1000x1xf32>
    %mul3A_150 = arith.mulf %div3A_39, %mul3A_149 : vector<1000x1xf32>
    %add3A_151 = arith.addf %add3A_145, %mul3A_150 : vector<1000x1xf32>
    %max3A_152 = arith.constant 0.000000e+00 : f32
    %max3A_153 = vector.broadcast %max3A_152 : f32 to vector<1000x1xf32>
    %max3A_154 = arith.maximumf %add3A_151, %max3A_153 : vector<1000x1xf32>
    %get3A_155 = arith.constant 0 : index
    %get3A_156 = arith.constant 0 : index
    %get3A_157 = memref.load %arg8[%get3A_155, %get3A_156] : memref<4x4xf32, #tpu.memory_space<smem>>
    %mul3A_158 = vector.broadcast %get3A_157 : f32 to vector<1000x1xf32>
    %mul3A_159 = arith.mulf %max3A_67, %mul3A_158 : vector<1000x1xf32>
    %add3A_160 = arith.constant 0.000000e+00 : f32
    %add3A_161 = vector.broadcast %add3A_160 : f32 to vector<1000x1xf32>
    %add3A_162 = arith.addf %add3A_161, %mul3A_159 : vector<1000x1xf32>
    %get3A_163 = arith.constant 1 : index
    %get3A_164 = arith.constant 0 : index
    %get3A_165 = memref.load %arg8[%get3A_163, %get3A_164] : memref<4x4xf32, #tpu.memory_space<smem>>
    %mul3A_166 = vector.broadcast %get3A_165 : f32 to vector<1000x1xf32>
    %mul3A_167 = arith.mulf %max3A_96, %mul3A_166 : vector<1000x1xf32>
    %add3A_168 = arith.addf %add3A_162, %mul3A_167 : vector<1000x1xf32>
    %get3A_169 = arith.constant 2 : index
    %get3A_170 = arith.constant 0 : index
    %get3A_171 = memref.load %arg8[%get3A_169, %get3A_170] : memref<4x4xf32, #tpu.memory_space<smem>>
    %mul3A_172 = vector.broadcast %get3A_171 : f32 to vector<1000x1xf32>
    %mul3A_173 = arith.mulf %max3A_125, %mul3A_172 : vector<1000x1xf32>
    %add3A_174 = arith.addf %add3A_168, %mul3A_173 : vector<1000x1xf32>
    %get3A_175 = arith.constant 3 : index
    %get3A_176 = arith.constant 0 : index
    %get3A_177 = memref.load %arg8[%get3A_175, %get3A_176] : memref<4x4xf32, #tpu.memory_space<smem>>
    %mul3A_178 = vector.broadcast %get3A_177 : f32 to vector<1000x1xf32>
    %mul3A_179 = arith.mulf %max3A_154, %mul3A_178 : vector<1000x1xf32>
    %add3A_180 = arith.addf %add3A_174, %mul3A_179 : vector<1000x1xf32>
    %logistic3A = arith.negf %add3A_180 : vector<1000x1xf32>
    %logistic3A_181 = math.exp %logistic3A : vector<1000x1xf32>
    %logistic3A_182 = arith.constant 1.000000e+00 : f32
    %logistic3A_183 = vector.broadcast %logistic3A_182 : f32 to vector<1000x1xf32>
    %logistic3A_184 = arith.addf %logistic3A_183, %logistic3A_181 : vector<1000x1xf32>
    %logistic3A_185 = arith.divf %logistic3A_183, %logistic3A_184 : vector<1000x1xf32>
    %get3A_186 = arith.constant 0 : index
    %get3A_187 = arith.constant 1 : index
    %get3A_188 = memref.load %arg8[%get3A_186, %get3A_187] : memref<4x4xf32, #tpu.memory_space<smem>>
    %mul3A_189 = vector.broadcast %get3A_188 : f32 to vector<1000x1xf32>
    %mul3A_190 = arith.mulf %max3A_67, %mul3A_189 : vector<1000x1xf32>
    %add3A_191 = arith.constant 0.000000e+00 : f32
    %add3A_192 = vector.broadcast %add3A_191 : f32 to vector<1000x1xf32>
    %add3A_193 = arith.addf %add3A_192, %mul3A_190 : vector<1000x1xf32>
    %get3A_194 = arith.constant 1 : index
    %get3A_195 = arith.constant 1 : index
    %get3A_196 = memref.load %arg8[%get3A_194, %get3A_195] : memref<4x4xf32, #tpu.memory_space<smem>>
    %mul3A_197 = vector.broadcast %get3A_196 : f32 to vector<1000x1xf32>
    %mul3A_198 = arith.mulf %max3A_96, %mul3A_197 : vector<1000x1xf32>
    %add3A_199 = arith.addf %add3A_193, %mul3A_198 : vector<1000x1xf32>
    %get3A_200 = arith.constant 2 : index
    %get3A_201 = arith.constant 1 : index
    %get3A_202 = memref.load %arg8[%get3A_200, %get3A_201] : memref<4x4xf32, #tpu.memory_space<smem>>
    %mul3A_203 = vector.broadcast %get3A_202 : f32 to vector<1000x1xf32>
    %mul3A_204 = arith.mulf %max3A_125, %mul3A_203 : vector<1000x1xf32>
    %add3A_205 = arith.addf %add3A_199, %mul3A_204 : vector<1000x1xf32>
    %get3A_206 = arith.constant 3 : index
    %get3A_207 = arith.constant 1 : index
    %get3A_208 = memref.load %arg8[%get3A_206, %get3A_207] : memref<4x4xf32, #tpu.memory_space<smem>>
    %mul3A_209 = vector.broadcast %get3A_208 : f32 to vector<1000x1xf32>
    %mul3A_210 = arith.mulf %max3A_154, %mul3A_209 : vector<1000x1xf32>
    %add3A_211 = arith.addf %add3A_205, %mul3A_210 : vector<1000x1xf32>
    %logistic3A_212 = arith.negf %add3A_211 : vector<1000x1xf32>
    %logistic3A_213 = math.exp %logistic3A_212 : vector<1000x1xf32>
    %logistic3A_214 = arith.constant 1.000000e+00 : f32
    %logistic3A_215 = vector.broadcast %logistic3A_214 : f32 to vector<1000x1xf32>
    %logistic3A_216 = arith.addf %logistic3A_215, %logistic3A_213 : vector<1000x1xf32>
    %logistic3A_217 = arith.divf %logistic3A_215, %logistic3A_216 : vector<1000x1xf32>
    %get3A_218 = arith.constant 0 : index
    %get3A_219 = arith.constant 2 : index
    %get3A_220 = memref.load %arg8[%get3A_218, %get3A_219] : memref<4x4xf32, #tpu.memory_space<smem>>
    %mul3A_221 = vector.broadcast %get3A_220 : f32 to vector<1000x1xf32>
    %mul3A_222 = arith.mulf %max3A_67, %mul3A_221 : vector<1000x1xf32>
    %add3A_223 = arith.constant 0.000000e+00 : f32
    %add3A_224 = vector.broadcast %add3A_223 : f32 to vector<1000x1xf32>
    %add3A_225 = arith.addf %add3A_224, %mul3A_222 : vector<1000x1xf32>
    %get3A_226 = arith.constant 1 : index
    %get3A_227 = arith.constant 2 : index
    %get3A_228 = memref.load %arg8[%get3A_226, %get3A_227] : memref<4x4xf32, #tpu.memory_space<smem>>
    %mul3A_229 = vector.broadcast %get3A_228 : f32 to vector<1000x1xf32>
    %mul3A_230 = arith.mulf %max3A_96, %mul3A_229 : vector<1000x1xf32>
    %add3A_231 = arith.addf %add3A_225, %mul3A_230 : vector<1000x1xf32>
    %get3A_232 = arith.constant 2 : index
    %get3A_233 = arith.constant 2 : index
    %get3A_234 = memref.load %arg8[%get3A_232, %get3A_233] : memref<4x4xf32, #tpu.memory_space<smem>>
    %mul3A_235 = vector.broadcast %get3A_234 : f32 to vector<1000x1xf32>
    %mul3A_236 = arith.mulf %max3A_125, %mul3A_235 : vector<1000x1xf32>
    %add3A_237 = arith.addf %add3A_231, %mul3A_236 : vector<1000x1xf32>
    %get3A_238 = arith.constant 3 : index
    %get3A_239 = arith.constant 2 : index
    %get3A_240 = memref.load %arg8[%get3A_238, %get3A_239] : memref<4x4xf32, #tpu.memory_space<smem>>
    %mul3A_241 = vector.broadcast %get3A_240 : f32 to vector<1000x1xf32>
    %mul3A_242 = arith.mulf %max3A_154, %mul3A_241 : vector<1000x1xf32>
    %add3A_243 = arith.addf %add3A_237, %mul3A_242 : vector<1000x1xf32>
    %logistic3A_244 = arith.negf %add3A_243 : vector<1000x1xf32>
    %logistic3A_245 = math.exp %logistic3A_244 : vector<1000x1xf32>
    %logistic3A_246 = arith.constant 1.000000e+00 : f32
    %logistic3A_247 = vector.broadcast %logistic3A_246 : f32 to vector<1000x1xf32>
    %logistic3A_248 = arith.addf %logistic3A_247, %logistic3A_245 : vector<1000x1xf32>
    %logistic3A_249 = arith.divf %logistic3A_247, %logistic3A_248 : vector<1000x1xf32>
    %get3A_250 = arith.constant 0 : index
    %get3A_251 = arith.constant 3 : index
    %get3A_252 = memref.load %arg8[%get3A_250, %get3A_251] : memref<4x4xf32, #tpu.memory_space<smem>>
    %mul3A_253 = vector.broadcast %get3A_252 : f32 to vector<1000x1xf32>
    %mul3A_254 = arith.mulf %max3A_67, %mul3A_253 : vector<1000x1xf32>
    %add3A_255 = arith.constant 0.000000e+00 : f32
    %add3A_256 = vector.broadcast %add3A_255 : f32 to vector<1000x1xf32>
    %add3A_257 = arith.addf %add3A_256, %mul3A_254 : vector<1000x1xf32>
    %get3A_258 = arith.constant 1 : index
    %get3A_259 = arith.constant 3 : index
    %get3A_260 = memref.load %arg8[%get3A_258, %get3A_259] : memref<4x4xf32, #tpu.memory_space<smem>>
    %mul3A_261 = vector.broadcast %get3A_260 : f32 to vector<1000x1xf32>
    %mul3A_262 = arith.mulf %max3A_96, %mul3A_261 : vector<1000x1xf32>
    %add3A_263 = arith.addf %add3A_257, %mul3A_262 : vector<1000x1xf32>
    %get3A_264 = arith.constant 2 : index
    %get3A_265 = arith.constant 3 : index
    %get3A_266 = memref.load %arg8[%get3A_264, %get3A_265] : memref<4x4xf32, #tpu.memory_space<smem>>
    %mul3A_267 = vector.broadcast %get3A_266 : f32 to vector<1000x1xf32>
    %mul3A_268 = arith.mulf %max3A_125, %mul3A_267 : vector<1000x1xf32>
    %add3A_269 = arith.addf %add3A_263, %mul3A_268 : vector<1000x1xf32>
    %get3A_270 = arith.constant 3 : index
    %get3A_271 = arith.constant 3 : index
    %get3A_272 = memref.load %arg8[%get3A_270, %get3A_271] : memref<4x4xf32, #tpu.memory_space<smem>>
    %mul3A_273 = vector.broadcast %get3A_272 : f32 to vector<1000x1xf32>
    %mul3A_274 = arith.mulf %max3A_154, %mul3A_273 : vector<1000x1xf32>
    %add3A_275 = arith.addf %add3A_269, %mul3A_274 : vector<1000x1xf32>
    %logistic3A_276 = arith.negf %add3A_275 : vector<1000x1xf32>
    %logistic3A_277 = math.exp %logistic3A_276 : vector<1000x1xf32>
    %logistic3A_278 = arith.constant 1.000000e+00 : f32
    %logistic3A_279 = vector.broadcast %logistic3A_278 : f32 to vector<1000x1xf32>
    %logistic3A_280 = arith.addf %logistic3A_279, %logistic3A_277 : vector<1000x1xf32>
    %logistic3A_281 = arith.divf %logistic3A_279, %logistic3A_280 : vector<1000x1xf32>
    %mul3A_282 = vector.broadcast %logistic3A_185 : vector<1000x1xf32> to vector<1000x128xf32>
    %mul3A_283 = arith.mulf %mul3A_282, %get3A_12 : vector<1000x128xf32>
    %add3A_284 = arith.constant 0.000000e+00 : f32
    %add3A_285 = vector.broadcast %add3A_284 : f32 to vector<1000x128xf32>
    %add3A_286 = arith.addf %add3A_285, %mul3A_283 : vector<1000x128xf32>
    %mul3A_287 = vector.broadcast %logistic3A_217 : vector<1000x1xf32> to vector<1000x128xf32>
    %mul3A_288 = arith.mulf %mul3A_287, %get3A_15 : vector<1000x128xf32>
    %add3A_289 = arith.addf %add3A_286, %mul3A_288 : vector<1000x128xf32>
    %mul3A_290 = vector.broadcast %logistic3A_249 : vector<1000x1xf32> to vector<1000x128xf32>
    %mul3A_291 = arith.mulf %mul3A_290, %get3A_18 : vector<1000x128xf32>
    %add3A_292 = arith.addf %add3A_289, %mul3A_291 : vector<1000x128xf32>
    %mul3A_293 = vector.broadcast %logistic3A_281 : vector<1000x1xf32> to vector<1000x128xf32>
    %mul3A_294 = arith.mulf %mul3A_293, %mul3A : vector<1000x128xf32>
    %add3A_295 = arith.addf %add3A_292, %mul3A_294 : vector<1000x128xf32>
    %reduce_sum3A_296 = arith.constant dense<0.000000e+00> : vector<1000xf32>
    %reduce_sum3A_297 = vector.multi_reduction <add>, %add3A_295, %reduce_sum3A_296 [1] : vector<1000x128xf32> to vector<1000xf32>
    %broadcast_in_dim3A_298 = vector.shape_cast %reduce_sum3A_297 : vector<1000xf32> to vector<1000x1xf32>
    %div3A_299 = arith.constant 1.280000e+02 : f32
    %div3A_300 = vector.broadcast %div3A_299 : f32 to vector<1000x1xf32>
    %div3A_301 = arith.divf %broadcast_in_dim3A_298, %div3A_300 : vector<1000x1xf32>
    %mul3A_302 = arith.mulf %add3A_295, %add3A_295 : vector<1000x128xf32>
    %reduce_sum3A_303 = arith.constant dense<0.000000e+00> : vector<1000xf32>
    %reduce_sum3A_304 = vector.multi_reduction <add>, %mul3A_302, %reduce_sum3A_303 [1] : vector<1000x128xf32> to vector<1000xf32>
    %broadcast_in_dim3A_305 = vector.shape_cast %reduce_sum3A_304 : vector<1000xf32> to vector<1000x1xf32>
    %div3A_306 = arith.constant 1.280000e+02 : f32
    %div3A_307 = vector.broadcast %div3A_306 : f32 to vector<1000x1xf32>
    %div3A_308 = arith.divf %broadcast_in_dim3A_305, %div3A_307 : vector<1000x1xf32>
    %mul3A_309 = arith.mulf %div3A_301, %div3A_301 : vector<1000x1xf32>
    %sub3A = arith.subf %div3A_308, %mul3A_309 : vector<1000x1xf32>
    %sub3A_310 = vector.broadcast %div3A_301 : vector<1000x1xf32> to vector<1000x128xf32>
    %sub3A_311 = arith.subf %add3A_295, %sub3A_310 : vector<1000x128xf32>
    %add3A_312 = arith.constant 9.99999974E-6 : f32
    %add3A_313 = vector.broadcast %add3A_312 : f32 to vector<1000x1xf32>
    %add3A_314 = arith.addf %sub3A, %add3A_313 : vector<1000x1xf32>
    %rsqrt3A = math.rsqrt %add3A_314 : vector<1000x1xf32>
    %mul3A_315 = vector.broadcast %rsqrt3A : vector<1000x1xf32> to vector<1000x128xf32>
    %mul3A_316 = arith.mulf %sub3A_311, %mul3A_315 : vector<1000x128xf32>
    %get3A_317 = arith.constant 0 : index
    %get3A_318 = arith.constant 0 : index
    %get3A_319 = vector.load %arg9[%get3A_317, %get3A_318] : memref<1x128xf32, #tpu.memory_space<vmem>>, vector<1x128xf32>
    %mul3A_320 = vector.broadcast %get3A_319 : vector<1x128xf32> to vector<1000x128xf32>
    %mul3A_321 = arith.mulf %mul3A_316, %mul3A_320 : vector<1000x128xf32>
    %get3A_322 = arith.constant 0 : index
    %get3A_323 = arith.constant 0 : index
    %get3A_324 = vector.load %arg10[%get3A_322, %get3A_323] : memref<1x128xf32, #tpu.memory_space<vmem>>, vector<1x128xf32>
    %add3A_325 = vector.broadcast %get3A_324 : vector<1x128xf32> to vector<1000x128xf32>
    %add3A_326 = arith.addf %mul3A_321, %add3A_325 : vector<1000x128xf32>
    %jit3A = arith.constant 0.000000e+00 : f32
    %jit3A_327 = arith.constant 6.000000e+00 : f32
    %max3A_328 = vector.broadcast %jit3A : f32 to vector<1000x128xf32>
    %max3A_329 = arith.maximumf %max3A_328, %add3A_326 : vector<1000x128xf32>
    %min3A = vector.broadcast %jit3A_327 : f32 to vector<1000x128xf32>
    %min3A_330 = arith.minimumf %min3A, %max3A_329 : vector<1000x128xf32>
    %swap3A = arith.constant 0 : index
    %swap3A_331 = arith.constant 0 : index
    %swap3A_332 = vector.load %arg11[%swap3A, %swap3A_331] : memref<1000x128xf32, #tpu.memory_space<vmem>>, vector<1000x128xf32>
    tpu.vector_store %arg11[%swap3A, %swap3A_331], %min3A_330 {strides = array<i32>} : memref<1000x128xf32, #tpu.memory_space<vmem>>, vector<1000x128xf32>,
    return
  }
  func.func @transform_0(%arg0: i32) -> (i32, i32) {
    %c0_i32 = arith.constant 0 : i32
    %c0_i32_0 = arith.constant 0 : i32
    return %arg0, %c0_i32 : i32, i32
  }
  func.func @transform_1(%arg0: i32) -> (i32, i32) {
    %c0_i32 = arith.constant 0 : i32
    %c0_i32_0 = arith.constant 0 : i32
    return %arg0, %c0_i32 : i32, i32
  }
  func.func @transform_2(%arg0: i32) -> (i32, i32) {
    %c0_i32 = arith.constant 0 : i32
    %c0_i32_0 = arith.constant 0 : i32
    return %arg0, %c0_i32 : i32, i32
  }
  func.func @transform_3(%arg0: i32) -> (i32, i32, i32) {
    %c0_i32 = arith.constant 0 : i32
    %c0_i32_0 = arith.constant 0 : i32
    %c0_i32_1 = arith.constant 0 : i32
    return %c0_i32, %arg0, %c0_i32_0 : i32, i32, i32
  }
  func.func @transform_4(%arg0: i32) -> (i32, i32, i32) {
    %c1_i32 = arith.constant 1 : i32
    %c0_i32 = arith.constant 0 : i32
    %c0_i32_0 = arith.constant 0 : i32
    return %c1_i32, %arg0, %c0_i32 : i32, i32, i32
  }
  func.func @transform_5(%arg0: i32) -> (i32, i32) {
    %c0_i32 = arith.constant 0 : i32
    %c0_i32_0 = arith.constant 0 : i32
    return %arg0, %c0_i32 : i32, i32
  }
  func.func @transform_6(%arg0: i32) -> (i32, i32) {
    %c0_i32 = arith.constant 0 : i32
    %c0_i32_0 = arith.constant 0 : i32
    %c0_i32_1 = arith.constant 0 : i32
    return %c0_i32, %c0_i32_0 : i32, i32
  }
  func.func @transform_7(%arg0: i32) -> (i32, i32) {
    %c0_i32 = arith.constant 0 : i32
    %c0_i32_0 = arith.constant 0 : i32
    %c0_i32_1 = arith.constant 0 : i32
    return %c0_i32, %c0_i32_0 : i32, i32
  }
  func.func @transform_8(%arg0: i32) -> (i32, i32) {
    %c0_i32 = arith.constant 0 : i32
    %c0_i32_0 = arith.constant 0 : i32
    %c0_i32_1 = arith.constant 0 : i32
    return %c0_i32, %c0_i32_0 : i32, i32
  }
  func.func @transform_9(%arg0: i32) -> (i32, i32) {
    %c0_i32 = arith.constant 0 : i32
    %c0_i32_0 = arith.constant 0 : i32
    %c0_i32_1 = arith.constant 0 : i32
    return %c0_i32, %c0_i32_0 : i32, i32
  }
  func.func @transform_10(%arg0: i32) -> (i32, i32) {
    %c0_i32 = arith.constant 0 : i32
    %c0_i32_0 = arith.constant 0 : i32
    return %arg0, %c0_i32 : i32, i32
  }
}

module attributes {stable_mosaic.version = 14 : i64} {
  func.func @_se1_body(%arg0: i32, %arg1: memref<1000x128xf32, #tpu.memory_space<vmem>>, %arg2: memref<1000x128xf32, #tpu.memory_space<vmem>>, %arg3: memref<1000x128xf32, #tpu.memory_space<vmem>>, %arg4: memref<1x1000x128xf32, #tpu.memory_space<vmem>>, %arg5: memref<1x1000x128xf32, #tpu.memory_space<vmem>>, %arg6: memref<1000x128xf32, #tpu.memory_space<vmem>>, %arg7: memref<4x4xf32, #tpu.memory_space<smem>>, %arg8: memref<4x4xf32, #tpu.memory_space<smem>>, %arg9: memref<1000x128xf32, #tpu.memory_space<vmem>>) attributes {dimension_semantics = [#tpu.dimension_semantics<arbitrary>], iteration_bounds = array<i64: 10>, scalar_prefetch = 0 : i64, scratch_operands = 0 : i64, tpu.core_type = #tpu.core_type<tc>, window_params = [{transform_indices = @transform_0, window_bounds = array<i64: 1000, 128>}, {transform_indices = @transform_1, window_bounds = array<i64: 1000, 128>}, {transform_indices = @transform_2, window_bounds = array<i64: 1000, 128>}, {transform_indices = @transform_3, window_bounds = array<i64: 1, 1000, 128>}, {transform_indices = @transform_4, window_bounds = array<i64: 1, 1000, 128>}, {transform_indices = @transform_5, window_bounds = array<i64: 1000, 128>}, {transform_indices = @transform_6, window_bounds = array<i64: 4, 4>}, {transform_indices = @transform_7, window_bounds = array<i64: 4, 4>}, {transform_indices = @transform_8, window_bounds = array<i64: 1000, 128>}]} {
    %get3A = arith.constant 0 : index
    %get3A_0 = arith.constant 0 : index
    %get3A_1 = arith.constant 0 : index
    %get3A_2 = vector.load %arg4[%get3A, %get3A_0, %get3A_1] : memref<1x1000x128xf32, #tpu.memory_space<vmem>>, vector<1x1000x128xf32>
    %get3A_3 = arith.constant 0 : index
    %get3A_4 = arith.constant 0 : index
    %get3A_5 = arith.constant 0 : index
    %get3A_6 = vector.load %arg5[%get3A_3, %get3A_4, %get3A_5] : memref<1x1000x128xf32, #tpu.memory_space<vmem>>, vector<1x1000x128xf32>
    %add3A = arith.addf %get3A_2, %get3A_6 : vector<1x1000x128xf32>
    %squeeze3A = vector.shape_cast %add3A : vector<1x1000x128xf32> to vector<1000x128xf32>
    %get3A_7 = arith.constant 0 : index
    %get3A_8 = arith.constant 0 : index
    %get3A_9 = vector.load %arg6[%get3A_7, %get3A_8] : memref<1000x128xf32, #tpu.memory_space<vmem>>, vector<1000x128xf32>
    %mul3A = arith.mulf %squeeze3A, %get3A_9 : vector<1000x128xf32>
    %get3A_10 = arith.constant 0 : index
    %get3A_11 = arith.constant 0 : index
    %get3A_12 = vector.load %arg1[%get3A_10, %get3A_11] : memref<1000x128xf32, #tpu.memory_space<vmem>>, vector<1000x128xf32>
    %get3A_13 = arith.constant 0 : index
    %get3A_14 = arith.constant 0 : index
    %get3A_15 = vector.load %arg2[%get3A_13, %get3A_14] : memref<1000x128xf32, #tpu.memory_space<vmem>>, vector<1000x128xf32>
    %get3A_16 = arith.constant 0 : index
    %get3A_17 = arith.constant 0 : index
    %get3A_18 = vector.load %arg3[%get3A_16, %get3A_17] : memref<1000x128xf32, #tpu.memory_space<vmem>>, vector<1000x128xf32>
    %reduce_sum3A = arith.constant dense<0.000000e+00> : vector<1000xf32>
    %reduce_sum3A_19 = vector.multi_reduction <add>, %get3A_12, %reduce_sum3A [1] : vector<1000x128xf32> to vector<1000xf32>
    %broadcast_in_dim3A = vector.shape_cast %reduce_sum3A_19 : vector<1000xf32> to vector<1000x1xf32>
    %div3A = arith.constant 1.280000e+02 : f32
    %div3A_20 = vector.broadcast %div3A : f32 to vector<1000x1xf32>
    %div3A_21 = arith.divf %broadcast_in_dim3A, %div3A_20 : vector<1000x1xf32>
    %reduce_sum3A_22 = arith.constant dense<0.000000e+00> : vector<1000xf32>
    %reduce_sum3A_23 = vector.multi_reduction <add>, %get3A_15, %reduce_sum3A_22 [1] : vector<1000x128xf32> to vector<1000xf32>
    %broadcast_in_dim3A_24 = vector.shape_cast %reduce_sum3A_23 : vector<1000xf32> to vector<1000x1xf32>
    %div3A_25 = arith.constant 1.280000e+02 : f32
    %div3A_26 = vector.broadcast %div3A_25 : f32 to vector<1000x1xf32>
    %div3A_27 = arith.divf %broadcast_in_dim3A_24, %div3A_26 : vector<1000x1xf32>
    %reduce_sum3A_28 = arith.constant dense<0.000000e+00> : vector<1000xf32>
    %reduce_sum3A_29 = vector.multi_reduction <add>, %get3A_18, %reduce_sum3A_28 [1] : vector<1000x128xf32> to vector<1000xf32>
    %broadcast_in_dim3A_30 = vector.shape_cast %reduce_sum3A_29 : vector<1000xf32> to vector<1000x1xf32>
    %div3A_31 = arith.constant 1.280000e+02 : f32
    %div3A_32 = vector.broadcast %div3A_31 : f32 to vector<1000x1xf32>
    %div3A_33 = arith.divf %broadcast_in_dim3A_30, %div3A_32 : vector<1000x1xf32>
    %reduce_sum3A_34 = arith.constant dense<0.000000e+00> : vector<1000xf32>
    %reduce_sum3A_35 = vector.multi_reduction <add>, %mul3A, %reduce_sum3A_34 [1] : vector<1000x128xf32> to vector<1000xf32>
    %broadcast_in_dim3A_36 = vector.shape_cast %reduce_sum3A_35 : vector<1000xf32> to vector<1000x1xf32>
    %div3A_37 = arith.constant 1.280000e+02 : f32
    %div3A_38 = vector.broadcast %div3A_37 : f32 to vector<1000x1xf32>
    %div3A_39 = arith.divf %broadcast_in_dim3A_36, %div3A_38 : vector<1000x1xf32>
    %get3A_40 = arith.constant 0 : index
    %get3A_41 = arith.constant 0 : index
    %get3A_42 = memref.load %arg7[%get3A_40, %get3A_41] : memref<4x4xf32, #tpu.memory_space<smem>>
    %mul3A_43 = vector.broadcast %get3A_42 : f32 to vector<1000x1xf32>
    %mul3A_44 = arith.mulf %div3A_21, %mul3A_43 : vector<1000x1xf32>
    %add3A_45 = arith.constant 0.000000e+00 : f32
    %add3A_46 = vector.broadcast %add3A_45 : f32 to vector<1000x1xf32>
    %add3A_47 = arith.addf %add3A_46, %mul3A_44 : vector<1000x1xf32>
    %get3A_48 = arith.constant 1 : index
    %get3A_49 = arith.constant 0 : index
    %get3A_50 = memref.load %arg7[%get3A_48, %get3A_49] : memref<4x4xf32, #tpu.memory_space<smem>>
    %mul3A_51 = vector.broadcast %get3A_50 : f32 to vector<1000x1xf32>
    %mul3A_52 = arith.mulf %div3A_27, %mul3A_51 : vector<1000x1xf32>
    %add3A_53 = arith.addf %add3A_47, %mul3A_52 : vector<1000x1xf32>
    %get3A_54 = arith.constant 2 : index
    %get3A_55 = arith.constant 0 : index
    %get3A_56 = memref.load %arg7[%get3A_54, %get3A_55] : memref<4x4xf32, #tpu.memory_space<smem>>
    %mul3A_57 = vector.broadcast %get3A_56 : f32 to vector<1000x1xf32>
    %mul3A_58 = arith.mulf %div3A_33, %mul3A_57 : vector<1000x1xf32>
    %add3A_59 = arith.addf %add3A_53, %mul3A_58 : vector<1000x1xf32>
    %get3A_60 = arith.constant 3 : index
    %get3A_61 = arith.constant 0 : index
    %get3A_62 = memref.load %arg7[%get3A_60, %get3A_61] : memref<4x4xf32, #tpu.memory_space<smem>>
    %mul3A_63 = vector.broadcast %get3A_62 : f32 to vector<1000x1xf32>
    %mul3A_64 = arith.mulf %div3A_39, %mul3A_63 : vector<1000x1xf32>
    %add3A_65 = arith.addf %add3A_59, %mul3A_64 : vector<1000x1xf32>
    %max3A = arith.constant 0.000000e+00 : f32
    %max3A_66 = vector.broadcast %max3A : f32 to vector<1000x1xf32>
    %max3A_67 = arith.maximumf %add3A_65, %max3A_66 : vector<1000x1xf32>
    %get3A_68 = arith.constant 0 : index
    %get3A_69 = arith.constant 1 : index
    %get3A_70 = memref.load %arg7[%get3A_68, %get3A_69] : memref<4x4xf32, #tpu.memory_space<smem>>
    %mul3A_71 = vector.broadcast %get3A_70 : f32 to vector<1000x1xf32>
    %mul3A_72 = arith.mulf %div3A_21, %mul3A_71 : vector<1000x1xf32>
    %add3A_73 = arith.constant 0.000000e+00 : f32
    %add3A_74 = vector.broadcast %add3A_73 : f32 to vector<1000x1xf32>
    %add3A_75 = arith.addf %add3A_74, %mul3A_72 : vector<1000x1xf32>
    %get3A_76 = arith.constant 1 : index
    %get3A_77 = arith.constant 1 : index
    %get3A_78 = memref.load %arg7[%get3A_76, %get3A_77] : memref<4x4xf32, #tpu.memory_space<smem>>
    %mul3A_79 = vector.broadcast %get3A_78 : f32 to vector<1000x1xf32>
    %mul3A_80 = arith.mulf %div3A_27, %mul3A_79 : vector<1000x1xf32>
    %add3A_81 = arith.addf %add3A_75, %mul3A_80 : vector<1000x1xf32>
    %get3A_82 = arith.constant 2 : index
    %get3A_83 = arith.constant 1 : index
    %get3A_84 = memref.load %arg7[%get3A_82, %get3A_83] : memref<4x4xf32, #tpu.memory_space<smem>>
    %mul3A_85 = vector.broadcast %get3A_84 : f32 to vector<1000x1xf32>
    %mul3A_86 = arith.mulf %div3A_33, %mul3A_85 : vector<1000x1xf32>
    %add3A_87 = arith.addf %add3A_81, %mul3A_86 : vector<1000x1xf32>
    %get3A_88 = arith.constant 3 : index
    %get3A_89 = arith.constant 1 : index
    %get3A_90 = memref.load %arg7[%get3A_88, %get3A_89] : memref<4x4xf32, #tpu.memory_space<smem>>
    %mul3A_91 = vector.broadcast %get3A_90 : f32 to vector<1000x1xf32>
    %mul3A_92 = arith.mulf %div3A_39, %mul3A_91 : vector<1000x1xf32>
    %add3A_93 = arith.addf %add3A_87, %mul3A_92 : vector<1000x1xf32>
    %max3A_94 = arith.constant 0.000000e+00 : f32
    %max3A_95 = vector.broadcast %max3A_94 : f32 to vector<1000x1xf32>
    %max3A_96 = arith.maximumf %add3A_93, %max3A_95 : vector<1000x1xf32>
    %get3A_97 = arith.constant 0 : index
    %get3A_98 = arith.constant 2 : index
    %get3A_99 = memref.load %arg7[%get3A_97, %get3A_98] : memref<4x4xf32, #tpu.memory_space<smem>>
    %mul3A_100 = vector.broadcast %get3A_99 : f32 to vector<1000x1xf32>
    %mul3A_101 = arith.mulf %div3A_21, %mul3A_100 : vector<1000x1xf32>
    %add3A_102 = arith.constant 0.000000e+00 : f32
    %add3A_103 = vector.broadcast %add3A_102 : f32 to vector<1000x1xf32>
    %add3A_104 = arith.addf %add3A_103, %mul3A_101 : vector<1000x1xf32>
    %get3A_105 = arith.constant 1 : index
    %get3A_106 = arith.constant 2 : index
    %get3A_107 = memref.load %arg7[%get3A_105, %get3A_106] : memref<4x4xf32, #tpu.memory_space<smem>>
    %mul3A_108 = vector.broadcast %get3A_107 : f32 to vector<1000x1xf32>
    %mul3A_109 = arith.mulf %div3A_27, %mul3A_108 : vector<1000x1xf32>
    %add3A_110 = arith.addf %add3A_104, %mul3A_109 : vector<1000x1xf32>
    %get3A_111 = arith.constant 2 : index
    %get3A_112 = arith.constant 2 : index
    %get3A_113 = memref.load %arg7[%get3A_111, %get3A_112] : memref<4x4xf32, #tpu.memory_space<smem>>
    %mul3A_114 = vector.broadcast %get3A_113 : f32 to vector<1000x1xf32>
    %mul3A_115 = arith.mulf %div3A_33, %mul3A_114 : vector<1000x1xf32>
    %add3A_116 = arith.addf %add3A_110, %mul3A_115 : vector<1000x1xf32>
    %get3A_117 = arith.constant 3 : index
    %get3A_118 = arith.constant 2 : index
    %get3A_119 = memref.load %arg7[%get3A_117, %get3A_118] : memref<4x4xf32, #tpu.memory_space<smem>>
    %mul3A_120 = vector.broadcast %get3A_119 : f32 to vector<1000x1xf32>
    %mul3A_121 = arith.mulf %div3A_39, %mul3A_120 : vector<1000x1xf32>
    %add3A_122 = arith.addf %add3A_116, %mul3A_121 : vector<1000x1xf32>
    %max3A_123 = arith.constant 0.000000e+00 : f32
    %max3A_124 = vector.broadcast %max3A_123 : f32 to vector<1000x1xf32>
    %max3A_125 = arith.maximumf %add3A_122, %max3A_124 : vector<1000x1xf32>
    %get3A_126 = arith.constant 0 : index
    %get3A_127 = arith.constant 3 : index
    %get3A_128 = memref.load %arg7[%get3A_126, %get3A_127] : memref<4x4xf32, #tpu.memory_space<smem>>
    %mul3A_129 = vector.broadcast %get3A_128 : f32 to vector<1000x1xf32>
    %mul3A_130 = arith.mulf %div3A_21, %mul3A_129 : vector<1000x1xf32>
    %add3A_131 = arith.constant 0.000000e+00 : f32
    %add3A_132 = vector.broadcast %add3A_131 : f32 to vector<1000x1xf32>
    %add3A_133 = arith.addf %add3A_132, %mul3A_130 : vector<1000x1xf32>
    %get3A_134 = arith.constant 1 : index
    %get3A_135 = arith.constant 3 : index
    %get3A_136 = memref.load %arg7[%get3A_134, %get3A_135] : memref<4x4xf32, #tpu.memory_space<smem>>
    %mul3A_137 = vector.broadcast %get3A_136 : f32 to vector<1000x1xf32>
    %mul3A_138 = arith.mulf %div3A_27, %mul3A_137 : vector<1000x1xf32>
    %add3A_139 = arith.addf %add3A_133, %mul3A_138 : vector<1000x1xf32>
    %get3A_140 = arith.constant 2 : index
    %get3A_141 = arith.constant 3 : index
    %get3A_142 = memref.load %arg7[%get3A_140, %get3A_141] : memref<4x4xf32, #tpu.memory_space<smem>>
    %mul3A_143 = vector.broadcast %get3A_142 : f32 to vector<1000x1xf32>
    %mul3A_144 = arith.mulf %div3A_33, %mul3A_143 : vector<1000x1xf32>
    %add3A_145 = arith.addf %add3A_139, %mul3A_144 : vector<1000x1xf32>
    %get3A_146 = arith.constant 3 : index
    %get3A_147 = arith.constant 3 : index
    %get3A_148 = memref.load %arg7[%get3A_146, %get3A_147] : memref<4x4xf32, #tpu.memory_space<smem>>
    %mul3A_149 = vector.broadcast %get3A_148 : f32 to vector<1000x1xf32>
    %mul3A_150 = arith.mulf %div3A_39, %mul3A_149 : vector<1000x1xf32>
    %add3A_151 = arith.addf %add3A_145, %mul3A_150 : vector<1000x1xf32>
    %max3A_152 = arith.constant 0.000000e+00 : f32
    %max3A_153 = vector.broadcast %max3A_152 : f32 to vector<1000x1xf32>
    %max3A_154 = arith.maximumf %add3A_151, %max3A_153 : vector<1000x1xf32>
    %get3A_155 = arith.constant 0 : index
    %get3A_156 = arith.constant 0 : index
    %get3A_157 = memref.load %arg8[%get3A_155, %get3A_156] : memref<4x4xf32, #tpu.memory_space<smem>>
    %mul3A_158 = vector.broadcast %get3A_157 : f32 to vector<1000x1xf32>
    %mul3A_159 = arith.mulf %max3A_67, %mul3A_158 : vector<1000x1xf32>
    %add3A_160 = arith.constant 0.000000e+00 : f32
    %add3A_161 = vector.broadcast %add3A_160 : f32 to vector<1000x1xf32>
    %add3A_162 = arith.addf %add3A_161, %mul3A_159 : vector<1000x1xf32>
    %get3A_163 = arith.constant 1 : index
    %get3A_164 = arith.constant 0 : index
    %get3A_165 = memref.load %arg8[%get3A_163, %get3A_164] : memref<4x4xf32, #tpu.memory_space<smem>>
    %mul3A_166 = vector.broadcast %get3A_165 : f32 to vector<1000x1xf32>
    %mul3A_167 = arith.mulf %max3A_96, %mul3A_166 : vector<1000x1xf32>
    %add3A_168 = arith.addf %add3A_162, %mul3A_167 : vector<1000x1xf32>
    %get3A_169 = arith.constant 2 : index
    %get3A_170 = arith.constant 0 : index
    %get3A_171 = memref.load %arg8[%get3A_169, %get3A_170] : memref<4x4xf32, #tpu.memory_space<smem>>
    %mul3A_172 = vector.broadcast %get3A_171 : f32 to vector<1000x1xf32>
    %mul3A_173 = arith.mulf %max3A_125, %mul3A_172 : vector<1000x1xf32>
    %add3A_174 = arith.addf %add3A_168, %mul3A_173 : vector<1000x1xf32>
    %get3A_175 = arith.constant 3 : index
    %get3A_176 = arith.constant 0 : index
    %get3A_177 = memref.load %arg8[%get3A_175, %get3A_176] : memref<4x4xf32, #tpu.memory_space<smem>>
    %mul3A_178 = vector.broadcast %get3A_177 : f32 to vector<1000x1xf32>
    %mul3A_179 = arith.mulf %max3A_154, %mul3A_178 : vector<1000x1xf32>
    %add3A_180 = arith.addf %add3A_174, %mul3A_179 : vector<1000x1xf32>
    %logistic3A = arith.negf %add3A_180 : vector<1000x1xf32>
    %logistic3A_181 = math.exp %logistic3A : vector<1000x1xf32>
    %logistic3A_182 = arith.constant 1.000000e+00 : f32
    %logistic3A_183 = vector.broadcast %logistic3A_182 : f32 to vector<1000x1xf32>
    %logistic3A_184 = arith.addf %logistic3A_183, %logistic3A_181 : vector<1000x1xf32>
    %logistic3A_185 = arith.divf %logistic3A_183, %logistic3A_184 : vector<1000x1xf32>
    %get3A_186 = arith.constant 0 : index
    %get3A_187 = arith.constant 1 : index
    %get3A_188 = memref.load %arg8[%get3A_186, %get3A_187] : memref<4x4xf32, #tpu.memory_space<smem>>
    %mul3A_189 = vector.broadcast %get3A_188 : f32 to vector<1000x1xf32>
    %mul3A_190 = arith.mulf %max3A_67, %mul3A_189 : vector<1000x1xf32>
    %add3A_191 = arith.constant 0.000000e+00 : f32
    %add3A_192 = vector.broadcast %add3A_191 : f32 to vector<1000x1xf32>
    %add3A_193 = arith.addf %add3A_192, %mul3A_190 : vector<1000x1xf32>
    %get3A_194 = arith.constant 1 : index
    %get3A_195 = arith.constant 1 : index
    %get3A_196 = memref.load %arg8[%get3A_194, %get3A_195] : memref<4x4xf32, #tpu.memory_space<smem>>
    %mul3A_197 = vector.broadcast %get3A_196 : f32 to vector<1000x1xf32>
    %mul3A_198 = arith.mulf %max3A_96, %mul3A_197 : vector<1000x1xf32>
    %add3A_199 = arith.addf %add3A_193, %mul3A_198 : vector<1000x1xf32>
    %get3A_200 = arith.constant 2 : index
    %get3A_201 = arith.constant 1 : index
    %get3A_202 = memref.load %arg8[%get3A_200, %get3A_201] : memref<4x4xf32, #tpu.memory_space<smem>>
    %mul3A_203 = vector.broadcast %get3A_202 : f32 to vector<1000x1xf32>
    %mul3A_204 = arith.mulf %max3A_125, %mul3A_203 : vector<1000x1xf32>
    %add3A_205 = arith.addf %add3A_199, %mul3A_204 : vector<1000x1xf32>
    %get3A_206 = arith.constant 3 : index
    %get3A_207 = arith.constant 1 : index
    %get3A_208 = memref.load %arg8[%get3A_206, %get3A_207] : memref<4x4xf32, #tpu.memory_space<smem>>
    %mul3A_209 = vector.broadcast %get3A_208 : f32 to vector<1000x1xf32>
    %mul3A_210 = arith.mulf %max3A_154, %mul3A_209 : vector<1000x1xf32>
    %add3A_211 = arith.addf %add3A_205, %mul3A_210 : vector<1000x1xf32>
    %logistic3A_212 = arith.negf %add3A_211 : vector<1000x1xf32>
    %logistic3A_213 = math.exp %logistic3A_212 : vector<1000x1xf32>
    %logistic3A_214 = arith.constant 1.000000e+00 : f32
    %logistic3A_215 = vector.broadcast %logistic3A_214 : f32 to vector<1000x1xf32>
    %logistic3A_216 = arith.addf %logistic3A_215, %logistic3A_213 : vector<1000x1xf32>
    %logistic3A_217 = arith.divf %logistic3A_215, %logistic3A_216 : vector<1000x1xf32>
    %get3A_218 = arith.constant 0 : index
    %get3A_219 = arith.constant 2 : index
    %get3A_220 = memref.load %arg8[%get3A_218, %get3A_219] : memref<4x4xf32, #tpu.memory_space<smem>>
    %mul3A_221 = vector.broadcast %get3A_220 : f32 to vector<1000x1xf32>
    %mul3A_222 = arith.mulf %max3A_67, %mul3A_221 : vector<1000x1xf32>
    %add3A_223 = arith.constant 0.000000e+00 : f32
    %add3A_224 = vector.broadcast %add3A_223 : f32 to vector<1000x1xf32>
    %add3A_225 = arith.addf %add3A_224, %mul3A_222 : vector<1000x1xf32>
    %get3A_226 = arith.constant 1 : index
    %get3A_227 = arith.constant 2 : index
    %get3A_228 = memref.load %arg8[%get3A_226, %get3A_227] : memref<4x4xf32, #tpu.memory_space<smem>>
    %mul3A_229 = vector.broadcast %get3A_228 : f32 to vector<1000x1xf32>
    %mul3A_230 = arith.mulf %max3A_96, %mul3A_229 : vector<1000x1xf32>
    %add3A_231 = arith.addf %add3A_225, %mul3A_230 : vector<1000x1xf32>
    %get3A_232 = arith.constant 2 : index
    %get3A_233 = arith.constant 2 : index
    %get3A_234 = memref.load %arg8[%get3A_232, %get3A_233] : memref<4x4xf32, #tpu.memory_space<smem>>
    %mul3A_235 = vector.broadcast %get3A_234 : f32 to vector<1000x1xf32>
    %mul3A_236 = arith.mulf %max3A_125, %mul3A_235 : vector<1000x1xf32>
    %add3A_237 = arith.addf %add3A_231, %mul3A_236 : vector<1000x1xf32>
    %get3A_238 = arith.constant 3 : index
    %get3A_239 = arith.constant 2 : index
    %get3A_240 = memref.load %arg8[%get3A_238, %get3A_239] : memref<4x4xf32, #tpu.memory_space<smem>>
    %mul3A_241 = vector.broadcast %get3A_240 : f32 to vector<1000x1xf32>
    %mul3A_242 = arith.mulf %max3A_154, %mul3A_241 : vector<1000x1xf32>
    %add3A_243 = arith.addf %add3A_237, %mul3A_242 : vector<1000x1xf32>
    %logistic3A_244 = arith.negf %add3A_243 : vector<1000x1xf32>
    %logistic3A_245 = math.exp %logistic3A_244 : vector<1000x1xf32>
    %logistic3A_246 = arith.constant 1.000000e+00 : f32
    %logistic3A_247 = vector.broadcast %logistic3A_246 : f32 to vector<1000x1xf32>
    %logistic3A_248 = arith.addf %logistic3A_247, %logistic3A_245 : vector<1000x1xf32>
    %logistic3A_249 = arith.divf %logistic3A_247, %logistic3A_248 : vector<1000x1xf32>
    %get3A_250 = arith.constant 0 : index
    %get3A_251 = arith.constant 3 : index
    %get3A_252 = memref.load %arg8[%get3A_250, %get3A_251] : memref<4x4xf32, #tpu.memory_space<smem>>
    %mul3A_253 = vector.broadcast %get3A_252 : f32 to vector<1000x1xf32>
    %mul3A_254 = arith.mulf %max3A_67, %mul3A_253 : vector<1000x1xf32>
    %add3A_255 = arith.constant 0.000000e+00 : f32
    %add3A_256 = vector.broadcast %add3A_255 : f32 to vector<1000x1xf32>
    %add3A_257 = arith.addf %add3A_256, %mul3A_254 : vector<1000x1xf32>
    %get3A_258 = arith.constant 1 : index
    %get3A_259 = arith.constant 3 : index
    %get3A_260 = memref.load %arg8[%get3A_258, %get3A_259] : memref<4x4xf32, #tpu.memory_space<smem>>
    %mul3A_261 = vector.broadcast %get3A_260 : f32 to vector<1000x1xf32>
    %mul3A_262 = arith.mulf %max3A_96, %mul3A_261 : vector<1000x1xf32>
    %add3A_263 = arith.addf %add3A_257, %mul3A_262 : vector<1000x1xf32>
    %get3A_264 = arith.constant 2 : index
    %get3A_265 = arith.constant 3 : index
    %get3A_266 = memref.load %arg8[%get3A_264, %get3A_265] : memref<4x4xf32, #tpu.memory_space<smem>>
    %mul3A_267 = vector.broadcast %get3A_266 : f32 to vector<1000x1xf32>
    %mul3A_268 = arith.mulf %max3A_125, %mul3A_267 : vector<1000x1xf32>
    %add3A_269 = arith.addf %add3A_263, %mul3A_268 : vector<1000x1xf32>
    %get3A_270 = arith.constant 3 : index
    %get3A_271 = arith.constant 3 : index
    %get3A_272 = memref.load %arg8[%get3A_270, %get3A_271] : memref<4x4xf32, #tpu.memory_space<smem>>
    %mul3A_273 = vector.broadcast %get3A_272 : f32 to vector<1000x1xf32>
    %mul3A_274 = arith.mulf %max3A_154, %mul3A_273 : vector<1000x1xf32>
    %add3A_275 = arith.addf %add3A_269, %mul3A_274 : vector<1000x1xf32>
    %logistic3A_276 = arith.negf %add3A_275 : vector<1000x1xf32>
    %logistic3A_277 = math.exp %logistic3A_276 : vector<1000x1xf32>
    %logistic3A_278 = arith.constant 1.000000e+00 : f32
    %logistic3A_279 = vector.broadcast %logistic3A_278 : f32 to vector<1000x1xf32>
    %logistic3A_280 = arith.addf %logistic3A_279, %logistic3A_277 : vector<1000x1xf32>
    %logistic3A_281 = arith.divf %logistic3A_279, %logistic3A_280 : vector<1000x1xf32>
    %mul3A_282 = vector.broadcast %logistic3A_185 : vector<1000x1xf32> to vector<1000x128xf32>
    %mul3A_283 = arith.mulf %mul3A_282, %get3A_12 : vector<1000x128xf32>
    %add3A_284 = arith.constant 0.000000e+00 : f32
    %add3A_285 = vector.broadcast %add3A_284 : f32 to vector<1000x128xf32>
    %add3A_286 = arith.addf %add3A_285, %mul3A_283 : vector<1000x128xf32>
    %mul3A_287 = vector.broadcast %logistic3A_217 : vector<1000x1xf32> to vector<1000x128xf32>
    %mul3A_288 = arith.mulf %mul3A_287, %get3A_15 : vector<1000x128xf32>
    %add3A_289 = arith.addf %add3A_286, %mul3A_288 : vector<1000x128xf32>
    %mul3A_290 = vector.broadcast %logistic3A_249 : vector<1000x1xf32> to vector<1000x128xf32>
    %mul3A_291 = arith.mulf %mul3A_290, %get3A_18 : vector<1000x128xf32>
    %add3A_292 = arith.addf %add3A_289, %mul3A_291 : vector<1000x128xf32>
    %mul3A_293 = vector.broadcast %logistic3A_281 : vector<1000x1xf32> to vector<1000x128xf32>
    %mul3A_294 = arith.mulf %mul3A_293, %mul3A : vector<1000x128xf32>
    %add3A_295 = arith.addf %add3A_292, %mul3A_294 : vector<1000x128xf32>
    %reduce_max3A = arith.constant dense<0xFF800000> : vector<1000xf32>
    %reduce_max3A_296 = vector.multi_reduction <maximumf>, %add3A_295, %reduce_max3A [1] : vector<1000x128xf32> to vector<1000xf32>
    %broadcast_in_dim3A_297 = vector.shape_cast %reduce_max3A_296 : vector<1000xf32> to vector<1000x1xf32>
    %sub3A = vector.broadcast %broadcast_in_dim3A_297 : vector<1000x1xf32> to vector<1000x128xf32>
    %sub3A_298 = arith.subf %add3A_295, %sub3A : vector<1000x128xf32>
    %exp3A = math.exp %sub3A_298 : vector<1000x128xf32>
    %sub3A_299 = vector.broadcast %broadcast_in_dim3A_297 : vector<1000x1xf32> to vector<1000x128xf32>
    %sub3A_300 = arith.subf %add3A_295, %sub3A_299 : vector<1000x128xf32>
    %reduce_sum3A_301 = arith.constant dense<0.000000e+00> : vector<1000xf32>
    %reduce_sum3A_302 = vector.multi_reduction <add>, %exp3A, %reduce_sum3A_301 [1] : vector<1000x128xf32> to vector<1000xf32>
    %broadcast_in_dim3A_303 = vector.shape_cast %reduce_sum3A_302 : vector<1000xf32> to vector<1000x1xf32>
    %log3A = math.log %broadcast_in_dim3A_303 : vector<1000x1xf32>
    %sub3A_304 = vector.broadcast %log3A : vector<1000x1xf32> to vector<1000x128xf32>
    %sub3A_305 = arith.subf %sub3A_300, %sub3A_304 : vector<1000x128xf32>
    %swap3A = arith.constant 0 : index
    %swap3A_306 = arith.constant 0 : index
    %swap3A_307 = vector.load %arg9[%swap3A, %swap3A_306] : memref<1000x128xf32, #tpu.memory_space<vmem>>, vector<1000x128xf32>
    tpu.vector_store %arg9[%swap3A, %swap3A_306], %sub3A_305 {strides = array<i32>} : memref<1000x128xf32, #tpu.memory_space<vmem>>, vector<1000x128xf32>,
    return
  }
  func.func @transform_0(%arg0: i32) -> (i32, i32) {
    %c0_i32 = arith.constant 0 : i32
    %c0_i32_0 = arith.constant 0 : i32
    return %arg0, %c0_i32 : i32, i32
  }
  func.func @transform_1(%arg0: i32) -> (i32, i32) {
    %c0_i32 = arith.constant 0 : i32
    %c0_i32_0 = arith.constant 0 : i32
    return %arg0, %c0_i32 : i32, i32
  }
  func.func @transform_2(%arg0: i32) -> (i32, i32) {
    %c0_i32 = arith.constant 0 : i32
    %c0_i32_0 = arith.constant 0 : i32
    return %arg0, %c0_i32 : i32, i32
  }
  func.func @transform_3(%arg0: i32) -> (i32, i32, i32) {
    %c0_i32 = arith.constant 0 : i32
    %c0_i32_0 = arith.constant 0 : i32
    %c0_i32_1 = arith.constant 0 : i32
    return %c0_i32, %arg0, %c0_i32_0 : i32, i32, i32
  }
  func.func @transform_4(%arg0: i32) -> (i32, i32, i32) {
    %c1_i32 = arith.constant 1 : i32
    %c0_i32 = arith.constant 0 : i32
    %c0_i32_0 = arith.constant 0 : i32
    return %c1_i32, %arg0, %c0_i32 : i32, i32, i32
  }
  func.func @transform_5(%arg0: i32) -> (i32, i32) {
    %c0_i32 = arith.constant 0 : i32
    %c0_i32_0 = arith.constant 0 : i32
    return %arg0, %c0_i32 : i32, i32
  }
  func.func @transform_6(%arg0: i32) -> (i32, i32) {
    %c0_i32 = arith.constant 0 : i32
    %c0_i32_0 = arith.constant 0 : i32
    %c0_i32_1 = arith.constant 0 : i32
    return %c0_i32, %c0_i32_0 : i32, i32
  }
  func.func @transform_7(%arg0: i32) -> (i32, i32) {
    %c0_i32 = arith.constant 0 : i32
    %c0_i32_0 = arith.constant 0 : i32
    %c0_i32_1 = arith.constant 0 : i32
    return %c0_i32, %c0_i32_0 : i32, i32
  }
  func.func @transform_8(%arg0: i32) -> (i32, i32) {
    %c0_i32 = arith.constant 0 : i32
    %c0_i32_0 = arith.constant 0 : i32
    return %arg0, %c0_i32 : i32, i32
  }
}

</mosaic_0001>

<sc_bundles>
// kernel: kernel.18.cloned.1.call-start
scs
__scs_entry_jumppad:
0x0: {  	(pc) =	sbr.rel $0x88, $3  }
0x1: {  	(tag) =	ssettag $0x0;
	lr =	simm.s32 $0x1  }
0x2: {  	[smem:$0x3F95] =	sst lr;
	_ =	strace $0xD0000000  }
0x3: {  	_ = 	snop  }
0x4: {  	_ = 	snop  }
0x5: {  	_ = 	snop  }
0x6: {  	_ = 	snop  }
0x7: {  	_ = 	snop  }
__scs_overlays_trampoline_lowered:
0x8: {  	[smem:$0x3FA4] =	sst s0  }
0x9: {  	[smem:$0x3FA5] =	sst s1  }
0xa: {  	[smem:$0x3FA6] =	sst s2  }
0xb: {  	[smem:$0x3FA7] =	sst s3  }
0xc: {  	[smem:$0x3FA8] =	sst s4  }
0xd: {  	[smem:$0x3FA9] =	sst s5  }
0xe: {  	[smem:$0x3FAA] =	sst s6  }
0xf: {  	[smem:$0x3FAB] =	sst s7  }
0x10: {  	[smem:$0x3FAC] =	sst s8  }
0x11: {  	[smem:$0x3FAD] =	sst s9;
	s0 =	simm.s32 @!p0 $0x0  }
0x12: {  	s1 =	sld [smem:$0x3F93];
	s0 =	simm.s32 @p0 $0x1  }
0x13: {  	[smem:$0x3FAE] =	sst s0;
	s0 =	simm.s32 @!p1 $0x0  }
0x14: {  	s2 =	sld [smem:$0x3F92];
	s0 =	simm.s32 @p1 $0x1  }
0x15: {  	[smem:$0x3FAF] =	sst s0;
	s0 =	simm.s32 @!p2 $0x0  }
0x16: {  	s3 =	sld [smem:$0x3FDB];
	s0 =	simm.s32 @p2 $0x1  }
0x17: {  	s4 =	simm.s32 $0x1BF5;
	[smem:$0x3FB1] =	sst s0  }
0x18: {  	s0 =	sld [smem:$0x3F94];
	_ =	swait.ge [sflag:s4], $0x0  }
0x19: {  	s7 =	sld [smem:$0x3F95]  }
0x1a: {  	s8 =	sadd.s32 $0xFFFFE003, lr  }
0x1b: {  	s9 =	sadd.s32 $0xFFFFFEF7, lr;
	s5 =	simm.s32 $0xFFFFFFFF;
	p2 =	slt.u32 s8, $0xFFFFF086  }
0x1c: {  	p1 =	slt.u32 s9, $0xF7A;
	s5 =	simm.s32 @!p2 $0x0  }
0x1d: {  	s5 =	simm.s32 @p1 $0x1;
	p0 =	seq.s32 s7, s2  }
0x1e: {  	s7 =	smul.u32 @!p0 $0xF7A, s2;
	p2 =	seq.s32 @!p0 s5, $0x0  }
0x1f: {  	s9 =	smul.u32 $0xF7A, s1;
	s8 =	simm.s32 @!p0 $0x1BF5;
	p2 =	por !p2, p0  }
0x20: {  	[sflag:s8] =	ssyncset.s32 @!p0 $0xFFFFF086;
	s6 =	sadd.s32 @!p0 s3, s7;
	s7 =	simm.s32 @!p0 $0x108  }
0x21: {  	s3 =	sadd.s32 s3, s9;
	s6 =	sadd.s32 @!p0 $0x88, s6;
	s7 =	simm.s32 @p2 $0x1082  }
0x22: {  	[simem:s7], [sflag:s8] =	dma.local @!p0 [hbm:s6], $0xF7A  }
0x23: {  	s9 =	sor.u32 $0xD0000000, s2;
	s6 =	simm.s32 $0x108;
	_ =	swait.ge @!p0 [sflag:s8], $0x0  }
0x24: {  	s3 =	sadd.s32 $0x88, s3;
	s6 =	simm.s32 @!p1 $0x1082;
	[sflag:s4] =	ssyncset.s32 $0xFFFFF086  }
0x25: {  	[simem:s6], [sflag:s4] =	dma.local [hbm:s3], $0xF7A  }
0x26: {  	[smem:$0x3F95] =	sst s1;
	(tag) =	ssettag s2;
	_ =	strace s9  }
0x27: {  	s1 =	sld [smem:$0x3FA5]  }
0x28: {  	s2 =	sld [smem:$0x3FA6]  }
0x29: {  	s4 =	sld [smem:$0x3FA8]  }
0x2a: {  	p0 =	seq.s32 s5, $0x0;
	s5 =	sld [smem:$0x3FA9]  }
0x2b: {  	s6 =	sld [smem:$0x3FAA]  }
0x2c: {  	s7 =	sld [smem:$0x3FAB]  }
0x2d: {  	s3 =	simm.s32 $0x108;
	s8 =	sld [smem:$0x3FAC]  }
0x2e: {  	s3 =	simm.s32 @!p0 $0x1082;
	s9 =	sld [smem:$0x3FAD]  }
0x2f: {  	lr =	sadd.s32 s0, s3;
	s0 =	sld [smem:$0x3FA4]  }
0x30: {  	s3 =	sld [smem:$0x3FA7]  }
0x31: {  	[smem:$0x3FB0] =	sst s10  }
0x32: {  	s10 =	sld [smem:$0x3FAE];
	_ =	sdelay $0x3  }
0x33: {  	p0 =	seq.s32 s10, $0x1;
	s10 =	sld [smem:$0x3FB0];
	_ =	sdelay $0x3  }
0x34: {  	[smem:$0x3FB0] =	sst s10  }
0x35: {  	s10 =	sld [smem:$0x3FAF];
	_ =	sdelay $0x3  }
0x36: {  	p1 =	seq.s32 s10, $0x1;
	s10 =	sld [smem:$0x3FB0];
	_ =	sdelay $0x3  }
0x37: {  	[smem:$0x3FB0] =	sst s10  }
0x38: {  	s10 =	sld [smem:$0x3FB1]  }
0x39: {  	_ = 	snop;
	(pc) =	sbr.ind lr, $3  }
0x3a: {  	_ = 	snop  }
0x3b: {  	_ = 	snop  }
0x3c: {  	p2 =	seq.s32 s10, $0x1;
	s10 =	sld [smem:$0x3FB0]  }
0x3d: {  	_ =	shalt  }
0x3e: {  	_ =	shalt  }
0x3f: {  	_ =	shalt  }
0x40: {  	_ =	shalt  }
0x41: {  	_ =	shalt  }
0x42: {  	_ =	shalt  }
0x43: {  	_ =	shalt  }
0x44: {  	_ =	shalt  }
0x45: {  	_ =	shalt  }
0x46: {  	_ =	shalt  }
0x47: {  	_ =	shalt  }
0x48: {  	_ =	shalt  }
0x49: {  	_ =	shalt  }
0x4a: {  	_ =	shalt  }
0x4b: {  	_ =	shalt  }
0x4c: {  	_ =	shalt  }
0x4d: {  	_ =	shalt  }
0x4e: {  	_ =	shalt  }
0x4f: {  	_ =	shalt  }
0x50: {  	_ =	shalt  }
0x51: {  	_ =	shalt  }
0x52: {  	_ =	shalt  }
0x53: {  	_ =	shalt  }
0x54: {  	_ =	shalt  }
0x55: {  	_ =	shalt  }
0x56: {  	_ =	shalt  }
0x57: {  	_ =	shalt  }
0x58: {  	_ =	shalt  }
0x59: {  	_ =	shalt  }
0x5a: {  	_ =	shalt  }
0x5b: {  	_ =	shalt  }
0x5c: {  	_ =	shalt  }
0x5d: {  	_ =	shalt  }
0x5e: {  	_ =	shalt  }
0x5f: {  	_ =	shalt  }
0x60: {  	_ =	shalt  }
0x61: {  	_ =	shalt  }
0x62: {  	_ =	shalt  }
0x63: {  	_ =	shalt  }
0x64: {  	_ =	shalt  }
0x65: {  	_ =	shalt  }
0x66: {  	_ =	shalt  }
0x67: {  	_ =	shalt  }
0x68: {  	_ =	shalt  }
0x69: {  	_ =	shalt  }
0x6a: {  	_ =	shalt  }
0x6b: {  	_ =	shalt  }
0x6c: {  	_ =	shalt  }
0x6d: {  	_ =	shalt  }
0x6e: {  	_ =	shalt  }
0x6f: {  	_ =	shalt  }
0x70: {  	_ =	shalt  }
0x71: {  	_ =	shalt  }
0x72: {  	_ =	shalt  }
0x73: {  	_ =	shalt  }
0x74: {  	_ =	shalt  }
0x75: {  	_ =	shalt  }
0x76: {  	_ =	shalt  }
0x77: {  	_ =	shalt  }
0x78: {  	_ =	shalt  }
0x79: {  	_ =	shalt  }
0x7a: {  	_ =	shalt  }
0x7b: {  	_ =	shalt  }
0x7c: {  	_ =	shalt  }
0x7d: {  	_ =	shalt  }
0x7e: {  	_ =	shalt  }
0x7f: {  	_ =	shalt  }
0x80: {  	_ =	shalt  }
0x81: {  	_ =	shalt  }
0x82: {  	_ =	shalt  }
0x83: {  	_ =	shalt  }
0x84: {  	_ =	shalt  }
0x85: {  	_ =	shalt  }
0x86: {  	_ =	shalt  }
0x87: {  	_ =	shalt  }
.Lfunc_end0:
.L_simem_size_0:
called_computation_lowered:
.L_overlay_start_0:
0x88: {  	s2 =	sld [smem:$0x3FD9]  }
0x89: {  	s3 =	sld [smem:$0x3FFE];
	_ =	sdelay $0x1  }
0x8a: {  	s1 =	srdreg.scid  }
0x8b: {  	s0 =	sand.u32 $0x1, s1  }
0x8c: {  	s17 =	sshll.u32 s0, $0xA;
	s2 =	sadd.s32 s3, s2  }
0x8d: {  	s2 =	sadd.s32 s2, s17  }
0x8e: {  	[smem:$0x3FBC] =	sst s2  }
0x8f: {  	_ = 	snop  }
0x90: {  	s2 =	sld [smem:$0x3FD0];
	(tm) =	ssettm $0x1  }
0x91: {  	s18 =	sld [smem:$0x3FFB];
	_ =	sdelay $0x3  }
0x92: {  	_ =	strace s18  }
0x93: {  	s3 =	sld [smem:$0x3FFC];
	_ =	sdelay $0x3  }
0x94: {  	_ =	strace s3  }
0x95: {  	s3 =	sld [smem:$0x3FFD];
	_ =	sdelay $0x3  }
0x96: {  	_ =	strace s3  }
0x97: {  	_ =	strace $0x8FFFFFFF  }
0x98: {  	s19 =	sld [smem:$0x3FDB];
	_ =	sdelay $0x1  }
0x99: {  	s4 =	simm.s32 $_scs_section_size  }
0x9a: {  	s5 =	simm.s32 $_size__tile_overlayer_lowered;
	s6 =	simm.s32 $_tile_overlayer_lowered  }
0x9b: {  	s22 =	simm.s32 $0x1BFF;
	s21 =	sshll.u32 s6, $0x1;
	s3 =	sadd.s32 s4, s19  }
0x9c: {  	s7 =	simm.s32 $0x0;
	s20 =	sshll.u32 s5, $0x1;
	s5 =	sadd.s32 s21, s3  }
0x9d: {  	[timem:s7], [sflag:s22] =	dma.local [hbm:s5], s20  }
0x9e: {  	_ =	swait.ge [sflag:s22], s20  }
0x9f: {  	s4 =	ssub.s32 $0x0, s20;
	[sflag:s22] =	ssyncset.done $0x0  }
0xa0: {  	[sflag:s22] =	ssyncadd.s32 s4;
	_ =	sdelay $0x1  }
0xa1: {  	s23 =	simm.s32 $0x1B8B  }
0xa2: {  	_ =	swait.ge [sflag:s23], $0x1  }
0xa3: {  	[sflag:s23] =	ssyncset.done $0x0  }
0xa4: {  	s25 =	simm.s32 $0x1B8E;
	s24 =	sld [smem:$0x3FFE];
	[sflag:s23] =	ssyncadd.s32 $0xFFFFFFFF  }
0xa5: {  	s26 =	simm.s32 $execute0_lowered;
	[smem:$0x3FD2] =	sst s25  }
0xa6: {  	s5 =	sshll.u32 s26, $0x1;
	_ =	strace $0x80000046;
	[dreg:$0x1] =	wrdreg $0xFFFFFFFF  }
0xa7: {  	s28 =	simm.s32 $_size_execute0_lowered;
	s3 =	sadd.s32 s3, s5;
	[dreg:$0x0] =	wrdreg $0x0  }
0xa8: {  	s5 =	sshll.u32 s28, $0x1;
	[dreg:$0x2] =	wrdreg s3  }
0xa9: {  	[dreg:$0x3] =	wrdreg s5  }
0xaa: {  	[dreg:$0x4] =	wrdreg $0xC0  }
0xab: {  	_ =	task [dreg:s7], $0x5FFFF  }
0xac: {  	[dreg:$0x1] =	wrdreg $0xFFFFFFFF  }
0xad: {  	[dreg:$0x0] =	wrdreg $0x60  }
0xae: {  	[dreg:$0x2] =	wrdreg s24  }
0xaf: {  	[dreg:$0x3] =	wrdreg s2  }
0xb0: {  	[dreg:$0x4] =	wrdreg $0x29800  }
0xb1: {  	[dreg:$0x5] =	wrdreg $0x9  }
0xb2: {  	_ =	task.clear_ibuf [dreg:s7], $0x6FFFF;
	_ =	strace $0x90000046  }
0xb3: {  	s29 =	simm.s32 $0x9;
	_ =	strace $0x80000048  }
0xb4: {  	_ =	swait.ge [sflag:s29], $0x1  }
0xb5: {  	[sflag:s29] =	ssyncadd.s32 $0xFFFFFFFF  }
0xb6: {  	_ =	strace $0x90000048  }
0xb7: {  	_ =	sfence  }
0xb8: {  	s30 =	sld [smem:$0x0];
	_ =	sdelay $0x2  }
0xb9: {  	s31 =	sshll.u32 s1, $0xD;
	s1 =	sshrl.u32 s1, $0x2  }
0xba: {  	s3 =	sand.u32 $0x4000, s31;
	s1 =	sadd.s32 s1, s30  }
0xbb: {  	s0 =	sor.u32 s3, s0;
	s1 =	sshll.u32 s1, $0x11  }
0xbc: {  	s0 =	sor.u32 s1, s0  }
0xbd: {  	s0 =	sadd.s32 $0x8F2B, s0  }
0xbe: {  	[sflag:s0] =	ssyncadd.remote.s32 $0x1  }
0xbf: {  	_ =	sfence.sel $0xFFFF  }
0xc0: {  	[dreg:$0x0] =	wrdreg $0xFFFFFFFF;
	(pc) =	sbr.abs _section_cstart, $3  }
0xc1: {  	[dreg:$0x1] =	wrdreg $0xFFFFFFFF  }
0xc2: {  	_ =	task.clear_ibuf [dreg:s7], $0x2FFFF;
	_ =	strace $0x9FFFFFFF  }
0xc3: {  	(tm) =	ssettm $0x7FFFFFFF  }
tec
execute0_lowered:
.L_overlay_start_1:
0x0: {  	(tag) =	ssettag $0x1  }
0x1: {  	s4 =	rddreg [dreg:$0x0]  }
0x2: {  	s7 =	rddreg [dreg:$0x1]  }
0x3: {  	s1 =	rddreg [dreg:$0x2]  }
0x4: {  	s3 =	srdreg.scid;
	s0 =	rddreg [dreg:$0x3];
	s2 =	simm.s32 $0x0  }
0x5: {  	s10 =	stileid.u32;
	s14 =	simm.s32 $0x80;
	s15 =	simm.s32 $0x1  }
0x6: {  	s16 =	simm.s32 $0x2;
	s17 =	simm.s32 $0x50;
	s18 =	simm.s32 $0x3  }
0x7: {  	s19 =	simm.s32 $0x0;
	s6 =	sand.u32 $0x1, s3;
	[smem:$0x7FF] =	sst s2  }
0x8: {  	s9 =	sadd.s32 $0xFA00, s4;
	s31 =	smul.u32 $0x500, s10;
	p0 =	sne.s32 s10, $0x0  }
0x9: {  	s3 =	sshll.u32 s6, $0x4;
	_ =	strace $0x80000047;
	s11 =	smul.u32 $0x500, s6  }
0xa: {  	s8 =	ssub.s32 $0x2, s6;
	s13 =	smul.u32 $0x5000, s6;
	s5 =	sor.u32 s10, s3  }
0xb: {  	s3 =	sadd.s32 $0x19A00, s4;
	s4 =	sadd.s32 $0x19C00, s4;
	s12 =	sshrl.u32 s8, $0x1  }
0xc: {  	s10 =	simm.s32 $0x100;
	s5 =	smul.u32 $0x500, s5;
	s8 =	ssub.s32 s8, s12  }
0xd: {  	s7 =	sadd.s32 s7, s11;
	s11 =	simm.s32 $0x4;
	s12 =	simm.s32 $0x2900  }
0xe: {  	s8 =	smax.u32 s8, $0x1;
	s5 =	sadd.s32 s9, s5;
	s9 =	sadd.s32 s13, s9  }
0xf: {  	v0 =	vimm.f32 $1.000000000e+00;
	s13 =	sshrl.u32 @!p0 s1, $0x3;
	s6 =	sadd.s32 $0x10, s5;
	s9 =	sadd.s32 s31, s9  }
.LBB2_1:
0x10: {  	[tilespmem:s10], [sflag:$0x4] =	stream.linear.gather [hbm4b:s4+s2], $0x2800, $0x38;
	[tilespmem:$0x2C00] =	vst v63  }
0x11: {  	_ =	swait.ge [sflag:s11], $0x2800  }
0x12: {  	[sflag:s11] =	ssyncset.done $0x0  }
0x13: {  	[sflag:s11] =	ssyncadd.s32 $0xFFFFD800  }
0x14: {  	[tilespmem:s12], [sflag:$0x4] =	stream.linear.gather [hbm4b:s3+s2], $0x80, $0x38;
	[tilespmem:$0x2C00] =	vst v63  }
0x15: {  	_ =	swait.ge [sflag:s11], $0x80  }
0x16: {  	[sflag:s11] =	ssyncset.done $0x0  }
0x17: {  	s20 =	simm.s32 @!p0 $0x1C04;
	[sflag:s11] =	ssyncadd.s32 $0xFFFFFF80  }
0x18: {  	[spmem:s13], [sflag:s20] =	dma.local @!p0 [hbm:s4], $0x500  }
0x19: {  	s20 =	simm.s32 @!p0 $0x4  }
0x1a: {  	_ =	swait.ge @!p0 [sflag:s20], $0x500  }
0x1b: {  	[sflag:s20] =	ssyncset.done @!p0 $0x0  }
0x1c: {  	[sflag:s20] =	ssyncadd.s32 @!p0 $0xFFFFFB00  }
0x1d: {  	[bflag:$0x0] =	sbarrier.arrive $0xFFFF  }
0x1e: {  	[tilespmem:s2], [sflag:$0x1] =	stream.linear.gather [hbm4b:s5+s2], $0x80, $0x38;
	[tilespmem:$0x2C00] =	vst v63  }
0x1f: {  	s20 =	simm.s32 $0xFFFFFB20  }
0x20: {  	[tilespmem:s14], [sflag:$0x2] =	stream.linear.gather [hbm4b:s6+s2], $0x80, $0x38;
	[tilespmem:$0x2C00] =	vst v63  }
.LBB2_2:
0x21: {  	_ =	swait.ge [sflag:s15], $0x80  }
0x22: {  	[sflag:s15] =	ssyncset.done $0x0  }
0x23: {  	[sflag:s15] =	ssyncadd.s32 $0xFFFFFF80  }
0x24: {  	v1 =	vld [tilespmem:$0x0];
	_ =	sdelay $0x7  }
0x25: {  	[tilespmem:v1+s10+$0x0] =	vst.idx.add.f32.msk $0xffff, v0  }
0x26: {  	v1 =	vld [tilespmem:$0x10];
	_ =	sdelay $0x7  }
0x27: {  	[tilespmem:v1+s10+$0x0] =	vst.idx.add.f32.msk $0xffff, v0  }
0x28: {  	v1 =	vld [tilespmem:$0x20];
	_ =	sdelay $0x7  }
0x29: {  	[tilespmem:v1+s10+$0x0] =	vst.idx.add.f32.msk $0xffff, v0  }
0x2a: {  	v1 =	vld [tilespmem:$0x30];
	_ =	sdelay $0x7  }
0x2b: {  	[tilespmem:v1+s10+$0x0] =	vst.idx.add.f32.msk $0xffff, v0  }
0x2c: {  	v1 =	vld [tilespmem:$0x40];
	_ =	sdelay $0x7  }
0x2d: {  	[tilespmem:v1+s10+$0x0] =	vst.idx.add.f32.msk $0xffff, v0  }
0x2e: {  	v1 =	vld [tilespmem:$0x50];
	_ =	sdelay $0x7  }
0x2f: {  	[tilespmem:v1+s10+$0x0] =	vst.idx.add.f32.msk $0xffff, v0  }
0x30: {  	v1 =	vld [tilespmem:$0x60];
	_ =	sdelay $0x7  }
0x31: {  	[tilespmem:v1+s10+$0x0] =	vst.idx.add.f32.msk $0xffff, v0  }
0x32: {  	v1 =	vld [tilespmem:$0x70];
	_ =	sdelay $0x6  }
0x33: {  	s21 =	sadd.s32 s20, s9  }
0x34: {  	s22 =	sadd.s32 $0x500, s21;
	[tilespmem:v1+s10+$0x0] =	vst.idx.add.f32.msk $0xffff, v0  }
0x35: {  	[tilespmem:s2], [sflag:$0x1] =	stream.linear.gather [hbm4b:s22+s2], $0x80, $0x38;
	[tilespmem:$0x2C00] =	vst v63  }
0x36: {  	_ =	swait.ge [sflag:s16], $0x80  }
0x37: {  	[sflag:s16] =	ssyncset.done $0x0  }
0x38: {  	[sflag:s16] =	ssyncadd.s32 $0xFFFFFF80  }
0x39: {  	v1 =	vld [tilespmem:$0x80];
	_ =	sdelay $0x7  }
0x3a: {  	[tilespmem:v1+s10+$0x0] =	vst.idx.add.f32.msk $0xffff, v0  }
0x3b: {  	v1 =	vld [tilespmem:$0x90];
	_ =	sdelay $0x7  }
0x3c: {  	[tilespmem:v1+s10+$0x0] =	vst.idx.add.f32.msk $0xffff, v0  }
0x3d: {  	v1 =	vld [tilespmem:$0xA0];
	_ =	sdelay $0x7  }
0x3e: {  	[tilespmem:v1+s10+$0x0] =	vst.idx.add.f32.msk $0xffff, v0  }
0x3f: {  	v1 =	vld [tilespmem:$0xB0];
	_ =	sdelay $0x7  }
0x40: {  	[tilespmem:v1+s10+$0x0] =	vst.idx.add.f32.msk $0xffff, v0  }
0x41: {  	v1 =	vld [tilespmem:$0xC0];
	_ =	sdelay $0x7  }
0x42: {  	[tilespmem:v1+s10+$0x0] =	vst.idx.add.f32.msk $0xffff, v0  }
0x43: {  	v1 =	vld [tilespmem:$0xD0];
	_ =	sdelay $0x7  }
0x44: {  	[tilespmem:v1+s10+$0x0] =	vst.idx.add.f32.msk $0xffff, v0  }
0x45: {  	v1 =	vld [tilespmem:$0xE0];
	_ =	sdelay $0x7  }
0x46: {  	[tilespmem:v1+s10+$0x0] =	vst.idx.add.f32.msk $0xffff, v0  }
0x47: {  	v1 =	vld [tilespmem:$0xF0];
	_ =	sdelay $0x3  }
0x48: {  	p1 =	sne.s32 s20, $0xFFFFFFE0  }
.Ltmp0:
0x49: {  	_ = 	snop;
	(pc) =	sbr.rel @p1 .LBB2_2-.Ltmp0, $3  }
0x4a: {  	_ =	sdelay $0x1  }
0x4b: {  	s20 =	sadd.s32 $0x20, s20;
	s21 =	sadd.s32 $0x510, s21;
	[tilespmem:v1+s10+$0x0] =	vst.idx.add.f32.msk $0xffff, v0  }
0x4c: {  	[tilespmem:s14], [sflag:$0x2] =	stream.linear.gather [hbm4b:s21+s2], $0x80, $0x38;
	[tilespmem:$0x2C00] =	vst v63  }
0x4d: {  	_ =	swait.ge [sflag:s15], $0x80  }
0x4e: {  	[sflag:s15] =	ssyncset.done $0x0  }
0x4f: {  	[sflag:s15] =	ssyncadd.s32 $0xFFFFFF80  }
0x50: {  	v1 =	vld [tilespmem:$0x0];
	_ =	sdelay $0x7  }
0x51: {  	[tilespmem:v1+s10+$0x0] =	vst.idx.add.f32.msk $0xffff, v0  }
0x52: {  	v1 =	vld [tilespmem:$0x10];
	_ =	sdelay $0x7  }
0x53: {  	[tilespmem:v1+s10+$0x0] =	vst.idx.add.f32.msk $0xffff, v0  }
0x54: {  	v1 =	vld [tilespmem:$0x20];
	_ =	sdelay $0x7  }
0x55: {  	[tilespmem:v1+s10+$0x0] =	vst.idx.add.f32.msk $0xffff, v0  }
0x56: {  	v1 =	vld [tilespmem:$0x30];
	_ =	sdelay $0x7  }
0x57: {  	[tilespmem:v1+s10+$0x0] =	vst.idx.add.f32.msk $0xffff, v0  }
0x58: {  	v1 =	vld [tilespmem:$0x40];
	_ =	sdelay $0x7  }
0x59: {  	[tilespmem:v1+s10+$0x0] =	vst.idx.add.f32.msk $0xffff, v0  }
0x5a: {  	v1 =	vld [tilespmem:$0x50];
	_ =	sdelay $0x7  }
0x5b: {  	[tilespmem:v1+s10+$0x0] =	vst.idx.add.f32.msk $0xffff, v0  }
0x5c: {  	v1 =	vld [tilespmem:$0x60];
	_ =	sdelay $0x7  }
0x5d: {  	[tilespmem:v1+s10+$0x0] =	vst.idx.add.f32.msk $0xffff, v0  }
0x5e: {  	v1 =	vld [tilespmem:$0x70];
	_ =	sdelay $0x7  }
0x5f: {  	[tilespmem:v1+s10+$0x0] =	vst.idx.add.f32.msk $0xffff, v0  }
0x60: {  	_ =	swait.ge [sflag:s16], $0x80  }
0x61: {  	[sflag:s16] =	ssyncset.done $0x0  }
0x62: {  	[sflag:s16] =	ssyncadd.s32 $0xFFFFFF80  }
0x63: {  	v1 =	vld [tilespmem:$0x80];
	_ =	sdelay $0x7  }
0x64: {  	[tilespmem:v1+s10+$0x0] =	vst.idx.add.f32.msk $0xffff, v0  }
0x65: {  	v1 =	vld [tilespmem:$0x90];
	_ =	sdelay $0x7  }
0x66: {  	[tilespmem:v1+s10+$0x0] =	vst.idx.add.f32.msk $0xffff, v0  }
0x67: {  	v1 =	vld [tilespmem:$0xA0];
	_ =	sdelay $0x7  }
0x68: {  	[tilespmem:v1+s10+$0x0] =	vst.idx.add.f32.msk $0xffff, v0  }
0x69: {  	v1 =	vld [tilespmem:$0xB0];
	_ =	sdelay $0x7  }
0x6a: {  	[tilespmem:v1+s10+$0x0] =	vst.idx.add.f32.msk $0xffff, v0  }
0x6b: {  	v1 =	vld [tilespmem:$0xC0];
	_ =	sdelay $0x7  }
0x6c: {  	[tilespmem:v1+s10+$0x0] =	vst.idx.add.f32.msk $0xffff, v0  }
0x6d: {  	v1 =	vld [tilespmem:$0xD0];
	_ =	sdelay $0x7  }
0x6e: {  	[tilespmem:v1+s10+$0x0] =	vst.idx.add.f32.msk $0xffff, v0  }
0x6f: {  	v1 =	vld [tilespmem:$0xE0];
	_ =	sdelay $0x7  }
0x70: {  	[tilespmem:v1+s10+$0x0] =	vst.idx.add.f32.msk $0xffff, v0  }
0x71: {  	v1 =	vld [tilespmem:$0xF0];
	_ =	sdelay $0x7  }
0x72: {  	[tilespmem:v1+s10+$0x0] =	vst.idx.add.f32.msk $0xffff, v0  }
0x73: {  	[spmem:s1] =	stream.indirect.scatter.add.f32 [tilespmem:s10], [sflag:$0x3], $0x80, s12, s17, $0xb8;
	[tilespmem:$0x2C00] =	vst v63  }
0x74: {  	_ =	swait.ge [sflag:s18], $0x2800  }
0x75: {  	[sflag:s18] =	ssyncset.done $0x0  }
0x76: {  	s19 =	sadd.s32 $0x1, s19;
	[sflag:s18] =	ssyncadd.s32 $0xFFFFD800  }
0x77: {  	s20 =	simm.s32 @!p0 $0x1C04;
	p1 =	sne.s32 s19, s8;
	[bflag:$0x0] =	sbarrier.arrive $0xFFFF  }
0x78: {  	[hbm:s7], [sflag:s20] =	dma.local @!p0 [spmem:s13], $0x500  }
.Ltmp1:
0x79: {  	_ = 	snop;
	(pc) =	sbr.rel @p1 .LBB2_1-.Ltmp1, $4  }
0x7a: {  	s20 =	simm.s32 @!p0 $0x4  }
0x7b: {  	_ =	swait.ge @!p0 [sflag:s20], $0x500  }
0x7c: {  	[sflag:s20] =	ssyncset.done @!p0 $0x0  }
0x7d: {  	[sflag:s20] =	ssyncadd.s32 @!p0 $0xFFFFFB00  }
0x7e: {  	_ =	sfence.sel $0x180000  }
0x7f: {  	[bflag:$0x0] =	sbarrier.arrive $0xFFFF  }
0x80: {  	_ =	strace $0x90000047  }
0x81: {  	s0 =	sadd.s32 @!p0 $0x100000, s0;
	[bflag:$0x2] =	sbarrier.arrive $0xFFFF  }
0x82: {  	[sflag:s0] =	ssyncadd.tile.s32 @!p0 $0x1;
	_ =	shalt  }
.Lfunc_end2:
_tile_overlayer_lowered:
.L_overlay_start_2:
0x83: {  	(tag) =	ssettag $0x2  }
0x84: {  	s0 =	rddreg [dreg:$0x0];
	s2 =	stileid.u32  }
0x85: {  	s1 =	rddreg [dreg:$0x1];
	p0 =	sne.s32 s2, $0x0  }
0x86: {  	s3 =	rddreg [dreg:$0x2];
	[bflag:$0x3] =	sbarrier.arrive $0xFFFF;
	s2 =	simm.s32 @!p0 $0x1C04  }
0x87: {  	[timem:s3], [sflag:s2] =	dma.local @!p0 [hbm:s0], s1  }
0x88: {  	s0 =	simm.s32 @!p0 $0x4  }
0x89: {  	_ =	swait.ge @!p0 [sflag:s0], s1  }
0x8a: {  	s1 =	ssub.s32 @!p0 $0x0, s1;
	[sflag:s0] =	ssyncset.done @!p0 $0x0  }
0x8b: {  	[sflag:s0] =	ssyncadd.s32 @!p0 s1  }
0x8c: {  	[bflag:$0x3] =	sbarrier.arrive $0xFFFF  }
0x8d: {  	_ =	shalt  }

// kernel: kernel.21.cloned.1.call-start
scs
__scs_entry_jumppad:
0x0: {  	(pc) =	sbr.rel $0x88, $3  }
0x1: {  	(tag) =	ssettag $0x0;
	lr =	simm.s32 $0x1  }
0x2: {  	[smem:$0x3F95] =	sst lr;
	_ =	strace $0xD0000000  }
0x3: {  	_ = 	snop  }
0x4: {  	_ = 	snop  }
0x5: {  	_ = 	snop  }
0x6: {  	_ = 	snop  }
0x7: {  	_ = 	snop  }
__scs_overlays_trampoline_lowered:
0x8: {  	[smem:$0x3FA4] =	sst s0  }
0x9: {  	[smem:$0x3FA5] =	sst s1  }
0xa: {  	[smem:$0x3FA6] =	sst s2  }
0xb: {  	[smem:$0x3FA7] =	sst s3  }
0xc: {  	[smem:$0x3FA8] =	sst s4  }
0xd: {  	[smem:$0x3FA9] =	sst s5  }
0xe: {  	[smem:$0x3FAA] =	sst s6  }
0xf: {  	[smem:$0x3FAB] =	sst s7  }
0x10: {  	[smem:$0x3FAC] =	sst s8  }
0x11: {  	[smem:$0x3FAD] =	sst s9;
	s0 =	simm.s32 @!p0 $0x0  }
0x12: {  	s1 =	sld [smem:$0x3F93];
	s0 =	simm.s32 @p0 $0x1  }
0x13: {  	[smem:$0x3FAE] =	sst s0;
	s0 =	simm.s32 @!p1 $0x0  }
0x14: {  	s2 =	sld [smem:$0x3F92];
	s0 =	simm.s32 @p1 $0x1  }
0x15: {  	[smem:$0x3FAF] =	sst s0;
	s0 =	simm.s32 @!p2 $0x0  }
0x16: {  	s3 =	sld [smem:$0x3FDB];
	s0 =	simm.s32 @p2 $0x1  }
0x17: {  	s4 =	simm.s32 $0x1BF5;
	[smem:$0x3FB1] =	sst s0  }
0x18: {  	s0 =	sld [smem:$0x3F94];
	_ =	swait.ge [sflag:s4], $0x0  }
0x19: {  	s7 =	sld [smem:$0x3F95]  }
0x1a: {  	s8 =	sadd.s32 $0xFFFFE003, lr  }
0x1b: {  	s9 =	sadd.s32 $0xFFFFFEF7, lr;
	s5 =	simm.s32 $0xFFFFFFFF;
	p2 =	slt.u32 s8, $0xFFFFF086  }
0x1c: {  	p1 =	slt.u32 s9, $0xF7A;
	s5 =	simm.s32 @!p2 $0x0  }
0x1d: {  	s5 =	simm.s32 @p1 $0x1;
	p0 =	seq.s32 s7, s2  }
0x1e: {  	s7 =	smul.u32 @!p0 $0xF7A, s2;
	p2 =	seq.s32 @!p0 s5, $0x0  }
0x1f: {  	s9 =	smul.u32 $0xF7A, s1;
	s8 =	simm.s32 @!p0 $0x1BF5;
	p2 =	por !p2, p0  }
0x20: {  	[sflag:s8] =	ssyncset.s32 @!p0 $0xFFFFF086;
	s6 =	sadd.s32 @!p0 s3, s7;
	s7 =	simm.s32 @!p0 $0x108  }
0x21: {  	s3 =	sadd.s32 s3, s9;
	s6 =	sadd.s32 @!p0 $0x88, s6;
	s7 =	simm.s32 @p2 $0x1082  }
0x22: {  	[simem:s7], [sflag:s8] =	dma.local @!p0 [hbm:s6], $0xF7A  }
0x23: {  	s9 =	sor.u32 $0xD0000000, s2;
	s6 =	simm.s32 $0x108;
	_ =	swait.ge @!p0 [sflag:s8], $0x0  }
0x24: {  	s3 =	sadd.s32 $0x88, s3;
	s6 =	simm.s32 @!p1 $0x1082;
	[sflag:s4] =	ssyncset.s32 $0xFFFFF086  }
0x25: {  	[simem:s6], [sflag:s4] =	dma.local [hbm:s3], $0xF7A  }
0x26: {  	[smem:$0x3F95] =	sst s1;
	(tag) =	ssettag s2;
	_ =	strace s9  }
0x27: {  	s1 =	sld [smem:$0x3FA5]  }
0x28: {  	s2 =	sld [smem:$0x3FA6]  }
0x29: {  	s4 =	sld [smem:$0x3FA8]  }
0x2a: {  	p0 =	seq.s32 s5, $0x0;
	s5 =	sld [smem:$0x3FA9]  }
0x2b: {  	s6 =	sld [smem:$0x3FAA]  }
0x2c: {  	s7 =	sld [smem:$0x3FAB]  }
0x2d: {  	s3 =	simm.s32 $0x108;
	s8 =	sld [smem:$0x3FAC]  }
0x2e: {  	s3 =	simm.s32 @!p0 $0x1082;
	s9 =	sld [smem:$0x3FAD]  }
0x2f: {  	lr =	sadd.s32 s0, s3;
	s0 =	sld [smem:$0x3FA4]  }
0x30: {  	s3 =	sld [smem:$0x3FA7]  }
0x31: {  	[smem:$0x3FB0] =	sst s10  }
0x32: {  	s10 =	sld [smem:$0x3FAE];
	_ =	sdelay $0x3  }
0x33: {  	p0 =	seq.s32 s10, $0x1;
	s10 =	sld [smem:$0x3FB0];
	_ =	sdelay $0x3  }
0x34: {  	[smem:$0x3FB0] =	sst s10  }
0x35: {  	s10 =	sld [smem:$0x3FAF];
	_ =	sdelay $0x3  }
0x36: {  	p1 =	seq.s32 s10, $0x1;
	s10 =	sld [smem:$0x3FB0];
	_ =	sdelay $0x3  }
0x37: {  	[smem:$0x3FB0] =	sst s10  }
0x38: {  	s10 =	sld [smem:$0x3FB1]  }
0x39: {  	_ = 	snop;
	(pc) =	sbr.ind lr, $3  }
0x3a: {  	_ = 	snop  }
0x3b: {  	_ = 	snop  }
0x3c: {  	p2 =	seq.s32 s10, $0x1;
	s10 =	sld [smem:$0x3FB0]  }
0x3d: {  	_ =	shalt  }
0x3e: {  	_ =	shalt  }
0x3f: {  	_ =	shalt  }
0x40: {  	_ =	shalt  }
0x41: {  	_ =	shalt  }
0x42: {  	_ =	shalt  }
0x43: {  	_ =	shalt  }
0x44: {  	_ =	shalt  }
0x45: {  	_ =	shalt  }
0x46: {  	_ =	shalt  }
0x47: {  	_ =	shalt  }
0x48: {  	_ =	shalt  }
0x49: {  	_ =	shalt  }
0x4a: {  	_ =	shalt  }
0x4b: {  	_ =	shalt  }
0x4c: {  	_ =	shalt  }
0x4d: {  	_ =	shalt  }
0x4e: {  	_ =	shalt  }
0x4f: {  	_ =	shalt  }
0x50: {  	_ =	shalt  }
0x51: {  	_ =	shalt  }
0x52: {  	_ =	shalt  }
0x53: {  	_ =	shalt  }
0x54: {  	_ =	shalt  }
0x55: {  	_ =	shalt  }
0x56: {  	_ =	shalt  }
0x57: {  	_ =	shalt  }
0x58: {  	_ =	shalt  }
0x59: {  	_ =	shalt  }
0x5a: {  	_ =	shalt  }
0x5b: {  	_ =	shalt  }
0x5c: {  	_ =	shalt  }
0x5d: {  	_ =	shalt  }
0x5e: {  	_ =	shalt  }
0x5f: {  	_ =	shalt  }
0x60: {  	_ =	shalt  }
0x61: {  	_ =	shalt  }
0x62: {  	_ =	shalt  }
0x63: {  	_ =	shalt  }
0x64: {  	_ =	shalt  }
0x65: {  	_ =	shalt  }
0x66: {  	_ =	shalt  }
0x67: {  	_ =	shalt  }
0x68: {  	_ =	shalt  }
0x69: {  	_ =	shalt  }
0x6a: {  	_ =	shalt  }
0x6b: {  	_ =	shalt  }
0x6c: {  	_ =	shalt  }
0x6d: {  	_ =	shalt  }
0x6e: {  	_ =	shalt  }
0x6f: {  	_ =	shalt  }
0x70: {  	_ =	shalt  }
0x71: {  	_ =	shalt  }
0x72: {  	_ =	shalt  }
0x73: {  	_ =	shalt  }
0x74: {  	_ =	shalt  }
0x75: {  	_ =	shalt  }
0x76: {  	_ =	shalt  }
0x77: {  	_ =	shalt  }
0x78: {  	_ =	shalt  }
0x79: {  	_ =	shalt  }
0x7a: {  	_ =	shalt  }
0x7b: {  	_ =	shalt  }
0x7c: {  	_ =	shalt  }
0x7d: {  	_ =	shalt  }
0x7e: {  	_ =	shalt  }
0x7f: {  	_ =	shalt  }
0x80: {  	_ =	shalt  }
0x81: {  	_ =	shalt  }
0x82: {  	_ =	shalt  }
0x83: {  	_ =	shalt  }
0x84: {  	_ =	shalt  }
0x85: {  	_ =	shalt  }
0x86: {  	_ =	shalt  }
0x87: {  	_ =	shalt  }
.Lfunc_end0:
.L_simem_size_0:
called_computation.1_lowered:
.L_overlay_start_0:
0x88: {  	s2 =	sld [smem:$0x3FD9]  }
0x89: {  	s3 =	sld [smem:$0x3FFE];
	_ =	sdelay $0x1  }
0x8a: {  	s1 =	srdreg.scid  }
0x8b: {  	s0 =	sand.u32 $0x1, s1  }
0x8c: {  	s16 =	sshll.u32 s0, $0xA;
	s2 =	sadd.s32 s3, s2  }
0x8d: {  	s2 =	sadd.s32 s2, s16  }
0x8e: {  	[smem:$0x3FBC] =	sst s2  }
0x8f: {  	_ = 	snop  }
0x90: {  	(tm) =	ssettm $0x1  }
0x91: {  	s17 =	sld [smem:$0x3FFB];
	_ =	sdelay $0x3  }
0x92: {  	_ =	strace s17  }
0x93: {  	s2 =	sld [smem:$0x3FFC];
	_ =	sdelay $0x3  }
0x94: {  	_ =	strace s2  }
0x95: {  	s2 =	sld [smem:$0x3FFD];
	_ =	sdelay $0x3  }
0x96: {  	_ =	strace s2  }
0x97: {  	_ =	strace $0x8FFFFFFF  }
0x98: {  	s18 =	sld [smem:$0x3FDB];
	_ =	sdelay $0x1  }
0x99: {  	s19 =	simm.s32 $_scs_section_size  }
0x9a: {  	s4 =	simm.s32 $_size__tile_overlayer_lowered;
	s5 =	simm.s32 $_tile_overlayer_lowered  }
0x9b: {  	s22 =	simm.s32 $0x1BFF;
	s21 =	sshll.u32 s5, $0x1;
	s2 =	sadd.s32 s19, s18  }
0x9c: {  	s6 =	simm.s32 $0x0;
	s20 =	sshll.u32 s4, $0x1;
	s4 =	sadd.s32 s21, s2  }
0x9d: {  	[timem:s6], [sflag:s22] =	dma.local [hbm:s4], s20  }
0x9e: {  	_ =	swait.ge [sflag:s22], s20  }
0x9f: {  	s3 =	ssub.s32 $0x0, s20;
	[sflag:s22] =	ssyncset.done $0x0  }
0xa0: {  	[sflag:s22] =	ssyncadd.s32 s3;
	_ =	sdelay $0x1  }
0xa1: {  	s23 =	simm.s32 $0x1B8B  }
0xa2: {  	_ =	swait.ge [sflag:s23], $0x1  }
0xa3: {  	[sflag:s23] =	ssyncset.done $0x0  }
0xa4: {  	s25 =	simm.s32 $0x1B8E;
	s24 =	sld [smem:$0x3FFE];
	[sflag:s23] =	ssyncadd.s32 $0xFFFFFFFF  }
0xa5: {  	s26 =	simm.s32 $execute0_lowered;
	[smem:$0x3FD2] =	sst s25  }
0xa6: {  	s4 =	sshll.u32 s26, $0x1;
	_ =	strace $0x80000049;
	[dreg:$0x1] =	wrdreg $0xFFFFFFFF  }
0xa7: {  	s28 =	simm.s32 $_size_execute0_lowered;
	s2 =	sadd.s32 s2, s4;
	[dreg:$0x0] =	wrdreg $0x0  }
0xa8: {  	s4 =	sshll.u32 s28, $0x1;
	[dreg:$0x2] =	wrdreg s2  }
0xa9: {  	[dreg:$0x3] =	wrdreg s4  }
0xaa: {  	[dreg:$0x4] =	wrdreg $0xC0  }
0xab: {  	_ =	task [dreg:s6], $0x5FFFF  }
0xac: {  	[dreg:$0x1] =	wrdreg $0xFFFFFFFF  }
0xad: {  	[dreg:$0x0] =	wrdreg $0x60  }
0xae: {  	[dreg:$0x2] =	wrdreg s24  }
0xaf: {  	[dreg:$0x3] =	wrdreg $0xC3000  }
0xb0: {  	[dreg:$0x4] =	wrdreg $0x9  }
0xb1: {  	_ =	task.clear_ibuf [dreg:s6], $0x5FFFF;
	_ =	strace $0x90000049  }
0xb2: {  	s29 =	simm.s32 $0x9;
	_ =	strace $0x8000004B  }
0xb3: {  	_ =	swait.ge [sflag:s29], $0x1  }
0xb4: {  	[sflag:s29] =	ssyncadd.s32 $0xFFFFFFFF  }
0xb5: {  	_ =	strace $0x9000004B  }
0xb6: {  	_ =	sfence  }
0xb7: {  	s30 =	sld [smem:$0x0];
	_ =	sdelay $0x2  }
0xb8: {  	s31 =	sshll.u32 s1, $0xD;
	s1 =	sshrl.u32 s1, $0x2  }
0xb9: {  	s3 =	sand.u32 $0x4000, s31;
	s1 =	sadd.s32 s1, s30  }
0xba: {  	s0 =	sor.u32 s3, s0;
	s1 =	sshll.u32 s1, $0x11  }
0xbb: {  	s0 =	sor.u32 s1, s0  }
0xbc: {  	s0 =	sadd.s32 $0x8F2B, s0  }
0xbd: {  	[sflag:s0] =	ssyncadd.remote.s32 $0x1  }
0xbe: {  	_ =	sfence.sel $0xFFFF  }
0xbf: {  	[dreg:$0x0] =	wrdreg $0xFFFFFFFF;
	(pc) =	sbr.abs _section_cstart, $3  }
0xc0: {  	[dreg:$0x1] =	wrdreg $0xFFFFFFFF  }
0xc1: {  	_ =	task.clear_ibuf [dreg:s6], $0x2FFFF;
	_ =	strace $0x9FFFFFFF  }
0xc2: {  	(tm) =	ssettm $0x7FFFFFFF  }
0xc3: {  	_ =	shalt  }
tec
execute0_lowered:
.L_overlay_start_1:
0x0: {  	(tag) =	ssettag $0x1  }
0x1: {  	s0 =	rddreg [dreg:$0x0]  }
0x2: {  	s1 =	rddreg [dreg:$0x1]  }
0x3: {  	s2 =	srdreg.scid;
	s3 =	simm.s32 $0x0;
	s12 =	stileid.u32  }
0x4: {  	s28 =	simm.s32 $0x4;
	s29 =	simm.s32 $0x3;
	s30 =	simm.s32 $0x8300  }
0x5: {  	s31 =	simm.s32 $0x280;
	s2 =	sand.u32 $0x1, s2;
	s6 =	smul.u32 $0x13C00, s12  }
0x6: {  	[smem:$0x7FF] =	sst s3;
	s4 =	sadd.s32 $0x43600, s0;
	s10 =	smul.u32 $0x4F000, s12  }
0x7: {  	s7 =	sadd.s32 $0x5A00, s0;
	s8 =	sadd.s32 $0xFA00, s0;
	s23 =	smul.u32 $0x500, s12  }
0x8: {  	s15 =	sadd.s32 $0x19C00, s0;
	s19 =	sshll.u32 s12, $0x6;
	s5 =	smul.u32 $0x13C000, s2  }
0x9: {  	_ =	strace $0x8000004A;
	[dreg:$0x3] =	wrdreg s15;
	s16 =	sshll.u32 s2, $0x4  }
0xa: {  	s9 =	ssub.s32 $0x2, s2;
	s13 =	sor.u32 $0x1C0D, s19;
	s2 =	smul.u32 $0x5000, s2  }
0xb: {  	s19 =	simm.s32 $0x100;
	s17 =	sshrl.u32 s9, $0x1;
	s18 =	sshrl.u32 s10, $0x2  }
0xc: {  	s5 =	sadd.s32 s6, s5;
	s6 =	sor.u32 s12, s16;
	s10 =	sadd.s32 s18, s1  }
0xd: {  	s25 =	sadd.s32 s2, s7;
	s26 =	sadd.s32 s2, s8;
	s18 =	simm.s32 $0x80  }
0xe: {  	s2 =	simm.s32 $0x5;
	s5 =	sshrl.u32 s5, $0x3;
	s11 =	smul.u32 $0x500, s6  }
0xf: {  	s15 =	sadd.s32 s23, s26;
	s26 =	simm.s32 $0x7;
	s0 =	sadd.s32 s5, s0  }
0x10: {  	s5 =	ssub.s32 s9, s17;
	s17 =	simm.s32 $0xD;
	s9 =	simm.s32 $0x6  }
0x11: {  	s20 =	sor.u32 $0x10, s11;
	s21 =	sadd.s32 s7, s11;
	s22 =	sadd.s32 s8, s11  }
0x12: {  	s0 =	sadd.s32 $0x6A800, s0;
	s5 =	smax.u32 s5, $0x1;
	[dreg:$0x4] =	wrdreg s21  }
0x13: {  	s11 =	simm.s32 $0x0;
	s14 =	sadd.s32 s7, s20;
	[dreg:$0x7] =	wrdreg s22  }
0x14: {  	s6 =	sadd.s32 $0x20, s21;
	s24 =	sadd.s32 s8, s20;
	[dreg:$0x9] =	wrdreg s0  }
0x15: {  	[dreg:$0xa] =	wrdreg s5;
	s7 =	sshrl.u32 s10, $0x3;
	s20 =	simm.s32 $0x180  }
.Ltmp0:
0x16: {  	s21 =	simm.s32 $0x1;
	s22 =	simm.s32 $0x300;
	(pc) =	sbr.rel .LBB2_1-.Ltmp0, $4  }
0x17: {  	s0 =	simm.s32 $0x8;
	s5 =	simm.s32 $0xA;
	[dreg:$0x5] =	wrdreg s14  }
0x18: {  	s8 =	simm.s32 $0x9;
	s10 =	simm.s32 $0xB;
	[dreg:$0x6] =	wrdreg s6  }
0x19: {  	[dreg:$0x8] =	wrdreg s24;
	s14 =	sadd.s32 s23, s25;
	s23 =	simm.s32 $0x200  }
0x1a: {  	s24 =	simm.s32 $0x2;
	s25 =	simm.s32 $0x4300;
	[dreg:$0xb] =	wrdreg s7  }
.LBB2_4:
0x1b: {  	_ =	swait.ge [sflag:s26], $0x4000  }
0x1c: {  	[sflag:s26] =	ssyncset.done $0x0  }
0x1d: {  	[sflag:s26] =	ssyncadd.s32 $0xFFFFC000  }
0x1e: {  	_ =	swait.ge [sflag:s28], $0x80  }
0x1f: {  	[sflag:s28] =	ssyncset.done $0x0  }
0x20: {  	s6 =	simm.s32 $0xC;
	[sflag:s28] =	ssyncadd.s32 $0xFFFFFF80  }
0x21: {  	[spmem:s1] =	stream.indirect.scatter.add.f32 [tilespmem:s22], [sflag:$0xA], $0x80, s20, s18, $0xb8;
	[tilespmem:$0x1FF00] =	vst v63  }
0x22: {  	_ =	swait.ge [sflag:s6], $0x4000  }
0x23: {  	[sflag:s6] =	ssyncset.done $0x0  }
0x24: {  	[sflag:s6] =	ssyncadd.s32 $0xFFFFC000  }
0x25: {  	_ =	swait.ge [sflag:s0], $0x4000  }
0x26: {  	[sflag:s0] =	ssyncset.done $0x0  }
0x27: {  	[sflag:s0] =	ssyncadd.s32 $0xFFFFC000  }
0x28: {  	_ =	swait.ge [sflag:s2], $0x80  }
0x29: {  	[sflag:s2] =	ssyncset.done $0x0  }
0x2a: {  	[sflag:s2] =	ssyncadd.s32 $0xFFFFFF80  }
0x2b: {  	[spmem:s1] =	stream.indirect.scatter.add.f32 [tilespmem:s25], [sflag:$0xB], $0x80, s23, s18, $0xb8;
	[tilespmem:$0x1FF00] =	vst v63  }
0x2c: {  	_ =	swait.ge [sflag:s5], $0x4000  }
0x2d: {  	[sflag:s5] =	ssyncset.done $0x0  }
0x2e: {  	[sflag:s5] =	ssyncadd.s32 $0xFFFFC000  }
0x2f: {  	_ =	swait.ge [sflag:s10], $0x4000  }
0x30: {  	[sflag:s10] =	ssyncset.done $0x0  }
0x31: {  	[sflag:s10] =	ssyncadd.s32 $0xFFFFC000  }
0x32: {  	[bflag:$0x0] =	sbarrier.arrive $0xFFFF  }
0x33: {  	s12 =	rddreg [dreg:$0x9]  }
0x34: {  	s7 =	rddreg [dreg:$0xb]  }
0x35: {  	[hbm:s12], [sflag:s16] =	dma.local [spmem:s7], $0x2780  }
0x36: {  	_ =	swait.ge [sflag:s17], $0x2780  }
0x37: {  	s13 =	smov.u32 s16;
	s11 =	sadd.s32 $0x1, s11;
	s16 =	rddreg [dreg:$0xa]  }
0x38: {  	p0 =	sne.s32 s11, s16  }
.Ltmp1:
0x39: {  	_ = 	snop;
	(pc) =	sbr.rel @!p0 .LBB2_5-.Ltmp1, $3  }
0x3a: {  	_ =	sdelay $0x1  }
0x3b: {  	[sflag:s17] =	ssyncset.done $0x0  }
0x3c: {  	[sflag:s17] =	ssyncadd.s32 $0xFFFFD880  }
.LBB2_1:
0x3d: {  	s6 =	rddreg [dreg:$0x3]  }
0x3e: {  	[spmem:s7], [sflag:s13] =	dma.local [hbm:s6], $0x2780  }
0x3f: {  	_ =	swait.ge [sflag:s17], $0x2780  }
0x40: {  	[sflag:s17] =	ssyncset.done $0x0  }
0x41: {  	[sflag:s17] =	ssyncadd.s32 $0xFFFFD880  }
0x42: {  	[bflag:$0x0] =	sbarrier.arrive $0xFFFF  }
0x43: {  	s12 =	rddreg [dreg:$0x4]  }
0x44: {  	[tilespmem:s3], [sflag:$0x1] =	stream.linear.gather [hbm4b:s12+s3], $0x80, $0x38;
	[tilespmem:$0x1FF00] =	vst v63  }
0x45: {  	s16 =	smov.u32 s13;
	s13 =	rddreg [dreg:$0x5]  }
0x46: {  	[tilespmem:s18], [sflag:$0x2] =	stream.linear.gather [hbm4b:s13+s3], $0x80, $0x38;
	[tilespmem:$0x1FF00] =	vst v63  }
0x47: {  	s7 =	rddreg [dreg:$0x6]  }
0x48: {  	[tilespmem:s19], [sflag:$0x3] =	stream.linear.gather [hbm4b:s7+s3], $0x80, $0x38;
	[tilespmem:$0x1FF00] =	vst v63  }
0x49: {  	s12 =	rddreg [dreg:$0x7]  }
0x4a: {  	[tilespmem:s20], [sflag:$0x4] =	stream.linear.gather [hbm4b:s12+s3], $0x80, $0x38;
	[tilespmem:$0x1FF00] =	vst v63  }
0x4b: {  	_ =	swait.ge [sflag:s21], $0x80  }
0x4c: {  	[sflag:s21] =	ssyncset.done $0x0  }
0x4d: {  	[sflag:s21] =	ssyncadd.s32 $0xFFFFFF80  }
0x4e: {  	[tilespmem:s22], [sflag:$0x7] =	stream.indirect.gather [hbm4b:s4+s18], $0x80, s3, s18, $0xb8;
	[tilespmem:$0x1FF00] =	vst v63  }
0x4f: {  	s13 =	rddreg [dreg:$0x8]  }
0x50: {  	[tilespmem:s23], [sflag:$0x5] =	stream.linear.gather [hbm4b:s13+s3], $0x80, $0x38;
	[tilespmem:$0x1FF00] =	vst v63  }
0x51: {  	_ =	swait.ge [sflag:s24], $0x80  }
0x52: {  	[sflag:s24] =	ssyncset.done $0x0  }
0x53: {  	s12 =	simm.s32 $0x0;
	[sflag:s24] =	ssyncadd.s32 $0xFFFFFF80  }
0x54: {  	[tilespmem:s25], [sflag:$0x8] =	stream.indirect.gather [hbm4b:s4+s18], $0x80, s18, s18, $0xb8;
	[tilespmem:$0x1FF00] =	vst v63  }
.LBB2_2:
0x55: {  	_ =	swait.ge [sflag:s26], $0x4000  }
0x56: {  	[sflag:s26] =	ssyncset.done $0x0  }
0x57: {  	[sflag:s26] =	ssyncadd.s32 $0xFFFFC000  }
0x58: {  	_ =	swait.ge [sflag:s28], $0x80  }
0x59: {  	p0 =	seq.s32 s12, $0x0;
	[sflag:s28] =	ssyncset.done $0x0  }
0x5a: {  	s13 =	simm.s32 @!p0 $0xC;
	[sflag:s28] =	ssyncadd.s32 $0xFFFFFF80  }
0x5b: {  	[spmem:s1] =	stream.indirect.scatter.add.f32 [tilespmem:s22], [sflag:$0xA], $0x80, s20, s18, $0xb8;
	[tilespmem:$0x1FF00] =	vst v63  }
0x5c: {  	_ =	swait.ge @!p0 [sflag:s13], $0x4000  }
0x5d: {  	[sflag:s13] =	ssyncset.done @!p0 $0x0  }
0x5e: {  	[sflag:s13] =	ssyncadd.s32 @!p0 $0xFFFFC000  }
0x5f: {  	_ =	swait.ge [sflag:s29], $0x80  }
0x60: {  	[sflag:s29] =	ssyncset.done $0x0  }
0x61: {  	s7 =	sadd.s32 s12, s15;
	[sflag:s29] =	ssyncadd.s32 $0xFFFFFF80  }
0x62: {  	[tilespmem:s30], [sflag:$0x9] =	stream.indirect.gather [hbm4b:s4+s18], $0x80, s19, s18, $0xb8;
	[tilespmem:$0x1FF00] =	vst v63  }
0x63: {  	s6 =	sadd.s32 $0x20, s7;
	s13 =	sadd.s32 s12, s14  }
0x64: {  	[tilespmem:s31], [sflag:$0x6] =	stream.linear.gather [hbm4b:s6+s3], $0x80, $0x38;
	[tilespmem:$0x1FF00] =	vst v63  }
0x65: {  	s6 =	sadd.s32 $0x30, s13  }
0x66: {  	[tilespmem:s3], [sflag:$0x1] =	stream.linear.gather [hbm4b:s6+s3], $0x80, $0x38;
	[tilespmem:$0x1FF00] =	vst v63  }
0x67: {  	_ =	swait.ge [sflag:s0], $0x4000  }
0x68: {  	[sflag:s0] =	ssyncset.done $0x0  }
0x69: {  	[sflag:s0] =	ssyncadd.s32 $0xFFFFC000  }
0x6a: {  	_ =	swait.ge [sflag:s2], $0x80  }
0x6b: {  	[sflag:s2] =	ssyncset.done $0x0  }
0x6c: {  	[sflag:s2] =	ssyncadd.s32 $0xFFFFFF80  }
0x6d: {  	[spmem:s1] =	stream.indirect.scatter.add.f32 [tilespmem:s25], [sflag:$0xB], $0x80, s23, s18, $0xb8;
	[tilespmem:$0x1FF00] =	vst v63  }
0x6e: {  	_ =	swait.ge [sflag:s5], $0x4000  }
0x6f: {  	[sflag:s5] =	ssyncset.done $0x0  }
0x70: {  	[sflag:s5] =	ssyncadd.s32 $0xFFFFC000  }
0x71: {  	_ =	swait.ge [sflag:s21], $0x80  }
0x72: {  	[sflag:s21] =	ssyncset.done $0x0  }
0x73: {  	[sflag:s21] =	ssyncadd.s32 $0xFFFFFF80  }
0x74: {  	[tilespmem:s22], [sflag:$0x7] =	stream.indirect.gather [hbm4b:s4+s18], $0x80, s3, s18, $0xb8;
	[tilespmem:$0x1FF00] =	vst v63  }
0x75: {  	s6 =	sadd.s32 $0x30, s7  }
0x76: {  	[tilespmem:s20], [sflag:$0x4] =	stream.linear.gather [hbm4b:s6+s3], $0x80, $0x38;
	[tilespmem:$0x1FF00] =	vst v63  }
0x77: {  	s6 =	sadd.s32 $0x40, s13  }
0x78: {  	[tilespmem:s18], [sflag:$0x2] =	stream.linear.gather [hbm4b:s6+s3], $0x80, $0x38;
	[tilespmem:$0x1FF00] =	vst v63  }
0x79: {  	_ =	swait.ge [sflag:s8], $0x4000  }
0x7a: {  	[sflag:s8] =	ssyncset.done $0x0  }
0x7b: {  	[sflag:s8] =	ssyncadd.s32 $0xFFFFC000  }
0x7c: {  	_ =	swait.ge [sflag:s9], $0x80  }
0x7d: {  	[sflag:s9] =	ssyncset.done $0x0  }
0x7e: {  	[sflag:s9] =	ssyncadd.s32 $0xFFFFFF80  }
0x7f: {  	[spmem:s1] =	stream.indirect.scatter.add.f32 [tilespmem:s30], [sflag:$0xC], $0x80, s31, s18, $0xb8;
	[tilespmem:$0x1FF00] =	vst v63  }
0x80: {  	_ =	swait.ge [sflag:s10], $0x4000  }
0x81: {  	[sflag:s10] =	ssyncset.done $0x0  }
0x82: {  	[sflag:s10] =	ssyncadd.s32 $0xFFFFC000  }
0x83: {  	p0 =	seq.s32 s12, $0x4B0;
	_ =	swait.ge [sflag:s24], $0x80  }
.Ltmp2:
0x84: {  	[sflag:s24] =	ssyncset.done $0x0;
	(pc) =	sbr.rel @p0 .LBB2_4-.Ltmp2, $4  }
0x85: {  	[sflag:s24] =	ssyncadd.s32 $0xFFFFFF80  }
0x86: {  	[tilespmem:s25], [sflag:$0x8] =	stream.indirect.gather [hbm4b:s4+s18], $0x80, s18, s18, $0xb8;
	[tilespmem:$0x1FF00] =	vst v63  }
0x87: {  	s7 =	sadd.s32 $0x40, s7  }
0x88: {  	[tilespmem:s23], [sflag:$0x5] =	stream.linear.gather [hbm4b:s7+s3], $0x80, $0x38;
	[tilespmem:$0x1FF00] =	vst v63  }
.Ltmp3:
0x89: {  	(pc) =	sbr.rel .LBB2_2-.Ltmp3, $3  }
0x8a: {  	_ =	sdelay $0x1  }
0x8b: {  	s6 =	sadd.s32 $0x50, s13;
	s12 =	sadd.s32 $0x30, s12  }
0x8c: {  	[tilespmem:s19], [sflag:$0x3] =	stream.linear.gather [hbm4b:s6+s3], $0x80, $0x38;
	[tilespmem:$0x1FF00] =	vst v63  }
.LBB2_5:
0x8d: {  	_ =	sfence.sel $0x180000  }
0x8e: {  	[bflag:$0x0] =	sbarrier.arrive $0xFFFF  }
0x8f: {  	_ =	strace $0x9000004A  }
0x90: {  	s0 =	stileid.u32;
	[bflag:$0x2] =	sbarrier.arrive $0xFFFF  }
0x91: {  	p0 =	sne.s32 s0, $0x0;
	s0 =	rddreg [dreg:$0x2]  }
0x92: {  	s0 =	sadd.s32 @!p0 $0x100000, s0  }
0x93: {  	[sflag:s0] =	ssyncadd.tile.s32 @!p0 $0x1;
	_ =	shalt  }
.Lfunc_end2:
_tile_overlayer_lowered:
.L_overlay_start_2:
0x94: {  	(tag) =	ssettag $0x2  }
0x95: {  	s0 =	rddreg [dreg:$0x0];
	s2 =	stileid.u32  }
0x96: {  	s1 =	rddreg [dreg:$0x1];
	p0 =	sne.s32 s2, $0x0  }
0x97: {  	s3 =	rddreg [dreg:$0x2];
	[bflag:$0x3] =	sbarrier.arrive $0xFFFF;
	s2 =	simm.s32 @!p0 $0x1C0D  }
0x98: {  	[timem:s3], [sflag:s2] =	dma.local @!p0 [hbm:s0], s1  }
0x99: {  	s0 =	simm.s32 @!p0 $0xD  }
0x9a: {  	_ =	swait.ge @!p0 [sflag:s0], s1  }
0x9b: {  	s1 =	ssub.s32 @!p0 $0x0, s1;
	[sflag:s0] =	ssyncset.done @!p0 $0x0  }
0x9c: {  	[sflag:s0] =	ssyncadd.s32 @!p0 s1  }
0x9d: {  	[bflag:$0x3] =	sbarrier.arrive $0xFFFF  }
0x9e: {  	_ =	shalt  }

// kernel: kernel.24.cloned.1.call-start
scs
__scs_entry_jumppad:
0x0: {  	(pc) =	sbr.rel $0x88, $3  }
0x1: {  	(tag) =	ssettag $0x0;
	lr =	simm.s32 $0x1  }
0x2: {  	[smem:$0x3F95] =	sst lr;
	_ =	strace $0xD0000000  }
0x3: {  	_ = 	snop  }
0x4: {  	_ = 	snop  }
0x5: {  	_ = 	snop  }
0x6: {  	_ = 	snop  }
0x7: {  	_ = 	snop  }
__scs_overlays_trampoline_lowered:
0x8: {  	[smem:$0x3FA4] =	sst s0  }
0x9: {  	[smem:$0x3FA5] =	sst s1  }
0xa: {  	[smem:$0x3FA6] =	sst s2  }
0xb: {  	[smem:$0x3FA7] =	sst s3  }
0xc: {  	[smem:$0x3FA8] =	sst s4  }
0xd: {  	[smem:$0x3FA9] =	sst s5  }
0xe: {  	[smem:$0x3FAA] =	sst s6  }
0xf: {  	[smem:$0x3FAB] =	sst s7  }
0x10: {  	[smem:$0x3FAC] =	sst s8  }
0x11: {  	[smem:$0x3FAD] =	sst s9;
	s0 =	simm.s32 @!p0 $0x0  }
0x12: {  	s1 =	sld [smem:$0x3F93];
	s0 =	simm.s32 @p0 $0x1  }
0x13: {  	[smem:$0x3FAE] =	sst s0;
	s0 =	simm.s32 @!p1 $0x0  }
0x14: {  	s2 =	sld [smem:$0x3F92];
	s0 =	simm.s32 @p1 $0x1  }
0x15: {  	[smem:$0x3FAF] =	sst s0;
	s0 =	simm.s32 @!p2 $0x0  }
0x16: {  	s3 =	sld [smem:$0x3FDB];
	s0 =	simm.s32 @p2 $0x1  }
0x17: {  	s4 =	simm.s32 $0x1BF5;
	[smem:$0x3FB1] =	sst s0  }
0x18: {  	s0 =	sld [smem:$0x3F94];
	_ =	swait.ge [sflag:s4], $0x0  }
0x19: {  	s7 =	sld [smem:$0x3F95]  }
0x1a: {  	s8 =	sadd.s32 $0xFFFFE003, lr  }
0x1b: {  	s9 =	sadd.s32 $0xFFFFFEF7, lr;
	s5 =	simm.s32 $0xFFFFFFFF;
	p2 =	slt.u32 s8, $0xFFFFF086  }
0x1c: {  	p1 =	slt.u32 s9, $0xF7A;
	s5 =	simm.s32 @!p2 $0x0  }
0x1d: {  	s5 =	simm.s32 @p1 $0x1;
	p0 =	seq.s32 s7, s2  }
0x1e: {  	s7 =	smul.u32 @!p0 $0xF7A, s2;
	p2 =	seq.s32 @!p0 s5, $0x0  }
0x1f: {  	s9 =	smul.u32 $0xF7A, s1;
	s8 =	simm.s32 @!p0 $0x1BF5;
	p2 =	por !p2, p0  }
0x20: {  	[sflag:s8] =	ssyncset.s32 @!p0 $0xFFFFF086;
	s6 =	sadd.s32 @!p0 s3, s7;
	s7 =	simm.s32 @!p0 $0x108  }
0x21: {  	s3 =	sadd.s32 s3, s9;
	s6 =	sadd.s32 @!p0 $0x88, s6;
	s7 =	simm.s32 @p2 $0x1082  }
0x22: {  	[simem:s7], [sflag:s8] =	dma.local @!p0 [hbm:s6], $0xF7A  }
0x23: {  	s9 =	sor.u32 $0xD0000000, s2;
	s6 =	simm.s32 $0x108;
	_ =	swait.ge @!p0 [sflag:s8], $0x0  }
0x24: {  	s3 =	sadd.s32 $0x88, s3;
	s6 =	simm.s32 @!p1 $0x1082;
	[sflag:s4] =	ssyncset.s32 $0xFFFFF086  }
0x25: {  	[simem:s6], [sflag:s4] =	dma.local [hbm:s3], $0xF7A  }
0x26: {  	[smem:$0x3F95] =	sst s1;
	(tag) =	ssettag s2;
	_ =	strace s9  }
0x27: {  	s1 =	sld [smem:$0x3FA5]  }
0x28: {  	s2 =	sld [smem:$0x3FA6]  }
0x29: {  	s4 =	sld [smem:$0x3FA8]  }
0x2a: {  	p0 =	seq.s32 s5, $0x0;
	s5 =	sld [smem:$0x3FA9]  }
0x2b: {  	s6 =	sld [smem:$0x3FAA]  }
0x2c: {  	s7 =	sld [smem:$0x3FAB]  }
0x2d: {  	s3 =	simm.s32 $0x108;
	s8 =	sld [smem:$0x3FAC]  }
0x2e: {  	s3 =	simm.s32 @!p0 $0x1082;
	s9 =	sld [smem:$0x3FAD]  }
0x2f: {  	lr =	sadd.s32 s0, s3;
	s0 =	sld [smem:$0x3FA4]  }
0x30: {  	s3 =	sld [smem:$0x3FA7]  }
0x31: {  	[smem:$0x3FB0] =	sst s10  }
0x32: {  	s10 =	sld [smem:$0x3FAE];
	_ =	sdelay $0x3  }
0x33: {  	p0 =	seq.s32 s10, $0x1;
	s10 =	sld [smem:$0x3FB0];
	_ =	sdelay $0x3  }
0x34: {  	[smem:$0x3FB0] =	sst s10  }
0x35: {  	s10 =	sld [smem:$0x3FAF];
	_ =	sdelay $0x3  }
0x36: {  	p1 =	seq.s32 s10, $0x1;
	s10 =	sld [smem:$0x3FB0];
	_ =	sdelay $0x3  }
0x37: {  	[smem:$0x3FB0] =	sst s10  }
0x38: {  	s10 =	sld [smem:$0x3FB1]  }
0x39: {  	_ = 	snop;
	(pc) =	sbr.ind lr, $3  }
0x3a: {  	_ = 	snop  }
0x3b: {  	_ = 	snop  }
0x3c: {  	p2 =	seq.s32 s10, $0x1;
	s10 =	sld [smem:$0x3FB0]  }
0x3d: {  	_ =	shalt  }
0x3e: {  	_ =	shalt  }
0x3f: {  	_ =	shalt  }
0x40: {  	_ =	shalt  }
0x41: {  	_ =	shalt  }
0x42: {  	_ =	shalt  }
0x43: {  	_ =	shalt  }
0x44: {  	_ =	shalt  }
0x45: {  	_ =	shalt  }
0x46: {  	_ =	shalt  }
0x47: {  	_ =	shalt  }
0x48: {  	_ =	shalt  }
0x49: {  	_ =	shalt  }
0x4a: {  	_ =	shalt  }
0x4b: {  	_ =	shalt  }
0x4c: {  	_ =	shalt  }
0x4d: {  	_ =	shalt  }
0x4e: {  	_ =	shalt  }
0x4f: {  	_ =	shalt  }
0x50: {  	_ =	shalt  }
0x51: {  	_ =	shalt  }
0x52: {  	_ =	shalt  }
0x53: {  	_ =	shalt  }
0x54: {  	_ =	shalt  }
0x55: {  	_ =	shalt  }
0x56: {  	_ =	shalt  }
0x57: {  	_ =	shalt  }
0x58: {  	_ =	shalt  }
0x59: {  	_ =	shalt  }
0x5a: {  	_ =	shalt  }
0x5b: {  	_ =	shalt  }
0x5c: {  	_ =	shalt  }
0x5d: {  	_ =	shalt  }
0x5e: {  	_ =	shalt  }
0x5f: {  	_ =	shalt  }
0x60: {  	_ =	shalt  }
0x61: {  	_ =	shalt  }
0x62: {  	_ =	shalt  }
0x63: {  	_ =	shalt  }
0x64: {  	_ =	shalt  }
0x65: {  	_ =	shalt  }
0x66: {  	_ =	shalt  }
0x67: {  	_ =	shalt  }
0x68: {  	_ =	shalt  }
0x69: {  	_ =	shalt  }
0x6a: {  	_ =	shalt  }
0x6b: {  	_ =	shalt  }
0x6c: {  	_ =	shalt  }
0x6d: {  	_ =	shalt  }
0x6e: {  	_ =	shalt  }
0x6f: {  	_ =	shalt  }
0x70: {  	_ =	shalt  }
0x71: {  	_ =	shalt  }
0x72: {  	_ =	shalt  }
0x73: {  	_ =	shalt  }
0x74: {  	_ =	shalt  }
0x75: {  	_ =	shalt  }
0x76: {  	_ =	shalt  }
0x77: {  	_ =	shalt  }
0x78: {  	_ =	shalt  }
0x79: {  	_ =	shalt  }
0x7a: {  	_ =	shalt  }
0x7b: {  	_ =	shalt  }
0x7c: {  	_ =	shalt  }
0x7d: {  	_ =	shalt  }
0x7e: {  	_ =	shalt  }
0x7f: {  	_ =	shalt  }
0x80: {  	_ =	shalt  }
0x81: {  	_ =	shalt  }
0x82: {  	_ =	shalt  }
0x83: {  	_ =	shalt  }
0x84: {  	_ =	shalt  }
0x85: {  	_ =	shalt  }
0x86: {  	_ =	shalt  }
0x87: {  	_ =	shalt  }
.Lfunc_end0:
.L_simem_size_0:
called_computation.2_lowered:
.L_overlay_start_0:
0x88: {  	s2 =	sld [smem:$0x3FD9]  }
0x89: {  	s3 =	sld [smem:$0x3FFE];
	_ =	sdelay $0x1  }
0x8a: {  	s1 =	srdreg.scid  }
0x8b: {  	s0 =	sand.u32 $0x1, s1  }
0x8c: {  	s16 =	sshll.u32 s0, $0xA;
	s2 =	sadd.s32 s3, s2  }
0x8d: {  	s2 =	sadd.s32 s2, s16  }
0x8e: {  	[smem:$0x3FBC] =	sst s2  }
0x8f: {  	_ = 	snop  }
0x90: {  	(tm) =	ssettm $0x1  }
0x91: {  	s17 =	sld [smem:$0x3FFB];
	_ =	sdelay $0x3  }
0x92: {  	_ =	strace s17  }
0x93: {  	s2 =	sld [smem:$0x3FFC];
	_ =	sdelay $0x3  }
0x94: {  	_ =	strace s2  }
0x95: {  	s2 =	sld [smem:$0x3FFD];
	_ =	sdelay $0x3  }
0x96: {  	_ =	strace s2  }
0x97: {  	_ =	strace $0x8FFFFFFF  }
0x98: {  	s18 =	sld [smem:$0x3FDB];
	_ =	sdelay $0x1  }
0x99: {  	s19 =	simm.s32 $_scs_section_size  }
0x9a: {  	s4 =	simm.s32 $_size__tile_overlayer_lowered;
	s5 =	simm.s32 $_tile_overlayer_lowered  }
0x9b: {  	s22 =	simm.s32 $0x1BFF;
	s21 =	sshll.u32 s5, $0x1;
	s2 =	sadd.s32 s19, s18  }
0x9c: {  	s6 =	simm.s32 $0x0;
	s20 =	sshll.u32 s4, $0x1;
	s4 =	sadd.s32 s21, s2  }
0x9d: {  	[timem:s6], [sflag:s22] =	dma.local [hbm:s4], s20  }
0x9e: {  	_ =	swait.ge [sflag:s22], s20  }
0x9f: {  	s3 =	ssub.s32 $0x0, s20;
	[sflag:s22] =	ssyncset.done $0x0  }
0xa0: {  	[sflag:s22] =	ssyncadd.s32 s3;
	_ =	sdelay $0x1  }
0xa1: {  	s23 =	simm.s32 $0x1B8B  }
0xa2: {  	_ =	swait.ge [sflag:s23], $0x1  }
0xa3: {  	[sflag:s23] =	ssyncset.done $0x0  }
0xa4: {  	s25 =	simm.s32 $0x1B8E;
	s24 =	sld [smem:$0x3FFE];
	[sflag:s23] =	ssyncadd.s32 $0xFFFFFFFF  }
0xa5: {  	s26 =	simm.s32 $execute0_lowered;
	[smem:$0x3FD2] =	sst s25  }
0xa6: {  	s4 =	sshll.u32 s26, $0x1;
	_ =	strace $0x8000004C;
	[dreg:$0x1] =	wrdreg $0xFFFFFFFF  }
0xa7: {  	s28 =	simm.s32 $_size_execute0_lowered;
	s2 =	sadd.s32 s2, s4;
	[dreg:$0x0] =	wrdreg $0x0  }
0xa8: {  	s4 =	sshll.u32 s28, $0x1;
	[dreg:$0x2] =	wrdreg s2  }
0xa9: {  	[dreg:$0x3] =	wrdreg s4  }
0xaa: {  	[dreg:$0x4] =	wrdreg $0xC0  }
0xab: {  	_ =	task [dreg:s6], $0x5FFFF  }
0xac: {  	[dreg:$0x1] =	wrdreg $0xFFFFFFFF  }
0xad: {  	[dreg:$0x0] =	wrdreg $0x60  }
0xae: {  	[dreg:$0x2] =	wrdreg s24  }
0xaf: {  	[dreg:$0x3] =	wrdreg $0xC3000  }
0xb0: {  	[dreg:$0x4] =	wrdreg $0x9  }
0xb1: {  	_ =	task.clear_ibuf [dreg:s6], $0x5FFFF;
	_ =	strace $0x9000004C  }
0xb2: {  	s29 =	simm.s32 $0x9;
	_ =	strace $0x8000004E  }
0xb3: {  	_ =	swait.ge [sflag:s29], $0x1  }
0xb4: {  	[sflag:s29] =	ssyncadd.s32 $0xFFFFFFFF  }
0xb5: {  	_ =	strace $0x9000004E  }
0xb6: {  	_ =	sfence  }
0xb7: {  	s30 =	sld [smem:$0x0];
	_ =	sdelay $0x2  }
0xb8: {  	s31 =	sshll.u32 s1, $0xD;
	s1 =	sshrl.u32 s1, $0x2  }
0xb9: {  	s3 =	sand.u32 $0x4000, s31;
	s1 =	sadd.s32 s1, s30  }
0xba: {  	s0 =	sor.u32 s3, s0;
	s1 =	sshll.u32 s1, $0x11  }
0xbb: {  	s0 =	sor.u32 s1, s0  }
0xbc: {  	s0 =	sadd.s32 $0x8F2B, s0  }
0xbd: {  	[sflag:s0] =	ssyncadd.remote.s32 $0x1  }
0xbe: {  	_ =	sfence.sel $0xFFFF  }
0xbf: {  	[dreg:$0x0] =	wrdreg $0xFFFFFFFF;
	(pc) =	sbr.abs _section_cstart, $3  }
0xc0: {  	[dreg:$0x1] =	wrdreg $0xFFFFFFFF  }
0xc1: {  	_ =	task.clear_ibuf [dreg:s6], $0x2FFFF;
	_ =	strace $0x9FFFFFFF  }
0xc2: {  	(tm) =	ssettm $0x7FFFFFFF  }
0xc3: {  	_ =	shalt  }
tec
execute0_lowered:
.L_overlay_start_1:
0x0: {  	(tag) =	ssettag $0x1  }
0x1: {  	s0 =	rddreg [dreg:$0x0]  }
0x2: {  	s1 =	rddreg [dreg:$0x1]  }
0x3: {  	s2 =	srdreg.scid;
	s3 =	simm.s32 $0x0;
	s12 =	stileid.u32  }
0x4: {  	s28 =	simm.s32 $0x4;
	s29 =	simm.s32 $0x3;
	s30 =	simm.s32 $0x8300  }
0x5: {  	s31 =	simm.s32 $0x280;
	s2 =	sand.u32 $0x1, s2;
	s6 =	smul.u32 $0x13C00, s12  }
0x6: {  	[smem:$0x7FF] =	sst s3;
	s4 =	sadd.s32 $0x43600, s0;
	s10 =	smul.u32 $0x4F000, s12  }
0x7: {  	s7 =	sadd.s32 $0x5A00, s0;
	s8 =	sadd.s32 $0xFA00, s0;
	s23 =	smul.u32 $0x500, s12  }
0x8: {  	s15 =	sadd.s32 $0x19C00, s0;
	s19 =	sshll.u32 s12, $0x6;
	s5 =	smul.u32 $0x13C000, s2  }
0x9: {  	_ =	strace $0x8000004D;
	[dreg:$0x3] =	wrdreg s15;
	s16 =	sshll.u32 s2, $0x4  }
0xa: {  	s9 =	ssub.s32 $0x2, s2;
	s13 =	sor.u32 $0x1C0D, s19;
	s2 =	smul.u32 $0x5000, s2  }
0xb: {  	s19 =	simm.s32 $0x100;
	s17 =	sshrl.u32 s9, $0x1;
	s18 =	sshrl.u32 s10, $0x2  }
0xc: {  	s5 =	sadd.s32 s6, s5;
	s6 =	sor.u32 s12, s16;
	s10 =	sadd.s32 s18, s1  }
0xd: {  	s25 =	sadd.s32 s2, s7;
	s26 =	sadd.s32 s2, s8;
	s18 =	simm.s32 $0x80  }
0xe: {  	s2 =	simm.s32 $0x5;
	s5 =	sshrl.u32 s5, $0x3;
	s11 =	smul.u32 $0x500, s6  }
0xf: {  	s15 =	sadd.s32 s23, s26;
	s26 =	simm.s32 $0x7;
	s0 =	sadd.s32 s5, s0  }
0x10: {  	s5 =	ssub.s32 s9, s17;
	s17 =	simm.s32 $0xD;
	s9 =	simm.s32 $0x6  }
0x11: {  	s20 =	sor.u32 $0x10, s11;
	s21 =	sadd.s32 s7, s11;
	s22 =	sadd.s32 s8, s11  }
0x12: {  	s0 =	sadd.s32 $0x6A800, s0;
	s5 =	smax.u32 s5, $0x1;
	[dreg:$0x4] =	wrdreg s21  }
0x13: {  	s11 =	simm.s32 $0x0;
	s14 =	sadd.s32 s7, s20;
	[dreg:$0x7] =	wrdreg s22  }
0x14: {  	s6 =	sadd.s32 $0x20, s21;
	s24 =	sadd.s32 s8, s20;
	[dreg:$0x9] =	wrdreg s0  }
0x15: {  	[dreg:$0xa] =	wrdreg s5;
	s7 =	sshrl.u32 s10, $0x3;
	s20 =	simm.s32 $0x180  }
.Ltmp0:
0x16: {  	s21 =	simm.s32 $0x1;
	s22 =	simm.s32 $0x300;
	(pc) =	sbr.rel .LBB2_1-.Ltmp0, $4  }
0x17: {  	s0 =	simm.s32 $0x8;
	s5 =	simm.s32 $0xA;
	[dreg:$0x5] =	wrdreg s14  }
0x18: {  	s8 =	simm.s32 $0x9;
	s10 =	simm.s32 $0xB;
	[dreg:$0x6] =	wrdreg s6  }
0x19: {  	[dreg:$0x8] =	wrdreg s24;
	s14 =	sadd.s32 s23, s25;
	s23 =	simm.s32 $0x200  }
0x1a: {  	s24 =	simm.s32 $0x2;
	s25 =	simm.s32 $0x4300;
	[dreg:$0xb] =	wrdreg s7  }
.LBB2_4:
0x1b: {  	_ =	swait.ge [sflag:s26], $0x4000  }
0x1c: {  	[sflag:s26] =	ssyncset.done $0x0  }
0x1d: {  	[sflag:s26] =	ssyncadd.s32 $0xFFFFC000  }
0x1e: {  	_ =	swait.ge [sflag:s28], $0x80  }
0x1f: {  	[sflag:s28] =	ssyncset.done $0x0  }
0x20: {  	s6 =	simm.s32 $0xC;
	[sflag:s28] =	ssyncadd.s32 $0xFFFFFF80  }
0x21: {  	[spmem:s1] =	stream.indirect.scatter.add.f32 [tilespmem:s22], [sflag:$0xA], $0x80, s20, s18, $0xb8;
	[tilespmem:$0x1FF00] =	vst v63  }
0x22: {  	_ =	swait.ge [sflag:s6], $0x4000  }
0x23: {  	[sflag:s6] =	ssyncset.done $0x0  }
0x24: {  	[sflag:s6] =	ssyncadd.s32 $0xFFFFC000  }
0x25: {  	_ =	swait.ge [sflag:s0], $0x4000  }
0x26: {  	[sflag:s0] =	ssyncset.done $0x0  }
0x27: {  	[sflag:s0] =	ssyncadd.s32 $0xFFFFC000  }
0x28: {  	_ =	swait.ge [sflag:s2], $0x80  }
0x29: {  	[sflag:s2] =	ssyncset.done $0x0  }
0x2a: {  	[sflag:s2] =	ssyncadd.s32 $0xFFFFFF80  }
0x2b: {  	[spmem:s1] =	stream.indirect.scatter.add.f32 [tilespmem:s25], [sflag:$0xB], $0x80, s23, s18, $0xb8;
	[tilespmem:$0x1FF00] =	vst v63  }
0x2c: {  	_ =	swait.ge [sflag:s5], $0x4000  }
0x2d: {  	[sflag:s5] =	ssyncset.done $0x0  }
0x2e: {  	[sflag:s5] =	ssyncadd.s32 $0xFFFFC000  }
0x2f: {  	_ =	swait.ge [sflag:s10], $0x4000  }
0x30: {  	[sflag:s10] =	ssyncset.done $0x0  }
0x31: {  	[sflag:s10] =	ssyncadd.s32 $0xFFFFC000  }
0x32: {  	[bflag:$0x0] =	sbarrier.arrive $0xFFFF  }
0x33: {  	s12 =	rddreg [dreg:$0x9]  }
0x34: {  	s7 =	rddreg [dreg:$0xb]  }
0x35: {  	[hbm:s12], [sflag:s16] =	dma.local [spmem:s7], $0x2780  }
0x36: {  	_ =	swait.ge [sflag:s17], $0x2780  }
0x37: {  	s13 =	smov.u32 s16;
	s11 =	sadd.s32 $0x1, s11;
	s16 =	rddreg [dreg:$0xa]  }
0x38: {  	p0 =	sne.s32 s11, s16  }
.Ltmp1:
0x39: {  	_ = 	snop;
	(pc) =	sbr.rel @!p0 .LBB2_5-.Ltmp1, $3  }
0x3a: {  	_ =	sdelay $0x1  }
0x3b: {  	[sflag:s17] =	ssyncset.done $0x0  }
0x3c: {  	[sflag:s17] =	ssyncadd.s32 $0xFFFFD880  }
.LBB2_1:
0x3d: {  	s6 =	rddreg [dreg:$0x3]  }
0x3e: {  	[spmem:s7], [sflag:s13] =	dma.local [hbm:s6], $0x2780  }
0x3f: {  	_ =	swait.ge [sflag:s17], $0x2780  }
0x40: {  	[sflag:s17] =	ssyncset.done $0x0  }
0x41: {  	[sflag:s17] =	ssyncadd.s32 $0xFFFFD880  }
0x42: {  	[bflag:$0x0] =	sbarrier.arrive $0xFFFF  }
0x43: {  	s12 =	rddreg [dreg:$0x4]  }
0x44: {  	[tilespmem:s3], [sflag:$0x1] =	stream.linear.gather [hbm4b:s12+s3], $0x80, $0x38;
	[tilespmem:$0x1FF00] =	vst v63  }
0x45: {  	s16 =	smov.u32 s13;
	s13 =	rddreg [dreg:$0x5]  }
0x46: {  	[tilespmem:s18], [sflag:$0x2] =	stream.linear.gather [hbm4b:s13+s3], $0x80, $0x38;
	[tilespmem:$0x1FF00] =	vst v63  }
0x47: {  	s7 =	rddreg [dreg:$0x6]  }
0x48: {  	[tilespmem:s19], [sflag:$0x3] =	stream.linear.gather [hbm4b:s7+s3], $0x80, $0x38;
	[tilespmem:$0x1FF00] =	vst v63  }
0x49: {  	s12 =	rddreg [dreg:$0x7]  }
0x4a: {  	[tilespmem:s20], [sflag:$0x4] =	stream.linear.gather [hbm4b:s12+s3], $0x80, $0x38;
	[tilespmem:$0x1FF00] =	vst v63  }
0x4b: {  	_ =	swait.ge [sflag:s21], $0x80  }
0x4c: {  	[sflag:s21] =	ssyncset.done $0x0  }
0x4d: {  	[sflag:s21] =	ssyncadd.s32 $0xFFFFFF80  }
0x4e: {  	[tilespmem:s22], [sflag:$0x7] =	stream.indirect.gather [hbm4b:s4+s18], $0x80, s3, s18, $0xb8;
	[tilespmem:$0x1FF00] =	vst v63  }
0x4f: {  	s13 =	rddreg [dreg:$0x8]  }
0x50: {  	[tilespmem:s23], [sflag:$0x5] =	stream.linear.gather [hbm4b:s13+s3], $0x80, $0x38;
	[tilespmem:$0x1FF00] =	vst v63  }
0x51: {  	_ =	swait.ge [sflag:s24], $0x80  }
0x52: {  	[sflag:s24] =	ssyncset.done $0x0  }
0x53: {  	s12 =	simm.s32 $0x0;
	[sflag:s24] =	ssyncadd.s32 $0xFFFFFF80  }
0x54: {  	[tilespmem:s25], [sflag:$0x8] =	stream.indirect.gather [hbm4b:s4+s18], $0x80, s18, s18, $0xb8;
	[tilespmem:$0x1FF00] =	vst v63  }
.LBB2_2:
0x55: {  	_ =	swait.ge [sflag:s26], $0x4000  }
0x56: {  	[sflag:s26] =	ssyncset.done $0x0  }
0x57: {  	[sflag:s26] =	ssyncadd.s32 $0xFFFFC000  }
0x58: {  	_ =	swait.ge [sflag:s28], $0x80  }
0x59: {  	p0 =	seq.s32 s12, $0x0;
	[sflag:s28] =	ssyncset.done $0x0  }
0x5a: {  	s13 =	simm.s32 @!p0 $0xC;
	[sflag:s28] =	ssyncadd.s32 $0xFFFFFF80  }
0x5b: {  	[spmem:s1] =	stream.indirect.scatter.add.f32 [tilespmem:s22], [sflag:$0xA], $0x80, s20, s18, $0xb8;
	[tilespmem:$0x1FF00] =	vst v63  }
0x5c: {  	_ =	swait.ge @!p0 [sflag:s13], $0x4000  }
0x5d: {  	[sflag:s13] =	ssyncset.done @!p0 $0x0  }
0x5e: {  	[sflag:s13] =	ssyncadd.s32 @!p0 $0xFFFFC000  }
0x5f: {  	_ =	swait.ge [sflag:s29], $0x80  }
0x60: {  	[sflag:s29] =	ssyncset.done $0x0  }
0x61: {  	s7 =	sadd.s32 s12, s15;
	[sflag:s29] =	ssyncadd.s32 $0xFFFFFF80  }
0x62: {  	[tilespmem:s30], [sflag:$0x9] =	stream.indirect.gather [hbm4b:s4+s18], $0x80, s19, s18, $0xb8;
	[tilespmem:$0x1FF00] =	vst v63  }
0x63: {  	s6 =	sadd.s32 $0x20, s7;
	s13 =	sadd.s32 s12, s14  }
0x64: {  	[tilespmem:s31], [sflag:$0x6] =	stream.linear.gather [hbm4b:s6+s3], $0x80, $0x38;
	[tilespmem:$0x1FF00] =	vst v63  }
0x65: {  	s6 =	sadd.s32 $0x30, s13  }
0x66: {  	[tilespmem:s3], [sflag:$0x1] =	stream.linear.gather [hbm4b:s6+s3], $0x80, $0x38;
	[tilespmem:$0x1FF00] =	vst v63  }
0x67: {  	_ =	swait.ge [sflag:s0], $0x4000  }
0x68: {  	[sflag:s0] =	ssyncset.done $0x0  }
0x69: {  	[sflag:s0] =	ssyncadd.s32 $0xFFFFC000  }
0x6a: {  	_ =	swait.ge [sflag:s2], $0x80  }
0x6b: {  	[sflag:s2] =	ssyncset.done $0x0  }
0x6c: {  	[sflag:s2] =	ssyncadd.s32 $0xFFFFFF80  }
0x6d: {  	[spmem:s1] =	stream.indirect.scatter.add.f32 [tilespmem:s25], [sflag:$0xB], $0x80, s23, s18, $0xb8;
	[tilespmem:$0x1FF00] =	vst v63  }
0x6e: {  	_ =	swait.ge [sflag:s5], $0x4000  }
0x6f: {  	[sflag:s5] =	ssyncset.done $0x0  }
0x70: {  	[sflag:s5] =	ssyncadd.s32 $0xFFFFC000  }
0x71: {  	_ =	swait.ge [sflag:s21], $0x80  }
0x72: {  	[sflag:s21] =	ssyncset.done $0x0  }
0x73: {  	[sflag:s21] =	ssyncadd.s32 $0xFFFFFF80  }
0x74: {  	[tilespmem:s22], [sflag:$0x7] =	stream.indirect.gather [hbm4b:s4+s18], $0x80, s3, s18, $0xb8;
	[tilespmem:$0x1FF00] =	vst v63  }
0x75: {  	s6 =	sadd.s32 $0x30, s7  }
0x76: {  	[tilespmem:s20], [sflag:$0x4] =	stream.linear.gather [hbm4b:s6+s3], $0x80, $0x38;
	[tilespmem:$0x1FF00] =	vst v63  }
0x77: {  	s6 =	sadd.s32 $0x40, s13  }
0x78: {  	[tilespmem:s18], [sflag:$0x2] =	stream.linear.gather [hbm4b:s6+s3], $0x80, $0x38;
	[tilespmem:$0x1FF00] =	vst v63  }
0x79: {  	_ =	swait.ge [sflag:s8], $0x4000  }
0x7a: {  	[sflag:s8] =	ssyncset.done $0x0  }
0x7b: {  	[sflag:s8] =	ssyncadd.s32 $0xFFFFC000  }
0x7c: {  	_ =	swait.ge [sflag:s9], $0x80  }
0x7d: {  	[sflag:s9] =	ssyncset.done $0x0  }
0x7e: {  	[sflag:s9] =	ssyncadd.s32 $0xFFFFFF80  }
0x7f: {  	[spmem:s1] =	stream.indirect.scatter.add.f32 [tilespmem:s30], [sflag:$0xC], $0x80, s31, s18, $0xb8;
	[tilespmem:$0x1FF00] =	vst v63  }
0x80: {  	_ =	swait.ge [sflag:s10], $0x4000  }
0x81: {  	[sflag:s10] =	ssyncset.done $0x0  }
0x82: {  	[sflag:s10] =	ssyncadd.s32 $0xFFFFC000  }
0x83: {  	p0 =	seq.s32 s12, $0x4B0;
	_ =	swait.ge [sflag:s24], $0x80  }
.Ltmp2:
0x84: {  	[sflag:s24] =	ssyncset.done $0x0;
	(pc) =	sbr.rel @p0 .LBB2_4-.Ltmp2, $4  }
0x85: {  	[sflag:s24] =	ssyncadd.s32 $0xFFFFFF80  }
0x86: {  	[tilespmem:s25], [sflag:$0x8] =	stream.indirect.gather [hbm4b:s4+s18], $0x80, s18, s18, $0xb8;
	[tilespmem:$0x1FF00] =	vst v63  }
0x87: {  	s7 =	sadd.s32 $0x40, s7  }
0x88: {  	[tilespmem:s23], [sflag:$0x5] =	stream.linear.gather [hbm4b:s7+s3], $0x80, $0x38;
	[tilespmem:$0x1FF00] =	vst v63  }
.Ltmp3:
0x89: {  	(pc) =	sbr.rel .LBB2_2-.Ltmp3, $3  }
0x8a: {  	_ =	sdelay $0x1  }
0x8b: {  	s6 =	sadd.s32 $0x50, s13;
	s12 =	sadd.s32 $0x30, s12  }
0x8c: {  	[tilespmem:s19], [sflag:$0x3] =	stream.linear.gather [hbm4b:s6+s3], $0x80, $0x38;
	[tilespmem:$0x1FF00] =	vst v63  }
.LBB2_5:
0x8d: {  	_ =	sfence.sel $0x180000  }
0x8e: {  	[bflag:$0x0] =	sbarrier.arrive $0xFFFF  }
0x8f: {  	_ =	strace $0x9000004D  }
0x90: {  	s0 =	stileid.u32;
	[bflag:$0x2] =	sbarrier.arrive $0xFFFF  }
0x91: {  	p0 =	sne.s32 s0, $0x0;
	s0 =	rddreg [dreg:$0x2]  }
0x92: {  	s0 =	sadd.s32 @!p0 $0x100000, s0  }
0x93: {  	[sflag:s0] =	ssyncadd.tile.s32 @!p0 $0x1;
	_ =	shalt  }
.Lfunc_end2:
_tile_overlayer_lowered:
.L_overlay_start_2:
0x94: {  	(tag) =	ssettag $0x2  }
0x95: {  	s0 =	rddreg [dreg:$0x0];
	s2 =	stileid.u32  }
0x96: {  	s1 =	rddreg [dreg:$0x1];
	p0 =	sne.s32 s2, $0x0  }
0x97: {  	s3 =	rddreg [dreg:$0x2];
	[bflag:$0x3] =	sbarrier.arrive $0xFFFF;
	s2 =	simm.s32 @!p0 $0x1C0D  }
0x98: {  	[timem:s3], [sflag:s2] =	dma.local @!p0 [hbm:s0], s1  }
0x99: {  	s0 =	simm.s32 @!p0 $0xD  }
0x9a: {  	_ =	swait.ge @!p0 [sflag:s0], s1  }
0x9b: {  	s1 =	ssub.s32 @!p0 $0x0, s1;
	[sflag:s0] =	ssyncset.done @!p0 $0x0  }
0x9c: {  	[sflag:s0] =	ssyncadd.s32 @!p0 s1  }
0x9d: {  	[bflag:$0x3] =	sbarrier.arrive $0xFFFF  }
0x9e: {  	_ =	shalt  }

// kernel: kernel.27.cloned.1.call-start
scs
__scs_entry_jumppad:
0x0: {  	(pc) =	sbr.rel $0x88, $3  }
0x1: {  	(tag) =	ssettag $0x0;
	lr =	simm.s32 $0x1  }
0x2: {  	[smem:$0x3F95] =	sst lr;
	_ =	strace $0xD0000000  }
0x3: {  	_ = 	snop  }
0x4: {  	_ = 	snop  }
0x5: {  	_ = 	snop  }
0x6: {  	_ = 	snop  }
0x7: {  	_ = 	snop  }
__scs_overlays_trampoline_lowered:
0x8: {  	[smem:$0x3FA4] =	sst s0  }
0x9: {  	[smem:$0x3FA5] =	sst s1  }
0xa: {  	[smem:$0x3FA6] =	sst s2  }
0xb: {  	[smem:$0x3FA7] =	sst s3  }
0xc: {  	[smem:$0x3FA8] =	sst s4  }
0xd: {  	[smem:$0x3FA9] =	sst s5  }
0xe: {  	[smem:$0x3FAA] =	sst s6  }
0xf: {  	[smem:$0x3FAB] =	sst s7  }
0x10: {  	[smem:$0x3FAC] =	sst s8  }
0x11: {  	[smem:$0x3FAD] =	sst s9;
	s0 =	simm.s32 @!p0 $0x0  }
0x12: {  	s1 =	sld [smem:$0x3F93];
	s0 =	simm.s32 @p0 $0x1  }
0x13: {  	[smem:$0x3FAE] =	sst s0;
	s0 =	simm.s32 @!p1 $0x0  }
0x14: {  	s2 =	sld [smem:$0x3F92];
	s0 =	simm.s32 @p1 $0x1  }
0x15: {  	[smem:$0x3FAF] =	sst s0;
	s0 =	simm.s32 @!p2 $0x0  }
0x16: {  	s3 =	sld [smem:$0x3FDB];
	s0 =	simm.s32 @p2 $0x1  }
0x17: {  	s4 =	simm.s32 $0x1BF5;
	[smem:$0x3FB1] =	sst s0  }
0x18: {  	s0 =	sld [smem:$0x3F94];
	_ =	swait.ge [sflag:s4], $0x0  }
0x19: {  	s7 =	sld [smem:$0x3F95]  }
0x1a: {  	s8 =	sadd.s32 $0xFFFFE003, lr  }
0x1b: {  	s9 =	sadd.s32 $0xFFFFFEF7, lr;
	s5 =	simm.s32 $0xFFFFFFFF;
	p2 =	slt.u32 s8, $0xFFFFF086  }
0x1c: {  	p1 =	slt.u32 s9, $0xF7A;
	s5 =	simm.s32 @!p2 $0x0  }
0x1d: {  	s5 =	simm.s32 @p1 $0x1;
	p0 =	seq.s32 s7, s2  }
0x1e: {  	s7 =	smul.u32 @!p0 $0xF7A, s2;
	p2 =	seq.s32 @!p0 s5, $0x0  }
0x1f: {  	s9 =	smul.u32 $0xF7A, s1;
	s8 =	simm.s32 @!p0 $0x1BF5;
	p2 =	por !p2, p0  }
0x20: {  	[sflag:s8] =	ssyncset.s32 @!p0 $0xFFFFF086;
	s6 =	sadd.s32 @!p0 s3, s7;
	s7 =	simm.s32 @!p0 $0x108  }
0x21: {  	s3 =	sadd.s32 s3, s9;
	s6 =	sadd.s32 @!p0 $0x88, s6;
	s7 =	simm.s32 @p2 $0x1082  }
0x22: {  	[simem:s7], [sflag:s8] =	dma.local @!p0 [hbm:s6], $0xF7A  }
0x23: {  	s9 =	sor.u32 $0xD0000000, s2;
	s6 =	simm.s32 $0x108;
	_ =	swait.ge @!p0 [sflag:s8], $0x0  }
0x24: {  	s3 =	sadd.s32 $0x88, s3;
	s6 =	simm.s32 @!p1 $0x1082;
	[sflag:s4] =	ssyncset.s32 $0xFFFFF086  }
0x25: {  	[simem:s6], [sflag:s4] =	dma.local [hbm:s3], $0xF7A  }
0x26: {  	[smem:$0x3F95] =	sst s1;
	(tag) =	ssettag s2;
	_ =	strace s9  }
0x27: {  	s1 =	sld [smem:$0x3FA5]  }
0x28: {  	s2 =	sld [smem:$0x3FA6]  }
0x29: {  	s4 =	sld [smem:$0x3FA8]  }
0x2a: {  	p0 =	seq.s32 s5, $0x0;
	s5 =	sld [smem:$0x3FA9]  }
0x2b: {  	s6 =	sld [smem:$0x3FAA]  }
0x2c: {  	s7 =	sld [smem:$0x3FAB]  }
0x2d: {  	s3 =	simm.s32 $0x108;
	s8 =	sld [smem:$0x3FAC]  }
0x2e: {  	s3 =	simm.s32 @!p0 $0x1082;
	s9 =	sld [smem:$0x3FAD]  }
0x2f: {  	lr =	sadd.s32 s0, s3;
	s0 =	sld [smem:$0x3FA4]  }
0x30: {  	s3 =	sld [smem:$0x3FA7]  }
0x31: {  	[smem:$0x3FB0] =	sst s10  }
0x32: {  	s10 =	sld [smem:$0x3FAE];
	_ =	sdelay $0x3  }
0x33: {  	p0 =	seq.s32 s10, $0x1;
	s10 =	sld [smem:$0x3FB0];
	_ =	sdelay $0x3  }
0x34: {  	[smem:$0x3FB0] =	sst s10  }
0x35: {  	s10 =	sld [smem:$0x3FAF];
	_ =	sdelay $0x3  }
0x36: {  	p1 =	seq.s32 s10, $0x1;
	s10 =	sld [smem:$0x3FB0];
	_ =	sdelay $0x3  }
0x37: {  	[smem:$0x3FB0] =	sst s10  }
0x38: {  	s10 =	sld [smem:$0x3FB1]  }
0x39: {  	_ = 	snop;
	(pc) =	sbr.ind lr, $3  }
0x3a: {  	_ = 	snop  }
0x3b: {  	_ = 	snop  }
0x3c: {  	p2 =	seq.s32 s10, $0x1;
	s10 =	sld [smem:$0x3FB0]  }
0x3d: {  	_ =	shalt  }
0x3e: {  	_ =	shalt  }
0x3f: {  	_ =	shalt  }
0x40: {  	_ =	shalt  }
0x41: {  	_ =	shalt  }
0x42: {  	_ =	shalt  }
0x43: {  	_ =	shalt  }
0x44: {  	_ =	shalt  }
0x45: {  	_ =	shalt  }
0x46: {  	_ =	shalt  }
0x47: {  	_ =	shalt  }
0x48: {  	_ =	shalt  }
0x49: {  	_ =	shalt  }
0x4a: {  	_ =	shalt  }
0x4b: {  	_ =	shalt  }
0x4c: {  	_ =	shalt  }
0x4d: {  	_ =	shalt  }
0x4e: {  	_ =	shalt  }
0x4f: {  	_ =	shalt  }
0x50: {  	_ =	shalt  }
0x51: {  	_ =	shalt  }
0x52: {  	_ =	shalt  }
0x53: {  	_ =	shalt  }
0x54: {  	_ =	shalt  }
0x55: {  	_ =	shalt  }
0x56: {  	_ =	shalt  }
0x57: {  	_ =	shalt  }
0x58: {  	_ =	shalt  }
0x59: {  	_ =	shalt  }
0x5a: {  	_ =	shalt  }
0x5b: {  	_ =	shalt  }
0x5c: {  	_ =	shalt  }
0x5d: {  	_ =	shalt  }
0x5e: {  	_ =	shalt  }
0x5f: {  	_ =	shalt  }
0x60: {  	_ =	shalt  }
0x61: {  	_ =	shalt  }
0x62: {  	_ =	shalt  }
0x63: {  	_ =	shalt  }
0x64: {  	_ =	shalt  }
0x65: {  	_ =	shalt  }
0x66: {  	_ =	shalt  }
0x67: {  	_ =	shalt  }
0x68: {  	_ =	shalt  }
0x69: {  	_ =	shalt  }
0x6a: {  	_ =	shalt  }
0x6b: {  	_ =	shalt  }
0x6c: {  	_ =	shalt  }
0x6d: {  	_ =	shalt  }
0x6e: {  	_ =	shalt  }
0x6f: {  	_ =	shalt  }
0x70: {  	_ =	shalt  }
0x71: {  	_ =	shalt  }
0x72: {  	_ =	shalt  }
0x73: {  	_ =	shalt  }
0x74: {  	_ =	shalt  }
0x75: {  	_ =	shalt  }
0x76: {  	_ =	shalt  }
0x77: {  	_ =	shalt  }
0x78: {  	_ =	shalt  }
0x79: {  	_ =	shalt  }
0x7a: {  	_ =	shalt  }
0x7b: {  	_ =	shalt  }
0x7c: {  	_ =	shalt  }
0x7d: {  	_ =	shalt  }
0x7e: {  	_ =	shalt  }
0x7f: {  	_ =	shalt  }
0x80: {  	_ =	shalt  }
0x81: {  	_ =	shalt  }
0x82: {  	_ =	shalt  }
0x83: {  	_ =	shalt  }
0x84: {  	_ =	shalt  }
0x85: {  	_ =	shalt  }
0x86: {  	_ =	shalt  }
0x87: {  	_ =	shalt  }
.Lfunc_end0:
.L_simem_size_0:
called_computation.3_lowered:
.L_overlay_start_0:
0x88: {  	s2 =	sld [smem:$0x3FD9]  }
0x89: {  	s3 =	sld [smem:$0x3FFE];
	_ =	sdelay $0x1  }
0x8a: {  	s1 =	srdreg.scid  }
0x8b: {  	s0 =	sand.u32 $0x1, s1  }
0x8c: {  	s16 =	sshll.u32 s0, $0xA;
	s2 =	sadd.s32 s3, s2  }
0x8d: {  	s2 =	sadd.s32 s2, s16  }
0x8e: {  	[smem:$0x3FBC] =	sst s2  }
0x8f: {  	_ = 	snop  }
0x90: {  	(tm) =	ssettm $0x1  }
0x91: {  	s17 =	sld [smem:$0x3FFB];
	_ =	sdelay $0x3  }
0x92: {  	_ =	strace s17  }
0x93: {  	s2 =	sld [smem:$0x3FFC];
	_ =	sdelay $0x3  }
0x94: {  	_ =	strace s2  }
0x95: {  	s2 =	sld [smem:$0x3FFD];
	_ =	sdelay $0x3  }
0x96: {  	_ =	strace s2  }
0x97: {  	_ =	strace $0x8FFFFFFF  }
0x98: {  	s18 =	sld [smem:$0x3FDB];
	_ =	sdelay $0x1  }
0x99: {  	s19 =	simm.s32 $_scs_section_size  }
0x9a: {  	s4 =	simm.s32 $_size__tile_overlayer_lowered;
	s5 =	simm.s32 $_tile_overlayer_lowered  }
0x9b: {  	s22 =	simm.s32 $0x1BFF;
	s21 =	sshll.u32 s5, $0x1;
	s2 =	sadd.s32 s19, s18  }
0x9c: {  	s6 =	simm.s32 $0x0;
	s20 =	sshll.u32 s4, $0x1;
	s4 =	sadd.s32 s21, s2  }
0x9d: {  	[timem:s6], [sflag:s22] =	dma.local [hbm:s4], s20  }
0x9e: {  	_ =	swait.ge [sflag:s22], s20  }
0x9f: {  	s3 =	ssub.s32 $0x0, s20;
	[sflag:s22] =	ssyncset.done $0x0  }
0xa0: {  	[sflag:s22] =	ssyncadd.s32 s3;
	_ =	sdelay $0x1  }
0xa1: {  	s23 =	simm.s32 $0x1B8B  }
0xa2: {  	_ =	swait.ge [sflag:s23], $0x1  }
0xa3: {  	[sflag:s23] =	ssyncset.done $0x0  }
0xa4: {  	s25 =	simm.s32 $0x1B8E;
	s24 =	sld [smem:$0x3FFE];
	[sflag:s23] =	ssyncadd.s32 $0xFFFFFFFF  }
0xa5: {  	s26 =	simm.s32 $execute0_lowered;
	[smem:$0x3FD2] =	sst s25  }
0xa6: {  	s4 =	sshll.u32 s26, $0x1;
	_ =	strace $0x8000004F;
	[dreg:$0x1] =	wrdreg $0xFFFFFFFF  }
0xa7: {  	s28 =	simm.s32 $_size_execute0_lowered;
	s2 =	sadd.s32 s2, s4;
	[dreg:$0x0] =	wrdreg $0x0  }
0xa8: {  	s4 =	sshll.u32 s28, $0x1;
	[dreg:$0x2] =	wrdreg s2  }
0xa9: {  	[dreg:$0x3] =	wrdreg s4  }
0xaa: {  	[dreg:$0x4] =	wrdreg $0xC0  }
0xab: {  	_ =	task [dreg:s6], $0x5FFFF  }
0xac: {  	[dreg:$0x1] =	wrdreg $0xFFFFFFFF  }
0xad: {  	[dreg:$0x0] =	wrdreg $0x60  }
0xae: {  	[dreg:$0x2] =	wrdreg s24  }
0xaf: {  	[dreg:$0x3] =	wrdreg $0xC3000  }
0xb0: {  	[dreg:$0x4] =	wrdreg $0x9  }
0xb1: {  	_ =	task.clear_ibuf [dreg:s6], $0x5FFFF;
	_ =	strace $0x9000004F  }
0xb2: {  	s29 =	simm.s32 $0x9;
	_ =	strace $0x80000051  }
0xb3: {  	_ =	swait.ge [sflag:s29], $0x1  }
0xb4: {  	[sflag:s29] =	ssyncadd.s32 $0xFFFFFFFF  }
0xb5: {  	_ =	strace $0x90000051  }
0xb6: {  	_ =	sfence  }
0xb7: {  	s30 =	sld [smem:$0x0];
	_ =	sdelay $0x2  }
0xb8: {  	s31 =	sshll.u32 s1, $0xD;
	s1 =	sshrl.u32 s1, $0x2  }
0xb9: {  	s3 =	sand.u32 $0x4000, s31;
	s1 =	sadd.s32 s1, s30  }
0xba: {  	s0 =	sor.u32 s3, s0;
	s1 =	sshll.u32 s1, $0x11  }
0xbb: {  	s0 =	sor.u32 s1, s0  }
0xbc: {  	s0 =	sadd.s32 $0x8F2B, s0  }
0xbd: {  	[sflag:s0] =	ssyncadd.remote.s32 $0x1  }
0xbe: {  	_ =	sfence.sel $0xFFFF  }
0xbf: {  	[dreg:$0x0] =	wrdreg $0xFFFFFFFF;
	(pc) =	sbr.abs _section_cstart, $3  }
0xc0: {  	[dreg:$0x1] =	wrdreg $0xFFFFFFFF  }
0xc1: {  	_ =	task.clear_ibuf [dreg:s6], $0x2FFFF;
	_ =	strace $0x9FFFFFFF  }
0xc2: {  	(tm) =	ssettm $0x7FFFFFFF  }
0xc3: {  	_ =	shalt  }
tec
execute0_lowered:
.L_overlay_start_1:
0x0: {  	(tag) =	ssettag $0x1  }
0x1: {  	s0 =	rddreg [dreg:$0x0]  }
0x2: {  	s1 =	rddreg [dreg:$0x1]  }
0x3: {  	s2 =	srdreg.scid;
	s3 =	simm.s32 $0x0;
	s12 =	stileid.u32  }
0x4: {  	s28 =	simm.s32 $0x4;
	s29 =	simm.s32 $0x3;
	s30 =	simm.s32 $0x8300  }
0x5: {  	s31 =	simm.s32 $0x280;
	s2 =	sand.u32 $0x1, s2;
	s6 =	smul.u32 $0x13C00, s12  }
0x6: {  	[smem:$0x7FF] =	sst s3;
	s4 =	sadd.s32 $0x43600, s0;
	s10 =	smul.u32 $0x4F000, s12  }
0x7: {  	s7 =	sadd.s32 $0x5A00, s0;
	s8 =	sadd.s32 $0xFA00, s0;
	s23 =	smul.u32 $0x500, s12  }
0x8: {  	s15 =	sadd.s32 $0x19C00, s0;
	s19 =	sshll.u32 s12, $0x6;
	s5 =	smul.u32 $0x13C000, s2  }
0x9: {  	_ =	strace $0x80000050;
	[dreg:$0x3] =	wrdreg s15;
	s16 =	sshll.u32 s2, $0x4  }
0xa: {  	s9 =	ssub.s32 $0x2, s2;
	s13 =	sor.u32 $0x1C0D, s19;
	s2 =	smul.u32 $0x5000, s2  }
0xb: {  	s19 =	simm.s32 $0x100;
	s17 =	sshrl.u32 s9, $0x1;
	s18 =	sshrl.u32 s10, $0x2  }
0xc: {  	s5 =	sadd.s32 s6, s5;
	s6 =	sor.u32 s12, s16;
	s10 =	sadd.s32 s18, s1  }
0xd: {  	s25 =	sadd.s32 s2, s7;
	s26 =	sadd.s32 s2, s8;
	s18 =	simm.s32 $0x80  }
0xe: {  	s2 =	simm.s32 $0x5;
	s5 =	sshrl.u32 s5, $0x3;
	s11 =	smul.u32 $0x500, s6  }
0xf: {  	s15 =	sadd.s32 s23, s26;
	s26 =	simm.s32 $0x7;
	s0 =	sadd.s32 s5, s0  }
0x10: {  	s5 =	ssub.s32 s9, s17;
	s17 =	simm.s32 $0xD;
	s9 =	simm.s32 $0x6  }
0x11: {  	s20 =	sor.u32 $0x10, s11;
	s21 =	sadd.s32 s7, s11;
	s22 =	sadd.s32 s8, s11  }
0x12: {  	s0 =	sadd.s32 $0x6A800, s0;
	s5 =	smax.u32 s5, $0x1;
	[dreg:$0x4] =	wrdreg s21  }
0x13: {  	s11 =	simm.s32 $0x0;
	s14 =	sadd.s32 s7, s20;
	[dreg:$0x7] =	wrdreg s22  }
0x14: {  	s6 =	sadd.s32 $0x20, s21;
	s24 =	sadd.s32 s8, s20;
	[dreg:$0x9] =	wrdreg s0  }
0x15: {  	[dreg:$0xa] =	wrdreg s5;
	s7 =	sshrl.u32 s10, $0x3;
	s20 =	simm.s32 $0x180  }
.Ltmp0:
0x16: {  	s21 =	simm.s32 $0x1;
	s22 =	simm.s32 $0x300;
	(pc) =	sbr.rel .LBB2_1-.Ltmp0, $4  }
0x17: {  	s0 =	simm.s32 $0x8;
	s5 =	simm.s32 $0xA;
	[dreg:$0x5] =	wrdreg s14  }
0x18: {  	s8 =	simm.s32 $0x9;
	s10 =	simm.s32 $0xB;
	[dreg:$0x6] =	wrdreg s6  }
0x19: {  	[dreg:$0x8] =	wrdreg s24;
	s14 =	sadd.s32 s23, s25;
	s23 =	simm.s32 $0x200  }
0x1a: {  	s24 =	simm.s32 $0x2;
	s25 =	simm.s32 $0x4300;
	[dreg:$0xb] =	wrdreg s7  }
.LBB2_4:
0x1b: {  	_ =	swait.ge [sflag:s26], $0x4000  }
0x1c: {  	[sflag:s26] =	ssyncset.done $0x0  }
0x1d: {  	[sflag:s26] =	ssyncadd.s32 $0xFFFFC000  }
0x1e: {  	_ =	swait.ge [sflag:s28], $0x80  }
0x1f: {  	[sflag:s28] =	ssyncset.done $0x0  }
0x20: {  	s6 =	simm.s32 $0xC;
	[sflag:s28] =	ssyncadd.s32 $0xFFFFFF80  }
0x21: {  	[spmem:s1] =	stream.indirect.scatter.add.f32 [tilespmem:s22], [sflag:$0xA], $0x80, s20, s18, $0xb8;
	[tilespmem:$0x1FF00] =	vst v63  }
0x22: {  	_ =	swait.ge [sflag:s6], $0x4000  }
0x23: {  	[sflag:s6] =	ssyncset.done $0x0  }
0x24: {  	[sflag:s6] =	ssyncadd.s32 $0xFFFFC000  }
0x25: {  	_ =	swait.ge [sflag:s0], $0x4000  }
0x26: {  	[sflag:s0] =	ssyncset.done $0x0  }
0x27: {  	[sflag:s0] =	ssyncadd.s32 $0xFFFFC000  }
0x28: {  	_ =	swait.ge [sflag:s2], $0x80  }
0x29: {  	[sflag:s2] =	ssyncset.done $0x0  }
0x2a: {  	[sflag:s2] =	ssyncadd.s32 $0xFFFFFF80  }
0x2b: {  	[spmem:s1] =	stream.indirect.scatter.add.f32 [tilespmem:s25], [sflag:$0xB], $0x80, s23, s18, $0xb8;
	[tilespmem:$0x1FF00] =	vst v63  }
0x2c: {  	_ =	swait.ge [sflag:s5], $0x4000  }
0x2d: {  	[sflag:s5] =	ssyncset.done $0x0  }
0x2e: {  	[sflag:s5] =	ssyncadd.s32 $0xFFFFC000  }
0x2f: {  	_ =	swait.ge [sflag:s10], $0x4000  }
0x30: {  	[sflag:s10] =	ssyncset.done $0x0  }
0x31: {  	[sflag:s10] =	ssyncadd.s32 $0xFFFFC000  }
0x32: {  	[bflag:$0x0] =	sbarrier.arrive $0xFFFF  }
0x33: {  	s12 =	rddreg [dreg:$0x9]  }
0x34: {  	s7 =	rddreg [dreg:$0xb]  }
0x35: {  	[hbm:s12], [sflag:s16] =	dma.local [spmem:s7], $0x2780  }
0x36: {  	_ =	swait.ge [sflag:s17], $0x2780  }
0x37: {  	s13 =	smov.u32 s16;
	s11 =	sadd.s32 $0x1, s11;
	s16 =	rddreg [dreg:$0xa]  }
0x38: {  	p0 =	sne.s32 s11, s16  }
.Ltmp1:
0x39: {  	_ = 	snop;
	(pc) =	sbr.rel @!p0 .LBB2_5-.Ltmp1, $3  }
0x3a: {  	_ =	sdelay $0x1  }
0x3b: {  	[sflag:s17] =	ssyncset.done $0x0  }
0x3c: {  	[sflag:s17] =	ssyncadd.s32 $0xFFFFD880  }
.LBB2_1:
0x3d: {  	s6 =	rddreg [dreg:$0x3]  }
0x3e: {  	[spmem:s7], [sflag:s13] =	dma.local [hbm:s6], $0x2780  }
0x3f: {  	_ =	swait.ge [sflag:s17], $0x2780  }
0x40: {  	[sflag:s17] =	ssyncset.done $0x0  }
0x41: {  	[sflag:s17] =	ssyncadd.s32 $0xFFFFD880  }
0x42: {  	[bflag:$0x0] =	sbarrier.arrive $0xFFFF  }
0x43: {  	s12 =	rddreg [dreg:$0x4]  }
0x44: {  	[tilespmem:s3], [sflag:$0x1] =	stream.linear.gather [hbm4b:s12+s3], $0x80, $0x38;
	[tilespmem:$0x1FF00] =	vst v63  }
0x45: {  	s16 =	smov.u32 s13;
	s13 =	rddreg [dreg:$0x5]  }
0x46: {  	[tilespmem:s18], [sflag:$0x2] =	stream.linear.gather [hbm4b:s13+s3], $0x80, $0x38;
	[tilespmem:$0x1FF00] =	vst v63  }
0x47: {  	s7 =	rddreg [dreg:$0x6]  }
0x48: {  	[tilespmem:s19], [sflag:$0x3] =	stream.linear.gather [hbm4b:s7+s3], $0x80, $0x38;
	[tilespmem:$0x1FF00] =	vst v63  }
0x49: {  	s12 =	rddreg [dreg:$0x7]  }
0x4a: {  	[tilespmem:s20], [sflag:$0x4] =	stream.linear.gather [hbm4b:s12+s3], $0x80, $0x38;
	[tilespmem:$0x1FF00] =	vst v63  }
0x4b: {  	_ =	swait.ge [sflag:s21], $0x80  }
0x4c: {  	[sflag:s21] =	ssyncset.done $0x0  }
0x4d: {  	[sflag:s21] =	ssyncadd.s32 $0xFFFFFF80  }
0x4e: {  	[tilespmem:s22], [sflag:$0x7] =	stream.indirect.gather [hbm4b:s4+s18], $0x80, s3, s18, $0xb8;
	[tilespmem:$0x1FF00] =	vst v63  }
0x4f: {  	s13 =	rddreg [dreg:$0x8]  }
0x50: {  	[tilespmem:s23], [sflag:$0x5] =	stream.linear.gather [hbm4b:s13+s3], $0x80, $0x38;
	[tilespmem:$0x1FF00] =	vst v63  }
0x51: {  	_ =	swait.ge [sflag:s24], $0x80  }
0x52: {  	[sflag:s24] =	ssyncset.done $0x0  }
0x53: {  	s12 =	simm.s32 $0x0;
	[sflag:s24] =	ssyncadd.s32 $0xFFFFFF80  }
0x54: {  	[tilespmem:s25], [sflag:$0x8] =	stream.indirect.gather [hbm4b:s4+s18], $0x80, s18, s18, $0xb8;
	[tilespmem:$0x1FF00] =	vst v63  }
.LBB2_2:
0x55: {  	_ =	swait.ge [sflag:s26], $0x4000  }
0x56: {  	[sflag:s26] =	ssyncset.done $0x0  }
0x57: {  	[sflag:s26] =	ssyncadd.s32 $0xFFFFC000  }
0x58: {  	_ =	swait.ge [sflag:s28], $0x80  }
0x59: {  	p0 =	seq.s32 s12, $0x0;
	[sflag:s28] =	ssyncset.done $0x0  }
0x5a: {  	s13 =	simm.s32 @!p0 $0xC;
	[sflag:s28] =	ssyncadd.s32 $0xFFFFFF80  }
0x5b: {  	[spmem:s1] =	stream.indirect.scatter.add.f32 [tilespmem:s22], [sflag:$0xA], $0x80, s20, s18, $0xb8;
	[tilespmem:$0x1FF00] =	vst v63  }
0x5c: {  	_ =	swait.ge @!p0 [sflag:s13], $0x4000  }
0x5d: {  	[sflag:s13] =	ssyncset.done @!p0 $0x0  }
0x5e: {  	[sflag:s13] =	ssyncadd.s32 @!p0 $0xFFFFC000  }
0x5f: {  	_ =	swait.ge [sflag:s29], $0x80  }
0x60: {  	[sflag:s29] =	ssyncset.done $0x0  }
0x61: {  	s7 =	sadd.s32 s12, s15;
	[sflag:s29] =	ssyncadd.s32 $0xFFFFFF80  }
0x62: {  	[tilespmem:s30], [sflag:$0x9] =	stream.indirect.gather [hbm4b:s4+s18], $0x80, s19, s18, $0xb8;
	[tilespmem:$0x1FF00] =	vst v63  }
0x63: {  	s6 =	sadd.s32 $0x20, s7;
	s13 =	sadd.s32 s12, s14  }
0x64: {  	[tilespmem:s31], [sflag:$0x6] =	stream.linear.gather [hbm4b:s6+s3], $0x80, $0x38;
	[tilespmem:$0x1FF00] =	vst v63  }
0x65: {  	s6 =	sadd.s32 $0x30, s13  }
0x66: {  	[tilespmem:s3], [sflag:$0x1] =	stream.linear.gather [hbm4b:s6+s3], $0x80, $0x38;
	[tilespmem:$0x1FF00] =	vst v63  }
0x67: {  	_ =	swait.ge [sflag:s0], $0x4000  }
0x68: {  	[sflag:s0] =	ssyncset.done $0x0  }
0x69: {  	[sflag:s0] =	ssyncadd.s32 $0xFFFFC000  }
0x6a: {  	_ =	swait.ge [sflag:s2], $0x80  }
0x6b: {  	[sflag:s2] =	ssyncset.done $0x0  }
0x6c: {  	[sflag:s2] =	ssyncadd.s32 $0xFFFFFF80  }
0x6d: {  	[spmem:s1] =	stream.indirect.scatter.add.f32 [tilespmem:s25], [sflag:$0xB], $0x80, s23, s18, $0xb8;
	[tilespmem:$0x1FF00] =	vst v63  }
0x6e: {  	_ =	swait.ge [sflag:s5], $0x4000  }
0x6f: {  	[sflag:s5] =	ssyncset.done $0x0  }
0x70: {  	[sflag:s5] =	ssyncadd.s32 $0xFFFFC000  }
0x71: {  	_ =	swait.ge [sflag:s21], $0x80  }
0x72: {  	[sflag:s21] =	ssyncset.done $0x0  }
0x73: {  	[sflag:s21] =	ssyncadd.s32 $0xFFFFFF80  }
0x74: {  	[tilespmem:s22], [sflag:$0x7] =	stream.indirect.gather [hbm4b:s4+s18], $0x80, s3, s18, $0xb8;
	[tilespmem:$0x1FF00] =	vst v63  }
0x75: {  	s6 =	sadd.s32 $0x30, s7  }
0x76: {  	[tilespmem:s20], [sflag:$0x4] =	stream.linear.gather [hbm4b:s6+s3], $0x80, $0x38;
	[tilespmem:$0x1FF00] =	vst v63  }
0x77: {  	s6 =	sadd.s32 $0x40, s13  }
0x78: {  	[tilespmem:s18], [sflag:$0x2] =	stream.linear.gather [hbm4b:s6+s3], $0x80, $0x38;
	[tilespmem:$0x1FF00] =	vst v63  }
0x79: {  	_ =	swait.ge [sflag:s8], $0x4000  }
0x7a: {  	[sflag:s8] =	ssyncset.done $0x0  }
0x7b: {  	[sflag:s8] =	ssyncadd.s32 $0xFFFFC000  }
0x7c: {  	_ =	swait.ge [sflag:s9], $0x80  }
0x7d: {  	[sflag:s9] =	ssyncset.done $0x0  }
0x7e: {  	[sflag:s9] =	ssyncadd.s32 $0xFFFFFF80  }
0x7f: {  	[spmem:s1] =	stream.indirect.scatter.add.f32 [tilespmem:s30], [sflag:$0xC], $0x80, s31, s18, $0xb8;
	[tilespmem:$0x1FF00] =	vst v63  }
0x80: {  	_ =	swait.ge [sflag:s10], $0x4000  }
0x81: {  	[sflag:s10] =	ssyncset.done $0x0  }
0x82: {  	[sflag:s10] =	ssyncadd.s32 $0xFFFFC000  }
0x83: {  	p0 =	seq.s32 s12, $0x4B0;
	_ =	swait.ge [sflag:s24], $0x80  }
.Ltmp2:
0x84: {  	[sflag:s24] =	ssyncset.done $0x0;
	(pc) =	sbr.rel @p0 .LBB2_4-.Ltmp2, $4  }
0x85: {  	[sflag:s24] =	ssyncadd.s32 $0xFFFFFF80  }
0x86: {  	[tilespmem:s25], [sflag:$0x8] =	stream.indirect.gather [hbm4b:s4+s18], $0x80, s18, s18, $0xb8;
	[tilespmem:$0x1FF00] =	vst v63  }
0x87: {  	s7 =	sadd.s32 $0x40, s7  }
0x88: {  	[tilespmem:s23], [sflag:$0x5] =	stream.linear.gather [hbm4b:s7+s3], $0x80, $0x38;
	[tilespmem:$0x1FF00] =	vst v63  }
.Ltmp3:
0x89: {  	(pc) =	sbr.rel .LBB2_2-.Ltmp3, $3  }
0x8a: {  	_ =	sdelay $0x1  }
0x8b: {  	s6 =	sadd.s32 $0x50, s13;
	s12 =	sadd.s32 $0x30, s12  }
0x8c: {  	[tilespmem:s19], [sflag:$0x3] =	stream.linear.gather [hbm4b:s6+s3], $0x80, $0x38;
	[tilespmem:$0x1FF00] =	vst v63  }
.LBB2_5:
0x8d: {  	_ =	sfence.sel $0x180000  }
0x8e: {  	[bflag:$0x0] =	sbarrier.arrive $0xFFFF  }
0x8f: {  	_ =	strace $0x90000050  }
0x90: {  	s0 =	stileid.u32;
	[bflag:$0x2] =	sbarrier.arrive $0xFFFF  }
0x91: {  	p0 =	sne.s32 s0, $0x0;
	s0 =	rddreg [dreg:$0x2]  }
0x92: {  	s0 =	sadd.s32 @!p0 $0x100000, s0  }
0x93: {  	[sflag:s0] =	ssyncadd.tile.s32 @!p0 $0x1;
	_ =	shalt  }
.Lfunc_end2:
_tile_overlayer_lowered:
.L_overlay_start_2:
0x94: {  	(tag) =	ssettag $0x2  }
0x95: {  	s0 =	rddreg [dreg:$0x0];
	s2 =	stileid.u32  }
0x96: {  	s1 =	rddreg [dreg:$0x1];
	p0 =	sne.s32 s2, $0x0  }
0x97: {  	s3 =	rddreg [dreg:$0x2];
	[bflag:$0x3] =	sbarrier.arrive $0xFFFF;
	s2 =	simm.s32 @!p0 $0x1C0D  }
0x98: {  	[timem:s3], [sflag:s2] =	dma.local @!p0 [hbm:s0], s1  }
0x99: {  	s0 =	simm.s32 @!p0 $0xD  }
0x9a: {  	_ =	swait.ge @!p0 [sflag:s0], s1  }
0x9b: {  	s1 =	ssub.s32 @!p0 $0x0, s1;
	[sflag:s0] =	ssyncset.done @!p0 $0x0  }
0x9c: {  	[sflag:s0] =	ssyncadd.s32 @!p0 s1  }
0x9d: {  	[bflag:$0x3] =	sbarrier.arrive $0xFFFF  }
0x9e: {  	_ =	shalt  }

// kernel: kernel.30.cloned.1.call-start
scs
__scs_entry_jumppad:
0x0: {  	(pc) =	sbr.rel $0x88, $3  }
0x1: {  	(tag) =	ssettag $0x0;
	lr =	simm.s32 $0x1  }
0x2: {  	[smem:$0x3F95] =	sst lr;
	_ =	strace $0xD0000000  }
0x3: {  	_ = 	snop  }
0x4: {  	_ = 	snop  }
0x5: {  	_ = 	snop  }
0x6: {  	_ = 	snop  }
0x7: {  	_ = 	snop  }
__scs_overlays_trampoline_lowered:
0x8: {  	[smem:$0x3FA4] =	sst s0  }
0x9: {  	[smem:$0x3FA5] =	sst s1  }
0xa: {  	[smem:$0x3FA6] =	sst s2  }
0xb: {  	[smem:$0x3FA7] =	sst s3  }
0xc: {  	[smem:$0x3FA8] =	sst s4  }
0xd: {  	[smem:$0x3FA9] =	sst s5  }
0xe: {  	[smem:$0x3FAA] =	sst s6  }
0xf: {  	[smem:$0x3FAB] =	sst s7  }
0x10: {  	[smem:$0x3FAC] =	sst s8  }
0x11: {  	[smem:$0x3FAD] =	sst s9;
	s0 =	simm.s32 @!p0 $0x0  }
0x12: {  	s1 =	sld [smem:$0x3F93];
	s0 =	simm.s32 @p0 $0x1  }
0x13: {  	[smem:$0x3FAE] =	sst s0;
	s0 =	simm.s32 @!p1 $0x0  }
0x14: {  	s2 =	sld [smem:$0x3F92];
	s0 =	simm.s32 @p1 $0x1  }
0x15: {  	[smem:$0x3FAF] =	sst s0;
	s0 =	simm.s32 @!p2 $0x0  }
0x16: {  	s3 =	sld [smem:$0x3FDB];
	s0 =	simm.s32 @p2 $0x1  }
0x17: {  	s4 =	simm.s32 $0x1BF5;
	[smem:$0x3FB1] =	sst s0  }
0x18: {  	s0 =	sld [smem:$0x3F94];
	_ =	swait.ge [sflag:s4], $0x0  }
0x19: {  	s7 =	sld [smem:$0x3F95]  }
0x1a: {  	s8 =	sadd.s32 $0xFFFFE003, lr  }
0x1b: {  	s9 =	sadd.s32 $0xFFFFFEF7, lr;
	s5 =	simm.s32 $0xFFFFFFFF;
	p2 =	slt.u32 s8, $0xFFFFF086  }
0x1c: {  	p1 =	slt.u32 s9, $0xF7A;
	s5 =	simm.s32 @!p2 $0x0  }
0x1d: {  	s5 =	simm.s32 @p1 $0x1;
	p0 =	seq.s32 s7, s2  }
0x1e: {  	s7 =	smul.u32 @!p0 $0xF7A, s2;
	p2 =	seq.s32 @!p0 s5, $0x0  }
0x1f: {  	s9 =	smul.u32 $0xF7A, s1;
	s8 =	simm.s32 @!p0 $0x1BF5;
	p2 =	por !p2, p0  }
0x20: {  	[sflag:s8] =	ssyncset.s32 @!p0 $0xFFFFF086;
	s6 =	sadd.s32 @!p0 s3, s7;
	s7 =	simm.s32 @!p0 $0x108  }
0x21: {  	s3 =	sadd.s32 s3, s9;
	s6 =	sadd.s32 @!p0 $0x88, s6;
	s7 =	simm.s32 @p2 $0x1082  }
0x22: {  	[simem:s7], [sflag:s8] =	dma.local @!p0 [hbm:s6], $0xF7A  }
0x23: {  	s9 =	sor.u32 $0xD0000000, s2;
	s6 =	simm.s32 $0x108;
	_ =	swait.ge @!p0 [sflag:s8], $0x0  }
0x24: {  	s3 =	sadd.s32 $0x88, s3;
	s6 =	simm.s32 @!p1 $0x1082;
	[sflag:s4] =	ssyncset.s32 $0xFFFFF086  }
0x25: {  	[simem:s6], [sflag:s4] =	dma.local [hbm:s3], $0xF7A  }
0x26: {  	[smem:$0x3F95] =	sst s1;
	(tag) =	ssettag s2;
	_ =	strace s9  }
0x27: {  	s1 =	sld [smem:$0x3FA5]  }
0x28: {  	s2 =	sld [smem:$0x3FA6]  }
0x29: {  	s4 =	sld [smem:$0x3FA8]  }
0x2a: {  	p0 =	seq.s32 s5, $0x0;
	s5 =	sld [smem:$0x3FA9]  }
0x2b: {  	s6 =	sld [smem:$0x3FAA]  }
0x2c: {  	s7 =	sld [smem:$0x3FAB]  }
0x2d: {  	s3 =	simm.s32 $0x108;
	s8 =	sld [smem:$0x3FAC]  }
0x2e: {  	s3 =	simm.s32 @!p0 $0x1082;
	s9 =	sld [smem:$0x3FAD]  }
0x2f: {  	lr =	sadd.s32 s0, s3;
	s0 =	sld [smem:$0x3FA4]  }
0x30: {  	s3 =	sld [smem:$0x3FA7]  }
0x31: {  	[smem:$0x3FB0] =	sst s10  }
0x32: {  	s10 =	sld [smem:$0x3FAE];
	_ =	sdelay $0x3  }
0x33: {  	p0 =	seq.s32 s10, $0x1;
	s10 =	sld [smem:$0x3FB0];
	_ =	sdelay $0x3  }
0x34: {  	[smem:$0x3FB0] =	sst s10  }
0x35: {  	s10 =	sld [smem:$0x3FAF];
	_ =	sdelay $0x3  }
0x36: {  	p1 =	seq.s32 s10, $0x1;
	s10 =	sld [smem:$0x3FB0];
	_ =	sdelay $0x3  }
0x37: {  	[smem:$0x3FB0] =	sst s10  }
0x38: {  	s10 =	sld [smem:$0x3FB1]  }
0x39: {  	_ = 	snop;
	(pc) =	sbr.ind lr, $3  }
0x3a: {  	_ = 	snop  }
0x3b: {  	_ = 	snop  }
0x3c: {  	p2 =	seq.s32 s10, $0x1;
	s10 =	sld [smem:$0x3FB0]  }
0x3d: {  	_ =	shalt  }
0x3e: {  	_ =	shalt  }
0x3f: {  	_ =	shalt  }
0x40: {  	_ =	shalt  }
0x41: {  	_ =	shalt  }
0x42: {  	_ =	shalt  }
0x43: {  	_ =	shalt  }
0x44: {  	_ =	shalt  }
0x45: {  	_ =	shalt  }
0x46: {  	_ =	shalt  }
0x47: {  	_ =	shalt  }
0x48: {  	_ =	shalt  }
0x49: {  	_ =	shalt  }
0x4a: {  	_ =	shalt  }
0x4b: {  	_ =	shalt  }
0x4c: {  	_ =	shalt  }
0x4d: {  	_ =	shalt  }
0x4e: {  	_ =	shalt  }
0x4f: {  	_ =	shalt  }
0x50: {  	_ =	shalt  }
0x51: {  	_ =	shalt  }
0x52: {  	_ =	shalt  }
0x53: {  	_ =	shalt  }
0x54: {  	_ =	shalt  }
0x55: {  	_ =	shalt  }
0x56: {  	_ =	shalt  }
0x57: {  	_ =	shalt  }
0x58: {  	_ =	shalt  }
0x59: {  	_ =	shalt  }
0x5a: {  	_ =	shalt  }
0x5b: {  	_ =	shalt  }
0x5c: {  	_ =	shalt  }
0x5d: {  	_ =	shalt  }
0x5e: {  	_ =	shalt  }
0x5f: {  	_ =	shalt  }
0x60: {  	_ =	shalt  }
0x61: {  	_ =	shalt  }
0x62: {  	_ =	shalt  }
0x63: {  	_ =	shalt  }
0x64: {  	_ =	shalt  }
0x65: {  	_ =	shalt  }
0x66: {  	_ =	shalt  }
0x67: {  	_ =	shalt  }
0x68: {  	_ =	shalt  }
0x69: {  	_ =	shalt  }
0x6a: {  	_ =	shalt  }
0x6b: {  	_ =	shalt  }
0x6c: {  	_ =	shalt  }
0x6d: {  	_ =	shalt  }
0x6e: {  	_ =	shalt  }
0x6f: {  	_ =	shalt  }
0x70: {  	_ =	shalt  }
0x71: {  	_ =	shalt  }
0x72: {  	_ =	shalt  }
0x73: {  	_ =	shalt  }
0x74: {  	_ =	shalt  }
0x75: {  	_ =	shalt  }
0x76: {  	_ =	shalt  }
0x77: {  	_ =	shalt  }
0x78: {  	_ =	shalt  }
0x79: {  	_ =	shalt  }
0x7a: {  	_ =	shalt  }
0x7b: {  	_ =	shalt  }
0x7c: {  	_ =	shalt  }
0x7d: {  	_ =	shalt  }
0x7e: {  	_ =	shalt  }
0x7f: {  	_ =	shalt  }
0x80: {  	_ =	shalt  }
0x81: {  	_ =	shalt  }
0x82: {  	_ =	shalt  }
0x83: {  	_ =	shalt  }
0x84: {  	_ =	shalt  }
0x85: {  	_ =	shalt  }
0x86: {  	_ =	shalt  }
0x87: {  	_ =	shalt  }
.Lfunc_end0:
.L_simem_size_0:
called_computation.4_lowered:
.L_overlay_start_0:
0x88: {  	s2 =	sld [smem:$0x3FD9]  }
0x89: {  	s3 =	sld [smem:$0x3FFE];
	_ =	sdelay $0x1  }
0x8a: {  	s1 =	srdreg.scid  }
0x8b: {  	s0 =	sand.u32 $0x1, s1  }
0x8c: {  	s17 =	sshll.u32 s0, $0xA;
	s2 =	sadd.s32 s3, s2  }
0x8d: {  	s2 =	sadd.s32 s2, s17  }
0x8e: {  	[smem:$0x3FBC] =	sst s2  }
0x8f: {  	_ = 	snop  }
0x90: {  	s2 =	sld [smem:$0x3FD0];
	(tm) =	ssettm $0x1  }
0x91: {  	s18 =	sld [smem:$0x3FFB];
	_ =	sdelay $0x3  }
0x92: {  	_ =	strace s18  }
0x93: {  	s3 =	sld [smem:$0x3FFC];
	_ =	sdelay $0x3  }
0x94: {  	_ =	strace s3  }
0x95: {  	s3 =	sld [smem:$0x3FFD];
	_ =	sdelay $0x3  }
0x96: {  	_ =	strace s3  }
0x97: {  	_ =	strace $0x8FFFFFFF  }
0x98: {  	s19 =	sld [smem:$0x3FDB];
	_ =	sdelay $0x1  }
0x99: {  	s4 =	simm.s32 $_scs_section_size  }
0x9a: {  	s5 =	simm.s32 $_size__tile_overlayer_lowered;
	s6 =	simm.s32 $_tile_overlayer_lowered  }
0x9b: {  	s22 =	simm.s32 $0x1BFF;
	s21 =	sshll.u32 s6, $0x1;
	s3 =	sadd.s32 s4, s19  }
0x9c: {  	s7 =	simm.s32 $0x0;
	s20 =	sshll.u32 s5, $0x1;
	s5 =	sadd.s32 s21, s3  }
0x9d: {  	[timem:s7], [sflag:s22] =	dma.local [hbm:s5], s20  }
0x9e: {  	_ =	swait.ge [sflag:s22], s20  }
0x9f: {  	s4 =	ssub.s32 $0x0, s20;
	[sflag:s22] =	ssyncset.done $0x0  }
0xa0: {  	[sflag:s22] =	ssyncadd.s32 s4;
	_ =	sdelay $0x1  }
0xa1: {  	s23 =	simm.s32 $0x1B8B  }
0xa2: {  	_ =	swait.ge [sflag:s23], $0x1  }
0xa3: {  	[sflag:s23] =	ssyncset.done $0x0  }
0xa4: {  	s25 =	simm.s32 $0x1B8E;
	s24 =	sld [smem:$0x3FFE];
	[sflag:s23] =	ssyncadd.s32 $0xFFFFFFFF  }
0xa5: {  	s26 =	simm.s32 $execute0_lowered;
	[smem:$0x3FD2] =	sst s25  }
0xa6: {  	s5 =	sshll.u32 s26, $0x1;
	_ =	strace $0x80000052;
	[dreg:$0x1] =	wrdreg $0xFFFFFFFF  }
0xa7: {  	s28 =	simm.s32 $_size_execute0_lowered;
	s3 =	sadd.s32 s3, s5;
	[dreg:$0x0] =	wrdreg $0x0  }
0xa8: {  	s5 =	sshll.u32 s28, $0x1;
	[dreg:$0x2] =	wrdreg s3  }
0xa9: {  	[dreg:$0x3] =	wrdreg s5  }
0xaa: {  	[dreg:$0x4] =	wrdreg $0xC0  }
0xab: {  	_ =	task [dreg:s7], $0x5FFFF  }
0xac: {  	[dreg:$0x1] =	wrdreg $0xFFFFFFFF  }
0xad: {  	[dreg:$0x0] =	wrdreg $0x60  }
0xae: {  	[dreg:$0x2] =	wrdreg s2  }
0xaf: {  	[dreg:$0x3] =	wrdreg s24  }
0xb0: {  	[dreg:$0x4] =	wrdreg $0xC3000  }
0xb1: {  	[dreg:$0x5] =	wrdreg $0x9  }
0xb2: {  	_ =	task.clear_ibuf [dreg:s7], $0x6FFFF;
	_ =	strace $0x90000052  }
0xb3: {  	s29 =	simm.s32 $0x9;
	_ =	strace $0x80000054  }
0xb4: {  	_ =	swait.ge [sflag:s29], $0x1  }
0xb5: {  	[sflag:s29] =	ssyncadd.s32 $0xFFFFFFFF  }
0xb6: {  	_ =	strace $0x90000054  }
0xb7: {  	_ =	sfence  }
0xb8: {  	s30 =	sld [smem:$0x0];
	_ =	sdelay $0x2  }
0xb9: {  	s31 =	sshll.u32 s1, $0xD;
	s1 =	sshrl.u32 s1, $0x2  }
0xba: {  	s3 =	sand.u32 $0x4000, s31;
	s1 =	sadd.s32 s1, s30  }
0xbb: {  	s0 =	sor.u32 s3, s0;
	s1 =	sshll.u32 s1, $0x11  }
0xbc: {  	s0 =	sor.u32 s1, s0  }
0xbd: {  	s0 =	sadd.s32 $0x8F2B, s0  }
0xbe: {  	[sflag:s0] =	ssyncadd.remote.s32 $0x1  }
0xbf: {  	_ =	sfence.sel $0xFFFF  }
0xc0: {  	[dreg:$0x0] =	wrdreg $0xFFFFFFFF;
	(pc) =	sbr.abs _section_cstart, $3  }
0xc1: {  	[dreg:$0x1] =	wrdreg $0xFFFFFFFF  }
0xc2: {  	_ =	task.clear_ibuf [dreg:s7], $0x2FFFF;
	_ =	strace $0x9FFFFFFF  }
0xc3: {  	(tm) =	ssettm $0x7FFFFFFF  }
tec
execute0_lowered:
.L_overlay_start_1:
0x0: {  	(tag) =	ssettag $0x1  }
0x1: {  	s1 =	rddreg [dreg:$0x0]  }
0x2: {  	s0 =	rddreg [dreg:$0x1]  }
0x3: {  	s2 =	rddreg [dreg:$0x2];
	s3 =	srdreg.scid;
	s4 =	simm.s32 $0x0  }
0x4: {  	s12 =	stileid.u32;
	s28 =	simm.s32 $0x4;
	s29 =	simm.s32 $0x3  }
0x5: {  	s30 =	simm.s32 $0x8300;
	s31 =	simm.s32 $0x280;
	s6 =	smul.u32 $0x13C00, s12  }
0x6: {  	s3 =	sand.u32 $0x1, s3;
	[smem:$0x7FF] =	sst s4;
	s10 =	smul.u32 $0x4F000, s12  }
0x7: {  	s7 =	sadd.s32 $0x5A00, s0;
	s8 =	sadd.s32 $0xFA00, s0;
	s23 =	smul.u32 $0x500, s12  }
0x8: {  	s15 =	sadd.s32 $0x19C00, s0;
	s19 =	sshll.u32 s12, $0x6;
	s5 =	smul.u32 $0x13C000, s3  }
0x9: {  	_ =	strace $0x80000053;
	[dreg:$0x4] =	wrdreg s15;
	s16 =	sshll.u32 s3, $0x4  }
0xa: {  	s9 =	ssub.s32 $0x2, s3;
	s13 =	sor.u32 $0x1C0D, s19;
	s3 =	smul.u32 $0x5000, s3  }
0xb: {  	s19 =	simm.s32 $0x100;
	s17 =	sshrl.u32 s9, $0x1;
	s18 =	sshrl.u32 s10, $0x2  }
0xc: {  	s5 =	sadd.s32 s6, s5;
	s6 =	sor.u32 s12, s16;
	s10 =	sadd.s32 s18, s2  }
0xd: {  	s25 =	sadd.s32 s3, s7;
	s26 =	sadd.s32 s3, s8;
	s18 =	simm.s32 $0x80  }
0xe: {  	s3 =	simm.s32 $0x5;
	s5 =	sshrl.u32 s5, $0x3;
	s11 =	smul.u32 $0x500, s6  }
0xf: {  	s15 =	sadd.s32 s23, s26;
	s26 =	simm.s32 $0x7;
	s0 =	sadd.s32 s5, s0  }
0x10: {  	s5 =	ssub.s32 s9, s17;
	s17 =	simm.s32 $0xD;
	s9 =	simm.s32 $0x6  }
0x11: {  	s20 =	sor.u32 $0x10, s11;
	s21 =	sadd.s32 s7, s11;
	s22 =	sadd.s32 s8, s11  }
0x12: {  	s0 =	sadd.s32 $0x1C400, s0;
	s5 =	smax.u32 s5, $0x1;
	[dreg:$0x5] =	wrdreg s21  }
0x13: {  	s11 =	simm.s32 $0x0;
	s14 =	sadd.s32 s7, s20;
	[dreg:$0x8] =	wrdreg s22  }
0x14: {  	s6 =	sadd.s32 $0x20, s21;
	s24 =	sadd.s32 s8, s20;
	[dreg:$0xa] =	wrdreg s0  }
0x15: {  	[dreg:$0xb] =	wrdreg s5;
	s7 =	sshrl.u32 s10, $0x3;
	s20 =	simm.s32 $0x180  }
.Ltmp0:
0x16: {  	s21 =	simm.s32 $0x1;
	s22 =	simm.s32 $0x300;
	(pc) =	sbr.rel .LBB2_1-.Ltmp0, $4  }
0x17: {  	s0 =	simm.s32 $0x8;
	s5 =	simm.s32 $0xA;
	[dreg:$0x6] =	wrdreg s14  }
0x18: {  	s8 =	simm.s32 $0x9;
	s10 =	simm.s32 $0xB;
	[dreg:$0x7] =	wrdreg s6  }
0x19: {  	[dreg:$0x9] =	wrdreg s24;
	s14 =	sadd.s32 s23, s25;
	s23 =	simm.s32 $0x200  }
0x1a: {  	s24 =	simm.s32 $0x2;
	s25 =	simm.s32 $0x4300;
	[dreg:$0xc] =	wrdreg s7  }
.LBB2_4:
0x1b: {  	_ =	swait.ge [sflag:s26], $0x4000  }
0x1c: {  	[sflag:s26] =	ssyncset.done $0x0  }
0x1d: {  	[sflag:s26] =	ssyncadd.s32 $0xFFFFC000  }
0x1e: {  	_ =	swait.ge [sflag:s28], $0x80  }
0x1f: {  	[sflag:s28] =	ssyncset.done $0x0  }
0x20: {  	s6 =	simm.s32 $0xC;
	[sflag:s28] =	ssyncadd.s32 $0xFFFFFF80  }
0x21: {  	[spmem:s2] =	stream.indirect.scatter.add.f32 [tilespmem:s22], [sflag:$0xA], $0x80, s20, s18, $0xb8;
	[tilespmem:$0x1FF00] =	vst v63  }
0x22: {  	_ =	swait.ge [sflag:s6], $0x4000  }
0x23: {  	[sflag:s6] =	ssyncset.done $0x0  }
0x24: {  	[sflag:s6] =	ssyncadd.s32 $0xFFFFC000  }
0x25: {  	_ =	swait.ge [sflag:s0], $0x4000  }
0x26: {  	[sflag:s0] =	ssyncset.done $0x0  }
0x27: {  	[sflag:s0] =	ssyncadd.s32 $0xFFFFC000  }
0x28: {  	_ =	swait.ge [sflag:s3], $0x80  }
0x29: {  	[sflag:s3] =	ssyncset.done $0x0  }
0x2a: {  	[sflag:s3] =	ssyncadd.s32 $0xFFFFFF80  }
0x2b: {  	[spmem:s2] =	stream.indirect.scatter.add.f32 [tilespmem:s25], [sflag:$0xB], $0x80, s23, s18, $0xb8;
	[tilespmem:$0x1FF00] =	vst v63  }
0x2c: {  	_ =	swait.ge [sflag:s5], $0x4000  }
0x2d: {  	[sflag:s5] =	ssyncset.done $0x0  }
0x2e: {  	[sflag:s5] =	ssyncadd.s32 $0xFFFFC000  }
0x2f: {  	_ =	swait.ge [sflag:s10], $0x4000  }
0x30: {  	[sflag:s10] =	ssyncset.done $0x0  }
0x31: {  	[sflag:s10] =	ssyncadd.s32 $0xFFFFC000  }
0x32: {  	[bflag:$0x0] =	sbarrier.arrive $0xFFFF  }
0x33: {  	s12 =	rddreg [dreg:$0xa]  }
0x34: {  	s7 =	rddreg [dreg:$0xc]  }
0x35: {  	[hbm:s12], [sflag:s16] =	dma.local [spmem:s7], $0x2780  }
0x36: {  	_ =	swait.ge [sflag:s17], $0x2780  }
0x37: {  	s13 =	smov.u32 s16;
	s11 =	sadd.s32 $0x1, s11;
	s16 =	rddreg [dreg:$0xb]  }
0x38: {  	p0 =	sne.s32 s11, s16  }
.Ltmp1:
0x39: {  	_ = 	snop;
	(pc) =	sbr.rel @!p0 .LBB2_5-.Ltmp1, $3  }
0x3a: {  	_ =	sdelay $0x1  }
0x3b: {  	[sflag:s17] =	ssyncset.done $0x0  }
0x3c: {  	[sflag:s17] =	ssyncadd.s32 $0xFFFFD880  }
.LBB2_1:
0x3d: {  	s6 =	rddreg [dreg:$0x4]  }
0x3e: {  	[spmem:s7], [sflag:s13] =	dma.local [hbm:s6], $0x2780  }
0x3f: {  	_ =	swait.ge [sflag:s17], $0x2780  }
0x40: {  	[sflag:s17] =	ssyncset.done $0x0  }
0x41: {  	[sflag:s17] =	ssyncadd.s32 $0xFFFFD880  }
0x42: {  	[bflag:$0x0] =	sbarrier.arrive $0xFFFF  }
0x43: {  	s12 =	rddreg [dreg:$0x5]  }
0x44: {  	[tilespmem:s4], [sflag:$0x1] =	stream.linear.gather [hbm4b:s12+s4], $0x80, $0x38;
	[tilespmem:$0x1FF00] =	vst v63  }
0x45: {  	s16 =	smov.u32 s13;
	s13 =	rddreg [dreg:$0x6]  }
0x46: {  	[tilespmem:s18], [sflag:$0x2] =	stream.linear.gather [hbm4b:s13+s4], $0x80, $0x38;
	[tilespmem:$0x1FF00] =	vst v63  }
0x47: {  	s7 =	rddreg [dreg:$0x7]  }
0x48: {  	[tilespmem:s19], [sflag:$0x3] =	stream.linear.gather [hbm4b:s7+s4], $0x80, $0x38;
	[tilespmem:$0x1FF00] =	vst v63  }
0x49: {  	s12 =	rddreg [dreg:$0x8]  }
0x4a: {  	[tilespmem:s20], [sflag:$0x4] =	stream.linear.gather [hbm4b:s12+s4], $0x80, $0x38;
	[tilespmem:$0x1FF00] =	vst v63  }
0x4b: {  	_ =	swait.ge [sflag:s21], $0x80  }
0x4c: {  	[sflag:s21] =	ssyncset.done $0x0  }
0x4d: {  	[sflag:s21] =	ssyncadd.s32 $0xFFFFFF80  }
0x4e: {  	[tilespmem:s22], [sflag:$0x7] =	stream.indirect.gather [hbm4b:s1+s18], $0x80, s4, s18, $0xb8;
	[tilespmem:$0x1FF00] =	vst v63  }
0x4f: {  	s13 =	rddreg [dreg:$0x9]  }
0x50: {  	[tilespmem:s23], [sflag:$0x5] =	stream.linear.gather [hbm4b:s13+s4], $0x80, $0x38;
	[tilespmem:$0x1FF00] =	vst v63  }
0x51: {  	_ =	swait.ge [sflag:s24], $0x80  }
0x52: {  	[sflag:s24] =	ssyncset.done $0x0  }
0x53: {  	s12 =	simm.s32 $0x0;
	[sflag:s24] =	ssyncadd.s32 $0xFFFFFF80  }
0x54: {  	[tilespmem:s25], [sflag:$0x8] =	stream.indirect.gather [hbm4b:s1+s18], $0x80, s18, s18, $0xb8;
	[tilespmem:$0x1FF00] =	vst v63  }
.LBB2_2:
0x55: {  	_ =	swait.ge [sflag:s26], $0x4000  }
0x56: {  	[sflag:s26] =	ssyncset.done $0x0  }
0x57: {  	[sflag:s26] =	ssyncadd.s32 $0xFFFFC000  }
0x58: {  	_ =	swait.ge [sflag:s28], $0x80  }
0x59: {  	p0 =	seq.s32 s12, $0x0;
	[sflag:s28] =	ssyncset.done $0x0  }
0x5a: {  	s13 =	simm.s32 @!p0 $0xC;
	[sflag:s28] =	ssyncadd.s32 $0xFFFFFF80  }
0x5b: {  	[spmem:s2] =	stream.indirect.scatter.add.f32 [tilespmem:s22], [sflag:$0xA], $0x80, s20, s18, $0xb8;
	[tilespmem:$0x1FF00] =	vst v63  }
0x5c: {  	_ =	swait.ge @!p0 [sflag:s13], $0x4000  }
0x5d: {  	[sflag:s13] =	ssyncset.done @!p0 $0x0  }
0x5e: {  	[sflag:s13] =	ssyncadd.s32 @!p0 $0xFFFFC000  }
0x5f: {  	_ =	swait.ge [sflag:s29], $0x80  }
0x60: {  	[sflag:s29] =	ssyncset.done $0x0  }
0x61: {  	s7 =	sadd.s32 s12, s15;
	[sflag:s29] =	ssyncadd.s32 $0xFFFFFF80  }
0x62: {  	[tilespmem:s30], [sflag:$0x9] =	stream.indirect.gather [hbm4b:s1+s18], $0x80, s19, s18, $0xb8;
	[tilespmem:$0x1FF00] =	vst v63  }
0x63: {  	s6 =	sadd.s32 $0x20, s7;
	s13 =	sadd.s32 s12, s14  }
0x64: {  	[tilespmem:s31], [sflag:$0x6] =	stream.linear.gather [hbm4b:s6+s4], $0x80, $0x38;
	[tilespmem:$0x1FF00] =	vst v63  }
0x65: {  	s6 =	sadd.s32 $0x30, s13  }
0x66: {  	[tilespmem:s4], [sflag:$0x1] =	stream.linear.gather [hbm4b:s6+s4], $0x80, $0x38;
	[tilespmem:$0x1FF00] =	vst v63  }
0x67: {  	_ =	swait.ge [sflag:s0], $0x4000  }
0x68: {  	[sflag:s0] =	ssyncset.done $0x0  }
0x69: {  	[sflag:s0] =	ssyncadd.s32 $0xFFFFC000  }
0x6a: {  	_ =	swait.ge [sflag:s3], $0x80  }
0x6b: {  	[sflag:s3] =	ssyncset.done $0x0  }
0x6c: {  	[sflag:s3] =	ssyncadd.s32 $0xFFFFFF80  }
0x6d: {  	[spmem:s2] =	stream.indirect.scatter.add.f32 [tilespmem:s25], [sflag:$0xB], $0x80, s23, s18, $0xb8;
	[tilespmem:$0x1FF00] =	vst v63  }
0x6e: {  	_ =	swait.ge [sflag:s5], $0x4000  }
0x6f: {  	[sflag:s5] =	ssyncset.done $0x0  }
0x70: {  	[sflag:s5] =	ssyncadd.s32 $0xFFFFC000  }
0x71: {  	_ =	swait.ge [sflag:s21], $0x80  }
0x72: {  	[sflag:s21] =	ssyncset.done $0x0  }
0x73: {  	[sflag:s21] =	ssyncadd.s32 $0xFFFFFF80  }
0x74: {  	[tilespmem:s22], [sflag:$0x7] =	stream.indirect.gather [hbm4b:s1+s18], $0x80, s4, s18, $0xb8;
	[tilespmem:$0x1FF00] =	vst v63  }
0x75: {  	s6 =	sadd.s32 $0x30, s7  }
0x76: {  	[tilespmem:s20], [sflag:$0x4] =	stream.linear.gather [hbm4b:s6+s4], $0x80, $0x38;
	[tilespmem:$0x1FF00] =	vst v63  }
0x77: {  	s6 =	sadd.s32 $0x40, s13  }
0x78: {  	[tilespmem:s18], [sflag:$0x2] =	stream.linear.gather [hbm4b:s6+s4], $0x80, $0x38;
	[tilespmem:$0x1FF00] =	vst v63  }
0x79: {  	_ =	swait.ge [sflag:s8], $0x4000  }
0x7a: {  	[sflag:s8] =	ssyncset.done $0x0  }
0x7b: {  	[sflag:s8] =	ssyncadd.s32 $0xFFFFC000  }
0x7c: {  	_ =	swait.ge [sflag:s9], $0x80  }
0x7d: {  	[sflag:s9] =	ssyncset.done $0x0  }
0x7e: {  	[sflag:s9] =	ssyncadd.s32 $0xFFFFFF80  }
0x7f: {  	[spmem:s2] =	stream.indirect.scatter.add.f32 [tilespmem:s30], [sflag:$0xC], $0x80, s31, s18, $0xb8;
	[tilespmem:$0x1FF00] =	vst v63  }
0x80: {  	_ =	swait.ge [sflag:s10], $0x4000  }
0x81: {  	[sflag:s10] =	ssyncset.done $0x0  }
0x82: {  	[sflag:s10] =	ssyncadd.s32 $0xFFFFC000  }
0x83: {  	p0 =	seq.s32 s12, $0x4B0;
	_ =	swait.ge [sflag:s24], $0x80  }
.Ltmp2:
0x84: {  	[sflag:s24] =	ssyncset.done $0x0;
	(pc) =	sbr.rel @p0 .LBB2_4-.Ltmp2, $4  }
0x85: {  	[sflag:s24] =	ssyncadd.s32 $0xFFFFFF80  }
0x86: {  	[tilespmem:s25], [sflag:$0x8] =	stream.indirect.gather [hbm4b:s1+s18], $0x80, s18, s18, $0xb8;
	[tilespmem:$0x1FF00] =	vst v63  }
0x87: {  	s7 =	sadd.s32 $0x40, s7  }
0x88: {  	[tilespmem:s23], [sflag:$0x5] =	stream.linear.gather [hbm4b:s7+s4], $0x80, $0x38;
	[tilespmem:$0x1FF00] =	vst v63  }
.Ltmp3:
0x89: {  	(pc) =	sbr.rel .LBB2_2-.Ltmp3, $3  }
0x8a: {  	_ =	sdelay $0x1  }
0x8b: {  	s6 =	sadd.s32 $0x50, s13;
	s12 =	sadd.s32 $0x30, s12  }
0x8c: {  	[tilespmem:s19], [sflag:$0x3] =	stream.linear.gather [hbm4b:s6+s4], $0x80, $0x38;
	[tilespmem:$0x1FF00] =	vst v63  }
.LBB2_5:
0x8d: {  	_ =	sfence.sel $0x180000  }
0x8e: {  	[bflag:$0x0] =	sbarrier.arrive $0xFFFF  }
0x8f: {  	_ =	strace $0x90000053  }
0x90: {  	s0 =	stileid.u32;
	[bflag:$0x2] =	sbarrier.arrive $0xFFFF  }
0x91: {  	p0 =	sne.s32 s0, $0x0;
	s0 =	rddreg [dreg:$0x3]  }
0x92: {  	s0 =	sadd.s32 @!p0 $0x100000, s0  }
0x93: {  	[sflag:s0] =	ssyncadd.tile.s32 @!p0 $0x1;
	_ =	shalt  }
.Lfunc_end2:
_tile_overlayer_lowered:
.L_overlay_start_2:
0x94: {  	(tag) =	ssettag $0x2  }
0x95: {  	s0 =	rddreg [dreg:$0x0];
	s2 =	stileid.u32  }
0x96: {  	s1 =	rddreg [dreg:$0x1];
	p0 =	sne.s32 s2, $0x0  }
0x97: {  	s3 =	rddreg [dreg:$0x2];
	[bflag:$0x3] =	sbarrier.arrive $0xFFFF;
	s2 =	simm.s32 @!p0 $0x1C0D  }
0x98: {  	[timem:s3], [sflag:s2] =	dma.local @!p0 [hbm:s0], s1  }
0x99: {  	s0 =	simm.s32 @!p0 $0xD  }
0x9a: {  	_ =	swait.ge @!p0 [sflag:s0], s1  }
0x9b: {  	s1 =	ssub.s32 @!p0 $0x0, s1;
	[sflag:s0] =	ssyncset.done @!p0 $0x0  }
0x9c: {  	[sflag:s0] =	ssyncadd.s32 @!p0 s1  }
0x9d: {  	[bflag:$0x3] =	sbarrier.arrive $0xFFFF  }
0x9e: {  	_ =	shalt  }

// kernel: kernel.33.cloned.1.call-start
scs
__scs_entry_jumppad:
0x0: {  	(pc) =	sbr.rel $0x88, $3  }
0x1: {  	(tag) =	ssettag $0x0;
	lr =	simm.s32 $0x1  }
0x2: {  	[smem:$0x3F95] =	sst lr;
	_ =	strace $0xD0000000  }
0x3: {  	_ = 	snop  }
0x4: {  	_ = 	snop  }
0x5: {  	_ = 	snop  }
0x6: {  	_ = 	snop  }
0x7: {  	_ = 	snop  }
__scs_overlays_trampoline_lowered:
0x8: {  	[smem:$0x3FA4] =	sst s0  }
0x9: {  	[smem:$0x3FA5] =	sst s1  }
0xa: {  	[smem:$0x3FA6] =	sst s2  }
0xb: {  	[smem:$0x3FA7] =	sst s3  }
0xc: {  	[smem:$0x3FA8] =	sst s4  }
0xd: {  	[smem:$0x3FA9] =	sst s5  }
0xe: {  	[smem:$0x3FAA] =	sst s6  }
0xf: {  	[smem:$0x3FAB] =	sst s7  }
0x10: {  	[smem:$0x3FAC] =	sst s8  }
0x11: {  	[smem:$0x3FAD] =	sst s9;
	s0 =	simm.s32 @!p0 $0x0  }
0x12: {  	s1 =	sld [smem:$0x3F93];
	s0 =	simm.s32 @p0 $0x1  }
0x13: {  	[smem:$0x3FAE] =	sst s0;
	s0 =	simm.s32 @!p1 $0x0  }
0x14: {  	s2 =	sld [smem:$0x3F92];
	s0 =	simm.s32 @p1 $0x1  }
0x15: {  	[smem:$0x3FAF] =	sst s0;
	s0 =	simm.s32 @!p2 $0x0  }
0x16: {  	s3 =	sld [smem:$0x3FDB];
	s0 =	simm.s32 @p2 $0x1  }
0x17: {  	s4 =	simm.s32 $0x1BF5;
	[smem:$0x3FB1] =	sst s0  }
0x18: {  	s0 =	sld [smem:$0x3F94];
	_ =	swait.ge [sflag:s4], $0x0  }
0x19: {  	s7 =	sld [smem:$0x3F95]  }
0x1a: {  	s8 =	sadd.s32 $0xFFFFE003, lr  }
0x1b: {  	s9 =	sadd.s32 $0xFFFFFEF7, lr;
	s5 =	simm.s32 $0xFFFFFFFF;
	p2 =	slt.u32 s8, $0xFFFFF086  }
0x1c: {  	p1 =	slt.u32 s9, $0xF7A;
	s5 =	simm.s32 @!p2 $0x0  }
0x1d: {  	s5 =	simm.s32 @p1 $0x1;
	p0 =	seq.s32 s7, s2  }
0x1e: {  	s7 =	smul.u32 @!p0 $0xF7A, s2;
	p2 =	seq.s32 @!p0 s5, $0x0  }
0x1f: {  	s9 =	smul.u32 $0xF7A, s1;
	s8 =	simm.s32 @!p0 $0x1BF5;
	p2 =	por !p2, p0  }
0x20: {  	[sflag:s8] =	ssyncset.s32 @!p0 $0xFFFFF086;
	s6 =	sadd.s32 @!p0 s3, s7;
	s7 =	simm.s32 @!p0 $0x108  }
0x21: {  	s3 =	sadd.s32 s3, s9;
	s6 =	sadd.s32 @!p0 $0x88, s6;
	s7 =	simm.s32 @p2 $0x1082  }
0x22: {  	[simem:s7], [sflag:s8] =	dma.local @!p0 [hbm:s6], $0xF7A  }
0x23: {  	s9 =	sor.u32 $0xD0000000, s2;
	s6 =	simm.s32 $0x108;
	_ =	swait.ge @!p0 [sflag:s8], $0x0  }
0x24: {  	s3 =	sadd.s32 $0x88, s3;
	s6 =	simm.s32 @!p1 $0x1082;
	[sflag:s4] =	ssyncset.s32 $0xFFFFF086  }
0x25: {  	[simem:s6], [sflag:s4] =	dma.local [hbm:s3], $0xF7A  }
0x26: {  	[smem:$0x3F95] =	sst s1;
	(tag) =	ssettag s2;
	_ =	strace s9  }
0x27: {  	s1 =	sld [smem:$0x3FA5]  }
0x28: {  	s2 =	sld [smem:$0x3FA6]  }
0x29: {  	s4 =	sld [smem:$0x3FA8]  }
0x2a: {  	p0 =	seq.s32 s5, $0x0;
	s5 =	sld [smem:$0x3FA9]  }
0x2b: {  	s6 =	sld [smem:$0x3FAA]  }
0x2c: {  	s7 =	sld [smem:$0x3FAB]  }
0x2d: {  	s3 =	simm.s32 $0x108;
	s8 =	sld [smem:$0x3FAC]  }
0x2e: {  	s3 =	simm.s32 @!p0 $0x1082;
	s9 =	sld [smem:$0x3FAD]  }
0x2f: {  	lr =	sadd.s32 s0, s3;
	s0 =	sld [smem:$0x3FA4]  }
0x30: {  	s3 =	sld [smem:$0x3FA7]  }
0x31: {  	[smem:$0x3FB0] =	sst s10  }
0x32: {  	s10 =	sld [smem:$0x3FAE];
	_ =	sdelay $0x3  }
0x33: {  	p0 =	seq.s32 s10, $0x1;
	s10 =	sld [smem:$0x3FB0];
	_ =	sdelay $0x3  }
0x34: {  	[smem:$0x3FB0] =	sst s10  }
0x35: {  	s10 =	sld [smem:$0x3FAF];
	_ =	sdelay $0x3  }
0x36: {  	p1 =	seq.s32 s10, $0x1;
	s10 =	sld [smem:$0x3FB0];
	_ =	sdelay $0x3  }
0x37: {  	[smem:$0x3FB0] =	sst s10  }
0x38: {  	s10 =	sld [smem:$0x3FB1]  }
0x39: {  	_ = 	snop;
	(pc) =	sbr.ind lr, $3  }
0x3a: {  	_ = 	snop  }
0x3b: {  	_ = 	snop  }
0x3c: {  	p2 =	seq.s32 s10, $0x1;
	s10 =	sld [smem:$0x3FB0]  }
0x3d: {  	_ =	shalt  }
0x3e: {  	_ =	shalt  }
0x3f: {  	_ =	shalt  }
0x40: {  	_ =	shalt  }
0x41: {  	_ =	shalt  }
0x42: {  	_ =	shalt  }
0x43: {  	_ =	shalt  }
0x44: {  	_ =	shalt  }
0x45: {  	_ =	shalt  }
0x46: {  	_ =	shalt  }
0x47: {  	_ =	shalt  }
0x48: {  	_ =	shalt  }
0x49: {  	_ =	shalt  }
0x4a: {  	_ =	shalt  }
0x4b: {  	_ =	shalt  }
0x4c: {  	_ =	shalt  }
0x4d: {  	_ =	shalt  }
0x4e: {  	_ =	shalt  }
0x4f: {  	_ =	shalt  }
0x50: {  	_ =	shalt  }
0x51: {  	_ =	shalt  }
0x52: {  	_ =	shalt  }
0x53: {  	_ =	shalt  }
0x54: {  	_ =	shalt  }
0x55: {  	_ =	shalt  }
0x56: {  	_ =	shalt  }
0x57: {  	_ =	shalt  }
0x58: {  	_ =	shalt  }
0x59: {  	_ =	shalt  }
0x5a: {  	_ =	shalt  }
0x5b: {  	_ =	shalt  }
0x5c: {  	_ =	shalt  }
0x5d: {  	_ =	shalt  }
0x5e: {  	_ =	shalt  }
0x5f: {  	_ =	shalt  }
0x60: {  	_ =	shalt  }
0x61: {  	_ =	shalt  }
0x62: {  	_ =	shalt  }
0x63: {  	_ =	shalt  }
0x64: {  	_ =	shalt  }
0x65: {  	_ =	shalt  }
0x66: {  	_ =	shalt  }
0x67: {  	_ =	shalt  }
0x68: {  	_ =	shalt  }
0x69: {  	_ =	shalt  }
0x6a: {  	_ =	shalt  }
0x6b: {  	_ =	shalt  }
0x6c: {  	_ =	shalt  }
0x6d: {  	_ =	shalt  }
0x6e: {  	_ =	shalt  }
0x6f: {  	_ =	shalt  }
0x70: {  	_ =	shalt  }
0x71: {  	_ =	shalt  }
0x72: {  	_ =	shalt  }
0x73: {  	_ =	shalt  }
0x74: {  	_ =	shalt  }
0x75: {  	_ =	shalt  }
0x76: {  	_ =	shalt  }
0x77: {  	_ =	shalt  }
0x78: {  	_ =	shalt  }
0x79: {  	_ =	shalt  }
0x7a: {  	_ =	shalt  }
0x7b: {  	_ =	shalt  }
0x7c: {  	_ =	shalt  }
0x7d: {  	_ =	shalt  }
0x7e: {  	_ =	shalt  }
0x7f: {  	_ =	shalt  }
0x80: {  	_ =	shalt  }
0x81: {  	_ =	shalt  }
0x82: {  	_ =	shalt  }
0x83: {  	_ =	shalt  }
0x84: {  	_ =	shalt  }
0x85: {  	_ =	shalt  }
0x86: {  	_ =	shalt  }
0x87: {  	_ =	shalt  }
.Lfunc_end0:
.L_simem_size_0:
called_computation.5_lowered:
.L_overlay_start_0:
0x88: {  	s2 =	sld [smem:$0x3FD9]  }
0x89: {  	s3 =	sld [smem:$0x3FFE];
	_ =	sdelay $0x1  }
0x8a: {  	s1 =	srdreg.scid  }
0x8b: {  	s0 =	sand.u32 $0x1, s1  }
0x8c: {  	s17 =	sshll.u32 s0, $0xA;
	s2 =	sadd.s32 s3, s2  }
0x8d: {  	s2 =	sadd.s32 s2, s17  }
0x8e: {  	[smem:$0x3FBC] =	sst s2  }
0x8f: {  	_ = 	snop  }
0x90: {  	s2 =	sld [smem:$0x3FD0];
	(tm) =	ssettm $0x1  }
0x91: {  	s18 =	sld [smem:$0x3FFB];
	_ =	sdelay $0x3  }
0x92: {  	_ =	strace s18  }
0x93: {  	s3 =	sld [smem:$0x3FFC];
	_ =	sdelay $0x3  }
0x94: {  	_ =	strace s3  }
0x95: {  	s3 =	sld [smem:$0x3FFD];
	_ =	sdelay $0x3  }
0x96: {  	_ =	strace s3  }
0x97: {  	_ =	strace $0x8FFFFFFF  }
0x98: {  	s19 =	sld [smem:$0x3FDB];
	_ =	sdelay $0x1  }
0x99: {  	s4 =	simm.s32 $_scs_section_size  }
0x9a: {  	s5 =	simm.s32 $_size__tile_overlayer_lowered;
	s6 =	simm.s32 $_tile_overlayer_lowered  }
0x9b: {  	s22 =	simm.s32 $0x1BFF;
	s21 =	sshll.u32 s6, $0x1;
	s3 =	sadd.s32 s4, s19  }
0x9c: {  	s7 =	simm.s32 $0x0;
	s20 =	sshll.u32 s5, $0x1;
	s5 =	sadd.s32 s21, s3  }
0x9d: {  	[timem:s7], [sflag:s22] =	dma.local [hbm:s5], s20  }
0x9e: {  	_ =	swait.ge [sflag:s22], s20  }
0x9f: {  	s4 =	ssub.s32 $0x0, s20;
	[sflag:s22] =	ssyncset.done $0x0  }
0xa0: {  	[sflag:s22] =	ssyncadd.s32 s4;
	_ =	sdelay $0x1  }
0xa1: {  	s23 =	simm.s32 $0x1B8B  }
0xa2: {  	_ =	swait.ge [sflag:s23], $0x1  }
0xa3: {  	[sflag:s23] =	ssyncset.done $0x0  }
0xa4: {  	s25 =	simm.s32 $0x1B8E;
	s24 =	sld [smem:$0x3FFE];
	[sflag:s23] =	ssyncadd.s32 $0xFFFFFFFF  }
0xa5: {  	s26 =	simm.s32 $execute0_lowered;
	[smem:$0x3FD2] =	sst s25  }
0xa6: {  	s5 =	sshll.u32 s26, $0x1;
	_ =	strace $0x80000055;
	[dreg:$0x1] =	wrdreg $0xFFFFFFFF  }
0xa7: {  	s28 =	simm.s32 $_size_execute0_lowered;
	s3 =	sadd.s32 s3, s5;
	[dreg:$0x0] =	wrdreg $0x0  }
0xa8: {  	s5 =	sshll.u32 s28, $0x1;
	[dreg:$0x2] =	wrdreg s3  }
0xa9: {  	[dreg:$0x3] =	wrdreg s5  }
0xaa: {  	[dreg:$0x4] =	wrdreg $0xC0  }
0xab: {  	_ =	task [dreg:s7], $0x5FFFF  }
0xac: {  	[dreg:$0x1] =	wrdreg $0xFFFFFFFF  }
0xad: {  	[dreg:$0x0] =	wrdreg $0x60  }
0xae: {  	[dreg:$0x2] =	wrdreg s2  }
0xaf: {  	[dreg:$0x3] =	wrdreg s24  }
0xb0: {  	[dreg:$0x4] =	wrdreg $0xC3000  }
0xb1: {  	[dreg:$0x5] =	wrdreg $0x9  }
0xb2: {  	_ =	task.clear_ibuf [dreg:s7], $0x6FFFF;
	_ =	strace $0x90000055  }
0xb3: {  	s29 =	simm.s32 $0x9;
	_ =	strace $0x80000057  }
0xb4: {  	_ =	swait.ge [sflag:s29], $0x1  }
0xb5: {  	[sflag:s29] =	ssyncadd.s32 $0xFFFFFFFF  }
0xb6: {  	_ =	strace $0x90000057  }
0xb7: {  	_ =	sfence  }
0xb8: {  	s30 =	sld [smem:$0x0];
	_ =	sdelay $0x2  }
0xb9: {  	s31 =	sshll.u32 s1, $0xD;
	s1 =	sshrl.u32 s1, $0x2  }
0xba: {  	s3 =	sand.u32 $0x4000, s31;
	s1 =	sadd.s32 s1, s30  }
0xbb: {  	s0 =	sor.u32 s3, s0;
	s1 =	sshll.u32 s1, $0x11  }
0xbc: {  	s0 =	sor.u32 s1, s0  }
0xbd: {  	s0 =	sadd.s32 $0x8F2B, s0  }
0xbe: {  	[sflag:s0] =	ssyncadd.remote.s32 $0x1  }
0xbf: {  	_ =	sfence.sel $0xFFFF  }
0xc0: {  	[dreg:$0x0] =	wrdreg $0xFFFFFFFF;
	(pc) =	sbr.abs _section_cstart, $3  }
0xc1: {  	[dreg:$0x1] =	wrdreg $0xFFFFFFFF  }
0xc2: {  	_ =	task.clear_ibuf [dreg:s7], $0x2FFFF;
	_ =	strace $0x9FFFFFFF  }
0xc3: {  	(tm) =	ssettm $0x7FFFFFFF  }
tec
execute0_lowered:
.L_overlay_start_1:
0x0: {  	(tag) =	ssettag $0x1  }
0x1: {  	s1 =	rddreg [dreg:$0x0]  }
0x2: {  	s0 =	rddreg [dreg:$0x1]  }
0x3: {  	s2 =	rddreg [dreg:$0x2];
	s3 =	srdreg.scid;
	s4 =	simm.s32 $0x0  }
0x4: {  	s12 =	stileid.u32;
	s28 =	simm.s32 $0x4;
	s29 =	simm.s32 $0x3  }
0x5: {  	s30 =	simm.s32 $0x8300;
	s31 =	simm.s32 $0x280;
	s6 =	smul.u32 $0x13C00, s12  }
0x6: {  	s3 =	sand.u32 $0x1, s3;
	[smem:$0x7FF] =	sst s4;
	s10 =	smul.u32 $0x4F000, s12  }
0x7: {  	s7 =	sadd.s32 $0x5A00, s0;
	s8 =	sadd.s32 $0xFA00, s0;
	s23 =	smul.u32 $0x500, s12  }
0x8: {  	s15 =	sadd.s32 $0x19C00, s0;
	s19 =	sshll.u32 s12, $0x6;
	s5 =	smul.u32 $0x13C000, s3  }
0x9: {  	_ =	strace $0x80000056;
	[dreg:$0x4] =	wrdreg s15;
	s16 =	sshll.u32 s3, $0x4  }
0xa: {  	s9 =	ssub.s32 $0x2, s3;
	s13 =	sor.u32 $0x1C0D, s19;
	s3 =	smul.u32 $0x5000, s3  }
0xb: {  	s19 =	simm.s32 $0x100;
	s17 =	sshrl.u32 s9, $0x1;
	s18 =	sshrl.u32 s10, $0x2  }
0xc: {  	s5 =	sadd.s32 s6, s5;
	s6 =	sor.u32 s12, s16;
	s10 =	sadd.s32 s18, s2  }
0xd: {  	s25 =	sadd.s32 s3, s7;
	s26 =	sadd.s32 s3, s8;
	s18 =	simm.s32 $0x80  }
0xe: {  	s3 =	simm.s32 $0x5;
	s5 =	sshrl.u32 s5, $0x3;
	s11 =	smul.u32 $0x500, s6  }
0xf: {  	s15 =	sadd.s32 s23, s26;
	s26 =	simm.s32 $0x7;
	s0 =	sadd.s32 s5, s0  }
0x10: {  	s5 =	ssub.s32 s9, s17;
	s17 =	simm.s32 $0xD;
	s9 =	simm.s32 $0x6  }
0x11: {  	s20 =	sor.u32 $0x10, s11;
	s21 =	sadd.s32 s7, s11;
	s22 =	sadd.s32 s8, s11  }
0x12: {  	s0 =	sadd.s32 $0x1C400, s0;
	s5 =	smax.u32 s5, $0x1;
	[dreg:$0x5] =	wrdreg s21  }
0x13: {  	s11 =	simm.s32 $0x0;
	s14 =	sadd.s32 s7, s20;
	[dreg:$0x8] =	wrdreg s22  }
0x14: {  	s6 =	sadd.s32 $0x20, s21;
	s24 =	sadd.s32 s8, s20;
	[dreg:$0xa] =	wrdreg s0  }
0x15: {  	[dreg:$0xb] =	wrdreg s5;
	s7 =	sshrl.u32 s10, $0x3;
	s20 =	simm.s32 $0x180  }
.Ltmp0:
0x16: {  	s21 =	simm.s32 $0x1;
	s22 =	simm.s32 $0x300;
	(pc) =	sbr.rel .LBB2_1-.Ltmp0, $4  }
0x17: {  	s0 =	simm.s32 $0x8;
	s5 =	simm.s32 $0xA;
	[dreg:$0x6] =	wrdreg s14  }
0x18: {  	s8 =	simm.s32 $0x9;
	s10 =	simm.s32 $0xB;
	[dreg:$0x7] =	wrdreg s6  }
0x19: {  	[dreg:$0x9] =	wrdreg s24;
	s14 =	sadd.s32 s23, s25;
	s23 =	simm.s32 $0x200  }
0x1a: {  	s24 =	simm.s32 $0x2;
	s25 =	simm.s32 $0x4300;
	[dreg:$0xc] =	wrdreg s7  }
.LBB2_4:
0x1b: {  	_ =	swait.ge [sflag:s26], $0x4000  }
0x1c: {  	[sflag:s26] =	ssyncset.done $0x0  }
0x1d: {  	[sflag:s26] =	ssyncadd.s32 $0xFFFFC000  }
0x1e: {  	_ =	swait.ge [sflag:s28], $0x80  }
0x1f: {  	[sflag:s28] =	ssyncset.done $0x0  }
0x20: {  	s6 =	simm.s32 $0xC;
	[sflag:s28] =	ssyncadd.s32 $0xFFFFFF80  }
0x21: {  	[spmem:s2] =	stream.indirect.scatter.add.f32 [tilespmem:s22], [sflag:$0xA], $0x80, s20, s18, $0xb8;
	[tilespmem:$0x1FF00] =	vst v63  }
0x22: {  	_ =	swait.ge [sflag:s6], $0x4000  }
0x23: {  	[sflag:s6] =	ssyncset.done $0x0  }
0x24: {  	[sflag:s6] =	ssyncadd.s32 $0xFFFFC000  }
0x25: {  	_ =	swait.ge [sflag:s0], $0x4000  }
0x26: {  	[sflag:s0] =	ssyncset.done $0x0  }
0x27: {  	[sflag:s0] =	ssyncadd.s32 $0xFFFFC000  }
0x28: {  	_ =	swait.ge [sflag:s3], $0x80  }
0x29: {  	[sflag:s3] =	ssyncset.done $0x0  }
0x2a: {  	[sflag:s3] =	ssyncadd.s32 $0xFFFFFF80  }
0x2b: {  	[spmem:s2] =	stream.indirect.scatter.add.f32 [tilespmem:s25], [sflag:$0xB], $0x80, s23, s18, $0xb8;
	[tilespmem:$0x1FF00] =	vst v63  }
0x2c: {  	_ =	swait.ge [sflag:s5], $0x4000  }
0x2d: {  	[sflag:s5] =	ssyncset.done $0x0  }
0x2e: {  	[sflag:s5] =	ssyncadd.s32 $0xFFFFC000  }
0x2f: {  	_ =	swait.ge [sflag:s10], $0x4000  }
0x30: {  	[sflag:s10] =	ssyncset.done $0x0  }
0x31: {  	[sflag:s10] =	ssyncadd.s32 $0xFFFFC000  }
0x32: {  	[bflag:$0x0] =	sbarrier.arrive $0xFFFF  }
0x33: {  	s12 =	rddreg [dreg:$0xa]  }
0x34: {  	s7 =	rddreg [dreg:$0xc]  }
0x35: {  	[hbm:s12], [sflag:s16] =	dma.local [spmem:s7], $0x2780  }
0x36: {  	_ =	swait.ge [sflag:s17], $0x2780  }
0x37: {  	s13 =	smov.u32 s16;
	s11 =	sadd.s32 $0x1, s11;
	s16 =	rddreg [dreg:$0xb]  }
0x38: {  	p0 =	sne.s32 s11, s16  }
.Ltmp1:
0x39: {  	_ = 	snop;
	(pc) =	sbr.rel @!p0 .LBB2_5-.Ltmp1, $3  }
0x3a: {  	_ =	sdelay $0x1  }
0x3b: {  	[sflag:s17] =	ssyncset.done $0x0  }
0x3c: {  	[sflag:s17] =	ssyncadd.s32 $0xFFFFD880  }
.LBB2_1:
0x3d: {  	s6 =	rddreg [dreg:$0x4]  }
0x3e: {  	[spmem:s7], [sflag:s13] =	dma.local [hbm:s6], $0x2780  }
0x3f: {  	_ =	swait.ge [sflag:s17], $0x2780  }
0x40: {  	[sflag:s17] =	ssyncset.done $0x0  }
0x41: {  	[sflag:s17] =	ssyncadd.s32 $0xFFFFD880  }
0x42: {  	[bflag:$0x0] =	sbarrier.arrive $0xFFFF  }
0x43: {  	s12 =	rddreg [dreg:$0x5]  }
0x44: {  	[tilespmem:s4], [sflag:$0x1] =	stream.linear.gather [hbm4b:s12+s4], $0x80, $0x38;
	[tilespmem:$0x1FF00] =	vst v63  }
0x45: {  	s16 =	smov.u32 s13;
	s13 =	rddreg [dreg:$0x6]  }
0x46: {  	[tilespmem:s18], [sflag:$0x2] =	stream.linear.gather [hbm4b:s13+s4], $0x80, $0x38;
	[tilespmem:$0x1FF00] =	vst v63  }
0x47: {  	s7 =	rddreg [dreg:$0x7]  }
0x48: {  	[tilespmem:s19], [sflag:$0x3] =	stream.linear.gather [hbm4b:s7+s4], $0x80, $0x38;
	[tilespmem:$0x1FF00] =	vst v63  }
0x49: {  	s12 =	rddreg [dreg:$0x8]  }
0x4a: {  	[tilespmem:s20], [sflag:$0x4] =	stream.linear.gather [hbm4b:s12+s4], $0x80, $0x38;
	[tilespmem:$0x1FF00] =	vst v63  }
0x4b: {  	_ =	swait.ge [sflag:s21], $0x80  }
0x4c: {  	[sflag:s21] =	ssyncset.done $0x0  }
0x4d: {  	[sflag:s21] =	ssyncadd.s32 $0xFFFFFF80  }
0x4e: {  	[tilespmem:s22], [sflag:$0x7] =	stream.indirect.gather [hbm4b:s1+s18], $0x80, s4, s18, $0xb8;
	[tilespmem:$0x1FF00] =	vst v63  }
0x4f: {  	s13 =	rddreg [dreg:$0x9]  }
0x50: {  	[tilespmem:s23], [sflag:$0x5] =	stream.linear.gather [hbm4b:s13+s4], $0x80, $0x38;
	[tilespmem:$0x1FF00] =	vst v63  }
0x51: {  	_ =	swait.ge [sflag:s24], $0x80  }
0x52: {  	[sflag:s24] =	ssyncset.done $0x0  }
0x53: {  	s12 =	simm.s32 $0x0;
	[sflag:s24] =	ssyncadd.s32 $0xFFFFFF80  }
0x54: {  	[tilespmem:s25], [sflag:$0x8] =	stream.indirect.gather [hbm4b:s1+s18], $0x80, s18, s18, $0xb8;
	[tilespmem:$0x1FF00] =	vst v63  }
.LBB2_2:
0x55: {  	_ =	swait.ge [sflag:s26], $0x4000  }
0x56: {  	[sflag:s26] =	ssyncset.done $0x0  }
0x57: {  	[sflag:s26] =	ssyncadd.s32 $0xFFFFC000  }
0x58: {  	_ =	swait.ge [sflag:s28], $0x80  }
0x59: {  	p0 =	seq.s32 s12, $0x0;
	[sflag:s28] =	ssyncset.done $0x0  }
0x5a: {  	s13 =	simm.s32 @!p0 $0xC;
	[sflag:s28] =	ssyncadd.s32 $0xFFFFFF80  }
0x5b: {  	[spmem:s2] =	stream.indirect.scatter.add.f32 [tilespmem:s22], [sflag:$0xA], $0x80, s20, s18, $0xb8;
	[tilespmem:$0x1FF00] =	vst v63  }
0x5c: {  	_ =	swait.ge @!p0 [sflag:s13], $0x4000  }
0x5d: {  	[sflag:s13] =	ssyncset.done @!p0 $0x0  }
0x5e: {  	[sflag:s13] =	ssyncadd.s32 @!p0 $0xFFFFC000  }
0x5f: {  	_ =	swait.ge [sflag:s29], $0x80  }
0x60: {  	[sflag:s29] =	ssyncset.done $0x0  }
0x61: {  	s7 =	sadd.s32 s12, s15;
	[sflag:s29] =	ssyncadd.s32 $0xFFFFFF80  }
0x62: {  	[tilespmem:s30], [sflag:$0x9] =	stream.indirect.gather [hbm4b:s1+s18], $0x80, s19, s18, $0xb8;
	[tilespmem:$0x1FF00] =	vst v63  }
0x63: {  	s6 =	sadd.s32 $0x20, s7;
	s13 =	sadd.s32 s12, s14  }
0x64: {  	[tilespmem:s31], [sflag:$0x6] =	stream.linear.gather [hbm4b:s6+s4], $0x80, $0x38;
	[tilespmem:$0x1FF00] =	vst v63  }
0x65: {  	s6 =	sadd.s32 $0x30, s13  }
0x66: {  	[tilespmem:s4], [sflag:$0x1] =	stream.linear.gather [hbm4b:s6+s4], $0x80, $0x38;
	[tilespmem:$0x1FF00] =	vst v63  }
0x67: {  	_ =	swait.ge [sflag:s0], $0x4000  }
0x68: {  	[sflag:s0] =	ssyncset.done $0x0  }
0x69: {  	[sflag:s0] =	ssyncadd.s32 $0xFFFFC000  }
0x6a: {  	_ =	swait.ge [sflag:s3], $0x80  }
0x6b: {  	[sflag:s3] =	ssyncset.done $0x0  }
0x6c: {  	[sflag:s3] =	ssyncadd.s32 $0xFFFFFF80  }
0x6d: {  	[spmem:s2] =	stream.indirect.scatter.add.f32 [tilespmem:s25], [sflag:$0xB], $0x80, s23, s18, $0xb8;
	[tilespmem:$0x1FF00] =	vst v63  }
0x6e: {  	_ =	swait.ge [sflag:s5], $0x4000  }
0x6f: {  	[sflag:s5] =	ssyncset.done $0x0  }
0x70: {  	[sflag:s5] =	ssyncadd.s32 $0xFFFFC000  }
0x71: {  	_ =	swait.ge [sflag:s21], $0x80  }
0x72: {  	[sflag:s21] =	ssyncset.done $0x0  }
0x73: {  	[sflag:s21] =	ssyncadd.s32 $0xFFFFFF80  }
0x74: {  	[tilespmem:s22], [sflag:$0x7] =	stream.indirect.gather [hbm4b:s1+s18], $0x80, s4, s18, $0xb8;
	[tilespmem:$0x1FF00] =	vst v63  }
0x75: {  	s6 =	sadd.s32 $0x30, s7  }
0x76: {  	[tilespmem:s20], [sflag:$0x4] =	stream.linear.gather [hbm4b:s6+s4], $0x80, $0x38;
	[tilespmem:$0x1FF00] =	vst v63  }
0x77: {  	s6 =	sadd.s32 $0x40, s13  }
0x78: {  	[tilespmem:s18], [sflag:$0x2] =	stream.linear.gather [hbm4b:s6+s4], $0x80, $0x38;
	[tilespmem:$0x1FF00] =	vst v63  }
0x79: {  	_ =	swait.ge [sflag:s8], $0x4000  }
0x7a: {  	[sflag:s8] =	ssyncset.done $0x0  }
0x7b: {  	[sflag:s8] =	ssyncadd.s32 $0xFFFFC000  }
0x7c: {  	_ =	swait.ge [sflag:s9], $0x80  }
0x7d: {  	[sflag:s9] =	ssyncset.done $0x0  }
0x7e: {  	[sflag:s9] =	ssyncadd.s32 $0xFFFFFF80  }
0x7f: {  	[spmem:s2] =	stream.indirect.scatter.add.f32 [tilespmem:s30], [sflag:$0xC], $0x80, s31, s18, $0xb8;
	[tilespmem:$0x1FF00] =	vst v63  }
0x80: {  	_ =	swait.ge [sflag:s10], $0x4000  }
0x81: {  	[sflag:s10] =	ssyncset.done $0x0  }
0x82: {  	[sflag:s10] =	ssyncadd.s32 $0xFFFFC000  }
0x83: {  	p0 =	seq.s32 s12, $0x4B0;
	_ =	swait.ge [sflag:s24], $0x80  }
.Ltmp2:
0x84: {  	[sflag:s24] =	ssyncset.done $0x0;
	(pc) =	sbr.rel @p0 .LBB2_4-.Ltmp2, $4  }
0x85: {  	[sflag:s24] =	ssyncadd.s32 $0xFFFFFF80  }
0x86: {  	[tilespmem:s25], [sflag:$0x8] =	stream.indirect.gather [hbm4b:s1+s18], $0x80, s18, s18, $0xb8;
	[tilespmem:$0x1FF00] =	vst v63  }
0x87: {  	s7 =	sadd.s32 $0x40, s7  }
0x88: {  	[tilespmem:s23], [sflag:$0x5] =	stream.linear.gather [hbm4b:s7+s4], $0x80, $0x38;
	[tilespmem:$0x1FF00] =	vst v63  }
.Ltmp3:
0x89: {  	(pc) =	sbr.rel .LBB2_2-.Ltmp3, $3  }
0x8a: {  	_ =	sdelay $0x1  }
0x8b: {  	s6 =	sadd.s32 $0x50, s13;
	s12 =	sadd.s32 $0x30, s12  }
0x8c: {  	[tilespmem:s19], [sflag:$0x3] =	stream.linear.gather [hbm4b:s6+s4], $0x80, $0x38;
	[tilespmem:$0x1FF00] =	vst v63  }
.LBB2_5:
0x8d: {  	_ =	sfence.sel $0x180000  }
0x8e: {  	[bflag:$0x0] =	sbarrier.arrive $0xFFFF  }
0x8f: {  	_ =	strace $0x90000056  }
0x90: {  	s0 =	stileid.u32;
	[bflag:$0x2] =	sbarrier.arrive $0xFFFF  }
0x91: {  	p0 =	sne.s32 s0, $0x0;
	s0 =	rddreg [dreg:$0x3]  }
0x92: {  	s0 =	sadd.s32 @!p0 $0x100000, s0  }
0x93: {  	[sflag:s0] =	ssyncadd.tile.s32 @!p0 $0x1;
	_ =	shalt  }
.Lfunc_end2:
_tile_overlayer_lowered:
.L_overlay_start_2:
0x94: {  	(tag) =	ssettag $0x2  }
0x95: {  	s0 =	rddreg [dreg:$0x0];
	s2 =	stileid.u32  }
0x96: {  	s1 =	rddreg [dreg:$0x1];
	p0 =	sne.s32 s2, $0x0  }
0x97: {  	s3 =	rddreg [dreg:$0x2];
	[bflag:$0x3] =	sbarrier.arrive $0xFFFF;
	s2 =	simm.s32 @!p0 $0x1C0D  }
0x98: {  	[timem:s3], [sflag:s2] =	dma.local @!p0 [hbm:s0], s1  }
0x99: {  	s0 =	simm.s32 @!p0 $0xD  }
0x9a: {  	_ =	swait.ge @!p0 [sflag:s0], s1  }
0x9b: {  	s1 =	ssub.s32 @!p0 $0x0, s1;
	[sflag:s0] =	ssyncset.done @!p0 $0x0  }
0x9c: {  	[sflag:s0] =	ssyncadd.s32 @!p0 s1  }
0x9d: {  	[bflag:$0x3] =	sbarrier.arrive $0xFFFF  }
0x9e: {  	_ =	shalt  }

// kernel: kernel.36.cloned.1.call-start
scs
__scs_entry_jumppad:
0x0: {  	(pc) =	sbr.rel $0x88, $3  }
0x1: {  	(tag) =	ssettag $0x0;
	lr =	simm.s32 $0x1  }
0x2: {  	[smem:$0x3F95] =	sst lr;
	_ =	strace $0xD0000000  }
0x3: {  	_ = 	snop  }
0x4: {  	_ = 	snop  }
0x5: {  	_ = 	snop  }
0x6: {  	_ = 	snop  }
0x7: {  	_ = 	snop  }
__scs_overlays_trampoline_lowered:
0x8: {  	[smem:$0x3FA4] =	sst s0  }
0x9: {  	[smem:$0x3FA5] =	sst s1  }
0xa: {  	[smem:$0x3FA6] =	sst s2  }
0xb: {  	[smem:$0x3FA7] =	sst s3  }
0xc: {  	[smem:$0x3FA8] =	sst s4  }
0xd: {  	[smem:$0x3FA9] =	sst s5  }
0xe: {  	[smem:$0x3FAA] =	sst s6  }
0xf: {  	[smem:$0x3FAB] =	sst s7  }
0x10: {  	[smem:$0x3FAC] =	sst s8  }
0x11: {  	[smem:$0x3FAD] =	sst s9;
	s0 =	simm.s32 @!p0 $0x0  }
0x12: {  	s1 =	sld [smem:$0x3F93];
	s0 =	simm.s32 @p0 $0x1  }
0x13: {  	[smem:$0x3FAE] =	sst s0;
	s0 =	simm.s32 @!p1 $0x0  }
0x14: {  	s2 =	sld [smem:$0x3F92];
	s0 =	simm.s32 @p1 $0x1  }
0x15: {  	[smem:$0x3FAF] =	sst s0;
	s0 =	simm.s32 @!p2 $0x0  }
0x16: {  	s3 =	sld [smem:$0x3FDB];
	s0 =	simm.s32 @p2 $0x1  }
0x17: {  	s4 =	simm.s32 $0x1BF5;
	[smem:$0x3FB1] =	sst s0  }
0x18: {  	s0 =	sld [smem:$0x3F94];
	_ =	swait.ge [sflag:s4], $0x0  }
0x19: {  	s7 =	sld [smem:$0x3F95]  }
0x1a: {  	s8 =	sadd.s32 $0xFFFFE003, lr  }
0x1b: {  	s9 =	sadd.s32 $0xFFFFFEF7, lr;
	s5 =	simm.s32 $0xFFFFFFFF;
	p2 =	slt.u32 s8, $0xFFFFF086  }
0x1c: {  	p1 =	slt.u32 s9, $0xF7A;
	s5 =	simm.s32 @!p2 $0x0  }
0x1d: {  	s5 =	simm.s32 @p1 $0x1;
	p0 =	seq.s32 s7, s2  }
0x1e: {  	s7 =	smul.u32 @!p0 $0xF7A, s2;
	p2 =	seq.s32 @!p0 s5, $0x0  }
0x1f: {  	s9 =	smul.u32 $0xF7A, s1;
	s8 =	simm.s32 @!p0 $0x1BF5;
	p2 =	por !p2, p0  }
0x20: {  	[sflag:s8] =	ssyncset.s32 @!p0 $0xFFFFF086;
	s6 =	sadd.s32 @!p0 s3, s7;
	s7 =	simm.s32 @!p0 $0x108  }
0x21: {  	s3 =	sadd.s32 s3, s9;
	s6 =	sadd.s32 @!p0 $0x88, s6;
	s7 =	simm.s32 @p2 $0x1082  }
0x22: {  	[simem:s7], [sflag:s8] =	dma.local @!p0 [hbm:s6], $0xF7A  }
0x23: {  	s9 =	sor.u32 $0xD0000000, s2;
	s6 =	simm.s32 $0x108;
	_ =	swait.ge @!p0 [sflag:s8], $0x0  }
0x24: {  	s3 =	sadd.s32 $0x88, s3;
	s6 =	simm.s32 @!p1 $0x1082;
	[sflag:s4] =	ssyncset.s32 $0xFFFFF086  }
0x25: {  	[simem:s6], [sflag:s4] =	dma.local [hbm:s3], $0xF7A  }
0x26: {  	[smem:$0x3F95] =	sst s1;
	(tag) =	ssettag s2;
	_ =	strace s9  }
0x27: {  	s1 =	sld [smem:$0x3FA5]  }
0x28: {  	s2 =	sld [smem:$0x3FA6]  }
0x29: {  	s4 =	sld [smem:$0x3FA8]  }
0x2a: {  	p0 =	seq.s32 s5, $0x0;
	s5 =	sld [smem:$0x3FA9]  }
0x2b: {  	s6 =	sld [smem:$0x3FAA]  }
0x2c: {  	s7 =	sld [smem:$0x3FAB]  }
0x2d: {  	s3 =	simm.s32 $0x108;
	s8 =	sld [smem:$0x3FAC]  }
0x2e: {  	s3 =	simm.s32 @!p0 $0x1082;
	s9 =	sld [smem:$0x3FAD]  }
0x2f: {  	lr =	sadd.s32 s0, s3;
	s0 =	sld [smem:$0x3FA4]  }
0x30: {  	s3 =	sld [smem:$0x3FA7]  }
0x31: {  	[smem:$0x3FB0] =	sst s10  }
0x32: {  	s10 =	sld [smem:$0x3FAE];
	_ =	sdelay $0x3  }
0x33: {  	p0 =	seq.s32 s10, $0x1;
	s10 =	sld [smem:$0x3FB0];
	_ =	sdelay $0x3  }
0x34: {  	[smem:$0x3FB0] =	sst s10  }
0x35: {  	s10 =	sld [smem:$0x3FAF];
	_ =	sdelay $0x3  }
0x36: {  	p1 =	seq.s32 s10, $0x1;
	s10 =	sld [smem:$0x3FB0];
	_ =	sdelay $0x3  }
0x37: {  	[smem:$0x3FB0] =	sst s10  }
0x38: {  	s10 =	sld [smem:$0x3FB1]  }
0x39: {  	_ = 	snop;
	(pc) =	sbr.ind lr, $3  }
0x3a: {  	_ = 	snop  }
0x3b: {  	_ = 	snop  }
0x3c: {  	p2 =	seq.s32 s10, $0x1;
	s10 =	sld [smem:$0x3FB0]  }
0x3d: {  	_ =	shalt  }
0x3e: {  	_ =	shalt  }
0x3f: {  	_ =	shalt  }
0x40: {  	_ =	shalt  }
0x41: {  	_ =	shalt  }
0x42: {  	_ =	shalt  }
0x43: {  	_ =	shalt  }
0x44: {  	_ =	shalt  }
0x45: {  	_ =	shalt  }
0x46: {  	_ =	shalt  }
0x47: {  	_ =	shalt  }
0x48: {  	_ =	shalt  }
0x49: {  	_ =	shalt  }
0x4a: {  	_ =	shalt  }
0x4b: {  	_ =	shalt  }
0x4c: {  	_ =	shalt  }
0x4d: {  	_ =	shalt  }
0x4e: {  	_ =	shalt  }
0x4f: {  	_ =	shalt  }
0x50: {  	_ =	shalt  }
0x51: {  	_ =	shalt  }
0x52: {  	_ =	shalt  }
0x53: {  	_ =	shalt  }
0x54: {  	_ =	shalt  }
0x55: {  	_ =	shalt  }
0x56: {  	_ =	shalt  }
0x57: {  	_ =	shalt  }
0x58: {  	_ =	shalt  }
0x59: {  	_ =	shalt  }
0x5a: {  	_ =	shalt  }
0x5b: {  	_ =	shalt  }
0x5c: {  	_ =	shalt  }
0x5d: {  	_ =	shalt  }
0x5e: {  	_ =	shalt  }
0x5f: {  	_ =	shalt  }
0x60: {  	_ =	shalt  }
0x61: {  	_ =	shalt  }
0x62: {  	_ =	shalt  }
0x63: {  	_ =	shalt  }
0x64: {  	_ =	shalt  }
0x65: {  	_ =	shalt  }
0x66: {  	_ =	shalt  }
0x67: {  	_ =	shalt  }
0x68: {  	_ =	shalt  }
0x69: {  	_ =	shalt  }
0x6a: {  	_ =	shalt  }
0x6b: {  	_ =	shalt  }
0x6c: {  	_ =	shalt  }
0x6d: {  	_ =	shalt  }
0x6e: {  	_ =	shalt  }
0x6f: {  	_ =	shalt  }
0x70: {  	_ =	shalt  }
0x71: {  	_ =	shalt  }
0x72: {  	_ =	shalt  }
0x73: {  	_ =	shalt  }
0x74: {  	_ =	shalt  }
0x75: {  	_ =	shalt  }
0x76: {  	_ =	shalt  }
0x77: {  	_ =	shalt  }
0x78: {  	_ =	shalt  }
0x79: {  	_ =	shalt  }
0x7a: {  	_ =	shalt  }
0x7b: {  	_ =	shalt  }
0x7c: {  	_ =	shalt  }
0x7d: {  	_ =	shalt  }
0x7e: {  	_ =	shalt  }
0x7f: {  	_ =	shalt  }
0x80: {  	_ =	shalt  }
0x81: {  	_ =	shalt  }
0x82: {  	_ =	shalt  }
0x83: {  	_ =	shalt  }
0x84: {  	_ =	shalt  }
0x85: {  	_ =	shalt  }
0x86: {  	_ =	shalt  }
0x87: {  	_ =	shalt  }
.Lfunc_end0:
.L_simem_size_0:
called_computation.6_lowered:
.L_overlay_start_0:
0x88: {  	s2 =	sld [smem:$0x3FD9]  }
0x89: {  	s3 =	sld [smem:$0x3FFE];
	_ =	sdelay $0x1  }
0x8a: {  	s1 =	srdreg.scid  }
0x8b: {  	s0 =	sand.u32 $0x1, s1  }
0x8c: {  	s17 =	sshll.u32 s0, $0xA;
	s2 =	sadd.s32 s3, s2  }
0x8d: {  	s2 =	sadd.s32 s2, s17  }
0x8e: {  	[smem:$0x3FBC] =	sst s2  }
0x8f: {  	_ = 	snop  }
0x90: {  	s2 =	sld [smem:$0x3FD0];
	(tm) =	ssettm $0x1  }
0x91: {  	s18 =	sld [smem:$0x3FFB];
	_ =	sdelay $0x3  }
0x92: {  	_ =	strace s18  }
0x93: {  	s3 =	sld [smem:$0x3FFC];
	_ =	sdelay $0x3  }
0x94: {  	_ =	strace s3  }
0x95: {  	s3 =	sld [smem:$0x3FFD];
	_ =	sdelay $0x3  }
0x96: {  	_ =	strace s3  }
0x97: {  	_ =	strace $0x8FFFFFFF  }
0x98: {  	s19 =	sld [smem:$0x3FDB];
	_ =	sdelay $0x1  }
0x99: {  	s4 =	simm.s32 $_scs_section_size  }
0x9a: {  	s5 =	simm.s32 $_size__tile_overlayer_lowered;
	s6 =	simm.s32 $_tile_overlayer_lowered  }
0x9b: {  	s22 =	simm.s32 $0x1BFF;
	s21 =	sshll.u32 s6, $0x1;
	s3 =	sadd.s32 s4, s19  }
0x9c: {  	s7 =	simm.s32 $0x0;
	s20 =	sshll.u32 s5, $0x1;
	s5 =	sadd.s32 s21, s3  }
0x9d: {  	[timem:s7], [sflag:s22] =	dma.local [hbm:s5], s20  }
0x9e: {  	_ =	swait.ge [sflag:s22], s20  }
0x9f: {  	s4 =	ssub.s32 $0x0, s20;
	[sflag:s22] =	ssyncset.done $0x0  }
0xa0: {  	[sflag:s22] =	ssyncadd.s32 s4;
	_ =	sdelay $0x1  }
0xa1: {  	s23 =	simm.s32 $0x1B8B  }
0xa2: {  	_ =	swait.ge [sflag:s23], $0x1  }
0xa3: {  	[sflag:s23] =	ssyncset.done $0x0  }
0xa4: {  	s25 =	simm.s32 $0x1B8E;
	s24 =	sld [smem:$0x3FFE];
	[sflag:s23] =	ssyncadd.s32 $0xFFFFFFFF  }
0xa5: {  	s26 =	simm.s32 $execute0_lowered;
	[smem:$0x3FD2] =	sst s25  }
0xa6: {  	s5 =	sshll.u32 s26, $0x1;
	_ =	strace $0x80000058;
	[dreg:$0x1] =	wrdreg $0xFFFFFFFF  }
0xa7: {  	s28 =	simm.s32 $_size_execute0_lowered;
	s3 =	sadd.s32 s3, s5;
	[dreg:$0x0] =	wrdreg $0x0  }
0xa8: {  	s5 =	sshll.u32 s28, $0x1;
	[dreg:$0x2] =	wrdreg s3  }
0xa9: {  	[dreg:$0x3] =	wrdreg s5  }
0xaa: {  	[dreg:$0x4] =	wrdreg $0xC0  }
0xab: {  	_ =	task [dreg:s7], $0x5FFFF  }
0xac: {  	[dreg:$0x1] =	wrdreg $0xFFFFFFFF  }
0xad: {  	[dreg:$0x0] =	wrdreg $0x60  }
0xae: {  	[dreg:$0x2] =	wrdreg s2  }
0xaf: {  	[dreg:$0x3] =	wrdreg s24  }
0xb0: {  	[dreg:$0x4] =	wrdreg $0xC3000  }
0xb1: {  	[dreg:$0x5] =	wrdreg $0x9  }
0xb2: {  	_ =	task.clear_ibuf [dreg:s7], $0x6FFFF;
	_ =	strace $0x90000058  }
0xb3: {  	s29 =	simm.s32 $0x9;
	_ =	strace $0x8000005A  }
0xb4: {  	_ =	swait.ge [sflag:s29], $0x1  }
0xb5: {  	[sflag:s29] =	ssyncadd.s32 $0xFFFFFFFF  }
0xb6: {  	_ =	strace $0x9000005A  }
0xb7: {  	_ =	sfence  }
0xb8: {  	s30 =	sld [smem:$0x0];
	_ =	sdelay $0x2  }
0xb9: {  	s31 =	sshll.u32 s1, $0xD;
	s1 =	sshrl.u32 s1, $0x2  }
0xba: {  	s3 =	sand.u32 $0x4000, s31;
	s1 =	sadd.s32 s1, s30  }
0xbb: {  	s0 =	sor.u32 s3, s0;
	s1 =	sshll.u32 s1, $0x11  }
0xbc: {  	s0 =	sor.u32 s1, s0  }
0xbd: {  	s0 =	sadd.s32 $0x8F2B, s0  }
0xbe: {  	[sflag:s0] =	ssyncadd.remote.s32 $0x1  }
0xbf: {  	_ =	sfence.sel $0xFFFF  }
0xc0: {  	[dreg:$0x0] =	wrdreg $0xFFFFFFFF;
	(pc) =	sbr.abs _section_cstart, $3  }
0xc1: {  	[dreg:$0x1] =	wrdreg $0xFFFFFFFF  }
0xc2: {  	_ =	task.clear_ibuf [dreg:s7], $0x2FFFF;
	_ =	strace $0x9FFFFFFF  }
0xc3: {  	(tm) =	ssettm $0x7FFFFFFF  }
tec
execute0_lowered:
.L_overlay_start_1:
0x0: {  	(tag) =	ssettag $0x1  }
0x1: {  	s1 =	rddreg [dreg:$0x0]  }
0x2: {  	s0 =	rddreg [dreg:$0x1]  }
0x3: {  	s2 =	rddreg [dreg:$0x2];
	s3 =	srdreg.scid;
	s4 =	simm.s32 $0x0  }
0x4: {  	s12 =	stileid.u32;
	s28 =	simm.s32 $0x4;
	s29 =	simm.s32 $0x3  }
0x5: {  	s30 =	simm.s32 $0x8300;
	s31 =	simm.s32 $0x280;
	s6 =	smul.u32 $0x13C00, s12  }
0x6: {  	s3 =	sand.u32 $0x1, s3;
	[smem:$0x7FF] =	sst s4;
	s10 =	smul.u32 $0x4F000, s12  }
0x7: {  	s7 =	sadd.s32 $0x5A00, s0;
	s8 =	sadd.s32 $0xFA00, s0;
	s23 =	smul.u32 $0x500, s12  }
0x8: {  	s15 =	sadd.s32 $0x19C00, s0;
	s19 =	sshll.u32 s12, $0x6;
	s5 =	smul.u32 $0x13C000, s3  }
0x9: {  	_ =	strace $0x80000059;
	[dreg:$0x4] =	wrdreg s15;
	s16 =	sshll.u32 s3, $0x4  }
0xa: {  	s9 =	ssub.s32 $0x2, s3;
	s13 =	sor.u32 $0x1C0D, s19;
	s3 =	smul.u32 $0x5000, s3  }
0xb: {  	s19 =	simm.s32 $0x100;
	s17 =	sshrl.u32 s9, $0x1;
	s18 =	sshrl.u32 s10, $0x2  }
0xc: {  	s5 =	sadd.s32 s6, s5;
	s6 =	sor.u32 s12, s16;
	s10 =	sadd.s32 s18, s2  }
0xd: {  	s25 =	sadd.s32 s3, s7;
	s26 =	sadd.s32 s3, s8;
	s18 =	simm.s32 $0x80  }
0xe: {  	s3 =	simm.s32 $0x5;
	s5 =	sshrl.u32 s5, $0x3;
	s11 =	smul.u32 $0x500, s6  }
0xf: {  	s15 =	sadd.s32 s23, s26;
	s26 =	simm.s32 $0x7;
	s0 =	sadd.s32 s5, s0  }
0x10: {  	s5 =	ssub.s32 s9, s17;
	s17 =	simm.s32 $0xD;
	s9 =	simm.s32 $0x6  }
0x11: {  	s20 =	sor.u32 $0x10, s11;
	s21 =	sadd.s32 s7, s11;
	s22 =	sadd.s32 s8, s11  }
0x12: {  	s0 =	sadd.s32 $0x1C400, s0;
	s5 =	smax.u32 s5, $0x1;
	[dreg:$0x5] =	wrdreg s21  }
0x13: {  	s11 =	simm.s32 $0x0;
	s14 =	sadd.s32 s7, s20;
	[dreg:$0x8] =	wrdreg s22  }
0x14: {  	s6 =	sadd.s32 $0x20, s21;
	s24 =	sadd.s32 s8, s20;
	[dreg:$0xa] =	wrdreg s0  }
0x15: {  	[dreg:$0xb] =	wrdreg s5;
	s7 =	sshrl.u32 s10, $0x3;
	s20 =	simm.s32 $0x180  }
.Ltmp0:
0x16: {  	s21 =	simm.s32 $0x1;
	s22 =	simm.s32 $0x300;
	(pc) =	sbr.rel .LBB2_1-.Ltmp0, $4  }
0x17: {  	s0 =	simm.s32 $0x8;
	s5 =	simm.s32 $0xA;
	[dreg:$0x6] =	wrdreg s14  }
0x18: {  	s8 =	simm.s32 $0x9;
	s10 =	simm.s32 $0xB;
	[dreg:$0x7] =	wrdreg s6  }
0x19: {  	[dreg:$0x9] =	wrdreg s24;
	s14 =	sadd.s32 s23, s25;
	s23 =	simm.s32 $0x200  }
0x1a: {  	s24 =	simm.s32 $0x2;
	s25 =	simm.s32 $0x4300;
	[dreg:$0xc] =	wrdreg s7  }
.LBB2_4:
0x1b: {  	_ =	swait.ge [sflag:s26], $0x4000  }
0x1c: {  	[sflag:s26] =	ssyncset.done $0x0  }
0x1d: {  	[sflag:s26] =	ssyncadd.s32 $0xFFFFC000  }
0x1e: {  	_ =	swait.ge [sflag:s28], $0x80  }
0x1f: {  	[sflag:s28] =	ssyncset.done $0x0  }
0x20: {  	s6 =	simm.s32 $0xC;
	[sflag:s28] =	ssyncadd.s32 $0xFFFFFF80  }
0x21: {  	[spmem:s2] =	stream.indirect.scatter.add.f32 [tilespmem:s22], [sflag:$0xA], $0x80, s20, s18, $0xb8;
	[tilespmem:$0x1FF00] =	vst v63  }
0x22: {  	_ =	swait.ge [sflag:s6], $0x4000  }
0x23: {  	[sflag:s6] =	ssyncset.done $0x0  }
0x24: {  	[sflag:s6] =	ssyncadd.s32 $0xFFFFC000  }
0x25: {  	_ =	swait.ge [sflag:s0], $0x4000  }
0x26: {  	[sflag:s0] =	ssyncset.done $0x0  }
0x27: {  	[sflag:s0] =	ssyncadd.s32 $0xFFFFC000  }
0x28: {  	_ =	swait.ge [sflag:s3], $0x80  }
0x29: {  	[sflag:s3] =	ssyncset.done $0x0  }
0x2a: {  	[sflag:s3] =	ssyncadd.s32 $0xFFFFFF80  }
0x2b: {  	[spmem:s2] =	stream.indirect.scatter.add.f32 [tilespmem:s25], [sflag:$0xB], $0x80, s23, s18, $0xb8;
	[tilespmem:$0x1FF00] =	vst v63  }
0x2c: {  	_ =	swait.ge [sflag:s5], $0x4000  }
0x2d: {  	[sflag:s5] =	ssyncset.done $0x0  }
0x2e: {  	[sflag:s5] =	ssyncadd.s32 $0xFFFFC000  }
0x2f: {  	_ =	swait.ge [sflag:s10], $0x4000  }
0x30: {  	[sflag:s10] =	ssyncset.done $0x0  }
0x31: {  	[sflag:s10] =	ssyncadd.s32 $0xFFFFC000  }
0x32: {  	[bflag:$0x0] =	sbarrier.arrive $0xFFFF  }
0x33: {  	s12 =	rddreg [dreg:$0xa]  }
0x34: {  	s7 =	rddreg [dreg:$0xc]  }
0x35: {  	[hbm:s12], [sflag:s16] =	dma.local [spmem:s7], $0x2780  }
0x36: {  	_ =	swait.ge [sflag:s17], $0x2780  }
0x37: {  	s13 =	smov.u32 s16;
	s11 =	sadd.s32 $0x1, s11;
	s16 =	rddreg [dreg:$0xb]  }
0x38: {  	p0 =	sne.s32 s11, s16  }
.Ltmp1:
0x39: {  	_ = 	snop;
	(pc) =	sbr.rel @!p0 .LBB2_5-.Ltmp1, $3  }
0x3a: {  	_ =	sdelay $0x1  }
0x3b: {  	[sflag:s17] =	ssyncset.done $0x0  }
0x3c: {  	[sflag:s17] =	ssyncadd.s32 $0xFFFFD880  }
.LBB2_1:
0x3d: {  	s6 =	rddreg [dreg:$0x4]  }
0x3e: {  	[spmem:s7], [sflag:s13] =	dma.local [hbm:s6], $0x2780  }
0x3f: {  	_ =	swait.ge [sflag:s17], $0x2780  }
0x40: {  	[sflag:s17] =	ssyncset.done $0x0  }
0x41: {  	[sflag:s17] =	ssyncadd.s32 $0xFFFFD880  }
0x42: {  	[bflag:$0x0] =	sbarrier.arrive $0xFFFF  }
0x43: {  	s12 =	rddreg [dreg:$0x5]  }
0x44: {  	[tilespmem:s4], [sflag:$0x1] =	stream.linear.gather [hbm4b:s12+s4], $0x80, $0x38;
	[tilespmem:$0x1FF00] =	vst v63  }
0x45: {  	s16 =	smov.u32 s13;
	s13 =	rddreg [dreg:$0x6]  }
0x46: {  	[tilespmem:s18], [sflag:$0x2] =	stream.linear.gather [hbm4b:s13+s4], $0x80, $0x38;
	[tilespmem:$0x1FF00] =	vst v63  }
0x47: {  	s7 =	rddreg [dreg:$0x7]  }
0x48: {  	[tilespmem:s19], [sflag:$0x3] =	stream.linear.gather [hbm4b:s7+s4], $0x80, $0x38;
	[tilespmem:$0x1FF00] =	vst v63  }
0x49: {  	s12 =	rddreg [dreg:$0x8]  }
0x4a: {  	[tilespmem:s20], [sflag:$0x4] =	stream.linear.gather [hbm4b:s12+s4], $0x80, $0x38;
	[tilespmem:$0x1FF00] =	vst v63  }
0x4b: {  	_ =	swait.ge [sflag:s21], $0x80  }
0x4c: {  	[sflag:s21] =	ssyncset.done $0x0  }
0x4d: {  	[sflag:s21] =	ssyncadd.s32 $0xFFFFFF80  }
0x4e: {  	[tilespmem:s22], [sflag:$0x7] =	stream.indirect.gather [hbm4b:s1+s18], $0x80, s4, s18, $0xb8;
	[tilespmem:$0x1FF00] =	vst v63  }
0x4f: {  	s13 =	rddreg [dreg:$0x9]  }
0x50: {  	[tilespmem:s23], [sflag:$0x5] =	stream.linear.gather [hbm4b:s13+s4], $0x80, $0x38;
	[tilespmem:$0x1FF00] =	vst v63  }
0x51: {  	_ =	swait.ge [sflag:s24], $0x80  }
0x52: {  	[sflag:s24] =	ssyncset.done $0x0  }
0x53: {  	s12 =	simm.s32 $0x0;
	[sflag:s24] =	ssyncadd.s32 $0xFFFFFF80  }
0x54: {  	[tilespmem:s25], [sflag:$0x8] =	stream.indirect.gather [hbm4b:s1+s18], $0x80, s18, s18, $0xb8;
	[tilespmem:$0x1FF00] =	vst v63  }
.LBB2_2:
0x55: {  	_ =	swait.ge [sflag:s26], $0x4000  }
0x56: {  	[sflag:s26] =	ssyncset.done $0x0  }
0x57: {  	[sflag:s26] =	ssyncadd.s32 $0xFFFFC000  }
0x58: {  	_ =	swait.ge [sflag:s28], $0x80  }
0x59: {  	p0 =	seq.s32 s12, $0x0;
	[sflag:s28] =	ssyncset.done $0x0  }
0x5a: {  	s13 =	simm.s32 @!p0 $0xC;
	[sflag:s28] =	ssyncadd.s32 $0xFFFFFF80  }
0x5b: {  	[spmem:s2] =	stream.indirect.scatter.add.f32 [tilespmem:s22], [sflag:$0xA], $0x80, s20, s18, $0xb8;
	[tilespmem:$0x1FF00] =	vst v63  }
0x5c: {  	_ =	swait.ge @!p0 [sflag:s13], $0x4000  }
0x5d: {  	[sflag:s13] =	ssyncset.done @!p0 $0x0  }
0x5e: {  	[sflag:s13] =	ssyncadd.s32 @!p0 $0xFFFFC000  }
0x5f: {  	_ =	swait.ge [sflag:s29], $0x80  }
0x60: {  	[sflag:s29] =	ssyncset.done $0x0  }
0x61: {  	s7 =	sadd.s32 s12, s15;
	[sflag:s29] =	ssyncadd.s32 $0xFFFFFF80  }
0x62: {  	[tilespmem:s30], [sflag:$0x9] =	stream.indirect.gather [hbm4b:s1+s18], $0x80, s19, s18, $0xb8;
	[tilespmem:$0x1FF00] =	vst v63  }
0x63: {  	s6 =	sadd.s32 $0x20, s7;
	s13 =	sadd.s32 s12, s14  }
0x64: {  	[tilespmem:s31], [sflag:$0x6] =	stream.linear.gather [hbm4b:s6+s4], $0x80, $0x38;
	[tilespmem:$0x1FF00] =	vst v63  }
0x65: {  	s6 =	sadd.s32 $0x30, s13  }
0x66: {  	[tilespmem:s4], [sflag:$0x1] =	stream.linear.gather [hbm4b:s6+s4], $0x80, $0x38;
	[tilespmem:$0x1FF00] =	vst v63  }
0x67: {  	_ =	swait.ge [sflag:s0], $0x4000  }
0x68: {  	[sflag:s0] =	ssyncset.done $0x0  }
0x69: {  	[sflag:s0] =	ssyncadd.s32 $0xFFFFC000  }
0x6a: {  	_ =	swait.ge [sflag:s3], $0x80  }
0x6b: {  	[sflag:s3] =	ssyncset.done $0x0  }
0x6c: {  	[sflag:s3] =	ssyncadd.s32 $0xFFFFFF80  }
0x6d: {  	[spmem:s2] =	stream.indirect.scatter.add.f32 [tilespmem:s25], [sflag:$0xB], $0x80, s23, s18, $0xb8;
	[tilespmem:$0x1FF00] =	vst v63  }
0x6e: {  	_ =	swait.ge [sflag:s5], $0x4000  }
0x6f: {  	[sflag:s5] =	ssyncset.done $0x0  }
0x70: {  	[sflag:s5] =	ssyncadd.s32 $0xFFFFC000  }
0x71: {  	_ =	swait.ge [sflag:s21], $0x80  }
0x72: {  	[sflag:s21] =	ssyncset.done $0x0  }
0x73: {  	[sflag:s21] =	ssyncadd.s32 $0xFFFFFF80  }
0x74: {  	[tilespmem:s22], [sflag:$0x7] =	stream.indirect.gather [hbm4b:s1+s18], $0x80, s4, s18, $0xb8;
	[tilespmem:$0x1FF00] =	vst v63  }
0x75: {  	s6 =	sadd.s32 $0x30, s7  }
0x76: {  	[tilespmem:s20], [sflag:$0x4] =	stream.linear.gather [hbm4b:s6+s4], $0x80, $0x38;
	[tilespmem:$0x1FF00] =	vst v63  }
0x77: {  	s6 =	sadd.s32 $0x40, s13  }
0x78: {  	[tilespmem:s18], [sflag:$0x2] =	stream.linear.gather [hbm4b:s6+s4], $0x80, $0x38;
	[tilespmem:$0x1FF00] =	vst v63  }
0x79: {  	_ =	swait.ge [sflag:s8], $0x4000  }
0x7a: {  	[sflag:s8] =	ssyncset.done $0x0  }
0x7b: {  	[sflag:s8] =	ssyncadd.s32 $0xFFFFC000  }
0x7c: {  	_ =	swait.ge [sflag:s9], $0x80  }
0x7d: {  	[sflag:s9] =	ssyncset.done $0x0  }
0x7e: {  	[sflag:s9] =	ssyncadd.s32 $0xFFFFFF80  }
0x7f: {  	[spmem:s2] =	stream.indirect.scatter.add.f32 [tilespmem:s30], [sflag:$0xC], $0x80, s31, s18, $0xb8;
	[tilespmem:$0x1FF00] =	vst v63  }
0x80: {  	_ =	swait.ge [sflag:s10], $0x4000  }
0x81: {  	[sflag:s10] =	ssyncset.done $0x0  }
0x82: {  	[sflag:s10] =	ssyncadd.s32 $0xFFFFC000  }
0x83: {  	p0 =	seq.s32 s12, $0x4B0;
	_ =	swait.ge [sflag:s24], $0x80  }
.Ltmp2:
0x84: {  	[sflag:s24] =	ssyncset.done $0x0;
	(pc) =	sbr.rel @p0 .LBB2_4-.Ltmp2, $4  }
0x85: {  	[sflag:s24] =	ssyncadd.s32 $0xFFFFFF80  }
0x86: {  	[tilespmem:s25], [sflag:$0x8] =	stream.indirect.gather [hbm4b:s1+s18], $0x80, s18, s18, $0xb8;
	[tilespmem:$0x1FF00] =	vst v63  }
0x87: {  	s7 =	sadd.s32 $0x40, s7  }
0x88: {  	[tilespmem:s23], [sflag:$0x5] =	stream.linear.gather [hbm4b:s7+s4], $0x80, $0x38;
	[tilespmem:$0x1FF00] =	vst v63  }
.Ltmp3:
0x89: {  	(pc) =	sbr.rel .LBB2_2-.Ltmp3, $3  }
0x8a: {  	_ =	sdelay $0x1  }
0x8b: {  	s6 =	sadd.s32 $0x50, s13;
	s12 =	sadd.s32 $0x30, s12  }
0x8c: {  	[tilespmem:s19], [sflag:$0x3] =	stream.linear.gather [hbm4b:s6+s4], $0x80, $0x38;
	[tilespmem:$0x1FF00] =	vst v63  }
.LBB2_5:
0x8d: {  	_ =	sfence.sel $0x180000  }
0x8e: {  	[bflag:$0x0] =	sbarrier.arrive $0xFFFF  }
0x8f: {  	_ =	strace $0x90000059  }
0x90: {  	s0 =	stileid.u32;
	[bflag:$0x2] =	sbarrier.arrive $0xFFFF  }
0x91: {  	p0 =	sne.s32 s0, $0x0;
	s0 =	rddreg [dreg:$0x3]  }
0x92: {  	s0 =	sadd.s32 @!p0 $0x100000, s0  }
0x93: {  	[sflag:s0] =	ssyncadd.tile.s32 @!p0 $0x1;
	_ =	shalt  }
.Lfunc_end2:
_tile_overlayer_lowered:
.L_overlay_start_2:
0x94: {  	(tag) =	ssettag $0x2  }
0x95: {  	s0 =	rddreg [dreg:$0x0];
	s2 =	stileid.u32  }
0x96: {  	s1 =	rddreg [dreg:$0x1];
	p0 =	sne.s32 s2, $0x0  }
0x97: {  	s3 =	rddreg [dreg:$0x2];
	[bflag:$0x3] =	sbarrier.arrive $0xFFFF;
	s2 =	simm.s32 @!p0 $0x1C0D  }
0x98: {  	[timem:s3], [sflag:s2] =	dma.local @!p0 [hbm:s0], s1  }
0x99: {  	s0 =	simm.s32 @!p0 $0xD  }
0x9a: {  	_ =	swait.ge @!p0 [sflag:s0], s1  }
0x9b: {  	s1 =	ssub.s32 @!p0 $0x0, s1;
	[sflag:s0] =	ssyncset.done @!p0 $0x0  }
0x9c: {  	[sflag:s0] =	ssyncadd.s32 @!p0 s1  }
0x9d: {  	[bflag:$0x3] =	sbarrier.arrive $0xFFFF  }
0x9e: {  	_ =	shalt  }

</sc_bundles>
